<compile_context>
chip_gen: v7x
topology: tpu7x:2x2x1
jax: 0.10.2.dev20260603
libtpu: 0.0.44.dev20260713+nightly
codegen_flags: <defaults>
</compile_context>

<pallas_src>
import jax
import jax.numpy as jnp
from jax import lax
from jax.experimental import pallas as pl
from jax.experimental.pallas import tpu as pltpu
from jax.experimental.pallas import tpu_sc as plsc

D = 256
L = 16
NW = 16
E_AW = 160000
E_PV = 10000
CH_A = E_AW // NW
E_PV_PAD = 10240
CH_V = E_PV_PAD // NW
CH_V_LAST = E_PV - (NW - 1) * CH_V
ACC_ROWS = 2
UNROLL = 16


def _fused_body(pid_hbm, wa_hbm, wv_hbm, aw_hbm, srcV_hbm, pvd_hbm,
                author_hbm, venue_hbm,
                out_hbm, part_hbm, cnt_hbm,
                pid_v, dstA, srcV, mlA, mlV,
                rows, gidx_v, sidx_v, cell, pacc, cnt_v,
                wa_v, wv_v, pslab, clocal, outv, sem):
    wid = lax.axis_index("s")
    fzeros = jnp.zeros((L,), jnp.float32)
    zidx = jnp.zeros((L,), jnp.int32)
    iota = lax.iota(jnp.int32, L)

    pltpu.sync_copy(pid_hbm, pid_v)
    pltpu.sync_copy(aw_hbm.at[pl.ds(E_AW + wid * CH_A, CH_A)], dstA)
    @pl.when(wid < NW - 1)
    def _():
        pltpu.sync_copy(srcV_hbm.at[pl.ds(wid * CH_V, CH_V)], srcV)

    @pl.when(wid == NW - 1)
    def _():
        pltpu.sync_copy(srcV_hbm.at[pl.ds(E_PV - CH_V_LAST, CH_V_LAST)],
                        srcV.at[pl.ds(0, CH_V_LAST)])
        neg1 = jnp.full((L,), -1, jnp.int32)
        for k in range(CH_V_LAST, CH_V, L):
            srcV[pl.ds(k, L)] = neg1

    pltpu.sync_copy(wa_hbm, wa_v)
    pltpu.sync_copy(wv_hbm, wv_v)
    pid = pid_v[...]

    for r in range(ACC_ROWS):
        for c in range(D // L):
            pacc[r, pl.ds(c * L, L)] = fzeros

    def scan_phase(cmp_ref, mlist_ref, nvec):
        def one_vec(base, w):
            d = cmp_ref[pl.ds(base, L)] - pid
            m = d == 0
            mi = 1 - jnp.minimum(jnp.abs(d), 1)
            cell[...] = zidx
            plsc.addupdate_scatter(cell, [zidx], mi)
            npos = cell[...][0]

            @pl.when(npos > 0)
            def _():
                plsc.store_compressed(
                    mlist_ref.at[pl.ds(w, L)], base + iota, mask=m)

            return w + npos

        def group(g, w):
            base = g * (UNROLL * L)
            anyv = cmp_ref[pl.ds(base, L)] == pid
            for k in range(1, UNROLL):
                anyv = jnp.logical_or(anyv,
                                      cmp_ref[pl.ds(base + k * L, L)] == pid)
            has = jnp.any(anyv)

            def hit(w):
                for k in range(UNROLL):
                    w = one_vec(base + k * L, w)
                return w

            return lax.cond(has, hit, lambda w: w, w)

        ngrp = nvec // UNROLL
        n = lax.fori_loop(0, ngrp, group, jnp.int32(0))
        for k in range(nvec % UNROLL):
            n = one_vec((ngrp * UNROLL + k) * L, n)
        mlist_ref[pl.ds(n, L)] = jnp.zeros((L,), jnp.int32)
        return n

    n_a = scan_phase(dstA, mlA, CH_A // L)
    n_v = scan_phase(srcV, mlV, CH_V // L)

    def gather_phase(mlist_ref, n, pos_base, id_hbm, table_hbm, acc_row):
        nbat = (n + L - 1) // L

        def bt(b, _):
            gidx_v[...] = mlist_ref[pl.ds(b * L, L)] + pos_base
            pltpu.async_copy(id_hbm.at[gidx_v], sidx_v, sem).wait()
            pltpu.async_copy(table_hbm.at[sidx_v], rows, sem).wait()
            nval = jnp.minimum(n - b * L, L)

            def acc_it(j, _):
                for c in range(D // L):
                    pacc[acc_row, pl.ds(c * L, L)] += rows[j, pl.ds(c * L, L)]
                return 0

            lax.fori_loop(0, nval, acc_it, 0)
            return 0

        lax.fori_loop(0, nbat, bt, 0)

    gather_phase(mlA, n_a, wid * CH_A, aw_hbm, author_hbm, 0)
    gather_phase(mlV, n_v, wid * CH_V, pvd_hbm, venue_hbm, 1)

    cnt_v[0, pl.ds(0, L)] = jnp.full((L,), n_a, dtype=jnp.int32).astype(
        jnp.float32)
    cnt_v[1, pl.ds(0, L)] = jnp.full((L,), n_v, dtype=jnp.int32).astype(
        jnp.float32)

    pltpu.sync_copy(pacc, part_hbm.at[wid])
    pltpu.sync_copy(cnt_v, cnt_hbm.at[wid])

    plsc.subcore_barrier()

    pltpu.sync_copy(part_hbm, pslab)
    pltpu.sync_copy(cnt_hbm, clocal)

    ca = fzeros
    cv = fzeros
    sa = fzeros
    sv = fzeros
    for t in range(NW):
        ca = ca + clocal[t, 0, pl.ds(0, L)]
        cv = cv + clocal[t, 1, pl.ds(0, L)]
        sa = sa + pslab[t, 0, pl.ds(wid * L, L)]
        sv = sv + pslab[t, 1, pl.ds(wid * L, L)]

    one = jnp.ones((L,), jnp.float32)
    fa = jnp.where(ca > 0, wa_v[...] / jnp.maximum(ca, one), fzeros)
    fv = jnp.where(cv > 0, wv_v[...] / jnp.maximum(cv, one), fzeros)
    outv[...] = sa * fa + sv * fv
    pltpu.sync_copy(outv, out_hbm.at[pl.ds(wid * L, L)])


def _sc_call(pid16, wa16, wv16, aw, srcV, pvd, author_emb, venue_emb):
    mesh = plsc.VectorSubcoreMesh(core_axis_name="c", subcore_axis_name="s",
                                  num_cores=1, num_subcores=NW)
    cparams = pltpu.CompilerParams(needs_layout_passes=False)
    out, _, _ = pl.kernel(
        _fused_body,
        out_type=[
            jax.ShapeDtypeStruct((D,), jnp.float32),
            jax.ShapeDtypeStruct((NW, ACC_ROWS, D), jnp.float32),
            jax.ShapeDtypeStruct((NW, 2, L), jnp.float32),
        ],
        mesh=mesh,
        compiler_params=cparams,
        scratch_types=[
            pltpu.VMEM((L,), jnp.int32),
            pltpu.VMEM((CH_A,), jnp.int32),
            pltpu.VMEM((CH_V,), jnp.int32),
            pltpu.VMEM((CH_A + L,), jnp.int32),
            pltpu.VMEM((CH_V + L,), jnp.int32),
            pltpu.VMEM((L, D), jnp.float32),
            pltpu.VMEM((L,), jnp.int32),
            pltpu.VMEM((L,), jnp.int32),
            pltpu.VMEM((L,), jnp.int32),
            pltpu.VMEM((ACC_ROWS, D), jnp.float32),
            pltpu.VMEM((2, L), jnp.float32),
            pltpu.VMEM((L,), jnp.float32),
            pltpu.VMEM((L,), jnp.float32),
            pltpu.VMEM((NW, ACC_ROWS, D), jnp.float32),
            pltpu.VMEM((NW, 2, L), jnp.float32),
            pltpu.VMEM((L,), jnp.float32),
            pltpu.SemaphoreType.DMA,
        ],
    )(pid16, wa16, wv16, aw, srcV, pvd, author_emb, venue_emb)
    return out


def kernel(paper_id, year_idx, aw_edge_index, pv_src, pv_dst, paper_emb,
           author_emb, venue_emb, w_author, w_venue):
    del year_idx, paper_emb
    pid16 = jnp.full((L,), paper_id, dtype=jnp.int32)
    wa16 = jnp.full((L,), w_author, dtype=jnp.float32)
    wv16 = jnp.full((L,), w_venue, dtype=jnp.float32)
    aw = aw_edge_index.astype(jnp.int32).reshape(-1)
    return _sc_call(pid16, wa16, wv16, aw, pv_src.astype(jnp.int32),
                    pv_dst.astype(jnp.int32), author_emb, venue_emb)

# --- scband reference (transcript-rebuilt; emitter-appended) ---
"""Pipeline reference for scband-weighted-imputer-87737591922737 (READ-ONLY COPY).

The authoritative reference and input builder live on the scoring server;
editing this copy changes nothing except your own understanding.
"""

import jax, jax.numpy as jnp
import numpy as np

N_PAPER = 10000
N_AUTHOR = 10000
N_VENUE = 1000
D = 256
E_AW = 160000
E_PV = 10000


def setup_inputs(seed: int = 0) -> dict:
    key = jax.random.key(seed)
    ks = jax.random.split(key, 8)
    aw_edge_index = jax.random.randint(ks[0], (2, E_AW), 0, N_AUTHOR)  # row0: author src, row1: paper dst (both < 10000)
    pv_src = jax.random.randint(ks[1], (E_PV,), 0, N_PAPER)
    pv_dst = jax.random.randint(ks[2], (E_PV,), 0, N_VENUE)
    paper_emb = jax.random.normal(ks[3], (N_PAPER, D), dtype=jnp.float32)
    author_emb = jax.random.normal(ks[4], (N_AUTHOR, D), dtype=jnp.float32)
    venue_emb = jax.random.normal(ks[5], (N_VENUE, D), dtype=jnp.float32)
    # learned per-metadata-type scalar weights (ParameterDict init = 1.0)
    w_author = jnp.array(1.0, dtype=jnp.float32)
    w_venue = jnp.array(1.0, dtype=jnp.float32)
    return {
        "paper_id": 1234,
        "year_idx": 0,
        "aw_edge_index": aw_edge_index,
        "pv_src": pv_src,
        "pv_dst": pv_dst,
        "paper_emb": paper_emb,
        "author_emb": author_emb,
        "venue_emb": venue_emb,
        "w_author": w_author,
        "w_venue": w_venue,
    }


def reference(paper_id, year_idx, aw_edge_index, pv_src, pv_dst, paper_emb, author_emb, venue_emb, w_author, w_venue):
    # year_idx selects the (single) snapshot; flattened here.
    # --- author -> paper neighbors: mean_{i in N_p^author} u_i ---
    e_src = aw_edge_index[0]
    e_dst = aw_edge_index[1]
    a_mask = (e_dst == paper_id)
    n_a = a_mask.sum().astype(jnp.float32)
    # multiplicity of each author among selected edges (scatter-add), then weighted gather-sum via matvec
    cnt_per_author = jax.ops.segment_sum(a_mask.astype(jnp.float32), e_src, num_segments=author_emb.shape[0])
    sum_a = cnt_per_author @ author_emb
    mean_a = sum_a / jnp.maximum(n_a, 1.0)
    part_a = jnp.where(n_a > 0, w_author * mean_a, jnp.zeros_like(mean_a))

    # --- paper -> venue neighbors: mean_{i in N_p^venue} u_i ---
    v_mask = (pv_src == paper_id)
    n_v = v_mask.sum().astype(jnp.float32)
    cnt_per_venue = jax.ops.segment_sum(v_mask.astype(jnp.float32), pv_dst, num_segments=venue_emb.shape[0])
    sum_v = cnt_per_venue @ venue_emb
    mean_v = sum_v / jnp.maximum(n_v, 1.0)
    part_v = jnp.where(n_v > 0, w_venue * mean_v, jnp.zeros_like(mean_v))

    # torch.stack(parts).sum(0); if no neighbors at all, zeros_like(paper_emb[paper_id])
    out = part_a + part_v
    return out

if __name__ == "__main__":
    import jax
    _d = setup_inputs()
    print(jax.jit(kernel)(*tuple(_d.values())))

</pallas_src>

<mosaic_0001>
#map = affine_map<(d0, d1) -> (0)>
#map1 = affine_map<(d0, d1) -> (0, 0)>
#map2 = affine_map<(d0, d1) -> (0, 0, 0)>
module attributes {stable_mosaic.version = 14 : i64} {
  func.func @_fused_body(%arg0: i32, %arg1: i32, %arg2: memref<16xi32, #tpu.memory_space<hbm>>, %arg3: memref<16xf32, #tpu.memory_space<hbm>>, %arg4: memref<16xf32, #tpu.memory_space<hbm>>, %arg5: memref<320000xi32, #tpu.memory_space<hbm>>, %arg6: memref<10000xi32, #tpu.memory_space<hbm>>, %arg7: memref<10000xi32, #tpu.memory_space<hbm>>, %arg8: memref<10000x256xf32, #tpu.memory_space<hbm>>, %arg9: memref<1000x256xf32, #tpu.memory_space<hbm>>, %arg10: memref<256xf32, #tpu.memory_space<hbm>>, %arg11: memref<16x2x256xf32, #tpu.memory_space<hbm>>, %arg12: memref<16x2x16xf32, #tpu.memory_space<hbm>>, %arg13: memref<16xi32, #tpu.memory_space<vmem>>, %arg14: memref<10000xi32, #tpu.memory_space<vmem>>, %arg15: memref<640xi32, #tpu.memory_space<vmem>>, %arg16: memref<10016xi32, #tpu.memory_space<vmem>>, %arg17: memref<656xi32, #tpu.memory_space<vmem>>, %arg18: memref<16x256xf32, #tpu.memory_space<vmem>>, %arg19: memref<16xi32, #tpu.memory_space<vmem>>, %arg20: memref<16xi32, #tpu.memory_space<vmem>>, %arg21: memref<16xi32, #tpu.memory_space<vmem>>, %arg22: memref<2x256xf32, #tpu.memory_space<vmem>>, %arg23: memref<2x16xf32, #tpu.memory_space<vmem>>, %arg24: memref<16xf32, #tpu.memory_space<vmem>>, %arg25: memref<16xf32, #tpu.memory_space<vmem>>, %arg26: memref<16x2x256xf32, #tpu.memory_space<vmem>>, %arg27: memref<16x2x16xf32, #tpu.memory_space<vmem>>, %arg28: memref<16xf32, #tpu.memory_space<vmem>>, %arg29: memref<!tpu.dma_semaphore, #tpu.memory_space<semaphore_mem>>) attributes {dimension_semantics = [#tpu.dimension_semantics<core_parallel>, #tpu.dimension_semantics<subcore_parallel>], iteration_bounds = array<i64: 1, 16>, scalar_prefetch = 0 : i64, scratch_operands = 17 : i64, tpu.core_type = #tpu.core_type<sc_vector_subcore>, window_params = [{transform_indices = #map}, {transform_indices = #map}, {transform_indices = #map}, {transform_indices = #map}, {transform_indices = #map}, {transform_indices = #map}, {transform_indices = #map1}, {transform_indices = #map1}, {transform_indices = #map}, {transform_indices = #map2}, {transform_indices = #map2}]} {
    %broadcast_in_dim3A = arith.constant 0.000000e+00 : f32
    %broadcast_in_dim3A_0 = vector.broadcast %broadcast_in_dim3A : f32 to vector<16xf32>
    %broadcast_in_dim3A_1 = arith.constant 0 : i32
    %broadcast_in_dim3A_2 = vector.broadcast %broadcast_in_dim3A_1 : i32 to vector<16xi32>
    %iota3A = tpu.iota {dimensions = array<i32: 0>} : vector<16xi32>
    "tpu.region"() ({
      %run_scoped3A = tpu.sem_alloc : memref<!tpu.dma_semaphore, #tpu.memory_space<semaphore_mem>>
      tpu.enqueue_dma source(%arg2 : memref<16xi32, #tpu.memory_space<hbm>>) target(%arg13 : memref<16xi32, #tpu.memory_space<vmem>>) target_semaphore(%run_scoped3A : memref<!tpu.dma_semaphore, #tpu.memory_space<semaphore_mem>>)
      tpu.wait_dma2 semaphore(%run_scoped3A : memref<!tpu.dma_semaphore, #tpu.memory_space<semaphore_mem>>) src(%arg2 : memref<16xi32, #tpu.memory_space<hbm>>) dst(%arg13 : memref<16xi32, #tpu.memory_space<vmem>>)
      tpu.yield
    }) : () -> ()
    %mul3A = arith.constant 10000 : i32
    %mul3A_3 = arith.muli %arg1, %mul3A : i32
    %add3A = arith.constant 160000 : i32
    %add3A_4 = arith.addi %add3A, %mul3A_3 : i32
    "tpu.region"() ({
      %run_scoped3A = tpu.sem_alloc : memref<!tpu.dma_semaphore, #tpu.memory_space<semaphore_mem>>
      %dma_start3A = tpu.memref_slice %arg5[%add3A_4] : memref<320000xi32, #tpu.memory_space<hbm>> -> memref<10000xi32, #tpu.memory_space<hbm>>
      %dma_start3A_1003 = tpu.memref_slice %arg5[%add3A_4] : memref<320000xi32, #tpu.memory_space<hbm>> -> memref<10000xi32, #tpu.memory_space<hbm>>
      tpu.enqueue_dma source(%dma_start3A_1003 : memref<10000xi32, #tpu.memory_space<hbm>>) target(%arg14 : memref<10000xi32, #tpu.memory_space<vmem>>) target_semaphore(%run_scoped3A : memref<!tpu.dma_semaphore, #tpu.memory_space<semaphore_mem>>)
      %dma_wait3A = tpu.memref_slice %arg5[%add3A_4] : memref<320000xi32, #tpu.memory_space<hbm>> -> memref<10000xi32, #tpu.memory_space<hbm>>
      %dma_wait3A_1004 = tpu.memref_slice %arg5[%add3A_4] : memref<320000xi32, #tpu.memory_space<hbm>> -> memref<10000xi32, #tpu.memory_space<hbm>>
      tpu.wait_dma2 semaphore(%run_scoped3A : memref<!tpu.dma_semaphore, #tpu.memory_space<semaphore_mem>>) src(%dma_wait3A_1004 : memref<10000xi32, #tpu.memory_space<hbm>>) dst(%arg14 : memref<10000xi32, #tpu.memory_space<vmem>>)
      tpu.yield
    }) : () -> ()
    %lt3A = arith.constant 15 : i32
    %lt3A_5 = arith.cmpi slt, %arg1, %lt3A : i32
    %convert_element_type3A = arith.extui %lt3A_5 : i1 to i32
    %cond3A = arith.constant 0 : i32
    %cond3A_6 = arith.cmpi ne, %convert_element_type3A, %cond3A : i32
    scf.if %cond3A_6 {
      %mul3A_1003 = arith.constant 640 : i32
      %mul3A_1004 = arith.muli %arg1, %mul3A_1003 : i32
      "tpu.region"() ({
        %run_scoped3A = tpu.sem_alloc : memref<!tpu.dma_semaphore, #tpu.memory_space<semaphore_mem>>
        %dma_start3A = tpu.memref_slice %arg6[%mul3A_1004] : memref<10000xi32, #tpu.memory_space<hbm>> -> memref<640xi32, #tpu.memory_space<hbm>>
        %dma_start3A_1005 = tpu.memref_slice %arg6[%mul3A_1004] : memref<10000xi32, #tpu.memory_space<hbm>> -> memref<640xi32, #tpu.memory_space<hbm>>
        tpu.enqueue_dma source(%dma_start3A_1005 : memref<640xi32, #tpu.memory_space<hbm>>) target(%arg15 : memref<640xi32, #tpu.memory_space<vmem>>) target_semaphore(%run_scoped3A : memref<!tpu.dma_semaphore, #tpu.memory_space<semaphore_mem>>)
        %dma_wait3A = tpu.memref_slice %arg6[%mul3A_1004] : memref<10000xi32, #tpu.memory_space<hbm>> -> memref<640xi32, #tpu.memory_space<hbm>>
        %dma_wait3A_1006 = tpu.memref_slice %arg6[%mul3A_1004] : memref<10000xi32, #tpu.memory_space<hbm>> -> memref<640xi32, #tpu.memory_space<hbm>>
        tpu.wait_dma2 semaphore(%run_scoped3A : memref<!tpu.dma_semaphore, #tpu.memory_space<semaphore_mem>>) src(%dma_wait3A_1006 : memref<640xi32, #tpu.memory_space<hbm>>) dst(%arg15 : memref<640xi32, #tpu.memory_space<vmem>>)
        tpu.yield
      }) : () -> ()
    } else {
    }
    %eq3A = arith.constant 15 : i32
    %eq3A_7 = arith.cmpi eq, %arg1, %eq3A : i32
    %convert_element_type3A_8 = arith.extui %eq3A_7 : i1 to i32
    %cond3A_9 = arith.constant 0 : i32
    %cond3A_10 = arith.cmpi ne, %convert_element_type3A_8, %cond3A_9 : i32
    scf.if %cond3A_10 {
      "tpu.region"() ({
        %run_scoped3A = tpu.sem_alloc : memref<!tpu.dma_semaphore, #tpu.memory_space<semaphore_mem>>
        %dma_start3A = arith.constant 0 : i32
        %dma_start3A_1035 = tpu.memref_slice %arg15[%dma_start3A] : memref<640xi32, #tpu.memory_space<vmem>> -> memref<400xi32, #tpu.memory_space<vmem>>
        %dma_start3A_1036 = arith.constant 9600 : i32
        %dma_start3A_1037 = tpu.memref_slice %arg6[%dma_start3A_1036] : memref<10000xi32, #tpu.memory_space<hbm>> -> memref<400xi32, #tpu.memory_space<hbm>>
        %dma_start3A_1038 = arith.constant 0 : i32
        %dma_start3A_1039 = tpu.memref_slice %arg15[%dma_start3A_1038] : memref<640xi32, #tpu.memory_space<vmem>> -> memref<400xi32, #tpu.memory_space<vmem>>
        %dma_start3A_1040 = arith.constant 9600 : i32
        %dma_start3A_1041 = tpu.memref_slice %arg6[%dma_start3A_1040] : memref<10000xi32, #tpu.memory_space<hbm>> -> memref<400xi32, #tpu.memory_space<hbm>>
        tpu.enqueue_dma source(%dma_start3A_1041 : memref<400xi32, #tpu.memory_space<hbm>>) target(%dma_start3A_1039 : memref<400xi32, #tpu.memory_space<vmem>>) target_semaphore(%run_scoped3A : memref<!tpu.dma_semaphore, #tpu.memory_space<semaphore_mem>>)
        %dma_wait3A = arith.constant 0 : i32
        %dma_wait3A_1042 = tpu.memref_slice %arg15[%dma_wait3A] : memref<640xi32, #tpu.memory_space<vmem>> -> memref<400xi32, #tpu.memory_space<vmem>>
        %dma_wait3A_1043 = arith.constant 9600 : i32
        %dma_wait3A_1044 = tpu.memref_slice %arg6[%dma_wait3A_1043] : memref<10000xi32, #tpu.memory_space<hbm>> -> memref<400xi32, #tpu.memory_space<hbm>>
        %dma_wait3A_1045 = arith.constant 0 : i32
        %dma_wait3A_1046 = tpu.memref_slice %arg15[%dma_wait3A_1045] : memref<640xi32, #tpu.memory_space<vmem>> -> memref<400xi32, #tpu.memory_space<vmem>>
        %dma_wait3A_1047 = arith.constant 9600 : i32
        %dma_wait3A_1048 = tpu.memref_slice %arg6[%dma_wait3A_1047] : memref<10000xi32, #tpu.memory_space<hbm>> -> memref<400xi32, #tpu.memory_space<hbm>>
        tpu.wait_dma2 semaphore(%run_scoped3A : memref<!tpu.dma_semaphore, #tpu.memory_space<semaphore_mem>>) src(%dma_wait3A_1048 : memref<400xi32, #tpu.memory_space<hbm>>) dst(%dma_wait3A_1046 : memref<400xi32, #tpu.memory_space<vmem>>)
        tpu.yield
      }) : () -> ()
      %broadcast_in_dim3A_1003 = arith.constant -1 : i32
      %broadcast_in_dim3A_1004 = vector.broadcast %broadcast_in_dim3A_1003 : i32 to vector<16xi32>
      %swap3A_1005 = arith.constant 400 : index
      %swap3A_1006 = tpu.vector_load %arg15[%swap3A_1005] {strides = array<i32>} : memref<640xi32, #tpu.memory_space<vmem>>, vector<16xi32>,
      tpu.vector_store %arg15[%swap3A_1005], %broadcast_in_dim3A_1004 {strides = array<i32>} : memref<640xi32, #tpu.memory_space<vmem>>, vector<16xi32>,
      %swap3A_1007 = arith.constant 416 : index
      %swap3A_1008 = tpu.vector_load %arg15[%swap3A_1007] {strides = array<i32>} : memref<640xi32, #tpu.memory_space<vmem>>, vector<16xi32>,
      tpu.vector_store %arg15[%swap3A_1007], %broadcast_in_dim3A_1004 {strides = array<i32>} : memref<640xi32, #tpu.memory_space<vmem>>, vector<16xi32>,
      %swap3A_1009 = arith.constant 432 : index
      %swap3A_1010 = tpu.vector_load %arg15[%swap3A_1009] {strides = array<i32>} : memref<640xi32, #tpu.memory_space<vmem>>, vector<16xi32>,
      tpu.vector_store %arg15[%swap3A_1009], %broadcast_in_dim3A_1004 {strides = array<i32>} : memref<640xi32, #tpu.memory_space<vmem>>, vector<16xi32>,
      %swap3A_1011 = arith.constant 448 : index
      %swap3A_1012 = tpu.vector_load %arg15[%swap3A_1011] {strides = array<i32>} : memref<640xi32, #tpu.memory_space<vmem>>, vector<16xi32>,
      tpu.vector_store %arg15[%swap3A_1011], %broadcast_in_dim3A_1004 {strides = array<i32>} : memref<640xi32, #tpu.memory_space<vmem>>, vector<16xi32>,
      %swap3A_1013 = arith.constant 464 : index
      %swap3A_1014 = tpu.vector_load %arg15[%swap3A_1013] {strides = array<i32>} : memref<640xi32, #tpu.memory_space<vmem>>, vector<16xi32>,
      tpu.vector_store %arg15[%swap3A_1013], %broadcast_in_dim3A_1004 {strides = array<i32>} : memref<640xi32, #tpu.memory_space<vmem>>, vector<16xi32>,
      %swap3A_1015 = arith.constant 480 : index
      %swap3A_1016 = tpu.vector_load %arg15[%swap3A_1015] {strides = array<i32>} : memref<640xi32, #tpu.memory_space<vmem>>, vector<16xi32>,
      tpu.vector_store %arg15[%swap3A_1015], %broadcast_in_dim3A_1004 {strides = array<i32>} : memref<640xi32, #tpu.memory_space<vmem>>, vector<16xi32>,
      %swap3A_1017 = arith.constant 496 : index
      %swap3A_1018 = tpu.vector_load %arg15[%swap3A_1017] {strides = array<i32>} : memref<640xi32, #tpu.memory_space<vmem>>, vector<16xi32>,
      tpu.vector_store %arg15[%swap3A_1017], %broadcast_in_dim3A_1004 {strides = array<i32>} : memref<640xi32, #tpu.memory_space<vmem>>, vector<16xi32>,
      %swap3A_1019 = arith.constant 512 : index
      %swap3A_1020 = tpu.vector_load %arg15[%swap3A_1019] {strides = array<i32>} : memref<640xi32, #tpu.memory_space<vmem>>, vector<16xi32>,
      tpu.vector_store %arg15[%swap3A_1019], %broadcast_in_dim3A_1004 {strides = array<i32>} : memref<640xi32, #tpu.memory_space<vmem>>, vector<16xi32>,
      %swap3A_1021 = arith.constant 528 : index
      %swap3A_1022 = tpu.vector_load %arg15[%swap3A_1021] {strides = array<i32>} : memref<640xi32, #tpu.memory_space<vmem>>, vector<16xi32>,
      tpu.vector_store %arg15[%swap3A_1021], %broadcast_in_dim3A_1004 {strides = array<i32>} : memref<640xi32, #tpu.memory_space<vmem>>, vector<16xi32>,
      %swap3A_1023 = arith.constant 544 : index
      %swap3A_1024 = tpu.vector_load %arg15[%swap3A_1023] {strides = array<i32>} : memref<640xi32, #tpu.memory_space<vmem>>, vector<16xi32>,
      tpu.vector_store %arg15[%swap3A_1023], %broadcast_in_dim3A_1004 {strides = array<i32>} : memref<640xi32, #tpu.memory_space<vmem>>, vector<16xi32>,
      %swap3A_1025 = arith.constant 560 : index
      %swap3A_1026 = tpu.vector_load %arg15[%swap3A_1025] {strides = array<i32>} : memref<640xi32, #tpu.memory_space<vmem>>, vector<16xi32>,
      tpu.vector_store %arg15[%swap3A_1025], %broadcast_in_dim3A_1004 {strides = array<i32>} : memref<640xi32, #tpu.memory_space<vmem>>, vector<16xi32>,
      %swap3A_1027 = arith.constant 576 : index
      %swap3A_1028 = tpu.vector_load %arg15[%swap3A_1027] {strides = array<i32>} : memref<640xi32, #tpu.memory_space<vmem>>, vector<16xi32>,
      tpu.vector_store %arg15[%swap3A_1027], %broadcast_in_dim3A_1004 {strides = array<i32>} : memref<640xi32, #tpu.memory_space<vmem>>, vector<16xi32>,
      %swap3A_1029 = arith.constant 592 : index
      %swap3A_1030 = tpu.vector_load %arg15[%swap3A_1029] {strides = array<i32>} : memref<640xi32, #tpu.memory_space<vmem>>, vector<16xi32>,
      tpu.vector_store %arg15[%swap3A_1029], %broadcast_in_dim3A_1004 {strides = array<i32>} : memref<640xi32, #tpu.memory_space<vmem>>, vector<16xi32>,
      %swap3A_1031 = arith.constant 608 : index
      %swap3A_1032 = tpu.vector_load %arg15[%swap3A_1031] {strides = array<i32>} : memref<640xi32, #tpu.memory_space<vmem>>, vector<16xi32>,
      tpu.vector_store %arg15[%swap3A_1031], %broadcast_in_dim3A_1004 {strides = array<i32>} : memref<640xi32, #tpu.memory_space<vmem>>, vector<16xi32>,
      %swap3A_1033 = arith.constant 624 : index
      %swap3A_1034 = tpu.vector_load %arg15[%swap3A_1033] {strides = array<i32>} : memref<640xi32, #tpu.memory_space<vmem>>, vector<16xi32>,
      tpu.vector_store %arg15[%swap3A_1033], %broadcast_in_dim3A_1004 {strides = array<i32>} : memref<640xi32, #tpu.memory_space<vmem>>, vector<16xi32>,
    } else {
    }
    "tpu.region"() ({
      %run_scoped3A = tpu.sem_alloc : memref<!tpu.dma_semaphore, #tpu.memory_space<semaphore_mem>>
      tpu.enqueue_dma source(%arg3 : memref<16xf32, #tpu.memory_space<hbm>>) target(%arg24 : memref<16xf32, #tpu.memory_space<vmem>>) target_semaphore(%run_scoped3A : memref<!tpu.dma_semaphore, #tpu.memory_space<semaphore_mem>>)
      tpu.wait_dma2 semaphore(%run_scoped3A : memref<!tpu.dma_semaphore, #tpu.memory_space<semaphore_mem>>) src(%arg3 : memref<16xf32, #tpu.memory_space<hbm>>) dst(%arg24 : memref<16xf32, #tpu.memory_space<vmem>>)
      tpu.yield
    }) : () -> ()
    "tpu.region"() ({
      %run_scoped3A = tpu.sem_alloc : memref<!tpu.dma_semaphore, #tpu.memory_space<semaphore_mem>>
      tpu.enqueue_dma source(%arg4 : memref<16xf32, #tpu.memory_space<hbm>>) target(%arg25 : memref<16xf32, #tpu.memory_space<vmem>>) target_semaphore(%run_scoped3A : memref<!tpu.dma_semaphore, #tpu.memory_space<semaphore_mem>>)
      tpu.wait_dma2 semaphore(%run_scoped3A : memref<!tpu.dma_semaphore, #tpu.memory_space<semaphore_mem>>) src(%arg4 : memref<16xf32, #tpu.memory_space<hbm>>) dst(%arg25 : memref<16xf32, #tpu.memory_space<vmem>>)
      tpu.yield
    }) : () -> ()
    %get3A = arith.constant 0 : index
    %get3A_11 = tpu.vector_load %arg13[%get3A] {strides = array<i32>} : memref<16xi32, #tpu.memory_space<vmem>>, vector<16xi32>,
    %swap3A = arith.constant 0 : i32
    %swap3A_12 = arith.index_cast %swap3A : i32 to index
    %swap3A_13 = arith.constant 0 : index
    %swap3A_14 = tpu.vector_load %arg22[%swap3A_12, %swap3A_13] {strides = array<i32>} : memref<2x256xf32, #tpu.memory_space<vmem>>, vector<16xf32>,
    tpu.vector_store %arg22[%swap3A_12, %swap3A_13], %broadcast_in_dim3A_0 {strides = array<i32>} : memref<2x256xf32, #tpu.memory_space<vmem>>, vector<16xf32>,
    %swap3A_15 = arith.constant 0 : i32
    %swap3A_16 = arith.index_cast %swap3A_15 : i32 to index
    %swap3A_17 = arith.constant 16 : index
    %swap3A_18 = tpu.vector_load %arg22[%swap3A_16, %swap3A_17] {strides = array<i32>} : memref<2x256xf32, #tpu.memory_space<vmem>>, vector<16xf32>,
    tpu.vector_store %arg22[%swap3A_16, %swap3A_17], %broadcast_in_dim3A_0 {strides = array<i32>} : memref<2x256xf32, #tpu.memory_space<vmem>>, vector<16xf32>,
    %swap3A_19 = arith.constant 0 : i32
    %swap3A_20 = arith.index_cast %swap3A_19 : i32 to index
    %swap3A_21 = arith.constant 32 : index
    %swap3A_22 = tpu.vector_load %arg22[%swap3A_20, %swap3A_21] {strides = array<i32>} : memref<2x256xf32, #tpu.memory_space<vmem>>, vector<16xf32>,
    tpu.vector_store %arg22[%swap3A_20, %swap3A_21], %broadcast_in_dim3A_0 {strides = array<i32>} : memref<2x256xf32, #tpu.memory_space<vmem>>, vector<16xf32>,
    %swap3A_23 = arith.constant 0 : i32
    %swap3A_24 = arith.index_cast %swap3A_23 : i32 to index
    %swap3A_25 = arith.constant 48 : index
    %swap3A_26 = tpu.vector_load %arg22[%swap3A_24, %swap3A_25] {strides = array<i32>} : memref<2x256xf32, #tpu.memory_space<vmem>>, vector<16xf32>,
    tpu.vector_store %arg22[%swap3A_24, %swap3A_25], %broadcast_in_dim3A_0 {strides = array<i32>} : memref<2x256xf32, #tpu.memory_space<vmem>>, vector<16xf32>,
    %swap3A_27 = arith.constant 0 : i32
    %swap3A_28 = arith.index_cast %swap3A_27 : i32 to index
    %swap3A_29 = arith.constant 64 : index
    %swap3A_30 = tpu.vector_load %arg22[%swap3A_28, %swap3A_29] {strides = array<i32>} : memref<2x256xf32, #tpu.memory_space<vmem>>, vector<16xf32>,
    tpu.vector_store %arg22[%swap3A_28, %swap3A_29], %broadcast_in_dim3A_0 {strides = array<i32>} : memref<2x256xf32, #tpu.memory_space<vmem>>, vector<16xf32>,
    %swap3A_31 = arith.constant 0 : i32
    %swap3A_32 = arith.index_cast %swap3A_31 : i32 to index
    %swap3A_33 = arith.constant 80 : index
    %swap3A_34 = tpu.vector_load %arg22[%swap3A_32, %swap3A_33] {strides = array<i32>} : memref<2x256xf32, #tpu.memory_space<vmem>>, vector<16xf32>,
    tpu.vector_store %arg22[%swap3A_32, %swap3A_33], %broadcast_in_dim3A_0 {strides = array<i32>} : memref<2x256xf32, #tpu.memory_space<vmem>>, vector<16xf32>,
    %swap3A_35 = arith.constant 0 : i32
    %swap3A_36 = arith.index_cast %swap3A_35 : i32 to index
    %swap3A_37 = arith.constant 96 : index
    %swap3A_38 = tpu.vector_load %arg22[%swap3A_36, %swap3A_37] {strides = array<i32>} : memref<2x256xf32, #tpu.memory_space<vmem>>, vector<16xf32>,
    tpu.vector_store %arg22[%swap3A_36, %swap3A_37], %broadcast_in_dim3A_0 {strides = array<i32>} : memref<2x256xf32, #tpu.memory_space<vmem>>, vector<16xf32>,
    %swap3A_39 = arith.constant 0 : i32
    %swap3A_40 = arith.index_cast %swap3A_39 : i32 to index
    %swap3A_41 = arith.constant 112 : index
    %swap3A_42 = tpu.vector_load %arg22[%swap3A_40, %swap3A_41] {strides = array<i32>} : memref<2x256xf32, #tpu.memory_space<vmem>>, vector<16xf32>,
    tpu.vector_store %arg22[%swap3A_40, %swap3A_41], %broadcast_in_dim3A_0 {strides = array<i32>} : memref<2x256xf32, #tpu.memory_space<vmem>>, vector<16xf32>,
    %swap3A_43 = arith.constant 0 : i32
    %swap3A_44 = arith.index_cast %swap3A_43 : i32 to index
    %swap3A_45 = arith.constant 128 : index
    %swap3A_46 = tpu.vector_load %arg22[%swap3A_44, %swap3A_45] {strides = array<i32>} : memref<2x256xf32, #tpu.memory_space<vmem>>, vector<16xf32>,
    tpu.vector_store %arg22[%swap3A_44, %swap3A_45], %broadcast_in_dim3A_0 {strides = array<i32>} : memref<2x256xf32, #tpu.memory_space<vmem>>, vector<16xf32>,
    %swap3A_47 = arith.constant 0 : i32
    %swap3A_48 = arith.index_cast %swap3A_47 : i32 to index
    %swap3A_49 = arith.constant 144 : index
    %swap3A_50 = tpu.vector_load %arg22[%swap3A_48, %swap3A_49] {strides = array<i32>} : memref<2x256xf32, #tpu.memory_space<vmem>>, vector<16xf32>,
    tpu.vector_store %arg22[%swap3A_48, %swap3A_49], %broadcast_in_dim3A_0 {strides = array<i32>} : memref<2x256xf32, #tpu.memory_space<vmem>>, vector<16xf32>,
    %swap3A_51 = arith.constant 0 : i32
    %swap3A_52 = arith.index_cast %swap3A_51 : i32 to index
    %swap3A_53 = arith.constant 160 : index
    %swap3A_54 = tpu.vector_load %arg22[%swap3A_52, %swap3A_53] {strides = array<i32>} : memref<2x256xf32, #tpu.memory_space<vmem>>, vector<16xf32>,
    tpu.vector_store %arg22[%swap3A_52, %swap3A_53], %broadcast_in_dim3A_0 {strides = array<i32>} : memref<2x256xf32, #tpu.memory_space<vmem>>, vector<16xf32>,
    %swap3A_55 = arith.constant 0 : i32
    %swap3A_56 = arith.index_cast %swap3A_55 : i32 to index
    %swap3A_57 = arith.constant 176 : index
    %swap3A_58 = tpu.vector_load %arg22[%swap3A_56, %swap3A_57] {strides = array<i32>} : memref<2x256xf32, #tpu.memory_space<vmem>>, vector<16xf32>,
    tpu.vector_store %arg22[%swap3A_56, %swap3A_57], %broadcast_in_dim3A_0 {strides = array<i32>} : memref<2x256xf32, #tpu.memory_space<vmem>>, vector<16xf32>,
    %swap3A_59 = arith.constant 0 : i32
    %swap3A_60 = arith.index_cast %swap3A_59 : i32 to index
    %swap3A_61 = arith.constant 192 : index
    %swap3A_62 = tpu.vector_load %arg22[%swap3A_60, %swap3A_61] {strides = array<i32>} : memref<2x256xf32, #tpu.memory_space<vmem>>, vector<16xf32>,
    tpu.vector_store %arg22[%swap3A_60, %swap3A_61], %broadcast_in_dim3A_0 {strides = array<i32>} : memref<2x256xf32, #tpu.memory_space<vmem>>, vector<16xf32>,
    %swap3A_63 = arith.constant 0 : i32
    %swap3A_64 = arith.index_cast %swap3A_63 : i32 to index
    %swap3A_65 = arith.constant 208 : index
    %swap3A_66 = tpu.vector_load %arg22[%swap3A_64, %swap3A_65] {strides = array<i32>} : memref<2x256xf32, #tpu.memory_space<vmem>>, vector<16xf32>,
    tpu.vector_store %arg22[%swap3A_64, %swap3A_65], %broadcast_in_dim3A_0 {strides = array<i32>} : memref<2x256xf32, #tpu.memory_space<vmem>>, vector<16xf32>,
    %swap3A_67 = arith.constant 0 : i32
    %swap3A_68 = arith.index_cast %swap3A_67 : i32 to index
    %swap3A_69 = arith.constant 224 : index
    %swap3A_70 = tpu.vector_load %arg22[%swap3A_68, %swap3A_69] {strides = array<i32>} : memref<2x256xf32, #tpu.memory_space<vmem>>, vector<16xf32>,
    tpu.vector_store %arg22[%swap3A_68, %swap3A_69], %broadcast_in_dim3A_0 {strides = array<i32>} : memref<2x256xf32, #tpu.memory_space<vmem>>, vector<16xf32>,
    %swap3A_71 = arith.constant 0 : i32
    %swap3A_72 = arith.index_cast %swap3A_71 : i32 to index
    %swap3A_73 = arith.constant 240 : index
    %swap3A_74 = tpu.vector_load %arg22[%swap3A_72, %swap3A_73] {strides = array<i32>} : memref<2x256xf32, #tpu.memory_space<vmem>>, vector<16xf32>,
    tpu.vector_store %arg22[%swap3A_72, %swap3A_73], %broadcast_in_dim3A_0 {strides = array<i32>} : memref<2x256xf32, #tpu.memory_space<vmem>>, vector<16xf32>,
    %swap3A_75 = arith.constant 1 : i32
    %swap3A_76 = arith.index_cast %swap3A_75 : i32 to index
    %swap3A_77 = arith.constant 0 : index
    %swap3A_78 = tpu.vector_load %arg22[%swap3A_76, %swap3A_77] {strides = array<i32>} : memref<2x256xf32, #tpu.memory_space<vmem>>, vector<16xf32>,
    tpu.vector_store %arg22[%swap3A_76, %swap3A_77], %broadcast_in_dim3A_0 {strides = array<i32>} : memref<2x256xf32, #tpu.memory_space<vmem>>, vector<16xf32>,
    %swap3A_79 = arith.constant 1 : i32
    %swap3A_80 = arith.index_cast %swap3A_79 : i32 to index
    %swap3A_81 = arith.constant 16 : index
    %swap3A_82 = tpu.vector_load %arg22[%swap3A_80, %swap3A_81] {strides = array<i32>} : memref<2x256xf32, #tpu.memory_space<vmem>>, vector<16xf32>,
    tpu.vector_store %arg22[%swap3A_80, %swap3A_81], %broadcast_in_dim3A_0 {strides = array<i32>} : memref<2x256xf32, #tpu.memory_space<vmem>>, vector<16xf32>,
    %swap3A_83 = arith.constant 1 : i32
    %swap3A_84 = arith.index_cast %swap3A_83 : i32 to index
    %swap3A_85 = arith.constant 32 : index
    %swap3A_86 = tpu.vector_load %arg22[%swap3A_84, %swap3A_85] {strides = array<i32>} : memref<2x256xf32, #tpu.memory_space<vmem>>, vector<16xf32>,
    tpu.vector_store %arg22[%swap3A_84, %swap3A_85], %broadcast_in_dim3A_0 {strides = array<i32>} : memref<2x256xf32, #tpu.memory_space<vmem>>, vector<16xf32>,
    %swap3A_87 = arith.constant 1 : i32
    %swap3A_88 = arith.index_cast %swap3A_87 : i32 to index
    %swap3A_89 = arith.constant 48 : index
    %swap3A_90 = tpu.vector_load %arg22[%swap3A_88, %swap3A_89] {strides = array<i32>} : memref<2x256xf32, #tpu.memory_space<vmem>>, vector<16xf32>,
    tpu.vector_store %arg22[%swap3A_88, %swap3A_89], %broadcast_in_dim3A_0 {strides = array<i32>} : memref<2x256xf32, #tpu.memory_space<vmem>>, vector<16xf32>,
    %swap3A_91 = arith.constant 1 : i32
    %swap3A_92 = arith.index_cast %swap3A_91 : i32 to index
    %swap3A_93 = arith.constant 64 : index
    %swap3A_94 = tpu.vector_load %arg22[%swap3A_92, %swap3A_93] {strides = array<i32>} : memref<2x256xf32, #tpu.memory_space<vmem>>, vector<16xf32>,
    tpu.vector_store %arg22[%swap3A_92, %swap3A_93], %broadcast_in_dim3A_0 {strides = array<i32>} : memref<2x256xf32, #tpu.memory_space<vmem>>, vector<16xf32>,
    %swap3A_95 = arith.constant 1 : i32
    %swap3A_96 = arith.index_cast %swap3A_95 : i32 to index
    %swap3A_97 = arith.constant 80 : index
    %swap3A_98 = tpu.vector_load %arg22[%swap3A_96, %swap3A_97] {strides = array<i32>} : memref<2x256xf32, #tpu.memory_space<vmem>>, vector<16xf32>,
    tpu.vector_store %arg22[%swap3A_96, %swap3A_97], %broadcast_in_dim3A_0 {strides = array<i32>} : memref<2x256xf32, #tpu.memory_space<vmem>>, vector<16xf32>,
    %swap3A_99 = arith.constant 1 : i32
    %swap3A_100 = arith.index_cast %swap3A_99 : i32 to index
    %swap3A_101 = arith.constant 96 : index
    %swap3A_102 = tpu.vector_load %arg22[%swap3A_100, %swap3A_101] {strides = array<i32>} : memref<2x256xf32, #tpu.memory_space<vmem>>, vector<16xf32>,
    tpu.vector_store %arg22[%swap3A_100, %swap3A_101], %broadcast_in_dim3A_0 {strides = array<i32>} : memref<2x256xf32, #tpu.memory_space<vmem>>, vector<16xf32>,
    %swap3A_103 = arith.constant 1 : i32
    %swap3A_104 = arith.index_cast %swap3A_103 : i32 to index
    %swap3A_105 = arith.constant 112 : index
    %swap3A_106 = tpu.vector_load %arg22[%swap3A_104, %swap3A_105] {strides = array<i32>} : memref<2x256xf32, #tpu.memory_space<vmem>>, vector<16xf32>,
    tpu.vector_store %arg22[%swap3A_104, %swap3A_105], %broadcast_in_dim3A_0 {strides = array<i32>} : memref<2x256xf32, #tpu.memory_space<vmem>>, vector<16xf32>,
    %swap3A_107 = arith.constant 1 : i32
    %swap3A_108 = arith.index_cast %swap3A_107 : i32 to index
    %swap3A_109 = arith.constant 128 : index
    %swap3A_110 = tpu.vector_load %arg22[%swap3A_108, %swap3A_109] {strides = array<i32>} : memref<2x256xf32, #tpu.memory_space<vmem>>, vector<16xf32>,
    tpu.vector_store %arg22[%swap3A_108, %swap3A_109], %broadcast_in_dim3A_0 {strides = array<i32>} : memref<2x256xf32, #tpu.memory_space<vmem>>, vector<16xf32>,
    %swap3A_111 = arith.constant 1 : i32
    %swap3A_112 = arith.index_cast %swap3A_111 : i32 to index
    %swap3A_113 = arith.constant 144 : index
    %swap3A_114 = tpu.vector_load %arg22[%swap3A_112, %swap3A_113] {strides = array<i32>} : memref<2x256xf32, #tpu.memory_space<vmem>>, vector<16xf32>,
    tpu.vector_store %arg22[%swap3A_112, %swap3A_113], %broadcast_in_dim3A_0 {strides = array<i32>} : memref<2x256xf32, #tpu.memory_space<vmem>>, vector<16xf32>,
    %swap3A_115 = arith.constant 1 : i32
    %swap3A_116 = arith.index_cast %swap3A_115 : i32 to index
    %swap3A_117 = arith.constant 160 : index
    %swap3A_118 = tpu.vector_load %arg22[%swap3A_116, %swap3A_117] {strides = array<i32>} : memref<2x256xf32, #tpu.memory_space<vmem>>, vector<16xf32>,
    tpu.vector_store %arg22[%swap3A_116, %swap3A_117], %broadcast_in_dim3A_0 {strides = array<i32>} : memref<2x256xf32, #tpu.memory_space<vmem>>, vector<16xf32>,
    %swap3A_119 = arith.constant 1 : i32
    %swap3A_120 = arith.index_cast %swap3A_119 : i32 to index
    %swap3A_121 = arith.constant 176 : index
    %swap3A_122 = tpu.vector_load %arg22[%swap3A_120, %swap3A_121] {strides = array<i32>} : memref<2x256xf32, #tpu.memory_space<vmem>>, vector<16xf32>,
    tpu.vector_store %arg22[%swap3A_120, %swap3A_121], %broadcast_in_dim3A_0 {strides = array<i32>} : memref<2x256xf32, #tpu.memory_space<vmem>>, vector<16xf32>,
    %swap3A_123 = arith.constant 1 : i32
    %swap3A_124 = arith.index_cast %swap3A_123 : i32 to index
    %swap3A_125 = arith.constant 192 : index
    %swap3A_126 = tpu.vector_load %arg22[%swap3A_124, %swap3A_125] {strides = array<i32>} : memref<2x256xf32, #tpu.memory_space<vmem>>, vector<16xf32>,
    tpu.vector_store %arg22[%swap3A_124, %swap3A_125], %broadcast_in_dim3A_0 {strides = array<i32>} : memref<2x256xf32, #tpu.memory_space<vmem>>, vector<16xf32>,
    %swap3A_127 = arith.constant 1 : i32
    %swap3A_128 = arith.index_cast %swap3A_127 : i32 to index
    %swap3A_129 = arith.constant 208 : index
    %swap3A_130 = tpu.vector_load %arg22[%swap3A_128, %swap3A_129] {strides = array<i32>} : memref<2x256xf32, #tpu.memory_space<vmem>>, vector<16xf32>,
    tpu.vector_store %arg22[%swap3A_128, %swap3A_129], %broadcast_in_dim3A_0 {strides = array<i32>} : memref<2x256xf32, #tpu.memory_space<vmem>>, vector<16xf32>,
    %swap3A_131 = arith.constant 1 : i32
    %swap3A_132 = arith.index_cast %swap3A_131 : i32 to index
    %swap3A_133 = arith.constant 224 : index
    %swap3A_134 = tpu.vector_load %arg22[%swap3A_132, %swap3A_133] {strides = array<i32>} : memref<2x256xf32, #tpu.memory_space<vmem>>, vector<16xf32>,
    tpu.vector_store %arg22[%swap3A_132, %swap3A_133], %broadcast_in_dim3A_0 {strides = array<i32>} : memref<2x256xf32, #tpu.memory_space<vmem>>, vector<16xf32>,
    %swap3A_135 = arith.constant 1 : i32
    %swap3A_136 = arith.index_cast %swap3A_135 : i32 to index
    %swap3A_137 = arith.constant 240 : index
    %swap3A_138 = tpu.vector_load %arg22[%swap3A_136, %swap3A_137] {strides = array<i32>} : memref<2x256xf32, #tpu.memory_space<vmem>>, vector<16xf32>,
    tpu.vector_store %arg22[%swap3A_136, %swap3A_137], %broadcast_in_dim3A_0 {strides = array<i32>} : memref<2x256xf32, #tpu.memory_space<vmem>>, vector<16xf32>,
    %scan3A = arith.constant 0 : i32
    %scan3A_139 = arith.constant 0 : i32
    %scan3A_140 = arith.constant 39 : i32
    %scan3A_141 = arith.addi %scan3A_139, %scan3A_140 : i32
    %scan3A_142 = arith.constant 1 : i32
    %scan3A_143 = scf.for %scan3A_1003 = %scan3A_139 to %scan3A_141 step %scan3A_142 iter_args(%scan3A_1004 = %scan3A) -> (i32)  : i32 {
      %mul3A_1005 = arith.constant 256 : i32
      %mul3A_1006 = arith.muli %scan3A_1003, %mul3A_1005 : i32
      %get3A_1007 = arith.index_cast %mul3A_1006 : i32 to index
      %get3A_1008 = tpu.vector_load %arg14[%get3A_1007] {strides = array<i32>} : memref<10000xi32, #tpu.memory_space<vmem>>, vector<16xi32>,
      %eq3A_1009 = arith.cmpi eq, %get3A_1008, %get3A_11 : vector<16xi32>
      %add3A_1010 = arith.constant 16 : i32
      %add3A_1011 = arith.addi %mul3A_1006, %add3A_1010 : i32
      %get3A_1012 = arith.index_cast %add3A_1011 : i32 to index
      %get3A_1013 = tpu.vector_load %arg14[%get3A_1012] {strides = array<i32>} : memref<10000xi32, #tpu.memory_space<vmem>>, vector<16xi32>,
      %eq3A_1014 = arith.cmpi eq, %get3A_1013, %get3A_11 : vector<16xi32>
      %or3A = arith.ori %eq3A_1009, %eq3A_1014 : vector<16xi1>
      %add3A_1015 = arith.constant 32 : i32
      %add3A_1016 = arith.addi %mul3A_1006, %add3A_1015 : i32
      %get3A_1017 = arith.index_cast %add3A_1016 : i32 to index
      %get3A_1018 = tpu.vector_load %arg14[%get3A_1017] {strides = array<i32>} : memref<10000xi32, #tpu.memory_space<vmem>>, vector<16xi32>,
      %eq3A_1019 = arith.cmpi eq, %get3A_1018, %get3A_11 : vector<16xi32>
      %or3A_1020 = arith.ori %or3A, %eq3A_1019 : vector<16xi1>
      %add3A_1021 = arith.constant 48 : i32
      %add3A_1022 = arith.addi %mul3A_1006, %add3A_1021 : i32
      %get3A_1023 = arith.index_cast %add3A_1022 : i32 to index
      %get3A_1024 = tpu.vector_load %arg14[%get3A_1023] {strides = array<i32>} : memref<10000xi32, #tpu.memory_space<vmem>>, vector<16xi32>,
      %eq3A_1025 = arith.cmpi eq, %get3A_1024, %get3A_11 : vector<16xi32>
      %or3A_1026 = arith.ori %or3A_1020, %eq3A_1025 : vector<16xi1>
      %add3A_1027 = arith.constant 64 : i32
      %add3A_1028 = arith.addi %mul3A_1006, %add3A_1027 : i32
      %get3A_1029 = arith.index_cast %add3A_1028 : i32 to index
      %get3A_1030 = tpu.vector_load %arg14[%get3A_1029] {strides = array<i32>} : memref<10000xi32, #tpu.memory_space<vmem>>, vector<16xi32>,
      %eq3A_1031 = arith.cmpi eq, %get3A_1030, %get3A_11 : vector<16xi32>
      %or3A_1032 = arith.ori %or3A_1026, %eq3A_1031 : vector<16xi1>
      %add3A_1033 = arith.constant 80 : i32
      %add3A_1034 = arith.addi %mul3A_1006, %add3A_1033 : i32
      %get3A_1035 = arith.index_cast %add3A_1034 : i32 to index
      %get3A_1036 = tpu.vector_load %arg14[%get3A_1035] {strides = array<i32>} : memref<10000xi32, #tpu.memory_space<vmem>>, vector<16xi32>,
      %eq3A_1037 = arith.cmpi eq, %get3A_1036, %get3A_11 : vector<16xi32>
      %or3A_1038 = arith.ori %or3A_1032, %eq3A_1037 : vector<16xi1>
      %add3A_1039 = arith.constant 96 : i32
      %add3A_1040 = arith.addi %mul3A_1006, %add3A_1039 : i32
      %get3A_1041 = arith.index_cast %add3A_1040 : i32 to index
      %get3A_1042 = tpu.vector_load %arg14[%get3A_1041] {strides = array<i32>} : memref<10000xi32, #tpu.memory_space<vmem>>, vector<16xi32>,
      %eq3A_1043 = arith.cmpi eq, %get3A_1042, %get3A_11 : vector<16xi32>
      %or3A_1044 = arith.ori %or3A_1038, %eq3A_1043 : vector<16xi1>
      %add3A_1045 = arith.constant 112 : i32
      %add3A_1046 = arith.addi %mul3A_1006, %add3A_1045 : i32
      %get3A_1047 = arith.index_cast %add3A_1046 : i32 to index
      %get3A_1048 = tpu.vector_load %arg14[%get3A_1047] {strides = array<i32>} : memref<10000xi32, #tpu.memory_space<vmem>>, vector<16xi32>,
      %eq3A_1049 = arith.cmpi eq, %get3A_1048, %get3A_11 : vector<16xi32>
      %or3A_1050 = arith.ori %or3A_1044, %eq3A_1049 : vector<16xi1>
      %add3A_1051 = arith.constant 128 : i32
      %add3A_1052 = arith.addi %mul3A_1006, %add3A_1051 : i32
      %get3A_1053 = arith.index_cast %add3A_1052 : i32 to index
      %get3A_1054 = tpu.vector_load %arg14[%get3A_1053] {strides = array<i32>} : memref<10000xi32, #tpu.memory_space<vmem>>, vector<16xi32>,
      %eq3A_1055 = arith.cmpi eq, %get3A_1054, %get3A_11 : vector<16xi32>
      %or3A_1056 = arith.ori %or3A_1050, %eq3A_1055 : vector<16xi1>
      %add3A_1057 = arith.constant 144 : i32
      %add3A_1058 = arith.addi %mul3A_1006, %add3A_1057 : i32
      %get3A_1059 = arith.index_cast %add3A_1058 : i32 to index
      %get3A_1060 = tpu.vector_load %arg14[%get3A_1059] {strides = array<i32>} : memref<10000xi32, #tpu.memory_space<vmem>>, vector<16xi32>,
      %eq3A_1061 = arith.cmpi eq, %get3A_1060, %get3A_11 : vector<16xi32>
      %or3A_1062 = arith.ori %or3A_1056, %eq3A_1061 : vector<16xi1>
      %add3A_1063 = arith.constant 160 : i32
      %add3A_1064 = arith.addi %mul3A_1006, %add3A_1063 : i32
      %get3A_1065 = arith.index_cast %add3A_1064 : i32 to index
      %get3A_1066 = tpu.vector_load %arg14[%get3A_1065] {strides = array<i32>} : memref<10000xi32, #tpu.memory_space<vmem>>, vector<16xi32>,
      %eq3A_1067 = arith.cmpi eq, %get3A_1066, %get3A_11 : vector<16xi32>
      %or3A_1068 = arith.ori %or3A_1062, %eq3A_1067 : vector<16xi1>
      %add3A_1069 = arith.constant 176 : i32
      %add3A_1070 = arith.addi %mul3A_1006, %add3A_1069 : i32
      %get3A_1071 = arith.index_cast %add3A_1070 : i32 to index
      %get3A_1072 = tpu.vector_load %arg14[%get3A_1071] {strides = array<i32>} : memref<10000xi32, #tpu.memory_space<vmem>>, vector<16xi32>,
      %eq3A_1073 = arith.cmpi eq, %get3A_1072, %get3A_11 : vector<16xi32>
      %or3A_1074 = arith.ori %or3A_1068, %eq3A_1073 : vector<16xi1>
      %add3A_1075 = arith.constant 192 : i32
      %add3A_1076 = arith.addi %mul3A_1006, %add3A_1075 : i32
      %get3A_1077 = arith.index_cast %add3A_1076 : i32 to index
      %get3A_1078 = tpu.vector_load %arg14[%get3A_1077] {strides = array<i32>} : memref<10000xi32, #tpu.memory_space<vmem>>, vector<16xi32>,
      %eq3A_1079 = arith.cmpi eq, %get3A_1078, %get3A_11 : vector<16xi32>
      %or3A_1080 = arith.ori %or3A_1074, %eq3A_1079 : vector<16xi1>
      %add3A_1081 = arith.constant 208 : i32
      %add3A_1082 = arith.addi %mul3A_1006, %add3A_1081 : i32
      %get3A_1083 = arith.index_cast %add3A_1082 : i32 to index
      %get3A_1084 = tpu.vector_load %arg14[%get3A_1083] {strides = array<i32>} : memref<10000xi32, #tpu.memory_space<vmem>>, vector<16xi32>,
      %eq3A_1085 = arith.cmpi eq, %get3A_1084, %get3A_11 : vector<16xi32>
      %or3A_1086 = arith.ori %or3A_1080, %eq3A_1085 : vector<16xi1>
      %add3A_1087 = arith.constant 224 : i32
      %add3A_1088 = arith.addi %mul3A_1006, %add3A_1087 : i32
      %get3A_1089 = arith.index_cast %add3A_1088 : i32 to index
      %get3A_1090 = tpu.vector_load %arg14[%get3A_1089] {strides = array<i32>} : memref<10000xi32, #tpu.memory_space<vmem>>, vector<16xi32>,
      %eq3A_1091 = arith.cmpi eq, %get3A_1090, %get3A_11 : vector<16xi32>
      %or3A_1092 = arith.ori %or3A_1086, %eq3A_1091 : vector<16xi1>
      %add3A_1093 = arith.constant 240 : i32
      %add3A_1094 = arith.addi %mul3A_1006, %add3A_1093 : i32
      %get3A_1095 = arith.index_cast %add3A_1094 : i32 to index
      %get3A_1096 = tpu.vector_load %arg14[%get3A_1095] {strides = array<i32>} : memref<10000xi32, #tpu.memory_space<vmem>>, vector<16xi32>,
      %eq3A_1097 = arith.cmpi eq, %get3A_1096, %get3A_11 : vector<16xi32>
      %or3A_1098 = arith.ori %or3A_1092, %eq3A_1097 : vector<16xi1>
      %reduce_or3A = arith.constant 1.000000e+00 : f32
      %reduce_or3A_1099 = arith.constant 0.000000e+00 : f32
      %reduce_or3A_1100 = vector.broadcast %reduce_or3A : f32 to vector<16xf32>
      %reduce_or3A_1101 = vector.broadcast %reduce_or3A_1099 : f32 to vector<16xf32>
      %reduce_or3A_1102 = arith.select %or3A_1098, %reduce_or3A_1100, %reduce_or3A_1101 : vector<16xi1>, vector<16xf32>
      %reduce_or3A_1103 = arith.constant true
      %reduce_or3A_1104 = vector.broadcast %reduce_or3A_1103 : i1 to vector<16xi1>
      %reduce_or3A_1105 = tpu.scan <max>, %reduce_or3A_1102 masked %reduce_or3A_1104 : vector<16xf32>, vector<16xi1> -> vector<16xf32>
      %reduce_or3A_1106 = vector.extract %reduce_or3A_1105[15] : f32 from vector<16xf32>
      %reduce_or3A_1107 = arith.constant 0.000000e+00 : f32
      %reduce_or3A_1108 = arith.cmpf ogt, %reduce_or3A_1106, %reduce_or3A_1107 : f32
      %convert_element_type3A_1109 = arith.extui %reduce_or3A_1108 : i1 to i32
      %cond3A_1110 = arith.constant 0 : i32
      %cond3A_1111 = arith.cmpi ne, %convert_element_type3A_1109, %cond3A_1110 : i32
      %cond3A_1112 = scf.if %cond3A_1111 -> (i32) {
        %add3A_1113 = arith.constant 0 : i32
        %add3A_1114 = arith.addi %mul3A_1006, %add3A_1113 : i32
        %get3A_1115 = arith.index_cast %add3A_1114 : i32 to index
        %get3A_1116 = tpu.vector_load %arg14[%get3A_1115] {strides = array<i32>} : memref<10000xi32, #tpu.memory_space<vmem>>, vector<16xi32>,
        %sub3A_1117 = arith.subi %get3A_1116, %get3A_11 : vector<16xi32>
        %eq3A_1118 = arith.constant 0 : i32
        %eq3A_1119 = vector.broadcast %eq3A_1118 : i32 to vector<16xi32>
        %eq3A_1120 = arith.cmpi eq, %sub3A_1117, %eq3A_1119 : vector<16xi32>
        %abs3A_1121 = math.absi %sub3A_1117 : vector<16xi32>
        %min3A_1122 = arith.constant 1 : i32
        %min3A_1123 = vector.broadcast %min3A_1122 : i32 to vector<16xi32>
        %min3A_1124 = arith.minsi %abs3A_1121, %min3A_1123 : vector<16xi32>
        %sub3A_1125 = arith.constant 1 : i32
        %sub3A_1126 = vector.broadcast %sub3A_1125 : i32 to vector<16xi32>
        %sub3A_1127 = arith.subi %sub3A_1126, %min3A_1124 : vector<16xi32>
        %swap3A_1128 = arith.constant 0 : index
        %swap3A_1129 = tpu.vector_load %arg21[%swap3A_1128] {strides = array<i32>} : memref<16xi32, #tpu.memory_space<vmem>>, vector<16xi32>,
        tpu.vector_store %arg21[%swap3A_1128], %broadcast_in_dim3A_2 {strides = array<i32>} : memref<16xi32, #tpu.memory_space<vmem>>, vector<16xi32>,
        tpu.vector_store_idx %arg21[%broadcast_in_dim3A_2], %sub3A_1127 {add = true} : memref<16xi32, #tpu.memory_space<vmem>>[vector<16xi32>], vector<16xi32>,
        %get3A_1130 = arith.constant 0 : index
        %get3A_1131 = tpu.vector_load %arg21[%get3A_1130] {strides = array<i32>} : memref<16xi32, #tpu.memory_space<vmem>>, vector<16xi32>,
        %slice3A_1132 = vector.extract_strided_slice %get3A_1131 {offsets = [0], sizes = [1], strides = [1]} : vector<16xi32> to vector<1xi32>
        %squeeze3A_1133 = vector.extract %slice3A_1132[0] : i32 from vector<1xi32>
        %gt3A_1134 = arith.constant 0 : i32
        %gt3A_1135 = arith.cmpi sgt, %squeeze3A_1133, %gt3A_1134 : i32
        %convert_element_type3A_1136 = arith.extui %gt3A_1135 : i1 to i32
        %cond3A_1137 = arith.constant 0 : i32
        %cond3A_1138 = arith.cmpi ne, %convert_element_type3A_1136, %cond3A_1137 : i32
        scf.if %cond3A_1138 {
          %add3A_1545 = vector.broadcast %add3A_1114 : i32 to vector<16xi32>
          %add3A_1546 = arith.addi %add3A_1545, %iota3A : vector<16xi32>
          %swap3A_1547 = arith.index_cast %scan3A_1004 : i32 to index
          %swap3A_1548 = tpu.vector_load %arg16[%swap3A_1547] masked %eq3A_1120 {strides = array<i32>} : memref<10016xi32, #tpu.memory_space<vmem>>, vector<16xi32>, vector<16xi1>
          tpu.vector_store %arg16[%swap3A_1547], %add3A_1546 masked %eq3A_1120 {strides = array<i32>} : memref<10016xi32, #tpu.memory_space<vmem>>, vector<16xi32>, vector<16xi1>
        } else {
        }
        %add3A_1139 = arith.addi %scan3A_1004, %squeeze3A_1133 : i32
        %add3A_1140 = arith.constant 16 : i32
        %add3A_1141 = arith.addi %mul3A_1006, %add3A_1140 : i32
        %get3A_1142 = arith.index_cast %add3A_1141 : i32 to index
        %get3A_1143 = tpu.vector_load %arg14[%get3A_1142] {strides = array<i32>} : memref<10000xi32, #tpu.memory_space<vmem>>, vector<16xi32>,
        %sub3A_1144 = arith.subi %get3A_1143, %get3A_11 : vector<16xi32>
        %eq3A_1145 = arith.constant 0 : i32
        %eq3A_1146 = vector.broadcast %eq3A_1145 : i32 to vector<16xi32>
        %eq3A_1147 = arith.cmpi eq, %sub3A_1144, %eq3A_1146 : vector<16xi32>
        %abs3A_1148 = math.absi %sub3A_1144 : vector<16xi32>
        %min3A_1149 = arith.constant 1 : i32
        %min3A_1150 = vector.broadcast %min3A_1149 : i32 to vector<16xi32>
        %min3A_1151 = arith.minsi %abs3A_1148, %min3A_1150 : vector<16xi32>
        %sub3A_1152 = arith.constant 1 : i32
        %sub3A_1153 = vector.broadcast %sub3A_1152 : i32 to vector<16xi32>
        %sub3A_1154 = arith.subi %sub3A_1153, %min3A_1151 : vector<16xi32>
        %swap3A_1155 = arith.constant 0 : index
        %swap3A_1156 = tpu.vector_load %arg21[%swap3A_1155] {strides = array<i32>} : memref<16xi32, #tpu.memory_space<vmem>>, vector<16xi32>,
        tpu.vector_store %arg21[%swap3A_1155], %broadcast_in_dim3A_2 {strides = array<i32>} : memref<16xi32, #tpu.memory_space<vmem>>, vector<16xi32>,
        tpu.vector_store_idx %arg21[%broadcast_in_dim3A_2], %sub3A_1154 {add = true} : memref<16xi32, #tpu.memory_space<vmem>>[vector<16xi32>], vector<16xi32>,
        %get3A_1157 = arith.constant 0 : index
        %get3A_1158 = tpu.vector_load %arg21[%get3A_1157] {strides = array<i32>} : memref<16xi32, #tpu.memory_space<vmem>>, vector<16xi32>,
        %slice3A_1159 = vector.extract_strided_slice %get3A_1158 {offsets = [0], sizes = [1], strides = [1]} : vector<16xi32> to vector<1xi32>
        %squeeze3A_1160 = vector.extract %slice3A_1159[0] : i32 from vector<1xi32>
        %gt3A_1161 = arith.constant 0 : i32
        %gt3A_1162 = arith.cmpi sgt, %squeeze3A_1160, %gt3A_1161 : i32
        %convert_element_type3A_1163 = arith.extui %gt3A_1162 : i1 to i32
        %cond3A_1164 = arith.constant 0 : i32
        %cond3A_1165 = arith.cmpi ne, %convert_element_type3A_1163, %cond3A_1164 : i32
        scf.if %cond3A_1165 {
          %add3A_1545 = vector.broadcast %add3A_1141 : i32 to vector<16xi32>
          %add3A_1546 = arith.addi %add3A_1545, %iota3A : vector<16xi32>
          %swap3A_1547 = arith.index_cast %add3A_1139 : i32 to index
          %swap3A_1548 = tpu.vector_load %arg16[%swap3A_1547] masked %eq3A_1147 {strides = array<i32>} : memref<10016xi32, #tpu.memory_space<vmem>>, vector<16xi32>, vector<16xi1>
          tpu.vector_store %arg16[%swap3A_1547], %add3A_1546 masked %eq3A_1147 {strides = array<i32>} : memref<10016xi32, #tpu.memory_space<vmem>>, vector<16xi32>, vector<16xi1>
        } else {
        }
        %add3A_1166 = arith.addi %add3A_1139, %squeeze3A_1160 : i32
        %add3A_1167 = arith.constant 32 : i32
        %add3A_1168 = arith.addi %mul3A_1006, %add3A_1167 : i32
        %get3A_1169 = arith.index_cast %add3A_1168 : i32 to index
        %get3A_1170 = tpu.vector_load %arg14[%get3A_1169] {strides = array<i32>} : memref<10000xi32, #tpu.memory_space<vmem>>, vector<16xi32>,
        %sub3A_1171 = arith.subi %get3A_1170, %get3A_11 : vector<16xi32>
        %eq3A_1172 = arith.constant 0 : i32
        %eq3A_1173 = vector.broadcast %eq3A_1172 : i32 to vector<16xi32>
        %eq3A_1174 = arith.cmpi eq, %sub3A_1171, %eq3A_1173 : vector<16xi32>
        %abs3A_1175 = math.absi %sub3A_1171 : vector<16xi32>
        %min3A_1176 = arith.constant 1 : i32
        %min3A_1177 = vector.broadcast %min3A_1176 : i32 to vector<16xi32>
        %min3A_1178 = arith.minsi %abs3A_1175, %min3A_1177 : vector<16xi32>
        %sub3A_1179 = arith.constant 1 : i32
        %sub3A_1180 = vector.broadcast %sub3A_1179 : i32 to vector<16xi32>
        %sub3A_1181 = arith.subi %sub3A_1180, %min3A_1178 : vector<16xi32>
        %swap3A_1182 = arith.constant 0 : index
        %swap3A_1183 = tpu.vector_load %arg21[%swap3A_1182] {strides = array<i32>} : memref<16xi32, #tpu.memory_space<vmem>>, vector<16xi32>,
        tpu.vector_store %arg21[%swap3A_1182], %broadcast_in_dim3A_2 {strides = array<i32>} : memref<16xi32, #tpu.memory_space<vmem>>, vector<16xi32>,
        tpu.vector_store_idx %arg21[%broadcast_in_dim3A_2], %sub3A_1181 {add = true} : memref<16xi32, #tpu.memory_space<vmem>>[vector<16xi32>], vector<16xi32>,
        %get3A_1184 = arith.constant 0 : index
        %get3A_1185 = tpu.vector_load %arg21[%get3A_1184] {strides = array<i32>} : memref<16xi32, #tpu.memory_space<vmem>>, vector<16xi32>,
        %slice3A_1186 = vector.extract_strided_slice %get3A_1185 {offsets = [0], sizes = [1], strides = [1]} : vector<16xi32> to vector<1xi32>
        %squeeze3A_1187 = vector.extract %slice3A_1186[0] : i32 from vector<1xi32>
        %gt3A_1188 = arith.constant 0 : i32
        %gt3A_1189 = arith.cmpi sgt, %squeeze3A_1187, %gt3A_1188 : i32
        %convert_element_type3A_1190 = arith.extui %gt3A_1189 : i1 to i32
        %cond3A_1191 = arith.constant 0 : i32
        %cond3A_1192 = arith.cmpi ne, %convert_element_type3A_1190, %cond3A_1191 : i32
        scf.if %cond3A_1192 {
          %add3A_1545 = vector.broadcast %add3A_1168 : i32 to vector<16xi32>
          %add3A_1546 = arith.addi %add3A_1545, %iota3A : vector<16xi32>
          %swap3A_1547 = arith.index_cast %add3A_1166 : i32 to index
          %swap3A_1548 = tpu.vector_load %arg16[%swap3A_1547] masked %eq3A_1174 {strides = array<i32>} : memref<10016xi32, #tpu.memory_space<vmem>>, vector<16xi32>, vector<16xi1>
          tpu.vector_store %arg16[%swap3A_1547], %add3A_1546 masked %eq3A_1174 {strides = array<i32>} : memref<10016xi32, #tpu.memory_space<vmem>>, vector<16xi32>, vector<16xi1>
        } else {
        }
        %add3A_1193 = arith.addi %add3A_1166, %squeeze3A_1187 : i32
        %add3A_1194 = arith.constant 48 : i32
        %add3A_1195 = arith.addi %mul3A_1006, %add3A_1194 : i32
        %get3A_1196 = arith.index_cast %add3A_1195 : i32 to index
        %get3A_1197 = tpu.vector_load %arg14[%get3A_1196] {strides = array<i32>} : memref<10000xi32, #tpu.memory_space<vmem>>, vector<16xi32>,
        %sub3A_1198 = arith.subi %get3A_1197, %get3A_11 : vector<16xi32>
        %eq3A_1199 = arith.constant 0 : i32
        %eq3A_1200 = vector.broadcast %eq3A_1199 : i32 to vector<16xi32>
        %eq3A_1201 = arith.cmpi eq, %sub3A_1198, %eq3A_1200 : vector<16xi32>
        %abs3A_1202 = math.absi %sub3A_1198 : vector<16xi32>
        %min3A_1203 = arith.constant 1 : i32
        %min3A_1204 = vector.broadcast %min3A_1203 : i32 to vector<16xi32>
        %min3A_1205 = arith.minsi %abs3A_1202, %min3A_1204 : vector<16xi32>
        %sub3A_1206 = arith.constant 1 : i32
        %sub3A_1207 = vector.broadcast %sub3A_1206 : i32 to vector<16xi32>
        %sub3A_1208 = arith.subi %sub3A_1207, %min3A_1205 : vector<16xi32>
        %swap3A_1209 = arith.constant 0 : index
        %swap3A_1210 = tpu.vector_load %arg21[%swap3A_1209] {strides = array<i32>} : memref<16xi32, #tpu.memory_space<vmem>>, vector<16xi32>,
        tpu.vector_store %arg21[%swap3A_1209], %broadcast_in_dim3A_2 {strides = array<i32>} : memref<16xi32, #tpu.memory_space<vmem>>, vector<16xi32>,
        tpu.vector_store_idx %arg21[%broadcast_in_dim3A_2], %sub3A_1208 {add = true} : memref<16xi32, #tpu.memory_space<vmem>>[vector<16xi32>], vector<16xi32>,
        %get3A_1211 = arith.constant 0 : index
        %get3A_1212 = tpu.vector_load %arg21[%get3A_1211] {strides = array<i32>} : memref<16xi32, #tpu.memory_space<vmem>>, vector<16xi32>,
        %slice3A_1213 = vector.extract_strided_slice %get3A_1212 {offsets = [0], sizes = [1], strides = [1]} : vector<16xi32> to vector<1xi32>
        %squeeze3A_1214 = vector.extract %slice3A_1213[0] : i32 from vector<1xi32>
        %gt3A_1215 = arith.constant 0 : i32
        %gt3A_1216 = arith.cmpi sgt, %squeeze3A_1214, %gt3A_1215 : i32
        %convert_element_type3A_1217 = arith.extui %gt3A_1216 : i1 to i32
        %cond3A_1218 = arith.constant 0 : i32
        %cond3A_1219 = arith.cmpi ne, %convert_element_type3A_1217, %cond3A_1218 : i32
        scf.if %cond3A_1219 {
          %add3A_1545 = vector.broadcast %add3A_1195 : i32 to vector<16xi32>
          %add3A_1546 = arith.addi %add3A_1545, %iota3A : vector<16xi32>
          %swap3A_1547 = arith.index_cast %add3A_1193 : i32 to index
          %swap3A_1548 = tpu.vector_load %arg16[%swap3A_1547] masked %eq3A_1201 {strides = array<i32>} : memref<10016xi32, #tpu.memory_space<vmem>>, vector<16xi32>, vector<16xi1>
          tpu.vector_store %arg16[%swap3A_1547], %add3A_1546 masked %eq3A_1201 {strides = array<i32>} : memref<10016xi32, #tpu.memory_space<vmem>>, vector<16xi32>, vector<16xi1>
        } else {
        }
        %add3A_1220 = arith.addi %add3A_1193, %squeeze3A_1214 : i32
        %add3A_1221 = arith.constant 64 : i32
        %add3A_1222 = arith.addi %mul3A_1006, %add3A_1221 : i32
        %get3A_1223 = arith.index_cast %add3A_1222 : i32 to index
        %get3A_1224 = tpu.vector_load %arg14[%get3A_1223] {strides = array<i32>} : memref<10000xi32, #tpu.memory_space<vmem>>, vector<16xi32>,
        %sub3A_1225 = arith.subi %get3A_1224, %get3A_11 : vector<16xi32>
        %eq3A_1226 = arith.constant 0 : i32
        %eq3A_1227 = vector.broadcast %eq3A_1226 : i32 to vector<16xi32>
        %eq3A_1228 = arith.cmpi eq, %sub3A_1225, %eq3A_1227 : vector<16xi32>
        %abs3A_1229 = math.absi %sub3A_1225 : vector<16xi32>
        %min3A_1230 = arith.constant 1 : i32
        %min3A_1231 = vector.broadcast %min3A_1230 : i32 to vector<16xi32>
        %min3A_1232 = arith.minsi %abs3A_1229, %min3A_1231 : vector<16xi32>
        %sub3A_1233 = arith.constant 1 : i32
        %sub3A_1234 = vector.broadcast %sub3A_1233 : i32 to vector<16xi32>
        %sub3A_1235 = arith.subi %sub3A_1234, %min3A_1232 : vector<16xi32>
        %swap3A_1236 = arith.constant 0 : index
        %swap3A_1237 = tpu.vector_load %arg21[%swap3A_1236] {strides = array<i32>} : memref<16xi32, #tpu.memory_space<vmem>>, vector<16xi32>,
        tpu.vector_store %arg21[%swap3A_1236], %broadcast_in_dim3A_2 {strides = array<i32>} : memref<16xi32, #tpu.memory_space<vmem>>, vector<16xi32>,
        tpu.vector_store_idx %arg21[%broadcast_in_dim3A_2], %sub3A_1235 {add = true} : memref<16xi32, #tpu.memory_space<vmem>>[vector<16xi32>], vector<16xi32>,
        %get3A_1238 = arith.constant 0 : index
        %get3A_1239 = tpu.vector_load %arg21[%get3A_1238] {strides = array<i32>} : memref<16xi32, #tpu.memory_space<vmem>>, vector<16xi32>,
        %slice3A_1240 = vector.extract_strided_slice %get3A_1239 {offsets = [0], sizes = [1], strides = [1]} : vector<16xi32> to vector<1xi32>
        %squeeze3A_1241 = vector.extract %slice3A_1240[0] : i32 from vector<1xi32>
        %gt3A_1242 = arith.constant 0 : i32
        %gt3A_1243 = arith.cmpi sgt, %squeeze3A_1241, %gt3A_1242 : i32
        %convert_element_type3A_1244 = arith.extui %gt3A_1243 : i1 to i32
        %cond3A_1245 = arith.constant 0 : i32
        %cond3A_1246 = arith.cmpi ne, %convert_element_type3A_1244, %cond3A_1245 : i32
        scf.if %cond3A_1246 {
          %add3A_1545 = vector.broadcast %add3A_1222 : i32 to vector<16xi32>
          %add3A_1546 = arith.addi %add3A_1545, %iota3A : vector<16xi32>
          %swap3A_1547 = arith.index_cast %add3A_1220 : i32 to index
          %swap3A_1548 = tpu.vector_load %arg16[%swap3A_1547] masked %eq3A_1228 {strides = array<i32>} : memref<10016xi32, #tpu.memory_space<vmem>>, vector<16xi32>, vector<16xi1>
          tpu.vector_store %arg16[%swap3A_1547], %add3A_1546 masked %eq3A_1228 {strides = array<i32>} : memref<10016xi32, #tpu.memory_space<vmem>>, vector<16xi32>, vector<16xi1>
        } else {
        }
        %add3A_1247 = arith.addi %add3A_1220, %squeeze3A_1241 : i32
        %add3A_1248 = arith.constant 80 : i32
        %add3A_1249 = arith.addi %mul3A_1006, %add3A_1248 : i32
        %get3A_1250 = arith.index_cast %add3A_1249 : i32 to index
        %get3A_1251 = tpu.vector_load %arg14[%get3A_1250] {strides = array<i32>} : memref<10000xi32, #tpu.memory_space<vmem>>, vector<16xi32>,
        %sub3A_1252 = arith.subi %get3A_1251, %get3A_11 : vector<16xi32>
        %eq3A_1253 = arith.constant 0 : i32
        %eq3A_1254 = vector.broadcast %eq3A_1253 : i32 to vector<16xi32>
        %eq3A_1255 = arith.cmpi eq, %sub3A_1252, %eq3A_1254 : vector<16xi32>
        %abs3A_1256 = math.absi %sub3A_1252 : vector<16xi32>
        %min3A_1257 = arith.constant 1 : i32
        %min3A_1258 = vector.broadcast %min3A_1257 : i32 to vector<16xi32>
        %min3A_1259 = arith.minsi %abs3A_1256, %min3A_1258 : vector<16xi32>
        %sub3A_1260 = arith.constant 1 : i32
        %sub3A_1261 = vector.broadcast %sub3A_1260 : i32 to vector<16xi32>
        %sub3A_1262 = arith.subi %sub3A_1261, %min3A_1259 : vector<16xi32>
        %swap3A_1263 = arith.constant 0 : index
        %swap3A_1264 = tpu.vector_load %arg21[%swap3A_1263] {strides = array<i32>} : memref<16xi32, #tpu.memory_space<vmem>>, vector<16xi32>,
        tpu.vector_store %arg21[%swap3A_1263], %broadcast_in_dim3A_2 {strides = array<i32>} : memref<16xi32, #tpu.memory_space<vmem>>, vector<16xi32>,
        tpu.vector_store_idx %arg21[%broadcast_in_dim3A_2], %sub3A_1262 {add = true} : memref<16xi32, #tpu.memory_space<vmem>>[vector<16xi32>], vector<16xi32>,
        %get3A_1265 = arith.constant 0 : index
        %get3A_1266 = tpu.vector_load %arg21[%get3A_1265] {strides = array<i32>} : memref<16xi32, #tpu.memory_space<vmem>>, vector<16xi32>,
        %slice3A_1267 = vector.extract_strided_slice %get3A_1266 {offsets = [0], sizes = [1], strides = [1]} : vector<16xi32> to vector<1xi32>
        %squeeze3A_1268 = vector.extract %slice3A_1267[0] : i32 from vector<1xi32>
        %gt3A_1269 = arith.constant 0 : i32
        %gt3A_1270 = arith.cmpi sgt, %squeeze3A_1268, %gt3A_1269 : i32
        %convert_element_type3A_1271 = arith.extui %gt3A_1270 : i1 to i32
        %cond3A_1272 = arith.constant 0 : i32
        %cond3A_1273 = arith.cmpi ne, %convert_element_type3A_1271, %cond3A_1272 : i32
        scf.if %cond3A_1273 {
          %add3A_1545 = vector.broadcast %add3A_1249 : i32 to vector<16xi32>
          %add3A_1546 = arith.addi %add3A_1545, %iota3A : vector<16xi32>
          %swap3A_1547 = arith.index_cast %add3A_1247 : i32 to index
          %swap3A_1548 = tpu.vector_load %arg16[%swap3A_1547] masked %eq3A_1255 {strides = array<i32>} : memref<10016xi32, #tpu.memory_space<vmem>>, vector<16xi32>, vector<16xi1>
          tpu.vector_store %arg16[%swap3A_1547], %add3A_1546 masked %eq3A_1255 {strides = array<i32>} : memref<10016xi32, #tpu.memory_space<vmem>>, vector<16xi32>, vector<16xi1>
        } else {
        }
        %add3A_1274 = arith.addi %add3A_1247, %squeeze3A_1268 : i32
        %add3A_1275 = arith.constant 96 : i32
        %add3A_1276 = arith.addi %mul3A_1006, %add3A_1275 : i32
        %get3A_1277 = arith.index_cast %add3A_1276 : i32 to index
        %get3A_1278 = tpu.vector_load %arg14[%get3A_1277] {strides = array<i32>} : memref<10000xi32, #tpu.memory_space<vmem>>, vector<16xi32>,
        %sub3A_1279 = arith.subi %get3A_1278, %get3A_11 : vector<16xi32>
        %eq3A_1280 = arith.constant 0 : i32
        %eq3A_1281 = vector.broadcast %eq3A_1280 : i32 to vector<16xi32>
        %eq3A_1282 = arith.cmpi eq, %sub3A_1279, %eq3A_1281 : vector<16xi32>
        %abs3A_1283 = math.absi %sub3A_1279 : vector<16xi32>
        %min3A_1284 = arith.constant 1 : i32
        %min3A_1285 = vector.broadcast %min3A_1284 : i32 to vector<16xi32>
        %min3A_1286 = arith.minsi %abs3A_1283, %min3A_1285 : vector<16xi32>
        %sub3A_1287 = arith.constant 1 : i32
        %sub3A_1288 = vector.broadcast %sub3A_1287 : i32 to vector<16xi32>
        %sub3A_1289 = arith.subi %sub3A_1288, %min3A_1286 : vector<16xi32>
        %swap3A_1290 = arith.constant 0 : index
        %swap3A_1291 = tpu.vector_load %arg21[%swap3A_1290] {strides = array<i32>} : memref<16xi32, #tpu.memory_space<vmem>>, vector<16xi32>,
        tpu.vector_store %arg21[%swap3A_1290], %broadcast_in_dim3A_2 {strides = array<i32>} : memref<16xi32, #tpu.memory_space<vmem>>, vector<16xi32>,
        tpu.vector_store_idx %arg21[%broadcast_in_dim3A_2], %sub3A_1289 {add = true} : memref<16xi32, #tpu.memory_space<vmem>>[vector<16xi32>], vector<16xi32>,
        %get3A_1292 = arith.constant 0 : index
        %get3A_1293 = tpu.vector_load %arg21[%get3A_1292] {strides = array<i32>} : memref<16xi32, #tpu.memory_space<vmem>>, vector<16xi32>,
        %slice3A_1294 = vector.extract_strided_slice %get3A_1293 {offsets = [0], sizes = [1], strides = [1]} : vector<16xi32> to vector<1xi32>
        %squeeze3A_1295 = vector.extract %slice3A_1294[0] : i32 from vector<1xi32>
        %gt3A_1296 = arith.constant 0 : i32
        %gt3A_1297 = arith.cmpi sgt, %squeeze3A_1295, %gt3A_1296 : i32
        %convert_element_type3A_1298 = arith.extui %gt3A_1297 : i1 to i32
        %cond3A_1299 = arith.constant 0 : i32
        %cond3A_1300 = arith.cmpi ne, %convert_element_type3A_1298, %cond3A_1299 : i32
        scf.if %cond3A_1300 {
          %add3A_1545 = vector.broadcast %add3A_1276 : i32 to vector<16xi32>
          %add3A_1546 = arith.addi %add3A_1545, %iota3A : vector<16xi32>
          %swap3A_1547 = arith.index_cast %add3A_1274 : i32 to index
          %swap3A_1548 = tpu.vector_load %arg16[%swap3A_1547] masked %eq3A_1282 {strides = array<i32>} : memref<10016xi32, #tpu.memory_space<vmem>>, vector<16xi32>, vector<16xi1>
          tpu.vector_store %arg16[%swap3A_1547], %add3A_1546 masked %eq3A_1282 {strides = array<i32>} : memref<10016xi32, #tpu.memory_space<vmem>>, vector<16xi32>, vector<16xi1>
        } else {
        }
        %add3A_1301 = arith.addi %add3A_1274, %squeeze3A_1295 : i32
        %add3A_1302 = arith.constant 112 : i32
        %add3A_1303 = arith.addi %mul3A_1006, %add3A_1302 : i32
        %get3A_1304 = arith.index_cast %add3A_1303 : i32 to index
        %get3A_1305 = tpu.vector_load %arg14[%get3A_1304] {strides = array<i32>} : memref<10000xi32, #tpu.memory_space<vmem>>, vector<16xi32>,
        %sub3A_1306 = arith.subi %get3A_1305, %get3A_11 : vector<16xi32>
        %eq3A_1307 = arith.constant 0 : i32
        %eq3A_1308 = vector.broadcast %eq3A_1307 : i32 to vector<16xi32>
        %eq3A_1309 = arith.cmpi eq, %sub3A_1306, %eq3A_1308 : vector<16xi32>
        %abs3A_1310 = math.absi %sub3A_1306 : vector<16xi32>
        %min3A_1311 = arith.constant 1 : i32
        %min3A_1312 = vector.broadcast %min3A_1311 : i32 to vector<16xi32>
        %min3A_1313 = arith.minsi %abs3A_1310, %min3A_1312 : vector<16xi32>
        %sub3A_1314 = arith.constant 1 : i32
        %sub3A_1315 = vector.broadcast %sub3A_1314 : i32 to vector<16xi32>
        %sub3A_1316 = arith.subi %sub3A_1315, %min3A_1313 : vector<16xi32>
        %swap3A_1317 = arith.constant 0 : index
        %swap3A_1318 = tpu.vector_load %arg21[%swap3A_1317] {strides = array<i32>} : memref<16xi32, #tpu.memory_space<vmem>>, vector<16xi32>,
        tpu.vector_store %arg21[%swap3A_1317], %broadcast_in_dim3A_2 {strides = array<i32>} : memref<16xi32, #tpu.memory_space<vmem>>, vector<16xi32>,
        tpu.vector_store_idx %arg21[%broadcast_in_dim3A_2], %sub3A_1316 {add = true} : memref<16xi32, #tpu.memory_space<vmem>>[vector<16xi32>], vector<16xi32>,
        %get3A_1319 = arith.constant 0 : index
        %get3A_1320 = tpu.vector_load %arg21[%get3A_1319] {strides = array<i32>} : memref<16xi32, #tpu.memory_space<vmem>>, vector<16xi32>,
        %slice3A_1321 = vector.extract_strided_slice %get3A_1320 {offsets = [0], sizes = [1], strides = [1]} : vector<16xi32> to vector<1xi32>
        %squeeze3A_1322 = vector.extract %slice3A_1321[0] : i32 from vector<1xi32>
        %gt3A_1323 = arith.constant 0 : i32
        %gt3A_1324 = arith.cmpi sgt, %squeeze3A_1322, %gt3A_1323 : i32
        %convert_element_type3A_1325 = arith.extui %gt3A_1324 : i1 to i32
        %cond3A_1326 = arith.constant 0 : i32
        %cond3A_1327 = arith.cmpi ne, %convert_element_type3A_1325, %cond3A_1326 : i32
        scf.if %cond3A_1327 {
          %add3A_1545 = vector.broadcast %add3A_1303 : i32 to vector<16xi32>
          %add3A_1546 = arith.addi %add3A_1545, %iota3A : vector<16xi32>
          %swap3A_1547 = arith.index_cast %add3A_1301 : i32 to index
          %swap3A_1548 = tpu.vector_load %arg16[%swap3A_1547] masked %eq3A_1309 {strides = array<i32>} : memref<10016xi32, #tpu.memory_space<vmem>>, vector<16xi32>, vector<16xi1>
          tpu.vector_store %arg16[%swap3A_1547], %add3A_1546 masked %eq3A_1309 {strides = array<i32>} : memref<10016xi32, #tpu.memory_space<vmem>>, vector<16xi32>, vector<16xi1>
        } else {
        }
        %add3A_1328 = arith.addi %add3A_1301, %squeeze3A_1322 : i32
        %add3A_1329 = arith.constant 128 : i32
        %add3A_1330 = arith.addi %mul3A_1006, %add3A_1329 : i32
        %get3A_1331 = arith.index_cast %add3A_1330 : i32 to index
        %get3A_1332 = tpu.vector_load %arg14[%get3A_1331] {strides = array<i32>} : memref<10000xi32, #tpu.memory_space<vmem>>, vector<16xi32>,
        %sub3A_1333 = arith.subi %get3A_1332, %get3A_11 : vector<16xi32>
        %eq3A_1334 = arith.constant 0 : i32
        %eq3A_1335 = vector.broadcast %eq3A_1334 : i32 to vector<16xi32>
        %eq3A_1336 = arith.cmpi eq, %sub3A_1333, %eq3A_1335 : vector<16xi32>
        %abs3A_1337 = math.absi %sub3A_1333 : vector<16xi32>
        %min3A_1338 = arith.constant 1 : i32
        %min3A_1339 = vector.broadcast %min3A_1338 : i32 to vector<16xi32>
        %min3A_1340 = arith.minsi %abs3A_1337, %min3A_1339 : vector<16xi32>
        %sub3A_1341 = arith.constant 1 : i32
        %sub3A_1342 = vector.broadcast %sub3A_1341 : i32 to vector<16xi32>
        %sub3A_1343 = arith.subi %sub3A_1342, %min3A_1340 : vector<16xi32>
        %swap3A_1344 = arith.constant 0 : index
        %swap3A_1345 = tpu.vector_load %arg21[%swap3A_1344] {strides = array<i32>} : memref<16xi32, #tpu.memory_space<vmem>>, vector<16xi32>,
        tpu.vector_store %arg21[%swap3A_1344], %broadcast_in_dim3A_2 {strides = array<i32>} : memref<16xi32, #tpu.memory_space<vmem>>, vector<16xi32>,
        tpu.vector_store_idx %arg21[%broadcast_in_dim3A_2], %sub3A_1343 {add = true} : memref<16xi32, #tpu.memory_space<vmem>>[vector<16xi32>], vector<16xi32>,
        %get3A_1346 = arith.constant 0 : index
        %get3A_1347 = tpu.vector_load %arg21[%get3A_1346] {strides = array<i32>} : memref<16xi32, #tpu.memory_space<vmem>>, vector<16xi32>,
        %slice3A_1348 = vector.extract_strided_slice %get3A_1347 {offsets = [0], sizes = [1], strides = [1]} : vector<16xi32> to vector<1xi32>
        %squeeze3A_1349 = vector.extract %slice3A_1348[0] : i32 from vector<1xi32>
        %gt3A_1350 = arith.constant 0 : i32
        %gt3A_1351 = arith.cmpi sgt, %squeeze3A_1349, %gt3A_1350 : i32
        %convert_element_type3A_1352 = arith.extui %gt3A_1351 : i1 to i32
        %cond3A_1353 = arith.constant 0 : i32
        %cond3A_1354 = arith.cmpi ne, %convert_element_type3A_1352, %cond3A_1353 : i32
        scf.if %cond3A_1354 {
          %add3A_1545 = vector.broadcast %add3A_1330 : i32 to vector<16xi32>
          %add3A_1546 = arith.addi %add3A_1545, %iota3A : vector<16xi32>
          %swap3A_1547 = arith.index_cast %add3A_1328 : i32 to index
          %swap3A_1548 = tpu.vector_load %arg16[%swap3A_1547] masked %eq3A_1336 {strides = array<i32>} : memref<10016xi32, #tpu.memory_space<vmem>>, vector<16xi32>, vector<16xi1>
          tpu.vector_store %arg16[%swap3A_1547], %add3A_1546 masked %eq3A_1336 {strides = array<i32>} : memref<10016xi32, #tpu.memory_space<vmem>>, vector<16xi32>, vector<16xi1>
        } else {
        }
        %add3A_1355 = arith.addi %add3A_1328, %squeeze3A_1349 : i32
        %add3A_1356 = arith.constant 144 : i32
        %add3A_1357 = arith.addi %mul3A_1006, %add3A_1356 : i32
        %get3A_1358 = arith.index_cast %add3A_1357 : i32 to index
        %get3A_1359 = tpu.vector_load %arg14[%get3A_1358] {strides = array<i32>} : memref<10000xi32, #tpu.memory_space<vmem>>, vector<16xi32>,
        %sub3A_1360 = arith.subi %get3A_1359, %get3A_11 : vector<16xi32>
        %eq3A_1361 = arith.constant 0 : i32
        %eq3A_1362 = vector.broadcast %eq3A_1361 : i32 to vector<16xi32>
        %eq3A_1363 = arith.cmpi eq, %sub3A_1360, %eq3A_1362 : vector<16xi32>
        %abs3A_1364 = math.absi %sub3A_1360 : vector<16xi32>
        %min3A_1365 = arith.constant 1 : i32
        %min3A_1366 = vector.broadcast %min3A_1365 : i32 to vector<16xi32>
        %min3A_1367 = arith.minsi %abs3A_1364, %min3A_1366 : vector<16xi32>
        %sub3A_1368 = arith.constant 1 : i32
        %sub3A_1369 = vector.broadcast %sub3A_1368 : i32 to vector<16xi32>
        %sub3A_1370 = arith.subi %sub3A_1369, %min3A_1367 : vector<16xi32>
        %swap3A_1371 = arith.constant 0 : index
        %swap3A_1372 = tpu.vector_load %arg21[%swap3A_1371] {strides = array<i32>} : memref<16xi32, #tpu.memory_space<vmem>>, vector<16xi32>,
        tpu.vector_store %arg21[%swap3A_1371], %broadcast_in_dim3A_2 {strides = array<i32>} : memref<16xi32, #tpu.memory_space<vmem>>, vector<16xi32>,
        tpu.vector_store_idx %arg21[%broadcast_in_dim3A_2], %sub3A_1370 {add = true} : memref<16xi32, #tpu.memory_space<vmem>>[vector<16xi32>], vector<16xi32>,
        %get3A_1373 = arith.constant 0 : index
        %get3A_1374 = tpu.vector_load %arg21[%get3A_1373] {strides = array<i32>} : memref<16xi32, #tpu.memory_space<vmem>>, vector<16xi32>,
        %slice3A_1375 = vector.extract_strided_slice %get3A_1374 {offsets = [0], sizes = [1], strides = [1]} : vector<16xi32> to vector<1xi32>
        %squeeze3A_1376 = vector.extract %slice3A_1375[0] : i32 from vector<1xi32>
        %gt3A_1377 = arith.constant 0 : i32
        %gt3A_1378 = arith.cmpi sgt, %squeeze3A_1376, %gt3A_1377 : i32
        %convert_element_type3A_1379 = arith.extui %gt3A_1378 : i1 to i32
        %cond3A_1380 = arith.constant 0 : i32
        %cond3A_1381 = arith.cmpi ne, %convert_element_type3A_1379, %cond3A_1380 : i32
        scf.if %cond3A_1381 {
          %add3A_1545 = vector.broadcast %add3A_1357 : i32 to vector<16xi32>
          %add3A_1546 = arith.addi %add3A_1545, %iota3A : vector<16xi32>
          %swap3A_1547 = arith.index_cast %add3A_1355 : i32 to index
          %swap3A_1548 = tpu.vector_load %arg16[%swap3A_1547] masked %eq3A_1363 {strides = array<i32>} : memref<10016xi32, #tpu.memory_space<vmem>>, vector<16xi32>, vector<16xi1>
          tpu.vector_store %arg16[%swap3A_1547], %add3A_1546 masked %eq3A_1363 {strides = array<i32>} : memref<10016xi32, #tpu.memory_space<vmem>>, vector<16xi32>, vector<16xi1>
        } else {
        }
        %add3A_1382 = arith.addi %add3A_1355, %squeeze3A_1376 : i32
        %add3A_1383 = arith.constant 160 : i32
        %add3A_1384 = arith.addi %mul3A_1006, %add3A_1383 : i32
        %get3A_1385 = arith.index_cast %add3A_1384 : i32 to index
        %get3A_1386 = tpu.vector_load %arg14[%get3A_1385] {strides = array<i32>} : memref<10000xi32, #tpu.memory_space<vmem>>, vector<16xi32>,
        %sub3A_1387 = arith.subi %get3A_1386, %get3A_11 : vector<16xi32>
        %eq3A_1388 = arith.constant 0 : i32
        %eq3A_1389 = vector.broadcast %eq3A_1388 : i32 to vector<16xi32>
        %eq3A_1390 = arith.cmpi eq, %sub3A_1387, %eq3A_1389 : vector<16xi32>
        %abs3A_1391 = math.absi %sub3A_1387 : vector<16xi32>
        %min3A_1392 = arith.constant 1 : i32
        %min3A_1393 = vector.broadcast %min3A_1392 : i32 to vector<16xi32>
        %min3A_1394 = arith.minsi %abs3A_1391, %min3A_1393 : vector<16xi32>
        %sub3A_1395 = arith.constant 1 : i32
        %sub3A_1396 = vector.broadcast %sub3A_1395 : i32 to vector<16xi32>
        %sub3A_1397 = arith.subi %sub3A_1396, %min3A_1394 : vector<16xi32>
        %swap3A_1398 = arith.constant 0 : index
        %swap3A_1399 = tpu.vector_load %arg21[%swap3A_1398] {strides = array<i32>} : memref<16xi32, #tpu.memory_space<vmem>>, vector<16xi32>,
        tpu.vector_store %arg21[%swap3A_1398], %broadcast_in_dim3A_2 {strides = array<i32>} : memref<16xi32, #tpu.memory_space<vmem>>, vector<16xi32>,
        tpu.vector_store_idx %arg21[%broadcast_in_dim3A_2], %sub3A_1397 {add = true} : memref<16xi32, #tpu.memory_space<vmem>>[vector<16xi32>], vector<16xi32>,
        %get3A_1400 = arith.constant 0 : index
        %get3A_1401 = tpu.vector_load %arg21[%get3A_1400] {strides = array<i32>} : memref<16xi32, #tpu.memory_space<vmem>>, vector<16xi32>,
        %slice3A_1402 = vector.extract_strided_slice %get3A_1401 {offsets = [0], sizes = [1], strides = [1]} : vector<16xi32> to vector<1xi32>
        %squeeze3A_1403 = vector.extract %slice3A_1402[0] : i32 from vector<1xi32>
        %gt3A_1404 = arith.constant 0 : i32
        %gt3A_1405 = arith.cmpi sgt, %squeeze3A_1403, %gt3A_1404 : i32
        %convert_element_type3A_1406 = arith.extui %gt3A_1405 : i1 to i32
        %cond3A_1407 = arith.constant 0 : i32
        %cond3A_1408 = arith.cmpi ne, %convert_element_type3A_1406, %cond3A_1407 : i32
        scf.if %cond3A_1408 {
          %add3A_1545 = vector.broadcast %add3A_1384 : i32 to vector<16xi32>
          %add3A_1546 = arith.addi %add3A_1545, %iota3A : vector<16xi32>
          %swap3A_1547 = arith.index_cast %add3A_1382 : i32 to index
          %swap3A_1548 = tpu.vector_load %arg16[%swap3A_1547] masked %eq3A_1390 {strides = array<i32>} : memref<10016xi32, #tpu.memory_space<vmem>>, vector<16xi32>, vector<16xi1>
          tpu.vector_store %arg16[%swap3A_1547], %add3A_1546 masked %eq3A_1390 {strides = array<i32>} : memref<10016xi32, #tpu.memory_space<vmem>>, vector<16xi32>, vector<16xi1>
        } else {
        }
        %add3A_1409 = arith.addi %add3A_1382, %squeeze3A_1403 : i32
        %add3A_1410 = arith.constant 176 : i32
        %add3A_1411 = arith.addi %mul3A_1006, %add3A_1410 : i32
        %get3A_1412 = arith.index_cast %add3A_1411 : i32 to index
        %get3A_1413 = tpu.vector_load %arg14[%get3A_1412] {strides = array<i32>} : memref<10000xi32, #tpu.memory_space<vmem>>, vector<16xi32>,
        %sub3A_1414 = arith.subi %get3A_1413, %get3A_11 : vector<16xi32>
        %eq3A_1415 = arith.constant 0 : i32
        %eq3A_1416 = vector.broadcast %eq3A_1415 : i32 to vector<16xi32>
        %eq3A_1417 = arith.cmpi eq, %sub3A_1414, %eq3A_1416 : vector<16xi32>
        %abs3A_1418 = math.absi %sub3A_1414 : vector<16xi32>
        %min3A_1419 = arith.constant 1 : i32
        %min3A_1420 = vector.broadcast %min3A_1419 : i32 to vector<16xi32>
        %min3A_1421 = arith.minsi %abs3A_1418, %min3A_1420 : vector<16xi32>
        %sub3A_1422 = arith.constant 1 : i32
        %sub3A_1423 = vector.broadcast %sub3A_1422 : i32 to vector<16xi32>
        %sub3A_1424 = arith.subi %sub3A_1423, %min3A_1421 : vector<16xi32>
        %swap3A_1425 = arith.constant 0 : index
        %swap3A_1426 = tpu.vector_load %arg21[%swap3A_1425] {strides = array<i32>} : memref<16xi32, #tpu.memory_space<vmem>>, vector<16xi32>,
        tpu.vector_store %arg21[%swap3A_1425], %broadcast_in_dim3A_2 {strides = array<i32>} : memref<16xi32, #tpu.memory_space<vmem>>, vector<16xi32>,
        tpu.vector_store_idx %arg21[%broadcast_in_dim3A_2], %sub3A_1424 {add = true} : memref<16xi32, #tpu.memory_space<vmem>>[vector<16xi32>], vector<16xi32>,
        %get3A_1427 = arith.constant 0 : index
        %get3A_1428 = tpu.vector_load %arg21[%get3A_1427] {strides = array<i32>} : memref<16xi32, #tpu.memory_space<vmem>>, vector<16xi32>,
        %slice3A_1429 = vector.extract_strided_slice %get3A_1428 {offsets = [0], sizes = [1], strides = [1]} : vector<16xi32> to vector<1xi32>
        %squeeze3A_1430 = vector.extract %slice3A_1429[0] : i32 from vector<1xi32>
        %gt3A_1431 = arith.constant 0 : i32
        %gt3A_1432 = arith.cmpi sgt, %squeeze3A_1430, %gt3A_1431 : i32
        %convert_element_type3A_1433 = arith.extui %gt3A_1432 : i1 to i32
        %cond3A_1434 = arith.constant 0 : i32
        %cond3A_1435 = arith.cmpi ne, %convert_element_type3A_1433, %cond3A_1434 : i32
        scf.if %cond3A_1435 {
          %add3A_1545 = vector.broadcast %add3A_1411 : i32 to vector<16xi32>
          %add3A_1546 = arith.addi %add3A_1545, %iota3A : vector<16xi32>
          %swap3A_1547 = arith.index_cast %add3A_1409 : i32 to index
          %swap3A_1548 = tpu.vector_load %arg16[%swap3A_1547] masked %eq3A_1417 {strides = array<i32>} : memref<10016xi32, #tpu.memory_space<vmem>>, vector<16xi32>, vector<16xi1>
          tpu.vector_store %arg16[%swap3A_1547], %add3A_1546 masked %eq3A_1417 {strides = array<i32>} : memref<10016xi32, #tpu.memory_space<vmem>>, vector<16xi32>, vector<16xi1>
        } else {
        }
        %add3A_1436 = arith.addi %add3A_1409, %squeeze3A_1430 : i32
        %add3A_1437 = arith.constant 192 : i32
        %add3A_1438 = arith.addi %mul3A_1006, %add3A_1437 : i32
        %get3A_1439 = arith.index_cast %add3A_1438 : i32 to index
        %get3A_1440 = tpu.vector_load %arg14[%get3A_1439] {strides = array<i32>} : memref<10000xi32, #tpu.memory_space<vmem>>, vector<16xi32>,
        %sub3A_1441 = arith.subi %get3A_1440, %get3A_11 : vector<16xi32>
        %eq3A_1442 = arith.constant 0 : i32
        %eq3A_1443 = vector.broadcast %eq3A_1442 : i32 to vector<16xi32>
        %eq3A_1444 = arith.cmpi eq, %sub3A_1441, %eq3A_1443 : vector<16xi32>
        %abs3A_1445 = math.absi %sub3A_1441 : vector<16xi32>
        %min3A_1446 = arith.constant 1 : i32
        %min3A_1447 = vector.broadcast %min3A_1446 : i32 to vector<16xi32>
        %min3A_1448 = arith.minsi %abs3A_1445, %min3A_1447 : vector<16xi32>
        %sub3A_1449 = arith.constant 1 : i32
        %sub3A_1450 = vector.broadcast %sub3A_1449 : i32 to vector<16xi32>
        %sub3A_1451 = arith.subi %sub3A_1450, %min3A_1448 : vector<16xi32>
        %swap3A_1452 = arith.constant 0 : index
        %swap3A_1453 = tpu.vector_load %arg21[%swap3A_1452] {strides = array<i32>} : memref<16xi32, #tpu.memory_space<vmem>>, vector<16xi32>,
        tpu.vector_store %arg21[%swap3A_1452], %broadcast_in_dim3A_2 {strides = array<i32>} : memref<16xi32, #tpu.memory_space<vmem>>, vector<16xi32>,
        tpu.vector_store_idx %arg21[%broadcast_in_dim3A_2], %sub3A_1451 {add = true} : memref<16xi32, #tpu.memory_space<vmem>>[vector<16xi32>], vector<16xi32>,
        %get3A_1454 = arith.constant 0 : index
        %get3A_1455 = tpu.vector_load %arg21[%get3A_1454] {strides = array<i32>} : memref<16xi32, #tpu.memory_space<vmem>>, vector<16xi32>,
        %slice3A_1456 = vector.extract_strided_slice %get3A_1455 {offsets = [0], sizes = [1], strides = [1]} : vector<16xi32> to vector<1xi32>
        %squeeze3A_1457 = vector.extract %slice3A_1456[0] : i32 from vector<1xi32>
        %gt3A_1458 = arith.constant 0 : i32
        %gt3A_1459 = arith.cmpi sgt, %squeeze3A_1457, %gt3A_1458 : i32
        %convert_element_type3A_1460 = arith.extui %gt3A_1459 : i1 to i32
        %cond3A_1461 = arith.constant 0 : i32
        %cond3A_1462 = arith.cmpi ne, %convert_element_type3A_1460, %cond3A_1461 : i32
        scf.if %cond3A_1462 {
          %add3A_1545 = vector.broadcast %add3A_1438 : i32 to vector<16xi32>
          %add3A_1546 = arith.addi %add3A_1545, %iota3A : vector<16xi32>
          %swap3A_1547 = arith.index_cast %add3A_1436 : i32 to index
          %swap3A_1548 = tpu.vector_load %arg16[%swap3A_1547] masked %eq3A_1444 {strides = array<i32>} : memref<10016xi32, #tpu.memory_space<vmem>>, vector<16xi32>, vector<16xi1>
          tpu.vector_store %arg16[%swap3A_1547], %add3A_1546 masked %eq3A_1444 {strides = array<i32>} : memref<10016xi32, #tpu.memory_space<vmem>>, vector<16xi32>, vector<16xi1>
        } else {
        }
        %add3A_1463 = arith.addi %add3A_1436, %squeeze3A_1457 : i32
        %add3A_1464 = arith.constant 208 : i32
        %add3A_1465 = arith.addi %mul3A_1006, %add3A_1464 : i32
        %get3A_1466 = arith.index_cast %add3A_1465 : i32 to index
        %get3A_1467 = tpu.vector_load %arg14[%get3A_1466] {strides = array<i32>} : memref<10000xi32, #tpu.memory_space<vmem>>, vector<16xi32>,
        %sub3A_1468 = arith.subi %get3A_1467, %get3A_11 : vector<16xi32>
        %eq3A_1469 = arith.constant 0 : i32
        %eq3A_1470 = vector.broadcast %eq3A_1469 : i32 to vector<16xi32>
        %eq3A_1471 = arith.cmpi eq, %sub3A_1468, %eq3A_1470 : vector<16xi32>
        %abs3A_1472 = math.absi %sub3A_1468 : vector<16xi32>
        %min3A_1473 = arith.constant 1 : i32
        %min3A_1474 = vector.broadcast %min3A_1473 : i32 to vector<16xi32>
        %min3A_1475 = arith.minsi %abs3A_1472, %min3A_1474 : vector<16xi32>
        %sub3A_1476 = arith.constant 1 : i32
        %sub3A_1477 = vector.broadcast %sub3A_1476 : i32 to vector<16xi32>
        %sub3A_1478 = arith.subi %sub3A_1477, %min3A_1475 : vector<16xi32>
        %swap3A_1479 = arith.constant 0 : index
        %swap3A_1480 = tpu.vector_load %arg21[%swap3A_1479] {strides = array<i32>} : memref<16xi32, #tpu.memory_space<vmem>>, vector<16xi32>,
        tpu.vector_store %arg21[%swap3A_1479], %broadcast_in_dim3A_2 {strides = array<i32>} : memref<16xi32, #tpu.memory_space<vmem>>, vector<16xi32>,
        tpu.vector_store_idx %arg21[%broadcast_in_dim3A_2], %sub3A_1478 {add = true} : memref<16xi32, #tpu.memory_space<vmem>>[vector<16xi32>], vector<16xi32>,
        %get3A_1481 = arith.constant 0 : index
        %get3A_1482 = tpu.vector_load %arg21[%get3A_1481] {strides = array<i32>} : memref<16xi32, #tpu.memory_space<vmem>>, vector<16xi32>,
        %slice3A_1483 = vector.extract_strided_slice %get3A_1482 {offsets = [0], sizes = [1], strides = [1]} : vector<16xi32> to vector<1xi32>
        %squeeze3A_1484 = vector.extract %slice3A_1483[0] : i32 from vector<1xi32>
        %gt3A_1485 = arith.constant 0 : i32
        %gt3A_1486 = arith.cmpi sgt, %squeeze3A_1484, %gt3A_1485 : i32
        %convert_element_type3A_1487 = arith.extui %gt3A_1486 : i1 to i32
        %cond3A_1488 = arith.constant 0 : i32
        %cond3A_1489 = arith.cmpi ne, %convert_element_type3A_1487, %cond3A_1488 : i32
        scf.if %cond3A_1489 {
          %add3A_1545 = vector.broadcast %add3A_1465 : i32 to vector<16xi32>
          %add3A_1546 = arith.addi %add3A_1545, %iota3A : vector<16xi32>
          %swap3A_1547 = arith.index_cast %add3A_1463 : i32 to index
          %swap3A_1548 = tpu.vector_load %arg16[%swap3A_1547] masked %eq3A_1471 {strides = array<i32>} : memref<10016xi32, #tpu.memory_space<vmem>>, vector<16xi32>, vector<16xi1>
          tpu.vector_store %arg16[%swap3A_1547], %add3A_1546 masked %eq3A_1471 {strides = array<i32>} : memref<10016xi32, #tpu.memory_space<vmem>>, vector<16xi32>, vector<16xi1>
        } else {
        }
        %add3A_1490 = arith.addi %add3A_1463, %squeeze3A_1484 : i32
        %add3A_1491 = arith.constant 224 : i32
        %add3A_1492 = arith.addi %mul3A_1006, %add3A_1491 : i32
        %get3A_1493 = arith.index_cast %add3A_1492 : i32 to index
        %get3A_1494 = tpu.vector_load %arg14[%get3A_1493] {strides = array<i32>} : memref<10000xi32, #tpu.memory_space<vmem>>, vector<16xi32>,
        %sub3A_1495 = arith.subi %get3A_1494, %get3A_11 : vector<16xi32>
        %eq3A_1496 = arith.constant 0 : i32
        %eq3A_1497 = vector.broadcast %eq3A_1496 : i32 to vector<16xi32>
        %eq3A_1498 = arith.cmpi eq, %sub3A_1495, %eq3A_1497 : vector<16xi32>
        %abs3A_1499 = math.absi %sub3A_1495 : vector<16xi32>
        %min3A_1500 = arith.constant 1 : i32
        %min3A_1501 = vector.broadcast %min3A_1500 : i32 to vector<16xi32>
        %min3A_1502 = arith.minsi %abs3A_1499, %min3A_1501 : vector<16xi32>
        %sub3A_1503 = arith.constant 1 : i32
        %sub3A_1504 = vector.broadcast %sub3A_1503 : i32 to vector<16xi32>
        %sub3A_1505 = arith.subi %sub3A_1504, %min3A_1502 : vector<16xi32>
        %swap3A_1506 = arith.constant 0 : index
        %swap3A_1507 = tpu.vector_load %arg21[%swap3A_1506] {strides = array<i32>} : memref<16xi32, #tpu.memory_space<vmem>>, vector<16xi32>,
        tpu.vector_store %arg21[%swap3A_1506], %broadcast_in_dim3A_2 {strides = array<i32>} : memref<16xi32, #tpu.memory_space<vmem>>, vector<16xi32>,
        tpu.vector_store_idx %arg21[%broadcast_in_dim3A_2], %sub3A_1505 {add = true} : memref<16xi32, #tpu.memory_space<vmem>>[vector<16xi32>], vector<16xi32>,
        %get3A_1508 = arith.constant 0 : index
        %get3A_1509 = tpu.vector_load %arg21[%get3A_1508] {strides = array<i32>} : memref<16xi32, #tpu.memory_space<vmem>>, vector<16xi32>,
        %slice3A_1510 = vector.extract_strided_slice %get3A_1509 {offsets = [0], sizes = [1], strides = [1]} : vector<16xi32> to vector<1xi32>
        %squeeze3A_1511 = vector.extract %slice3A_1510[0] : i32 from vector<1xi32>
        %gt3A_1512 = arith.constant 0 : i32
        %gt3A_1513 = arith.cmpi sgt, %squeeze3A_1511, %gt3A_1512 : i32
        %convert_element_type3A_1514 = arith.extui %gt3A_1513 : i1 to i32
        %cond3A_1515 = arith.constant 0 : i32
        %cond3A_1516 = arith.cmpi ne, %convert_element_type3A_1514, %cond3A_1515 : i32
        scf.if %cond3A_1516 {
          %add3A_1545 = vector.broadcast %add3A_1492 : i32 to vector<16xi32>
          %add3A_1546 = arith.addi %add3A_1545, %iota3A : vector<16xi32>
          %swap3A_1547 = arith.index_cast %add3A_1490 : i32 to index
          %swap3A_1548 = tpu.vector_load %arg16[%swap3A_1547] masked %eq3A_1498 {strides = array<i32>} : memref<10016xi32, #tpu.memory_space<vmem>>, vector<16xi32>, vector<16xi1>
          tpu.vector_store %arg16[%swap3A_1547], %add3A_1546 masked %eq3A_1498 {strides = array<i32>} : memref<10016xi32, #tpu.memory_space<vmem>>, vector<16xi32>, vector<16xi1>
        } else {
        }
        %add3A_1517 = arith.addi %add3A_1490, %squeeze3A_1511 : i32
        %add3A_1518 = arith.constant 240 : i32
        %add3A_1519 = arith.addi %mul3A_1006, %add3A_1518 : i32
        %get3A_1520 = arith.index_cast %add3A_1519 : i32 to index
        %get3A_1521 = tpu.vector_load %arg14[%get3A_1520] {strides = array<i32>} : memref<10000xi32, #tpu.memory_space<vmem>>, vector<16xi32>,
        %sub3A_1522 = arith.subi %get3A_1521, %get3A_11 : vector<16xi32>
        %eq3A_1523 = arith.constant 0 : i32
        %eq3A_1524 = vector.broadcast %eq3A_1523 : i32 to vector<16xi32>
        %eq3A_1525 = arith.cmpi eq, %sub3A_1522, %eq3A_1524 : vector<16xi32>
        %abs3A_1526 = math.absi %sub3A_1522 : vector<16xi32>
        %min3A_1527 = arith.constant 1 : i32
        %min3A_1528 = vector.broadcast %min3A_1527 : i32 to vector<16xi32>
        %min3A_1529 = arith.minsi %abs3A_1526, %min3A_1528 : vector<16xi32>
        %sub3A_1530 = arith.constant 1 : i32
        %sub3A_1531 = vector.broadcast %sub3A_1530 : i32 to vector<16xi32>
        %sub3A_1532 = arith.subi %sub3A_1531, %min3A_1529 : vector<16xi32>
        %swap3A_1533 = arith.constant 0 : index
        %swap3A_1534 = tpu.vector_load %arg21[%swap3A_1533] {strides = array<i32>} : memref<16xi32, #tpu.memory_space<vmem>>, vector<16xi32>,
        tpu.vector_store %arg21[%swap3A_1533], %broadcast_in_dim3A_2 {strides = array<i32>} : memref<16xi32, #tpu.memory_space<vmem>>, vector<16xi32>,
        tpu.vector_store_idx %arg21[%broadcast_in_dim3A_2], %sub3A_1532 {add = true} : memref<16xi32, #tpu.memory_space<vmem>>[vector<16xi32>], vector<16xi32>,
        %get3A_1535 = arith.constant 0 : index
        %get3A_1536 = tpu.vector_load %arg21[%get3A_1535] {strides = array<i32>} : memref<16xi32, #tpu.memory_space<vmem>>, vector<16xi32>,
        %slice3A_1537 = vector.extract_strided_slice %get3A_1536 {offsets = [0], sizes = [1], strides = [1]} : vector<16xi32> to vector<1xi32>
        %squeeze3A_1538 = vector.extract %slice3A_1537[0] : i32 from vector<1xi32>
        %gt3A_1539 = arith.constant 0 : i32
        %gt3A_1540 = arith.cmpi sgt, %squeeze3A_1538, %gt3A_1539 : i32
        %convert_element_type3A_1541 = arith.extui %gt3A_1540 : i1 to i32
        %cond3A_1542 = arith.constant 0 : i32
        %cond3A_1543 = arith.cmpi ne, %convert_element_type3A_1541, %cond3A_1542 : i32
        scf.if %cond3A_1543 {
          %add3A_1545 = vector.broadcast %add3A_1519 : i32 to vector<16xi32>
          %add3A_1546 = arith.addi %add3A_1545, %iota3A : vector<16xi32>
          %swap3A_1547 = arith.index_cast %add3A_1517 : i32 to index
          %swap3A_1548 = tpu.vector_load %arg16[%swap3A_1547] masked %eq3A_1525 {strides = array<i32>} : memref<10016xi32, #tpu.memory_space<vmem>>, vector<16xi32>, vector<16xi1>
          tpu.vector_store %arg16[%swap3A_1547], %add3A_1546 masked %eq3A_1525 {strides = array<i32>} : memref<10016xi32, #tpu.memory_space<vmem>>, vector<16xi32>, vector<16xi1>
        } else {
        }
        %add3A_1544 = arith.addi %add3A_1517, %squeeze3A_1538 : i32
        scf.yield %add3A_1544 : i32
      } else {
        scf.yield %scan3A_1004 : i32
      }
      scf.yield %cond3A_1112 : i32
    }
    %scan3A_144 = arith.constant 39 : i32
    %get3A_145 = arith.constant 9984 : index
    %get3A_146 = tpu.vector_load %arg14[%get3A_145] {strides = array<i32>} : memref<10000xi32, #tpu.memory_space<vmem>>, vector<16xi32>,
    %sub3A = arith.subi %get3A_146, %get3A_11 : vector<16xi32>
    %eq3A_147 = arith.constant 0 : i32
    %eq3A_148 = vector.broadcast %eq3A_147 : i32 to vector<16xi32>
    %eq3A_149 = arith.cmpi eq, %sub3A, %eq3A_148 : vector<16xi32>
    %abs3A = math.absi %sub3A : vector<16xi32>
    %min3A = arith.constant 1 : i32
    %min3A_150 = vector.broadcast %min3A : i32 to vector<16xi32>
    %min3A_151 = arith.minsi %abs3A, %min3A_150 : vector<16xi32>
    %sub3A_152 = arith.constant 1 : i32
    %sub3A_153 = vector.broadcast %sub3A_152 : i32 to vector<16xi32>
    %sub3A_154 = arith.subi %sub3A_153, %min3A_151 : vector<16xi32>
    %swap3A_155 = arith.constant 0 : index
    %swap3A_156 = tpu.vector_load %arg21[%swap3A_155] {strides = array<i32>} : memref<16xi32, #tpu.memory_space<vmem>>, vector<16xi32>,
    tpu.vector_store %arg21[%swap3A_155], %broadcast_in_dim3A_2 {strides = array<i32>} : memref<16xi32, #tpu.memory_space<vmem>>, vector<16xi32>,
    tpu.vector_store_idx %arg21[%broadcast_in_dim3A_2], %sub3A_154 {add = true} : memref<16xi32, #tpu.memory_space<vmem>>[vector<16xi32>], vector<16xi32>,
    %get3A_157 = arith.constant 0 : index
    %get3A_158 = tpu.vector_load %arg21[%get3A_157] {strides = array<i32>} : memref<16xi32, #tpu.memory_space<vmem>>, vector<16xi32>,
    %slice3A = vector.extract_strided_slice %get3A_158 {offsets = [0], sizes = [1], strides = [1]} : vector<16xi32> to vector<1xi32>
    %squeeze3A = vector.extract %slice3A[0] : i32 from vector<1xi32>
    %gt3A = arith.constant 0 : i32
    %gt3A_159 = arith.cmpi sgt, %squeeze3A, %gt3A : i32
    %convert_element_type3A_160 = arith.extui %gt3A_159 : i1 to i32
    %cond3A_161 = arith.constant 0 : i32
    %cond3A_162 = arith.cmpi ne, %convert_element_type3A_160, %cond3A_161 : i32
    scf.if %cond3A_162 {
      %add3A_1003 = arith.constant 9984 : i32
      %add3A_1004 = vector.broadcast %add3A_1003 : i32 to vector<16xi32>
      %add3A_1005 = arith.addi %add3A_1004, %iota3A : vector<16xi32>
      %swap3A_1006 = arith.index_cast %scan3A_143 : i32 to index
      %swap3A_1007 = tpu.vector_load %arg16[%swap3A_1006] masked %eq3A_149 {strides = array<i32>} : memref<10016xi32, #tpu.memory_space<vmem>>, vector<16xi32>, vector<16xi1>
      tpu.vector_store %arg16[%swap3A_1006], %add3A_1005 masked %eq3A_149 {strides = array<i32>} : memref<10016xi32, #tpu.memory_space<vmem>>, vector<16xi32>, vector<16xi1>
    } else {
    }
    %add3A_163 = arith.addi %scan3A_143, %squeeze3A : i32
    %broadcast_in_dim3A_164 = arith.constant 0 : i32
    %broadcast_in_dim3A_165 = vector.broadcast %broadcast_in_dim3A_164 : i32 to vector<16xi32>
    %swap3A_166 = arith.index_cast %add3A_163 : i32 to index
    %swap3A_167 = tpu.vector_load %arg16[%swap3A_166] {strides = array<i32>} : memref<10016xi32, #tpu.memory_space<vmem>>, vector<16xi32>,
    tpu.vector_store %arg16[%swap3A_166], %broadcast_in_dim3A_165 {strides = array<i32>} : memref<10016xi32, #tpu.memory_space<vmem>>, vector<16xi32>,
    %scan3A_168 = arith.constant 0 : i32
    %scan3A_169 = arith.constant 0 : i32
    %scan3A_170 = arith.constant 2 : i32
    %scan3A_171 = arith.addi %scan3A_169, %scan3A_170 : i32
    %scan3A_172 = arith.constant 1 : i32
    %scan3A_173 = scf.for %scan3A_1003 = %scan3A_169 to %scan3A_171 step %scan3A_172 iter_args(%scan3A_1004 = %scan3A_168) -> (i32)  : i32 {
      %mul3A_1005 = arith.constant 256 : i32
      %mul3A_1006 = arith.muli %scan3A_1003, %mul3A_1005 : i32
      %get3A_1007 = arith.index_cast %mul3A_1006 : i32 to index
      %get3A_1008 = tpu.vector_load %arg15[%get3A_1007] {strides = array<i32>} : memref<640xi32, #tpu.memory_space<vmem>>, vector<16xi32>,
      %eq3A_1009 = arith.cmpi eq, %get3A_1008, %get3A_11 : vector<16xi32>
      %add3A_1010 = arith.constant 16 : i32
      %add3A_1011 = arith.addi %mul3A_1006, %add3A_1010 : i32
      %get3A_1012 = arith.index_cast %add3A_1011 : i32 to index
      %get3A_1013 = tpu.vector_load %arg15[%get3A_1012] {strides = array<i32>} : memref<640xi32, #tpu.memory_space<vmem>>, vector<16xi32>,
      %eq3A_1014 = arith.cmpi eq, %get3A_1013, %get3A_11 : vector<16xi32>
      %or3A = arith.ori %eq3A_1009, %eq3A_1014 : vector<16xi1>
      %add3A_1015 = arith.constant 32 : i32
      %add3A_1016 = arith.addi %mul3A_1006, %add3A_1015 : i32
      %get3A_1017 = arith.index_cast %add3A_1016 : i32 to index
      %get3A_1018 = tpu.vector_load %arg15[%get3A_1017] {strides = array<i32>} : memref<640xi32, #tpu.memory_space<vmem>>, vector<16xi32>,
      %eq3A_1019 = arith.cmpi eq, %get3A_1018, %get3A_11 : vector<16xi32>
      %or3A_1020 = arith.ori %or3A, %eq3A_1019 : vector<16xi1>
      %add3A_1021 = arith.constant 48 : i32
      %add3A_1022 = arith.addi %mul3A_1006, %add3A_1021 : i32
      %get3A_1023 = arith.index_cast %add3A_1022 : i32 to index
      %get3A_1024 = tpu.vector_load %arg15[%get3A_1023] {strides = array<i32>} : memref<640xi32, #tpu.memory_space<vmem>>, vector<16xi32>,
      %eq3A_1025 = arith.cmpi eq, %get3A_1024, %get3A_11 : vector<16xi32>
      %or3A_1026 = arith.ori %or3A_1020, %eq3A_1025 : vector<16xi1>
      %add3A_1027 = arith.constant 64 : i32
      %add3A_1028 = arith.addi %mul3A_1006, %add3A_1027 : i32
      %get3A_1029 = arith.index_cast %add3A_1028 : i32 to index
      %get3A_1030 = tpu.vector_load %arg15[%get3A_1029] {strides = array<i32>} : memref<640xi32, #tpu.memory_space<vmem>>, vector<16xi32>,
      %eq3A_1031 = arith.cmpi eq, %get3A_1030, %get3A_11 : vector<16xi32>
      %or3A_1032 = arith.ori %or3A_1026, %eq3A_1031 : vector<16xi1>
      %add3A_1033 = arith.constant 80 : i32
      %add3A_1034 = arith.addi %mul3A_1006, %add3A_1033 : i32
      %get3A_1035 = arith.index_cast %add3A_1034 : i32 to index
      %get3A_1036 = tpu.vector_load %arg15[%get3A_1035] {strides = array<i32>} : memref<640xi32, #tpu.memory_space<vmem>>, vector<16xi32>,
      %eq3A_1037 = arith.cmpi eq, %get3A_1036, %get3A_11 : vector<16xi32>
      %or3A_1038 = arith.ori %or3A_1032, %eq3A_1037 : vector<16xi1>
      %add3A_1039 = arith.constant 96 : i32
      %add3A_1040 = arith.addi %mul3A_1006, %add3A_1039 : i32
      %get3A_1041 = arith.index_cast %add3A_1040 : i32 to index
      %get3A_1042 = tpu.vector_load %arg15[%get3A_1041] {strides = array<i32>} : memref<640xi32, #tpu.memory_space<vmem>>, vector<16xi32>,
      %eq3A_1043 = arith.cmpi eq, %get3A_1042, %get3A_11 : vector<16xi32>
      %or3A_1044 = arith.ori %or3A_1038, %eq3A_1043 : vector<16xi1>
      %add3A_1045 = arith.constant 112 : i32
      %add3A_1046 = arith.addi %mul3A_1006, %add3A_1045 : i32
      %get3A_1047 = arith.index_cast %add3A_1046 : i32 to index
      %get3A_1048 = tpu.vector_load %arg15[%get3A_1047] {strides = array<i32>} : memref<640xi32, #tpu.memory_space<vmem>>, vector<16xi32>,
      %eq3A_1049 = arith.cmpi eq, %get3A_1048, %get3A_11 : vector<16xi32>
      %or3A_1050 = arith.ori %or3A_1044, %eq3A_1049 : vector<16xi1>
      %add3A_1051 = arith.constant 128 : i32
      %add3A_1052 = arith.addi %mul3A_1006, %add3A_1051 : i32
      %get3A_1053 = arith.index_cast %add3A_1052 : i32 to index
      %get3A_1054 = tpu.vector_load %arg15[%get3A_1053] {strides = array<i32>} : memref<640xi32, #tpu.memory_space<vmem>>, vector<16xi32>,
      %eq3A_1055 = arith.cmpi eq, %get3A_1054, %get3A_11 : vector<16xi32>
      %or3A_1056 = arith.ori %or3A_1050, %eq3A_1055 : vector<16xi1>
      %add3A_1057 = arith.constant 144 : i32
      %add3A_1058 = arith.addi %mul3A_1006, %add3A_1057 : i32
      %get3A_1059 = arith.index_cast %add3A_1058 : i32 to index
      %get3A_1060 = tpu.vector_load %arg15[%get3A_1059] {strides = array<i32>} : memref<640xi32, #tpu.memory_space<vmem>>, vector<16xi32>,
      %eq3A_1061 = arith.cmpi eq, %get3A_1060, %get3A_11 : vector<16xi32>
      %or3A_1062 = arith.ori %or3A_1056, %eq3A_1061 : vector<16xi1>
      %add3A_1063 = arith.constant 160 : i32
      %add3A_1064 = arith.addi %mul3A_1006, %add3A_1063 : i32
      %get3A_1065 = arith.index_cast %add3A_1064 : i32 to index
      %get3A_1066 = tpu.vector_load %arg15[%get3A_1065] {strides = array<i32>} : memref<640xi32, #tpu.memory_space<vmem>>, vector<16xi32>,
      %eq3A_1067 = arith.cmpi eq, %get3A_1066, %get3A_11 : vector<16xi32>
      %or3A_1068 = arith.ori %or3A_1062, %eq3A_1067 : vector<16xi1>
      %add3A_1069 = arith.constant 176 : i32
      %add3A_1070 = arith.addi %mul3A_1006, %add3A_1069 : i32
      %get3A_1071 = arith.index_cast %add3A_1070 : i32 to index
      %get3A_1072 = tpu.vector_load %arg15[%get3A_1071] {strides = array<i32>} : memref<640xi32, #tpu.memory_space<vmem>>, vector<16xi32>,
      %eq3A_1073 = arith.cmpi eq, %get3A_1072, %get3A_11 : vector<16xi32>
      %or3A_1074 = arith.ori %or3A_1068, %eq3A_1073 : vector<16xi1>
      %add3A_1075 = arith.constant 192 : i32
      %add3A_1076 = arith.addi %mul3A_1006, %add3A_1075 : i32
      %get3A_1077 = arith.index_cast %add3A_1076 : i32 to index
      %get3A_1078 = tpu.vector_load %arg15[%get3A_1077] {strides = array<i32>} : memref<640xi32, #tpu.memory_space<vmem>>, vector<16xi32>,
      %eq3A_1079 = arith.cmpi eq, %get3A_1078, %get3A_11 : vector<16xi32>
      %or3A_1080 = arith.ori %or3A_1074, %eq3A_1079 : vector<16xi1>
      %add3A_1081 = arith.constant 208 : i32
      %add3A_1082 = arith.addi %mul3A_1006, %add3A_1081 : i32
      %get3A_1083 = arith.index_cast %add3A_1082 : i32 to index
      %get3A_1084 = tpu.vector_load %arg15[%get3A_1083] {strides = array<i32>} : memref<640xi32, #tpu.memory_space<vmem>>, vector<16xi32>,
      %eq3A_1085 = arith.cmpi eq, %get3A_1084, %get3A_11 : vector<16xi32>
      %or3A_1086 = arith.ori %or3A_1080, %eq3A_1085 : vector<16xi1>
      %add3A_1087 = arith.constant 224 : i32
      %add3A_1088 = arith.addi %mul3A_1006, %add3A_1087 : i32
      %get3A_1089 = arith.index_cast %add3A_1088 : i32 to index
      %get3A_1090 = tpu.vector_load %arg15[%get3A_1089] {strides = array<i32>} : memref<640xi32, #tpu.memory_space<vmem>>, vector<16xi32>,
      %eq3A_1091 = arith.cmpi eq, %get3A_1090, %get3A_11 : vector<16xi32>
      %or3A_1092 = arith.ori %or3A_1086, %eq3A_1091 : vector<16xi1>
      %add3A_1093 = arith.constant 240 : i32
      %add3A_1094 = arith.addi %mul3A_1006, %add3A_1093 : i32
      %get3A_1095 = arith.index_cast %add3A_1094 : i32 to index
      %get3A_1096 = tpu.vector_load %arg15[%get3A_1095] {strides = array<i32>} : memref<640xi32, #tpu.memory_space<vmem>>, vector<16xi32>,
      %eq3A_1097 = arith.cmpi eq, %get3A_1096, %get3A_11 : vector<16xi32>
      %or3A_1098 = arith.ori %or3A_1092, %eq3A_1097 : vector<16xi1>
      %reduce_or3A = arith.constant 1.000000e+00 : f32
      %reduce_or3A_1099 = arith.constant 0.000000e+00 : f32
      %reduce_or3A_1100 = vector.broadcast %reduce_or3A : f32 to vector<16xf32>
      %reduce_or3A_1101 = vector.broadcast %reduce_or3A_1099 : f32 to vector<16xf32>
      %reduce_or3A_1102 = arith.select %or3A_1098, %reduce_or3A_1100, %reduce_or3A_1101 : vector<16xi1>, vector<16xf32>
      %reduce_or3A_1103 = arith.constant true
      %reduce_or3A_1104 = vector.broadcast %reduce_or3A_1103 : i1 to vector<16xi1>
      %reduce_or3A_1105 = tpu.scan <max>, %reduce_or3A_1102 masked %reduce_or3A_1104 : vector<16xf32>, vector<16xi1> -> vector<16xf32>
      %reduce_or3A_1106 = vector.extract %reduce_or3A_1105[15] : f32 from vector<16xf32>
      %reduce_or3A_1107 = arith.constant 0.000000e+00 : f32
      %reduce_or3A_1108 = arith.cmpf ogt, %reduce_or3A_1106, %reduce_or3A_1107 : f32
      %convert_element_type3A_1109 = arith.extui %reduce_or3A_1108 : i1 to i32
      %cond3A_1110 = arith.constant 0 : i32
      %cond3A_1111 = arith.cmpi ne, %convert_element_type3A_1109, %cond3A_1110 : i32
      %cond3A_1112 = scf.if %cond3A_1111 -> (i32) {
        %add3A_1113 = arith.constant 0 : i32
        %add3A_1114 = arith.addi %mul3A_1006, %add3A_1113 : i32
        %get3A_1115 = arith.index_cast %add3A_1114 : i32 to index
        %get3A_1116 = tpu.vector_load %arg15[%get3A_1115] {strides = array<i32>} : memref<640xi32, #tpu.memory_space<vmem>>, vector<16xi32>,
        %sub3A_1117 = arith.subi %get3A_1116, %get3A_11 : vector<16xi32>
        %eq3A_1118 = arith.constant 0 : i32
        %eq3A_1119 = vector.broadcast %eq3A_1118 : i32 to vector<16xi32>
        %eq3A_1120 = arith.cmpi eq, %sub3A_1117, %eq3A_1119 : vector<16xi32>
        %abs3A_1121 = math.absi %sub3A_1117 : vector<16xi32>
        %min3A_1122 = arith.constant 1 : i32
        %min3A_1123 = vector.broadcast %min3A_1122 : i32 to vector<16xi32>
        %min3A_1124 = arith.minsi %abs3A_1121, %min3A_1123 : vector<16xi32>
        %sub3A_1125 = arith.constant 1 : i32
        %sub3A_1126 = vector.broadcast %sub3A_1125 : i32 to vector<16xi32>
        %sub3A_1127 = arith.subi %sub3A_1126, %min3A_1124 : vector<16xi32>
        %swap3A_1128 = arith.constant 0 : index
        %swap3A_1129 = tpu.vector_load %arg21[%swap3A_1128] {strides = array<i32>} : memref<16xi32, #tpu.memory_space<vmem>>, vector<16xi32>,
        tpu.vector_store %arg21[%swap3A_1128], %broadcast_in_dim3A_2 {strides = array<i32>} : memref<16xi32, #tpu.memory_space<vmem>>, vector<16xi32>,
        tpu.vector_store_idx %arg21[%broadcast_in_dim3A_2], %sub3A_1127 {add = true} : memref<16xi32, #tpu.memory_space<vmem>>[vector<16xi32>], vector<16xi32>,
        %get3A_1130 = arith.constant 0 : index
        %get3A_1131 = tpu.vector_load %arg21[%get3A_1130] {strides = array<i32>} : memref<16xi32, #tpu.memory_space<vmem>>, vector<16xi32>,
        %slice3A_1132 = vector.extract_strided_slice %get3A_1131 {offsets = [0], sizes = [1], strides = [1]} : vector<16xi32> to vector<1xi32>
        %squeeze3A_1133 = vector.extract %slice3A_1132[0] : i32 from vector<1xi32>
        %gt3A_1134 = arith.constant 0 : i32
        %gt3A_1135 = arith.cmpi sgt, %squeeze3A_1133, %gt3A_1134 : i32
        %convert_element_type3A_1136 = arith.extui %gt3A_1135 : i1 to i32
        %cond3A_1137 = arith.constant 0 : i32
        %cond3A_1138 = arith.cmpi ne, %convert_element_type3A_1136, %cond3A_1137 : i32
        scf.if %cond3A_1138 {
          %add3A_1545 = vector.broadcast %add3A_1114 : i32 to vector<16xi32>
          %add3A_1546 = arith.addi %add3A_1545, %iota3A : vector<16xi32>
          %swap3A_1547 = arith.index_cast %scan3A_1004 : i32 to index
          %swap3A_1548 = tpu.vector_load %arg17[%swap3A_1547] masked %eq3A_1120 {strides = array<i32>} : memref<656xi32, #tpu.memory_space<vmem>>, vector<16xi32>, vector<16xi1>
          tpu.vector_store %arg17[%swap3A_1547], %add3A_1546 masked %eq3A_1120 {strides = array<i32>} : memref<656xi32, #tpu.memory_space<vmem>>, vector<16xi32>, vector<16xi1>
        } else {
        }
        %add3A_1139 = arith.addi %scan3A_1004, %squeeze3A_1133 : i32
        %add3A_1140 = arith.constant 16 : i32
        %add3A_1141 = arith.addi %mul3A_1006, %add3A_1140 : i32
        %get3A_1142 = arith.index_cast %add3A_1141 : i32 to index
        %get3A_1143 = tpu.vector_load %arg15[%get3A_1142] {strides = array<i32>} : memref<640xi32, #tpu.memory_space<vmem>>, vector<16xi32>,
        %sub3A_1144 = arith.subi %get3A_1143, %get3A_11 : vector<16xi32>
        %eq3A_1145 = arith.constant 0 : i32
        %eq3A_1146 = vector.broadcast %eq3A_1145 : i32 to vector<16xi32>
        %eq3A_1147 = arith.cmpi eq, %sub3A_1144, %eq3A_1146 : vector<16xi32>
        %abs3A_1148 = math.absi %sub3A_1144 : vector<16xi32>
        %min3A_1149 = arith.constant 1 : i32
        %min3A_1150 = vector.broadcast %min3A_1149 : i32 to vector<16xi32>
        %min3A_1151 = arith.minsi %abs3A_1148, %min3A_1150 : vector<16xi32>
        %sub3A_1152 = arith.constant 1 : i32
        %sub3A_1153 = vector.broadcast %sub3A_1152 : i32 to vector<16xi32>
        %sub3A_1154 = arith.subi %sub3A_1153, %min3A_1151 : vector<16xi32>
        %swap3A_1155 = arith.constant 0 : index
        %swap3A_1156 = tpu.vector_load %arg21[%swap3A_1155] {strides = array<i32>} : memref<16xi32, #tpu.memory_space<vmem>>, vector<16xi32>,
        tpu.vector_store %arg21[%swap3A_1155], %broadcast_in_dim3A_2 {strides = array<i32>} : memref<16xi32, #tpu.memory_space<vmem>>, vector<16xi32>,
        tpu.vector_store_idx %arg21[%broadcast_in_dim3A_2], %sub3A_1154 {add = true} : memref<16xi32, #tpu.memory_space<vmem>>[vector<16xi32>], vector<16xi32>,
        %get3A_1157 = arith.constant 0 : index
        %get3A_1158 = tpu.vector_load %arg21[%get3A_1157] {strides = array<i32>} : memref<16xi32, #tpu.memory_space<vmem>>, vector<16xi32>,
        %slice3A_1159 = vector.extract_strided_slice %get3A_1158 {offsets = [0], sizes = [1], strides = [1]} : vector<16xi32> to vector<1xi32>
        %squeeze3A_1160 = vector.extract %slice3A_1159[0] : i32 from vector<1xi32>
        %gt3A_1161 = arith.constant 0 : i32
        %gt3A_1162 = arith.cmpi sgt, %squeeze3A_1160, %gt3A_1161 : i32
        %convert_element_type3A_1163 = arith.extui %gt3A_1162 : i1 to i32
        %cond3A_1164 = arith.constant 0 : i32
        %cond3A_1165 = arith.cmpi ne, %convert_element_type3A_1163, %cond3A_1164 : i32
        scf.if %cond3A_1165 {
          %add3A_1545 = vector.broadcast %add3A_1141 : i32 to vector<16xi32>
          %add3A_1546 = arith.addi %add3A_1545, %iota3A : vector<16xi32>
          %swap3A_1547 = arith.index_cast %add3A_1139 : i32 to index
          %swap3A_1548 = tpu.vector_load %arg17[%swap3A_1547] masked %eq3A_1147 {strides = array<i32>} : memref<656xi32, #tpu.memory_space<vmem>>, vector<16xi32>, vector<16xi1>
          tpu.vector_store %arg17[%swap3A_1547], %add3A_1546 masked %eq3A_1147 {strides = array<i32>} : memref<656xi32, #tpu.memory_space<vmem>>, vector<16xi32>, vector<16xi1>
        } else {
        }
        %add3A_1166 = arith.addi %add3A_1139, %squeeze3A_1160 : i32
        %add3A_1167 = arith.constant 32 : i32
        %add3A_1168 = arith.addi %mul3A_1006, %add3A_1167 : i32
        %get3A_1169 = arith.index_cast %add3A_1168 : i32 to index
        %get3A_1170 = tpu.vector_load %arg15[%get3A_1169] {strides = array<i32>} : memref<640xi32, #tpu.memory_space<vmem>>, vector<16xi32>,
        %sub3A_1171 = arith.subi %get3A_1170, %get3A_11 : vector<16xi32>
        %eq3A_1172 = arith.constant 0 : i32
        %eq3A_1173 = vector.broadcast %eq3A_1172 : i32 to vector<16xi32>
        %eq3A_1174 = arith.cmpi eq, %sub3A_1171, %eq3A_1173 : vector<16xi32>
        %abs3A_1175 = math.absi %sub3A_1171 : vector<16xi32>
        %min3A_1176 = arith.constant 1 : i32
        %min3A_1177 = vector.broadcast %min3A_1176 : i32 to vector<16xi32>
        %min3A_1178 = arith.minsi %abs3A_1175, %min3A_1177 : vector<16xi32>
        %sub3A_1179 = arith.constant 1 : i32
        %sub3A_1180 = vector.broadcast %sub3A_1179 : i32 to vector<16xi32>
        %sub3A_1181 = arith.subi %sub3A_1180, %min3A_1178 : vector<16xi32>
        %swap3A_1182 = arith.constant 0 : index
        %swap3A_1183 = tpu.vector_load %arg21[%swap3A_1182] {strides = array<i32>} : memref<16xi32, #tpu.memory_space<vmem>>, vector<16xi32>,
        tpu.vector_store %arg21[%swap3A_1182], %broadcast_in_dim3A_2 {strides = array<i32>} : memref<16xi32, #tpu.memory_space<vmem>>, vector<16xi32>,
        tpu.vector_store_idx %arg21[%broadcast_in_dim3A_2], %sub3A_1181 {add = true} : memref<16xi32, #tpu.memory_space<vmem>>[vector<16xi32>], vector<16xi32>,
        %get3A_1184 = arith.constant 0 : index
        %get3A_1185 = tpu.vector_load %arg21[%get3A_1184] {strides = array<i32>} : memref<16xi32, #tpu.memory_space<vmem>>, vector<16xi32>,
        %slice3A_1186 = vector.extract_strided_slice %get3A_1185 {offsets = [0], sizes = [1], strides = [1]} : vector<16xi32> to vector<1xi32>
        %squeeze3A_1187 = vector.extract %slice3A_1186[0] : i32 from vector<1xi32>
        %gt3A_1188 = arith.constant 0 : i32
        %gt3A_1189 = arith.cmpi sgt, %squeeze3A_1187, %gt3A_1188 : i32
        %convert_element_type3A_1190 = arith.extui %gt3A_1189 : i1 to i32
        %cond3A_1191 = arith.constant 0 : i32
        %cond3A_1192 = arith.cmpi ne, %convert_element_type3A_1190, %cond3A_1191 : i32
        scf.if %cond3A_1192 {
          %add3A_1545 = vector.broadcast %add3A_1168 : i32 to vector<16xi32>
          %add3A_1546 = arith.addi %add3A_1545, %iota3A : vector<16xi32>
          %swap3A_1547 = arith.index_cast %add3A_1166 : i32 to index
          %swap3A_1548 = tpu.vector_load %arg17[%swap3A_1547] masked %eq3A_1174 {strides = array<i32>} : memref<656xi32, #tpu.memory_space<vmem>>, vector<16xi32>, vector<16xi1>
          tpu.vector_store %arg17[%swap3A_1547], %add3A_1546 masked %eq3A_1174 {strides = array<i32>} : memref<656xi32, #tpu.memory_space<vmem>>, vector<16xi32>, vector<16xi1>
        } else {
        }
        %add3A_1193 = arith.addi %add3A_1166, %squeeze3A_1187 : i32
        %add3A_1194 = arith.constant 48 : i32
        %add3A_1195 = arith.addi %mul3A_1006, %add3A_1194 : i32
        %get3A_1196 = arith.index_cast %add3A_1195 : i32 to index
        %get3A_1197 = tpu.vector_load %arg15[%get3A_1196] {strides = array<i32>} : memref<640xi32, #tpu.memory_space<vmem>>, vector<16xi32>,
        %sub3A_1198 = arith.subi %get3A_1197, %get3A_11 : vector<16xi32>
        %eq3A_1199 = arith.constant 0 : i32
        %eq3A_1200 = vector.broadcast %eq3A_1199 : i32 to vector<16xi32>
        %eq3A_1201 = arith.cmpi eq, %sub3A_1198, %eq3A_1200 : vector<16xi32>
        %abs3A_1202 = math.absi %sub3A_1198 : vector<16xi32>
        %min3A_1203 = arith.constant 1 : i32
        %min3A_1204 = vector.broadcast %min3A_1203 : i32 to vector<16xi32>
        %min3A_1205 = arith.minsi %abs3A_1202, %min3A_1204 : vector<16xi32>
        %sub3A_1206 = arith.constant 1 : i32
        %sub3A_1207 = vector.broadcast %sub3A_1206 : i32 to vector<16xi32>
        %sub3A_1208 = arith.subi %sub3A_1207, %min3A_1205 : vector<16xi32>
        %swap3A_1209 = arith.constant 0 : index
        %swap3A_1210 = tpu.vector_load %arg21[%swap3A_1209] {strides = array<i32>} : memref<16xi32, #tpu.memory_space<vmem>>, vector<16xi32>,
        tpu.vector_store %arg21[%swap3A_1209], %broadcast_in_dim3A_2 {strides = array<i32>} : memref<16xi32, #tpu.memory_space<vmem>>, vector<16xi32>,
        tpu.vector_store_idx %arg21[%broadcast_in_dim3A_2], %sub3A_1208 {add = true} : memref<16xi32, #tpu.memory_space<vmem>>[vector<16xi32>], vector<16xi32>,
        %get3A_1211 = arith.constant 0 : index
        %get3A_1212 = tpu.vector_load %arg21[%get3A_1211] {strides = array<i32>} : memref<16xi32, #tpu.memory_space<vmem>>, vector<16xi32>,
        %slice3A_1213 = vector.extract_strided_slice %get3A_1212 {offsets = [0], sizes = [1], strides = [1]} : vector<16xi32> to vector<1xi32>
        %squeeze3A_1214 = vector.extract %slice3A_1213[0] : i32 from vector<1xi32>
        %gt3A_1215 = arith.constant 0 : i32
        %gt3A_1216 = arith.cmpi sgt, %squeeze3A_1214, %gt3A_1215 : i32
        %convert_element_type3A_1217 = arith.extui %gt3A_1216 : i1 to i32
        %cond3A_1218 = arith.constant 0 : i32
        %cond3A_1219 = arith.cmpi ne, %convert_element_type3A_1217, %cond3A_1218 : i32
        scf.if %cond3A_1219 {
          %add3A_1545 = vector.broadcast %add3A_1195 : i32 to vector<16xi32>
          %add3A_1546 = arith.addi %add3A_1545, %iota3A : vector<16xi32>
          %swap3A_1547 = arith.index_cast %add3A_1193 : i32 to index
          %swap3A_1548 = tpu.vector_load %arg17[%swap3A_1547] masked %eq3A_1201 {strides = array<i32>} : memref<656xi32, #tpu.memory_space<vmem>>, vector<16xi32>, vector<16xi1>
          tpu.vector_store %arg17[%swap3A_1547], %add3A_1546 masked %eq3A_1201 {strides = array<i32>} : memref<656xi32, #tpu.memory_space<vmem>>, vector<16xi32>, vector<16xi1>
        } else {
        }
        %add3A_1220 = arith.addi %add3A_1193, %squeeze3A_1214 : i32
        %add3A_1221 = arith.constant 64 : i32
        %add3A_1222 = arith.addi %mul3A_1006, %add3A_1221 : i32
        %get3A_1223 = arith.index_cast %add3A_1222 : i32 to index
        %get3A_1224 = tpu.vector_load %arg15[%get3A_1223] {strides = array<i32>} : memref<640xi32, #tpu.memory_space<vmem>>, vector<16xi32>,
        %sub3A_1225 = arith.subi %get3A_1224, %get3A_11 : vector<16xi32>
        %eq3A_1226 = arith.constant 0 : i32
        %eq3A_1227 = vector.broadcast %eq3A_1226 : i32 to vector<16xi32>
        %eq3A_1228 = arith.cmpi eq, %sub3A_1225, %eq3A_1227 : vector<16xi32>
        %abs3A_1229 = math.absi %sub3A_1225 : vector<16xi32>
        %min3A_1230 = arith.constant 1 : i32
        %min3A_1231 = vector.broadcast %min3A_1230 : i32 to vector<16xi32>
        %min3A_1232 = arith.minsi %abs3A_1229, %min3A_1231 : vector<16xi32>
        %sub3A_1233 = arith.constant 1 : i32
        %sub3A_1234 = vector.broadcast %sub3A_1233 : i32 to vector<16xi32>
        %sub3A_1235 = arith.subi %sub3A_1234, %min3A_1232 : vector<16xi32>
        %swap3A_1236 = arith.constant 0 : index
        %swap3A_1237 = tpu.vector_load %arg21[%swap3A_1236] {strides = array<i32>} : memref<16xi32, #tpu.memory_space<vmem>>, vector<16xi32>,
        tpu.vector_store %arg21[%swap3A_1236], %broadcast_in_dim3A_2 {strides = array<i32>} : memref<16xi32, #tpu.memory_space<vmem>>, vector<16xi32>,
        tpu.vector_store_idx %arg21[%broadcast_in_dim3A_2], %sub3A_1235 {add = true} : memref<16xi32, #tpu.memory_space<vmem>>[vector<16xi32>], vector<16xi32>,
        %get3A_1238 = arith.constant 0 : index
        %get3A_1239 = tpu.vector_load %arg21[%get3A_1238] {strides = array<i32>} : memref<16xi32, #tpu.memory_space<vmem>>, vector<16xi32>,
        %slice3A_1240 = vector.extract_strided_slice %get3A_1239 {offsets = [0], sizes = [1], strides = [1]} : vector<16xi32> to vector<1xi32>
        %squeeze3A_1241 = vector.extract %slice3A_1240[0] : i32 from vector<1xi32>
        %gt3A_1242 = arith.constant 0 : i32
        %gt3A_1243 = arith.cmpi sgt, %squeeze3A_1241, %gt3A_1242 : i32
        %convert_element_type3A_1244 = arith.extui %gt3A_1243 : i1 to i32
        %cond3A_1245 = arith.constant 0 : i32
        %cond3A_1246 = arith.cmpi ne, %convert_element_type3A_1244, %cond3A_1245 : i32
        scf.if %cond3A_1246 {
          %add3A_1545 = vector.broadcast %add3A_1222 : i32 to vector<16xi32>
          %add3A_1546 = arith.addi %add3A_1545, %iota3A : vector<16xi32>
          %swap3A_1547 = arith.index_cast %add3A_1220 : i32 to index
          %swap3A_1548 = tpu.vector_load %arg17[%swap3A_1547] masked %eq3A_1228 {strides = array<i32>} : memref<656xi32, #tpu.memory_space<vmem>>, vector<16xi32>, vector<16xi1>
          tpu.vector_store %arg17[%swap3A_1547], %add3A_1546 masked %eq3A_1228 {strides = array<i32>} : memref<656xi32, #tpu.memory_space<vmem>>, vector<16xi32>, vector<16xi1>
        } else {
        }
        %add3A_1247 = arith.addi %add3A_1220, %squeeze3A_1241 : i32
        %add3A_1248 = arith.constant 80 : i32
        %add3A_1249 = arith.addi %mul3A_1006, %add3A_1248 : i32
        %get3A_1250 = arith.index_cast %add3A_1249 : i32 to index
        %get3A_1251 = tpu.vector_load %arg15[%get3A_1250] {strides = array<i32>} : memref<640xi32, #tpu.memory_space<vmem>>, vector<16xi32>,
        %sub3A_1252 = arith.subi %get3A_1251, %get3A_11 : vector<16xi32>
        %eq3A_1253 = arith.constant 0 : i32
        %eq3A_1254 = vector.broadcast %eq3A_1253 : i32 to vector<16xi32>
        %eq3A_1255 = arith.cmpi eq, %sub3A_1252, %eq3A_1254 : vector<16xi32>
        %abs3A_1256 = math.absi %sub3A_1252 : vector<16xi32>
        %min3A_1257 = arith.constant 1 : i32
        %min3A_1258 = vector.broadcast %min3A_1257 : i32 to vector<16xi32>
        %min3A_1259 = arith.minsi %abs3A_1256, %min3A_1258 : vector<16xi32>
        %sub3A_1260 = arith.constant 1 : i32
        %sub3A_1261 = vector.broadcast %sub3A_1260 : i32 to vector<16xi32>
        %sub3A_1262 = arith.subi %sub3A_1261, %min3A_1259 : vector<16xi32>
        %swap3A_1263 = arith.constant 0 : index
        %swap3A_1264 = tpu.vector_load %arg21[%swap3A_1263] {strides = array<i32>} : memref<16xi32, #tpu.memory_space<vmem>>, vector<16xi32>,
        tpu.vector_store %arg21[%swap3A_1263], %broadcast_in_dim3A_2 {strides = array<i32>} : memref<16xi32, #tpu.memory_space<vmem>>, vector<16xi32>,
        tpu.vector_store_idx %arg21[%broadcast_in_dim3A_2], %sub3A_1262 {add = true} : memref<16xi32, #tpu.memory_space<vmem>>[vector<16xi32>], vector<16xi32>,
        %get3A_1265 = arith.constant 0 : index
        %get3A_1266 = tpu.vector_load %arg21[%get3A_1265] {strides = array<i32>} : memref<16xi32, #tpu.memory_space<vmem>>, vector<16xi32>,
        %slice3A_1267 = vector.extract_strided_slice %get3A_1266 {offsets = [0], sizes = [1], strides = [1]} : vector<16xi32> to vector<1xi32>
        %squeeze3A_1268 = vector.extract %slice3A_1267[0] : i32 from vector<1xi32>
        %gt3A_1269 = arith.constant 0 : i32
        %gt3A_1270 = arith.cmpi sgt, %squeeze3A_1268, %gt3A_1269 : i32
        %convert_element_type3A_1271 = arith.extui %gt3A_1270 : i1 to i32
        %cond3A_1272 = arith.constant 0 : i32
        %cond3A_1273 = arith.cmpi ne, %convert_element_type3A_1271, %cond3A_1272 : i32
        scf.if %cond3A_1273 {
          %add3A_1545 = vector.broadcast %add3A_1249 : i32 to vector<16xi32>
          %add3A_1546 = arith.addi %add3A_1545, %iota3A : vector<16xi32>
          %swap3A_1547 = arith.index_cast %add3A_1247 : i32 to index
          %swap3A_1548 = tpu.vector_load %arg17[%swap3A_1547] masked %eq3A_1255 {strides = array<i32>} : memref<656xi32, #tpu.memory_space<vmem>>, vector<16xi32>, vector<16xi1>
          tpu.vector_store %arg17[%swap3A_1547], %add3A_1546 masked %eq3A_1255 {strides = array<i32>} : memref<656xi32, #tpu.memory_space<vmem>>, vector<16xi32>, vector<16xi1>
        } else {
        }
        %add3A_1274 = arith.addi %add3A_1247, %squeeze3A_1268 : i32
        %add3A_1275 = arith.constant 96 : i32
        %add3A_1276 = arith.addi %mul3A_1006, %add3A_1275 : i32
        %get3A_1277 = arith.index_cast %add3A_1276 : i32 to index
        %get3A_1278 = tpu.vector_load %arg15[%get3A_1277] {strides = array<i32>} : memref<640xi32, #tpu.memory_space<vmem>>, vector<16xi32>,
        %sub3A_1279 = arith.subi %get3A_1278, %get3A_11 : vector<16xi32>
        %eq3A_1280 = arith.constant 0 : i32
        %eq3A_1281 = vector.broadcast %eq3A_1280 : i32 to vector<16xi32>
        %eq3A_1282 = arith.cmpi eq, %sub3A_1279, %eq3A_1281 : vector<16xi32>
        %abs3A_1283 = math.absi %sub3A_1279 : vector<16xi32>
        %min3A_1284 = arith.constant 1 : i32
        %min3A_1285 = vector.broadcast %min3A_1284 : i32 to vector<16xi32>
        %min3A_1286 = arith.minsi %abs3A_1283, %min3A_1285 : vector<16xi32>
        %sub3A_1287 = arith.constant 1 : i32
        %sub3A_1288 = vector.broadcast %sub3A_1287 : i32 to vector<16xi32>
        %sub3A_1289 = arith.subi %sub3A_1288, %min3A_1286 : vector<16xi32>
        %swap3A_1290 = arith.constant 0 : index
        %swap3A_1291 = tpu.vector_load %arg21[%swap3A_1290] {strides = array<i32>} : memref<16xi32, #tpu.memory_space<vmem>>, vector<16xi32>,
        tpu.vector_store %arg21[%swap3A_1290], %broadcast_in_dim3A_2 {strides = array<i32>} : memref<16xi32, #tpu.memory_space<vmem>>, vector<16xi32>,
        tpu.vector_store_idx %arg21[%broadcast_in_dim3A_2], %sub3A_1289 {add = true} : memref<16xi32, #tpu.memory_space<vmem>>[vector<16xi32>], vector<16xi32>,
        %get3A_1292 = arith.constant 0 : index
        %get3A_1293 = tpu.vector_load %arg21[%get3A_1292] {strides = array<i32>} : memref<16xi32, #tpu.memory_space<vmem>>, vector<16xi32>,
        %slice3A_1294 = vector.extract_strided_slice %get3A_1293 {offsets = [0], sizes = [1], strides = [1]} : vector<16xi32> to vector<1xi32>
        %squeeze3A_1295 = vector.extract %slice3A_1294[0] : i32 from vector<1xi32>
        %gt3A_1296 = arith.constant 0 : i32
        %gt3A_1297 = arith.cmpi sgt, %squeeze3A_1295, %gt3A_1296 : i32
        %convert_element_type3A_1298 = arith.extui %gt3A_1297 : i1 to i32
        %cond3A_1299 = arith.constant 0 : i32
        %cond3A_1300 = arith.cmpi ne, %convert_element_type3A_1298, %cond3A_1299 : i32
        scf.if %cond3A_1300 {
          %add3A_1545 = vector.broadcast %add3A_1276 : i32 to vector<16xi32>
          %add3A_1546 = arith.addi %add3A_1545, %iota3A : vector<16xi32>
          %swap3A_1547 = arith.index_cast %add3A_1274 : i32 to index
          %swap3A_1548 = tpu.vector_load %arg17[%swap3A_1547] masked %eq3A_1282 {strides = array<i32>} : memref<656xi32, #tpu.memory_space<vmem>>, vector<16xi32>, vector<16xi1>
          tpu.vector_store %arg17[%swap3A_1547], %add3A_1546 masked %eq3A_1282 {strides = array<i32>} : memref<656xi32, #tpu.memory_space<vmem>>, vector<16xi32>, vector<16xi1>
        } else {
        }
        %add3A_1301 = arith.addi %add3A_1274, %squeeze3A_1295 : i32
        %add3A_1302 = arith.constant 112 : i32
        %add3A_1303 = arith.addi %mul3A_1006, %add3A_1302 : i32
        %get3A_1304 = arith.index_cast %add3A_1303 : i32 to index
        %get3A_1305 = tpu.vector_load %arg15[%get3A_1304] {strides = array<i32>} : memref<640xi32, #tpu.memory_space<vmem>>, vector<16xi32>,
        %sub3A_1306 = arith.subi %get3A_1305, %get3A_11 : vector<16xi32>
        %eq3A_1307 = arith.constant 0 : i32
        %eq3A_1308 = vector.broadcast %eq3A_1307 : i32 to vector<16xi32>
        %eq3A_1309 = arith.cmpi eq, %sub3A_1306, %eq3A_1308 : vector<16xi32>
        %abs3A_1310 = math.absi %sub3A_1306 : vector<16xi32>
        %min3A_1311 = arith.constant 1 : i32
        %min3A_1312 = vector.broadcast %min3A_1311 : i32 to vector<16xi32>
        %min3A_1313 = arith.minsi %abs3A_1310, %min3A_1312 : vector<16xi32>
        %sub3A_1314 = arith.constant 1 : i32
        %sub3A_1315 = vector.broadcast %sub3A_1314 : i32 to vector<16xi32>
        %sub3A_1316 = arith.subi %sub3A_1315, %min3A_1313 : vector<16xi32>
        %swap3A_1317 = arith.constant 0 : index
        %swap3A_1318 = tpu.vector_load %arg21[%swap3A_1317] {strides = array<i32>} : memref<16xi32, #tpu.memory_space<vmem>>, vector<16xi32>,
        tpu.vector_store %arg21[%swap3A_1317], %broadcast_in_dim3A_2 {strides = array<i32>} : memref<16xi32, #tpu.memory_space<vmem>>, vector<16xi32>,
        tpu.vector_store_idx %arg21[%broadcast_in_dim3A_2], %sub3A_1316 {add = true} : memref<16xi32, #tpu.memory_space<vmem>>[vector<16xi32>], vector<16xi32>,
        %get3A_1319 = arith.constant 0 : index
        %get3A_1320 = tpu.vector_load %arg21[%get3A_1319] {strides = array<i32>} : memref<16xi32, #tpu.memory_space<vmem>>, vector<16xi32>,
        %slice3A_1321 = vector.extract_strided_slice %get3A_1320 {offsets = [0], sizes = [1], strides = [1]} : vector<16xi32> to vector<1xi32>
        %squeeze3A_1322 = vector.extract %slice3A_1321[0] : i32 from vector<1xi32>
        %gt3A_1323 = arith.constant 0 : i32
        %gt3A_1324 = arith.cmpi sgt, %squeeze3A_1322, %gt3A_1323 : i32
        %convert_element_type3A_1325 = arith.extui %gt3A_1324 : i1 to i32
        %cond3A_1326 = arith.constant 0 : i32
        %cond3A_1327 = arith.cmpi ne, %convert_element_type3A_1325, %cond3A_1326 : i32
        scf.if %cond3A_1327 {
          %add3A_1545 = vector.broadcast %add3A_1303 : i32 to vector<16xi32>
          %add3A_1546 = arith.addi %add3A_1545, %iota3A : vector<16xi32>
          %swap3A_1547 = arith.index_cast %add3A_1301 : i32 to index
          %swap3A_1548 = tpu.vector_load %arg17[%swap3A_1547] masked %eq3A_1309 {strides = array<i32>} : memref<656xi32, #tpu.memory_space<vmem>>, vector<16xi32>, vector<16xi1>
          tpu.vector_store %arg17[%swap3A_1547], %add3A_1546 masked %eq3A_1309 {strides = array<i32>} : memref<656xi32, #tpu.memory_space<vmem>>, vector<16xi32>, vector<16xi1>
        } else {
        }
        %add3A_1328 = arith.addi %add3A_1301, %squeeze3A_1322 : i32
        %add3A_1329 = arith.constant 128 : i32
        %add3A_1330 = arith.addi %mul3A_1006, %add3A_1329 : i32
        %get3A_1331 = arith.index_cast %add3A_1330 : i32 to index
        %get3A_1332 = tpu.vector_load %arg15[%get3A_1331] {strides = array<i32>} : memref<640xi32, #tpu.memory_space<vmem>>, vector<16xi32>,
        %sub3A_1333 = arith.subi %get3A_1332, %get3A_11 : vector<16xi32>
        %eq3A_1334 = arith.constant 0 : i32
        %eq3A_1335 = vector.broadcast %eq3A_1334 : i32 to vector<16xi32>
        %eq3A_1336 = arith.cmpi eq, %sub3A_1333, %eq3A_1335 : vector<16xi32>
        %abs3A_1337 = math.absi %sub3A_1333 : vector<16xi32>
        %min3A_1338 = arith.constant 1 : i32
        %min3A_1339 = vector.broadcast %min3A_1338 : i32 to vector<16xi32>
        %min3A_1340 = arith.minsi %abs3A_1337, %min3A_1339 : vector<16xi32>
        %sub3A_1341 = arith.constant 1 : i32
        %sub3A_1342 = vector.broadcast %sub3A_1341 : i32 to vector<16xi32>
        %sub3A_1343 = arith.subi %sub3A_1342, %min3A_1340 : vector<16xi32>
        %swap3A_1344 = arith.constant 0 : index
        %swap3A_1345 = tpu.vector_load %arg21[%swap3A_1344] {strides = array<i32>} : memref<16xi32, #tpu.memory_space<vmem>>, vector<16xi32>,
        tpu.vector_store %arg21[%swap3A_1344], %broadcast_in_dim3A_2 {strides = array<i32>} : memref<16xi32, #tpu.memory_space<vmem>>, vector<16xi32>,
        tpu.vector_store_idx %arg21[%broadcast_in_dim3A_2], %sub3A_1343 {add = true} : memref<16xi32, #tpu.memory_space<vmem>>[vector<16xi32>], vector<16xi32>,
        %get3A_1346 = arith.constant 0 : index
        %get3A_1347 = tpu.vector_load %arg21[%get3A_1346] {strides = array<i32>} : memref<16xi32, #tpu.memory_space<vmem>>, vector<16xi32>,
        %slice3A_1348 = vector.extract_strided_slice %get3A_1347 {offsets = [0], sizes = [1], strides = [1]} : vector<16xi32> to vector<1xi32>
        %squeeze3A_1349 = vector.extract %slice3A_1348[0] : i32 from vector<1xi32>
        %gt3A_1350 = arith.constant 0 : i32
        %gt3A_1351 = arith.cmpi sgt, %squeeze3A_1349, %gt3A_1350 : i32
        %convert_element_type3A_1352 = arith.extui %gt3A_1351 : i1 to i32
        %cond3A_1353 = arith.constant 0 : i32
        %cond3A_1354 = arith.cmpi ne, %convert_element_type3A_1352, %cond3A_1353 : i32
        scf.if %cond3A_1354 {
          %add3A_1545 = vector.broadcast %add3A_1330 : i32 to vector<16xi32>
          %add3A_1546 = arith.addi %add3A_1545, %iota3A : vector<16xi32>
          %swap3A_1547 = arith.index_cast %add3A_1328 : i32 to index
          %swap3A_1548 = tpu.vector_load %arg17[%swap3A_1547] masked %eq3A_1336 {strides = array<i32>} : memref<656xi32, #tpu.memory_space<vmem>>, vector<16xi32>, vector<16xi1>
          tpu.vector_store %arg17[%swap3A_1547], %add3A_1546 masked %eq3A_1336 {strides = array<i32>} : memref<656xi32, #tpu.memory_space<vmem>>, vector<16xi32>, vector<16xi1>
        } else {
        }
        %add3A_1355 = arith.addi %add3A_1328, %squeeze3A_1349 : i32
        %add3A_1356 = arith.constant 144 : i32
        %add3A_1357 = arith.addi %mul3A_1006, %add3A_1356 : i32
        %get3A_1358 = arith.index_cast %add3A_1357 : i32 to index
        %get3A_1359 = tpu.vector_load %arg15[%get3A_1358] {strides = array<i32>} : memref<640xi32, #tpu.memory_space<vmem>>, vector<16xi32>,
        %sub3A_1360 = arith.subi %get3A_1359, %get3A_11 : vector<16xi32>
        %eq3A_1361 = arith.constant 0 : i32
        %eq3A_1362 = vector.broadcast %eq3A_1361 : i32 to vector<16xi32>
        %eq3A_1363 = arith.cmpi eq, %sub3A_1360, %eq3A_1362 : vector<16xi32>
        %abs3A_1364 = math.absi %sub3A_1360 : vector<16xi32>
        %min3A_1365 = arith.constant 1 : i32
        %min3A_1366 = vector.broadcast %min3A_1365 : i32 to vector<16xi32>
        %min3A_1367 = arith.minsi %abs3A_1364, %min3A_1366 : vector<16xi32>
        %sub3A_1368 = arith.constant 1 : i32
        %sub3A_1369 = vector.broadcast %sub3A_1368 : i32 to vector<16xi32>
        %sub3A_1370 = arith.subi %sub3A_1369, %min3A_1367 : vector<16xi32>
        %swap3A_1371 = arith.constant 0 : index
        %swap3A_1372 = tpu.vector_load %arg21[%swap3A_1371] {strides = array<i32>} : memref<16xi32, #tpu.memory_space<vmem>>, vector<16xi32>,
        tpu.vector_store %arg21[%swap3A_1371], %broadcast_in_dim3A_2 {strides = array<i32>} : memref<16xi32, #tpu.memory_space<vmem>>, vector<16xi32>,
        tpu.vector_store_idx %arg21[%broadcast_in_dim3A_2], %sub3A_1370 {add = true} : memref<16xi32, #tpu.memory_space<vmem>>[vector<16xi32>], vector<16xi32>,
        %get3A_1373 = arith.constant 0 : index
        %get3A_1374 = tpu.vector_load %arg21[%get3A_1373] {strides = array<i32>} : memref<16xi32, #tpu.memory_space<vmem>>, vector<16xi32>,
        %slice3A_1375 = vector.extract_strided_slice %get3A_1374 {offsets = [0], sizes = [1], strides = [1]} : vector<16xi32> to vector<1xi32>
        %squeeze3A_1376 = vector.extract %slice3A_1375[0] : i32 from vector<1xi32>
        %gt3A_1377 = arith.constant 0 : i32
        %gt3A_1378 = arith.cmpi sgt, %squeeze3A_1376, %gt3A_1377 : i32
        %convert_element_type3A_1379 = arith.extui %gt3A_1378 : i1 to i32
        %cond3A_1380 = arith.constant 0 : i32
        %cond3A_1381 = arith.cmpi ne, %convert_element_type3A_1379, %cond3A_1380 : i32
        scf.if %cond3A_1381 {
          %add3A_1545 = vector.broadcast %add3A_1357 : i32 to vector<16xi32>
          %add3A_1546 = arith.addi %add3A_1545, %iota3A : vector<16xi32>
          %swap3A_1547 = arith.index_cast %add3A_1355 : i32 to index
          %swap3A_1548 = tpu.vector_load %arg17[%swap3A_1547] masked %eq3A_1363 {strides = array<i32>} : memref<656xi32, #tpu.memory_space<vmem>>, vector<16xi32>, vector<16xi1>
          tpu.vector_store %arg17[%swap3A_1547], %add3A_1546 masked %eq3A_1363 {strides = array<i32>} : memref<656xi32, #tpu.memory_space<vmem>>, vector<16xi32>, vector<16xi1>
        } else {
        }
        %add3A_1382 = arith.addi %add3A_1355, %squeeze3A_1376 : i32
        %add3A_1383 = arith.constant 160 : i32
        %add3A_1384 = arith.addi %mul3A_1006, %add3A_1383 : i32
        %get3A_1385 = arith.index_cast %add3A_1384 : i32 to index
        %get3A_1386 = tpu.vector_load %arg15[%get3A_1385] {strides = array<i32>} : memref<640xi32, #tpu.memory_space<vmem>>, vector<16xi32>,
        %sub3A_1387 = arith.subi %get3A_1386, %get3A_11 : vector<16xi32>
        %eq3A_1388 = arith.constant 0 : i32
        %eq3A_1389 = vector.broadcast %eq3A_1388 : i32 to vector<16xi32>
        %eq3A_1390 = arith.cmpi eq, %sub3A_1387, %eq3A_1389 : vector<16xi32>
        %abs3A_1391 = math.absi %sub3A_1387 : vector<16xi32>
        %min3A_1392 = arith.constant 1 : i32
        %min3A_1393 = vector.broadcast %min3A_1392 : i32 to vector<16xi32>
        %min3A_1394 = arith.minsi %abs3A_1391, %min3A_1393 : vector<16xi32>
        %sub3A_1395 = arith.constant 1 : i32
        %sub3A_1396 = vector.broadcast %sub3A_1395 : i32 to vector<16xi32>
        %sub3A_1397 = arith.subi %sub3A_1396, %min3A_1394 : vector<16xi32>
        %swap3A_1398 = arith.constant 0 : index
        %swap3A_1399 = tpu.vector_load %arg21[%swap3A_1398] {strides = array<i32>} : memref<16xi32, #tpu.memory_space<vmem>>, vector<16xi32>,
        tpu.vector_store %arg21[%swap3A_1398], %broadcast_in_dim3A_2 {strides = array<i32>} : memref<16xi32, #tpu.memory_space<vmem>>, vector<16xi32>,
        tpu.vector_store_idx %arg21[%broadcast_in_dim3A_2], %sub3A_1397 {add = true} : memref<16xi32, #tpu.memory_space<vmem>>[vector<16xi32>], vector<16xi32>,
        %get3A_1400 = arith.constant 0 : index
        %get3A_1401 = tpu.vector_load %arg21[%get3A_1400] {strides = array<i32>} : memref<16xi32, #tpu.memory_space<vmem>>, vector<16xi32>,
        %slice3A_1402 = vector.extract_strided_slice %get3A_1401 {offsets = [0], sizes = [1], strides = [1]} : vector<16xi32> to vector<1xi32>
        %squeeze3A_1403 = vector.extract %slice3A_1402[0] : i32 from vector<1xi32>
        %gt3A_1404 = arith.constant 0 : i32
        %gt3A_1405 = arith.cmpi sgt, %squeeze3A_1403, %gt3A_1404 : i32
        %convert_element_type3A_1406 = arith.extui %gt3A_1405 : i1 to i32
        %cond3A_1407 = arith.constant 0 : i32
        %cond3A_1408 = arith.cmpi ne, %convert_element_type3A_1406, %cond3A_1407 : i32
        scf.if %cond3A_1408 {
          %add3A_1545 = vector.broadcast %add3A_1384 : i32 to vector<16xi32>
          %add3A_1546 = arith.addi %add3A_1545, %iota3A : vector<16xi32>
          %swap3A_1547 = arith.index_cast %add3A_1382 : i32 to index
          %swap3A_1548 = tpu.vector_load %arg17[%swap3A_1547] masked %eq3A_1390 {strides = array<i32>} : memref<656xi32, #tpu.memory_space<vmem>>, vector<16xi32>, vector<16xi1>
          tpu.vector_store %arg17[%swap3A_1547], %add3A_1546 masked %eq3A_1390 {strides = array<i32>} : memref<656xi32, #tpu.memory_space<vmem>>, vector<16xi32>, vector<16xi1>
        } else {
        }
        %add3A_1409 = arith.addi %add3A_1382, %squeeze3A_1403 : i32
        %add3A_1410 = arith.constant 176 : i32
        %add3A_1411 = arith.addi %mul3A_1006, %add3A_1410 : i32
        %get3A_1412 = arith.index_cast %add3A_1411 : i32 to index
        %get3A_1413 = tpu.vector_load %arg15[%get3A_1412] {strides = array<i32>} : memref<640xi32, #tpu.memory_space<vmem>>, vector<16xi32>,
        %sub3A_1414 = arith.subi %get3A_1413, %get3A_11 : vector<16xi32>
        %eq3A_1415 = arith.constant 0 : i32
        %eq3A_1416 = vector.broadcast %eq3A_1415 : i32 to vector<16xi32>
        %eq3A_1417 = arith.cmpi eq, %sub3A_1414, %eq3A_1416 : vector<16xi32>
        %abs3A_1418 = math.absi %sub3A_1414 : vector<16xi32>
        %min3A_1419 = arith.constant 1 : i32
        %min3A_1420 = vector.broadcast %min3A_1419 : i32 to vector<16xi32>
        %min3A_1421 = arith.minsi %abs3A_1418, %min3A_1420 : vector<16xi32>
        %sub3A_1422 = arith.constant 1 : i32
        %sub3A_1423 = vector.broadcast %sub3A_1422 : i32 to vector<16xi32>
        %sub3A_1424 = arith.subi %sub3A_1423, %min3A_1421 : vector<16xi32>
        %swap3A_1425 = arith.constant 0 : index
        %swap3A_1426 = tpu.vector_load %arg21[%swap3A_1425] {strides = array<i32>} : memref<16xi32, #tpu.memory_space<vmem>>, vector<16xi32>,
        tpu.vector_store %arg21[%swap3A_1425], %broadcast_in_dim3A_2 {strides = array<i32>} : memref<16xi32, #tpu.memory_space<vmem>>, vector<16xi32>,
        tpu.vector_store_idx %arg21[%broadcast_in_dim3A_2], %sub3A_1424 {add = true} : memref<16xi32, #tpu.memory_space<vmem>>[vector<16xi32>], vector<16xi32>,
        %get3A_1427 = arith.constant 0 : index
        %get3A_1428 = tpu.vector_load %arg21[%get3A_1427] {strides = array<i32>} : memref<16xi32, #tpu.memory_space<vmem>>, vector<16xi32>,
        %slice3A_1429 = vector.extract_strided_slice %get3A_1428 {offsets = [0], sizes = [1], strides = [1]} : vector<16xi32> to vector<1xi32>
        %squeeze3A_1430 = vector.extract %slice3A_1429[0] : i32 from vector<1xi32>
        %gt3A_1431 = arith.constant 0 : i32
        %gt3A_1432 = arith.cmpi sgt, %squeeze3A_1430, %gt3A_1431 : i32
        %convert_element_type3A_1433 = arith.extui %gt3A_1432 : i1 to i32
        %cond3A_1434 = arith.constant 0 : i32
        %cond3A_1435 = arith.cmpi ne, %convert_element_type3A_1433, %cond3A_1434 : i32
        scf.if %cond3A_1435 {
          %add3A_1545 = vector.broadcast %add3A_1411 : i32 to vector<16xi32>
          %add3A_1546 = arith.addi %add3A_1545, %iota3A : vector<16xi32>
          %swap3A_1547 = arith.index_cast %add3A_1409 : i32 to index
          %swap3A_1548 = tpu.vector_load %arg17[%swap3A_1547] masked %eq3A_1417 {strides = array<i32>} : memref<656xi32, #tpu.memory_space<vmem>>, vector<16xi32>, vector<16xi1>
          tpu.vector_store %arg17[%swap3A_1547], %add3A_1546 masked %eq3A_1417 {strides = array<i32>} : memref<656xi32, #tpu.memory_space<vmem>>, vector<16xi32>, vector<16xi1>
        } else {
        }
        %add3A_1436 = arith.addi %add3A_1409, %squeeze3A_1430 : i32
        %add3A_1437 = arith.constant 192 : i32
        %add3A_1438 = arith.addi %mul3A_1006, %add3A_1437 : i32
        %get3A_1439 = arith.index_cast %add3A_1438 : i32 to index
        %get3A_1440 = tpu.vector_load %arg15[%get3A_1439] {strides = array<i32>} : memref<640xi32, #tpu.memory_space<vmem>>, vector<16xi32>,
        %sub3A_1441 = arith.subi %get3A_1440, %get3A_11 : vector<16xi32>
        %eq3A_1442 = arith.constant 0 : i32
        %eq3A_1443 = vector.broadcast %eq3A_1442 : i32 to vector<16xi32>
        %eq3A_1444 = arith.cmpi eq, %sub3A_1441, %eq3A_1443 : vector<16xi32>
        %abs3A_1445 = math.absi %sub3A_1441 : vector<16xi32>
        %min3A_1446 = arith.constant 1 : i32
        %min3A_1447 = vector.broadcast %min3A_1446 : i32 to vector<16xi32>
        %min3A_1448 = arith.minsi %abs3A_1445, %min3A_1447 : vector<16xi32>
        %sub3A_1449 = arith.constant 1 : i32
        %sub3A_1450 = vector.broadcast %sub3A_1449 : i32 to vector<16xi32>
        %sub3A_1451 = arith.subi %sub3A_1450, %min3A_1448 : vector<16xi32>
        %swap3A_1452 = arith.constant 0 : index
        %swap3A_1453 = tpu.vector_load %arg21[%swap3A_1452] {strides = array<i32>} : memref<16xi32, #tpu.memory_space<vmem>>, vector<16xi32>,
        tpu.vector_store %arg21[%swap3A_1452], %broadcast_in_dim3A_2 {strides = array<i32>} : memref<16xi32, #tpu.memory_space<vmem>>, vector<16xi32>,
        tpu.vector_store_idx %arg21[%broadcast_in_dim3A_2], %sub3A_1451 {add = true} : memref<16xi32, #tpu.memory_space<vmem>>[vector<16xi32>], vector<16xi32>,
        %get3A_1454 = arith.constant 0 : index
        %get3A_1455 = tpu.vector_load %arg21[%get3A_1454] {strides = array<i32>} : memref<16xi32, #tpu.memory_space<vmem>>, vector<16xi32>,
        %slice3A_1456 = vector.extract_strided_slice %get3A_1455 {offsets = [0], sizes = [1], strides = [1]} : vector<16xi32> to vector<1xi32>
        %squeeze3A_1457 = vector.extract %slice3A_1456[0] : i32 from vector<1xi32>
        %gt3A_1458 = arith.constant 0 : i32
        %gt3A_1459 = arith.cmpi sgt, %squeeze3A_1457, %gt3A_1458 : i32
        %convert_element_type3A_1460 = arith.extui %gt3A_1459 : i1 to i32
        %cond3A_1461 = arith.constant 0 : i32
        %cond3A_1462 = arith.cmpi ne, %convert_element_type3A_1460, %cond3A_1461 : i32
        scf.if %cond3A_1462 {
          %add3A_1545 = vector.broadcast %add3A_1438 : i32 to vector<16xi32>
          %add3A_1546 = arith.addi %add3A_1545, %iota3A : vector<16xi32>
          %swap3A_1547 = arith.index_cast %add3A_1436 : i32 to index
          %swap3A_1548 = tpu.vector_load %arg17[%swap3A_1547] masked %eq3A_1444 {strides = array<i32>} : memref<656xi32, #tpu.memory_space<vmem>>, vector<16xi32>, vector<16xi1>
          tpu.vector_store %arg17[%swap3A_1547], %add3A_1546 masked %eq3A_1444 {strides = array<i32>} : memref<656xi32, #tpu.memory_space<vmem>>, vector<16xi32>, vector<16xi1>
        } else {
        }
        %add3A_1463 = arith.addi %add3A_1436, %squeeze3A_1457 : i32
        %add3A_1464 = arith.constant 208 : i32
        %add3A_1465 = arith.addi %mul3A_1006, %add3A_1464 : i32
        %get3A_1466 = arith.index_cast %add3A_1465 : i32 to index
        %get3A_1467 = tpu.vector_load %arg15[%get3A_1466] {strides = array<i32>} : memref<640xi32, #tpu.memory_space<vmem>>, vector<16xi32>,
        %sub3A_1468 = arith.subi %get3A_1467, %get3A_11 : vector<16xi32>
        %eq3A_1469 = arith.constant 0 : i32
        %eq3A_1470 = vector.broadcast %eq3A_1469 : i32 to vector<16xi32>
        %eq3A_1471 = arith.cmpi eq, %sub3A_1468, %eq3A_1470 : vector<16xi32>
        %abs3A_1472 = math.absi %sub3A_1468 : vector<16xi32>
        %min3A_1473 = arith.constant 1 : i32
        %min3A_1474 = vector.broadcast %min3A_1473 : i32 to vector<16xi32>
        %min3A_1475 = arith.minsi %abs3A_1472, %min3A_1474 : vector<16xi32>
        %sub3A_1476 = arith.constant 1 : i32
        %sub3A_1477 = vector.broadcast %sub3A_1476 : i32 to vector<16xi32>
        %sub3A_1478 = arith.subi %sub3A_1477, %min3A_1475 : vector<16xi32>
        %swap3A_1479 = arith.constant 0 : index
        %swap3A_1480 = tpu.vector_load %arg21[%swap3A_1479] {strides = array<i32>} : memref<16xi32, #tpu.memory_space<vmem>>, vector<16xi32>,
        tpu.vector_store %arg21[%swap3A_1479], %broadcast_in_dim3A_2 {strides = array<i32>} : memref<16xi32, #tpu.memory_space<vmem>>, vector<16xi32>,
        tpu.vector_store_idx %arg21[%broadcast_in_dim3A_2], %sub3A_1478 {add = true} : memref<16xi32, #tpu.memory_space<vmem>>[vector<16xi32>], vector<16xi32>,
        %get3A_1481 = arith.constant 0 : index
        %get3A_1482 = tpu.vector_load %arg21[%get3A_1481] {strides = array<i32>} : memref<16xi32, #tpu.memory_space<vmem>>, vector<16xi32>,
        %slice3A_1483 = vector.extract_strided_slice %get3A_1482 {offsets = [0], sizes = [1], strides = [1]} : vector<16xi32> to vector<1xi32>
        %squeeze3A_1484 = vector.extract %slice3A_1483[0] : i32 from vector<1xi32>
        %gt3A_1485 = arith.constant 0 : i32
        %gt3A_1486 = arith.cmpi sgt, %squeeze3A_1484, %gt3A_1485 : i32
        %convert_element_type3A_1487 = arith.extui %gt3A_1486 : i1 to i32
        %cond3A_1488 = arith.constant 0 : i32
        %cond3A_1489 = arith.cmpi ne, %convert_element_type3A_1487, %cond3A_1488 : i32
        scf.if %cond3A_1489 {
          %add3A_1545 = vector.broadcast %add3A_1465 : i32 to vector<16xi32>
          %add3A_1546 = arith.addi %add3A_1545, %iota3A : vector<16xi32>
          %swap3A_1547 = arith.index_cast %add3A_1463 : i32 to index
          %swap3A_1548 = tpu.vector_load %arg17[%swap3A_1547] masked %eq3A_1471 {strides = array<i32>} : memref<656xi32, #tpu.memory_space<vmem>>, vector<16xi32>, vector<16xi1>
          tpu.vector_store %arg17[%swap3A_1547], %add3A_1546 masked %eq3A_1471 {strides = array<i32>} : memref<656xi32, #tpu.memory_space<vmem>>, vector<16xi32>, vector<16xi1>
        } else {
        }
        %add3A_1490 = arith.addi %add3A_1463, %squeeze3A_1484 : i32
        %add3A_1491 = arith.constant 224 : i32
        %add3A_1492 = arith.addi %mul3A_1006, %add3A_1491 : i32
        %get3A_1493 = arith.index_cast %add3A_1492 : i32 to index
        %get3A_1494 = tpu.vector_load %arg15[%get3A_1493] {strides = array<i32>} : memref<640xi32, #tpu.memory_space<vmem>>, vector<16xi32>,
        %sub3A_1495 = arith.subi %get3A_1494, %get3A_11 : vector<16xi32>
        %eq3A_1496 = arith.constant 0 : i32
        %eq3A_1497 = vector.broadcast %eq3A_1496 : i32 to vector<16xi32>
        %eq3A_1498 = arith.cmpi eq, %sub3A_1495, %eq3A_1497 : vector<16xi32>
        %abs3A_1499 = math.absi %sub3A_1495 : vector<16xi32>
        %min3A_1500 = arith.constant 1 : i32
        %min3A_1501 = vector.broadcast %min3A_1500 : i32 to vector<16xi32>
        %min3A_1502 = arith.minsi %abs3A_1499, %min3A_1501 : vector<16xi32>
        %sub3A_1503 = arith.constant 1 : i32
        %sub3A_1504 = vector.broadcast %sub3A_1503 : i32 to vector<16xi32>
        %sub3A_1505 = arith.subi %sub3A_1504, %min3A_1502 : vector<16xi32>
        %swap3A_1506 = arith.constant 0 : index
        %swap3A_1507 = tpu.vector_load %arg21[%swap3A_1506] {strides = array<i32>} : memref<16xi32, #tpu.memory_space<vmem>>, vector<16xi32>,
        tpu.vector_store %arg21[%swap3A_1506], %broadcast_in_dim3A_2 {strides = array<i32>} : memref<16xi32, #tpu.memory_space<vmem>>, vector<16xi32>,
        tpu.vector_store_idx %arg21[%broadcast_in_dim3A_2], %sub3A_1505 {add = true} : memref<16xi32, #tpu.memory_space<vmem>>[vector<16xi32>], vector<16xi32>,
        %get3A_1508 = arith.constant 0 : index
        %get3A_1509 = tpu.vector_load %arg21[%get3A_1508] {strides = array<i32>} : memref<16xi32, #tpu.memory_space<vmem>>, vector<16xi32>,
        %slice3A_1510 = vector.extract_strided_slice %get3A_1509 {offsets = [0], sizes = [1], strides = [1]} : vector<16xi32> to vector<1xi32>
        %squeeze3A_1511 = vector.extract %slice3A_1510[0] : i32 from vector<1xi32>
        %gt3A_1512 = arith.constant 0 : i32
        %gt3A_1513 = arith.cmpi sgt, %squeeze3A_1511, %gt3A_1512 : i32
        %convert_element_type3A_1514 = arith.extui %gt3A_1513 : i1 to i32
        %cond3A_1515 = arith.constant 0 : i32
        %cond3A_1516 = arith.cmpi ne, %convert_element_type3A_1514, %cond3A_1515 : i32
        scf.if %cond3A_1516 {
          %add3A_1545 = vector.broadcast %add3A_1492 : i32 to vector<16xi32>
          %add3A_1546 = arith.addi %add3A_1545, %iota3A : vector<16xi32>
          %swap3A_1547 = arith.index_cast %add3A_1490 : i32 to index
          %swap3A_1548 = tpu.vector_load %arg17[%swap3A_1547] masked %eq3A_1498 {strides = array<i32>} : memref<656xi32, #tpu.memory_space<vmem>>, vector<16xi32>, vector<16xi1>
          tpu.vector_store %arg17[%swap3A_1547], %add3A_1546 masked %eq3A_1498 {strides = array<i32>} : memref<656xi32, #tpu.memory_space<vmem>>, vector<16xi32>, vector<16xi1>
        } else {
        }
        %add3A_1517 = arith.addi %add3A_1490, %squeeze3A_1511 : i32
        %add3A_1518 = arith.constant 240 : i32
        %add3A_1519 = arith.addi %mul3A_1006, %add3A_1518 : i32
        %get3A_1520 = arith.index_cast %add3A_1519 : i32 to index
        %get3A_1521 = tpu.vector_load %arg15[%get3A_1520] {strides = array<i32>} : memref<640xi32, #tpu.memory_space<vmem>>, vector<16xi32>,
        %sub3A_1522 = arith.subi %get3A_1521, %get3A_11 : vector<16xi32>
        %eq3A_1523 = arith.constant 0 : i32
        %eq3A_1524 = vector.broadcast %eq3A_1523 : i32 to vector<16xi32>
        %eq3A_1525 = arith.cmpi eq, %sub3A_1522, %eq3A_1524 : vector<16xi32>
        %abs3A_1526 = math.absi %sub3A_1522 : vector<16xi32>
        %min3A_1527 = arith.constant 1 : i32
        %min3A_1528 = vector.broadcast %min3A_1527 : i32 to vector<16xi32>
        %min3A_1529 = arith.minsi %abs3A_1526, %min3A_1528 : vector<16xi32>
        %sub3A_1530 = arith.constant 1 : i32
        %sub3A_1531 = vector.broadcast %sub3A_1530 : i32 to vector<16xi32>
        %sub3A_1532 = arith.subi %sub3A_1531, %min3A_1529 : vector<16xi32>
        %swap3A_1533 = arith.constant 0 : index
        %swap3A_1534 = tpu.vector_load %arg21[%swap3A_1533] {strides = array<i32>} : memref<16xi32, #tpu.memory_space<vmem>>, vector<16xi32>,
        tpu.vector_store %arg21[%swap3A_1533], %broadcast_in_dim3A_2 {strides = array<i32>} : memref<16xi32, #tpu.memory_space<vmem>>, vector<16xi32>,
        tpu.vector_store_idx %arg21[%broadcast_in_dim3A_2], %sub3A_1532 {add = true} : memref<16xi32, #tpu.memory_space<vmem>>[vector<16xi32>], vector<16xi32>,
        %get3A_1535 = arith.constant 0 : index
        %get3A_1536 = tpu.vector_load %arg21[%get3A_1535] {strides = array<i32>} : memref<16xi32, #tpu.memory_space<vmem>>, vector<16xi32>,
        %slice3A_1537 = vector.extract_strided_slice %get3A_1536 {offsets = [0], sizes = [1], strides = [1]} : vector<16xi32> to vector<1xi32>
        %squeeze3A_1538 = vector.extract %slice3A_1537[0] : i32 from vector<1xi32>
        %gt3A_1539 = arith.constant 0 : i32
        %gt3A_1540 = arith.cmpi sgt, %squeeze3A_1538, %gt3A_1539 : i32
        %convert_element_type3A_1541 = arith.extui %gt3A_1540 : i1 to i32
        %cond3A_1542 = arith.constant 0 : i32
        %cond3A_1543 = arith.cmpi ne, %convert_element_type3A_1541, %cond3A_1542 : i32
        scf.if %cond3A_1543 {
          %add3A_1545 = vector.broadcast %add3A_1519 : i32 to vector<16xi32>
          %add3A_1546 = arith.addi %add3A_1545, %iota3A : vector<16xi32>
          %swap3A_1547 = arith.index_cast %add3A_1517 : i32 to index
          %swap3A_1548 = tpu.vector_load %arg17[%swap3A_1547] masked %eq3A_1525 {strides = array<i32>} : memref<656xi32, #tpu.memory_space<vmem>>, vector<16xi32>, vector<16xi1>
          tpu.vector_store %arg17[%swap3A_1547], %add3A_1546 masked %eq3A_1525 {strides = array<i32>} : memref<656xi32, #tpu.memory_space<vmem>>, vector<16xi32>, vector<16xi1>
        } else {
        }
        %add3A_1544 = arith.addi %add3A_1517, %squeeze3A_1538 : i32
        scf.yield %add3A_1544 : i32
      } else {
        scf.yield %scan3A_1004 : i32
      }
      scf.yield %cond3A_1112 : i32
    }
    %scan3A_174 = arith.constant 2 : i32
    %get3A_175 = arith.constant 512 : index
    %get3A_176 = tpu.vector_load %arg15[%get3A_175] {strides = array<i32>} : memref<640xi32, #tpu.memory_space<vmem>>, vector<16xi32>,
    %sub3A_177 = arith.subi %get3A_176, %get3A_11 : vector<16xi32>
    %eq3A_178 = arith.constant 0 : i32
    %eq3A_179 = vector.broadcast %eq3A_178 : i32 to vector<16xi32>
    %eq3A_180 = arith.cmpi eq, %sub3A_177, %eq3A_179 : vector<16xi32>
    %abs3A_181 = math.absi %sub3A_177 : vector<16xi32>
    %min3A_182 = arith.constant 1 : i32
    %min3A_183 = vector.broadcast %min3A_182 : i32 to vector<16xi32>
    %min3A_184 = arith.minsi %abs3A_181, %min3A_183 : vector<16xi32>
    %sub3A_185 = arith.constant 1 : i32
    %sub3A_186 = vector.broadcast %sub3A_185 : i32 to vector<16xi32>
    %sub3A_187 = arith.subi %sub3A_186, %min3A_184 : vector<16xi32>
    %swap3A_188 = arith.constant 0 : index
    %swap3A_189 = tpu.vector_load %arg21[%swap3A_188] {strides = array<i32>} : memref<16xi32, #tpu.memory_space<vmem>>, vector<16xi32>,
    tpu.vector_store %arg21[%swap3A_188], %broadcast_in_dim3A_2 {strides = array<i32>} : memref<16xi32, #tpu.memory_space<vmem>>, vector<16xi32>,
    tpu.vector_store_idx %arg21[%broadcast_in_dim3A_2], %sub3A_187 {add = true} : memref<16xi32, #tpu.memory_space<vmem>>[vector<16xi32>], vector<16xi32>,
    %get3A_190 = arith.constant 0 : index
    %get3A_191 = tpu.vector_load %arg21[%get3A_190] {strides = array<i32>} : memref<16xi32, #tpu.memory_space<vmem>>, vector<16xi32>,
    %slice3A_192 = vector.extract_strided_slice %get3A_191 {offsets = [0], sizes = [1], strides = [1]} : vector<16xi32> to vector<1xi32>
    %squeeze3A_193 = vector.extract %slice3A_192[0] : i32 from vector<1xi32>
    %gt3A_194 = arith.constant 0 : i32
    %gt3A_195 = arith.cmpi sgt, %squeeze3A_193, %gt3A_194 : i32
    %convert_element_type3A_196 = arith.extui %gt3A_195 : i1 to i32
    %cond3A_197 = arith.constant 0 : i32
    %cond3A_198 = arith.cmpi ne, %convert_element_type3A_196, %cond3A_197 : i32
    scf.if %cond3A_198 {
      %add3A_1003 = arith.constant 512 : i32
      %add3A_1004 = vector.broadcast %add3A_1003 : i32 to vector<16xi32>
      %add3A_1005 = arith.addi %add3A_1004, %iota3A : vector<16xi32>
      %swap3A_1006 = arith.index_cast %scan3A_173 : i32 to index
      %swap3A_1007 = tpu.vector_load %arg17[%swap3A_1006] masked %eq3A_180 {strides = array<i32>} : memref<656xi32, #tpu.memory_space<vmem>>, vector<16xi32>, vector<16xi1>
      tpu.vector_store %arg17[%swap3A_1006], %add3A_1005 masked %eq3A_180 {strides = array<i32>} : memref<656xi32, #tpu.memory_space<vmem>>, vector<16xi32>, vector<16xi1>
    } else {
    }
    %add3A_199 = arith.addi %scan3A_173, %squeeze3A_193 : i32
    %get3A_200 = arith.constant 528 : index
    %get3A_201 = tpu.vector_load %arg15[%get3A_200] {strides = array<i32>} : memref<640xi32, #tpu.memory_space<vmem>>, vector<16xi32>,
    %sub3A_202 = arith.subi %get3A_201, %get3A_11 : vector<16xi32>
    %eq3A_203 = arith.constant 0 : i32
    %eq3A_204 = vector.broadcast %eq3A_203 : i32 to vector<16xi32>
    %eq3A_205 = arith.cmpi eq, %sub3A_202, %eq3A_204 : vector<16xi32>
    %abs3A_206 = math.absi %sub3A_202 : vector<16xi32>
    %min3A_207 = arith.constant 1 : i32
    %min3A_208 = vector.broadcast %min3A_207 : i32 to vector<16xi32>
    %min3A_209 = arith.minsi %abs3A_206, %min3A_208 : vector<16xi32>
    %sub3A_210 = arith.constant 1 : i32
    %sub3A_211 = vector.broadcast %sub3A_210 : i32 to vector<16xi32>
    %sub3A_212 = arith.subi %sub3A_211, %min3A_209 : vector<16xi32>
    %swap3A_213 = arith.constant 0 : index
    %swap3A_214 = tpu.vector_load %arg21[%swap3A_213] {strides = array<i32>} : memref<16xi32, #tpu.memory_space<vmem>>, vector<16xi32>,
    tpu.vector_store %arg21[%swap3A_213], %broadcast_in_dim3A_2 {strides = array<i32>} : memref<16xi32, #tpu.memory_space<vmem>>, vector<16xi32>,
    tpu.vector_store_idx %arg21[%broadcast_in_dim3A_2], %sub3A_212 {add = true} : memref<16xi32, #tpu.memory_space<vmem>>[vector<16xi32>], vector<16xi32>,
    %get3A_215 = arith.constant 0 : index
    %get3A_216 = tpu.vector_load %arg21[%get3A_215] {strides = array<i32>} : memref<16xi32, #tpu.memory_space<vmem>>, vector<16xi32>,
    %slice3A_217 = vector.extract_strided_slice %get3A_216 {offsets = [0], sizes = [1], strides = [1]} : vector<16xi32> to vector<1xi32>
    %squeeze3A_218 = vector.extract %slice3A_217[0] : i32 from vector<1xi32>
    %gt3A_219 = arith.constant 0 : i32
    %gt3A_220 = arith.cmpi sgt, %squeeze3A_218, %gt3A_219 : i32
    %convert_element_type3A_221 = arith.extui %gt3A_220 : i1 to i32
    %cond3A_222 = arith.constant 0 : i32
    %cond3A_223 = arith.cmpi ne, %convert_element_type3A_221, %cond3A_222 : i32
    scf.if %cond3A_223 {
      %add3A_1003 = arith.constant 528 : i32
      %add3A_1004 = vector.broadcast %add3A_1003 : i32 to vector<16xi32>
      %add3A_1005 = arith.addi %add3A_1004, %iota3A : vector<16xi32>
      %swap3A_1006 = arith.index_cast %add3A_199 : i32 to index
      %swap3A_1007 = tpu.vector_load %arg17[%swap3A_1006] masked %eq3A_205 {strides = array<i32>} : memref<656xi32, #tpu.memory_space<vmem>>, vector<16xi32>, vector<16xi1>
      tpu.vector_store %arg17[%swap3A_1006], %add3A_1005 masked %eq3A_205 {strides = array<i32>} : memref<656xi32, #tpu.memory_space<vmem>>, vector<16xi32>, vector<16xi1>
    } else {
    }
    %add3A_224 = arith.addi %add3A_199, %squeeze3A_218 : i32
    %get3A_225 = arith.constant 544 : index
    %get3A_226 = tpu.vector_load %arg15[%get3A_225] {strides = array<i32>} : memref<640xi32, #tpu.memory_space<vmem>>, vector<16xi32>,
    %sub3A_227 = arith.subi %get3A_226, %get3A_11 : vector<16xi32>
    %eq3A_228 = arith.constant 0 : i32
    %eq3A_229 = vector.broadcast %eq3A_228 : i32 to vector<16xi32>
    %eq3A_230 = arith.cmpi eq, %sub3A_227, %eq3A_229 : vector<16xi32>
    %abs3A_231 = math.absi %sub3A_227 : vector<16xi32>
    %min3A_232 = arith.constant 1 : i32
    %min3A_233 = vector.broadcast %min3A_232 : i32 to vector<16xi32>
    %min3A_234 = arith.minsi %abs3A_231, %min3A_233 : vector<16xi32>
    %sub3A_235 = arith.constant 1 : i32
    %sub3A_236 = vector.broadcast %sub3A_235 : i32 to vector<16xi32>
    %sub3A_237 = arith.subi %sub3A_236, %min3A_234 : vector<16xi32>
    %swap3A_238 = arith.constant 0 : index
    %swap3A_239 = tpu.vector_load %arg21[%swap3A_238] {strides = array<i32>} : memref<16xi32, #tpu.memory_space<vmem>>, vector<16xi32>,
    tpu.vector_store %arg21[%swap3A_238], %broadcast_in_dim3A_2 {strides = array<i32>} : memref<16xi32, #tpu.memory_space<vmem>>, vector<16xi32>,
    tpu.vector_store_idx %arg21[%broadcast_in_dim3A_2], %sub3A_237 {add = true} : memref<16xi32, #tpu.memory_space<vmem>>[vector<16xi32>], vector<16xi32>,
    %get3A_240 = arith.constant 0 : index
    %get3A_241 = tpu.vector_load %arg21[%get3A_240] {strides = array<i32>} : memref<16xi32, #tpu.memory_space<vmem>>, vector<16xi32>,
    %slice3A_242 = vector.extract_strided_slice %get3A_241 {offsets = [0], sizes = [1], strides = [1]} : vector<16xi32> to vector<1xi32>
    %squeeze3A_243 = vector.extract %slice3A_242[0] : i32 from vector<1xi32>
    %gt3A_244 = arith.constant 0 : i32
    %gt3A_245 = arith.cmpi sgt, %squeeze3A_243, %gt3A_244 : i32
    %convert_element_type3A_246 = arith.extui %gt3A_245 : i1 to i32
    %cond3A_247 = arith.constant 0 : i32
    %cond3A_248 = arith.cmpi ne, %convert_element_type3A_246, %cond3A_247 : i32
    scf.if %cond3A_248 {
      %add3A_1003 = arith.constant 544 : i32
      %add3A_1004 = vector.broadcast %add3A_1003 : i32 to vector<16xi32>
      %add3A_1005 = arith.addi %add3A_1004, %iota3A : vector<16xi32>
      %swap3A_1006 = arith.index_cast %add3A_224 : i32 to index
      %swap3A_1007 = tpu.vector_load %arg17[%swap3A_1006] masked %eq3A_230 {strides = array<i32>} : memref<656xi32, #tpu.memory_space<vmem>>, vector<16xi32>, vector<16xi1>
      tpu.vector_store %arg17[%swap3A_1006], %add3A_1005 masked %eq3A_230 {strides = array<i32>} : memref<656xi32, #tpu.memory_space<vmem>>, vector<16xi32>, vector<16xi1>
    } else {
    }
    %add3A_249 = arith.addi %add3A_224, %squeeze3A_243 : i32
    %get3A_250 = arith.constant 560 : index
    %get3A_251 = tpu.vector_load %arg15[%get3A_250] {strides = array<i32>} : memref<640xi32, #tpu.memory_space<vmem>>, vector<16xi32>,
    %sub3A_252 = arith.subi %get3A_251, %get3A_11 : vector<16xi32>
    %eq3A_253 = arith.constant 0 : i32
    %eq3A_254 = vector.broadcast %eq3A_253 : i32 to vector<16xi32>
    %eq3A_255 = arith.cmpi eq, %sub3A_252, %eq3A_254 : vector<16xi32>
    %abs3A_256 = math.absi %sub3A_252 : vector<16xi32>
    %min3A_257 = arith.constant 1 : i32
    %min3A_258 = vector.broadcast %min3A_257 : i32 to vector<16xi32>
    %min3A_259 = arith.minsi %abs3A_256, %min3A_258 : vector<16xi32>
    %sub3A_260 = arith.constant 1 : i32
    %sub3A_261 = vector.broadcast %sub3A_260 : i32 to vector<16xi32>
    %sub3A_262 = arith.subi %sub3A_261, %min3A_259 : vector<16xi32>
    %swap3A_263 = arith.constant 0 : index
    %swap3A_264 = tpu.vector_load %arg21[%swap3A_263] {strides = array<i32>} : memref<16xi32, #tpu.memory_space<vmem>>, vector<16xi32>,
    tpu.vector_store %arg21[%swap3A_263], %broadcast_in_dim3A_2 {strides = array<i32>} : memref<16xi32, #tpu.memory_space<vmem>>, vector<16xi32>,
    tpu.vector_store_idx %arg21[%broadcast_in_dim3A_2], %sub3A_262 {add = true} : memref<16xi32, #tpu.memory_space<vmem>>[vector<16xi32>], vector<16xi32>,
    %get3A_265 = arith.constant 0 : index
    %get3A_266 = tpu.vector_load %arg21[%get3A_265] {strides = array<i32>} : memref<16xi32, #tpu.memory_space<vmem>>, vector<16xi32>,
    %slice3A_267 = vector.extract_strided_slice %get3A_266 {offsets = [0], sizes = [1], strides = [1]} : vector<16xi32> to vector<1xi32>
    %squeeze3A_268 = vector.extract %slice3A_267[0] : i32 from vector<1xi32>
    %gt3A_269 = arith.constant 0 : i32
    %gt3A_270 = arith.cmpi sgt, %squeeze3A_268, %gt3A_269 : i32
    %convert_element_type3A_271 = arith.extui %gt3A_270 : i1 to i32
    %cond3A_272 = arith.constant 0 : i32
    %cond3A_273 = arith.cmpi ne, %convert_element_type3A_271, %cond3A_272 : i32
    scf.if %cond3A_273 {
      %add3A_1003 = arith.constant 560 : i32
      %add3A_1004 = vector.broadcast %add3A_1003 : i32 to vector<16xi32>
      %add3A_1005 = arith.addi %add3A_1004, %iota3A : vector<16xi32>
      %swap3A_1006 = arith.index_cast %add3A_249 : i32 to index
      %swap3A_1007 = tpu.vector_load %arg17[%swap3A_1006] masked %eq3A_255 {strides = array<i32>} : memref<656xi32, #tpu.memory_space<vmem>>, vector<16xi32>, vector<16xi1>
      tpu.vector_store %arg17[%swap3A_1006], %add3A_1005 masked %eq3A_255 {strides = array<i32>} : memref<656xi32, #tpu.memory_space<vmem>>, vector<16xi32>, vector<16xi1>
    } else {
    }
    %add3A_274 = arith.addi %add3A_249, %squeeze3A_268 : i32
    %get3A_275 = arith.constant 576 : index
    %get3A_276 = tpu.vector_load %arg15[%get3A_275] {strides = array<i32>} : memref<640xi32, #tpu.memory_space<vmem>>, vector<16xi32>,
    %sub3A_277 = arith.subi %get3A_276, %get3A_11 : vector<16xi32>
    %eq3A_278 = arith.constant 0 : i32
    %eq3A_279 = vector.broadcast %eq3A_278 : i32 to vector<16xi32>
    %eq3A_280 = arith.cmpi eq, %sub3A_277, %eq3A_279 : vector<16xi32>
    %abs3A_281 = math.absi %sub3A_277 : vector<16xi32>
    %min3A_282 = arith.constant 1 : i32
    %min3A_283 = vector.broadcast %min3A_282 : i32 to vector<16xi32>
    %min3A_284 = arith.minsi %abs3A_281, %min3A_283 : vector<16xi32>
    %sub3A_285 = arith.constant 1 : i32
    %sub3A_286 = vector.broadcast %sub3A_285 : i32 to vector<16xi32>
    %sub3A_287 = arith.subi %sub3A_286, %min3A_284 : vector<16xi32>
    %swap3A_288 = arith.constant 0 : index
    %swap3A_289 = tpu.vector_load %arg21[%swap3A_288] {strides = array<i32>} : memref<16xi32, #tpu.memory_space<vmem>>, vector<16xi32>,
    tpu.vector_store %arg21[%swap3A_288], %broadcast_in_dim3A_2 {strides = array<i32>} : memref<16xi32, #tpu.memory_space<vmem>>, vector<16xi32>,
    tpu.vector_store_idx %arg21[%broadcast_in_dim3A_2], %sub3A_287 {add = true} : memref<16xi32, #tpu.memory_space<vmem>>[vector<16xi32>], vector<16xi32>,
    %get3A_290 = arith.constant 0 : index
    %get3A_291 = tpu.vector_load %arg21[%get3A_290] {strides = array<i32>} : memref<16xi32, #tpu.memory_space<vmem>>, vector<16xi32>,
    %slice3A_292 = vector.extract_strided_slice %get3A_291 {offsets = [0], sizes = [1], strides = [1]} : vector<16xi32> to vector<1xi32>
    %squeeze3A_293 = vector.extract %slice3A_292[0] : i32 from vector<1xi32>
    %gt3A_294 = arith.constant 0 : i32
    %gt3A_295 = arith.cmpi sgt, %squeeze3A_293, %gt3A_294 : i32
    %convert_element_type3A_296 = arith.extui %gt3A_295 : i1 to i32
    %cond3A_297 = arith.constant 0 : i32
    %cond3A_298 = arith.cmpi ne, %convert_element_type3A_296, %cond3A_297 : i32
    scf.if %cond3A_298 {
      %add3A_1003 = arith.constant 576 : i32
      %add3A_1004 = vector.broadcast %add3A_1003 : i32 to vector<16xi32>
      %add3A_1005 = arith.addi %add3A_1004, %iota3A : vector<16xi32>
      %swap3A_1006 = arith.index_cast %add3A_274 : i32 to index
      %swap3A_1007 = tpu.vector_load %arg17[%swap3A_1006] masked %eq3A_280 {strides = array<i32>} : memref<656xi32, #tpu.memory_space<vmem>>, vector<16xi32>, vector<16xi1>
      tpu.vector_store %arg17[%swap3A_1006], %add3A_1005 masked %eq3A_280 {strides = array<i32>} : memref<656xi32, #tpu.memory_space<vmem>>, vector<16xi32>, vector<16xi1>
    } else {
    }
    %add3A_299 = arith.addi %add3A_274, %squeeze3A_293 : i32
    %get3A_300 = arith.constant 592 : index
    %get3A_301 = tpu.vector_load %arg15[%get3A_300] {strides = array<i32>} : memref<640xi32, #tpu.memory_space<vmem>>, vector<16xi32>,
    %sub3A_302 = arith.subi %get3A_301, %get3A_11 : vector<16xi32>
    %eq3A_303 = arith.constant 0 : i32
    %eq3A_304 = vector.broadcast %eq3A_303 : i32 to vector<16xi32>
    %eq3A_305 = arith.cmpi eq, %sub3A_302, %eq3A_304 : vector<16xi32>
    %abs3A_306 = math.absi %sub3A_302 : vector<16xi32>
    %min3A_307 = arith.constant 1 : i32
    %min3A_308 = vector.broadcast %min3A_307 : i32 to vector<16xi32>
    %min3A_309 = arith.minsi %abs3A_306, %min3A_308 : vector<16xi32>
    %sub3A_310 = arith.constant 1 : i32
    %sub3A_311 = vector.broadcast %sub3A_310 : i32 to vector<16xi32>
    %sub3A_312 = arith.subi %sub3A_311, %min3A_309 : vector<16xi32>
    %swap3A_313 = arith.constant 0 : index
    %swap3A_314 = tpu.vector_load %arg21[%swap3A_313] {strides = array<i32>} : memref<16xi32, #tpu.memory_space<vmem>>, vector<16xi32>,
    tpu.vector_store %arg21[%swap3A_313], %broadcast_in_dim3A_2 {strides = array<i32>} : memref<16xi32, #tpu.memory_space<vmem>>, vector<16xi32>,
    tpu.vector_store_idx %arg21[%broadcast_in_dim3A_2], %sub3A_312 {add = true} : memref<16xi32, #tpu.memory_space<vmem>>[vector<16xi32>], vector<16xi32>,
    %get3A_315 = arith.constant 0 : index
    %get3A_316 = tpu.vector_load %arg21[%get3A_315] {strides = array<i32>} : memref<16xi32, #tpu.memory_space<vmem>>, vector<16xi32>,
    %slice3A_317 = vector.extract_strided_slice %get3A_316 {offsets = [0], sizes = [1], strides = [1]} : vector<16xi32> to vector<1xi32>
    %squeeze3A_318 = vector.extract %slice3A_317[0] : i32 from vector<1xi32>
    %gt3A_319 = arith.constant 0 : i32
    %gt3A_320 = arith.cmpi sgt, %squeeze3A_318, %gt3A_319 : i32
    %convert_element_type3A_321 = arith.extui %gt3A_320 : i1 to i32
    %cond3A_322 = arith.constant 0 : i32
    %cond3A_323 = arith.cmpi ne, %convert_element_type3A_321, %cond3A_322 : i32
    scf.if %cond3A_323 {
      %add3A_1003 = arith.constant 592 : i32
      %add3A_1004 = vector.broadcast %add3A_1003 : i32 to vector<16xi32>
      %add3A_1005 = arith.addi %add3A_1004, %iota3A : vector<16xi32>
      %swap3A_1006 = arith.index_cast %add3A_299 : i32 to index
      %swap3A_1007 = tpu.vector_load %arg17[%swap3A_1006] masked %eq3A_305 {strides = array<i32>} : memref<656xi32, #tpu.memory_space<vmem>>, vector<16xi32>, vector<16xi1>
      tpu.vector_store %arg17[%swap3A_1006], %add3A_1005 masked %eq3A_305 {strides = array<i32>} : memref<656xi32, #tpu.memory_space<vmem>>, vector<16xi32>, vector<16xi1>
    } else {
    }
    %add3A_324 = arith.addi %add3A_299, %squeeze3A_318 : i32
    %get3A_325 = arith.constant 608 : index
    %get3A_326 = tpu.vector_load %arg15[%get3A_325] {strides = array<i32>} : memref<640xi32, #tpu.memory_space<vmem>>, vector<16xi32>,
    %sub3A_327 = arith.subi %get3A_326, %get3A_11 : vector<16xi32>
    %eq3A_328 = arith.constant 0 : i32
    %eq3A_329 = vector.broadcast %eq3A_328 : i32 to vector<16xi32>
    %eq3A_330 = arith.cmpi eq, %sub3A_327, %eq3A_329 : vector<16xi32>
    %abs3A_331 = math.absi %sub3A_327 : vector<16xi32>
    %min3A_332 = arith.constant 1 : i32
    %min3A_333 = vector.broadcast %min3A_332 : i32 to vector<16xi32>
    %min3A_334 = arith.minsi %abs3A_331, %min3A_333 : vector<16xi32>
    %sub3A_335 = arith.constant 1 : i32
    %sub3A_336 = vector.broadcast %sub3A_335 : i32 to vector<16xi32>
    %sub3A_337 = arith.subi %sub3A_336, %min3A_334 : vector<16xi32>
    %swap3A_338 = arith.constant 0 : index
    %swap3A_339 = tpu.vector_load %arg21[%swap3A_338] {strides = array<i32>} : memref<16xi32, #tpu.memory_space<vmem>>, vector<16xi32>,
    tpu.vector_store %arg21[%swap3A_338], %broadcast_in_dim3A_2 {strides = array<i32>} : memref<16xi32, #tpu.memory_space<vmem>>, vector<16xi32>,
    tpu.vector_store_idx %arg21[%broadcast_in_dim3A_2], %sub3A_337 {add = true} : memref<16xi32, #tpu.memory_space<vmem>>[vector<16xi32>], vector<16xi32>,
    %get3A_340 = arith.constant 0 : index
    %get3A_341 = tpu.vector_load %arg21[%get3A_340] {strides = array<i32>} : memref<16xi32, #tpu.memory_space<vmem>>, vector<16xi32>,
    %slice3A_342 = vector.extract_strided_slice %get3A_341 {offsets = [0], sizes = [1], strides = [1]} : vector<16xi32> to vector<1xi32>
    %squeeze3A_343 = vector.extract %slice3A_342[0] : i32 from vector<1xi32>
    %gt3A_344 = arith.constant 0 : i32
    %gt3A_345 = arith.cmpi sgt, %squeeze3A_343, %gt3A_344 : i32
    %convert_element_type3A_346 = arith.extui %gt3A_345 : i1 to i32
    %cond3A_347 = arith.constant 0 : i32
    %cond3A_348 = arith.cmpi ne, %convert_element_type3A_346, %cond3A_347 : i32
    scf.if %cond3A_348 {
      %add3A_1003 = arith.constant 608 : i32
      %add3A_1004 = vector.broadcast %add3A_1003 : i32 to vector<16xi32>
      %add3A_1005 = arith.addi %add3A_1004, %iota3A : vector<16xi32>
      %swap3A_1006 = arith.index_cast %add3A_324 : i32 to index
      %swap3A_1007 = tpu.vector_load %arg17[%swap3A_1006] masked %eq3A_330 {strides = array<i32>} : memref<656xi32, #tpu.memory_space<vmem>>, vector<16xi32>, vector<16xi1>
      tpu.vector_store %arg17[%swap3A_1006], %add3A_1005 masked %eq3A_330 {strides = array<i32>} : memref<656xi32, #tpu.memory_space<vmem>>, vector<16xi32>, vector<16xi1>
    } else {
    }
    %add3A_349 = arith.addi %add3A_324, %squeeze3A_343 : i32
    %get3A_350 = arith.constant 624 : index
    %get3A_351 = tpu.vector_load %arg15[%get3A_350] {strides = array<i32>} : memref<640xi32, #tpu.memory_space<vmem>>, vector<16xi32>,
    %sub3A_352 = arith.subi %get3A_351, %get3A_11 : vector<16xi32>
    %eq3A_353 = arith.constant 0 : i32
    %eq3A_354 = vector.broadcast %eq3A_353 : i32 to vector<16xi32>
    %eq3A_355 = arith.cmpi eq, %sub3A_352, %eq3A_354 : vector<16xi32>
    %abs3A_356 = math.absi %sub3A_352 : vector<16xi32>
    %min3A_357 = arith.constant 1 : i32
    %min3A_358 = vector.broadcast %min3A_357 : i32 to vector<16xi32>
    %min3A_359 = arith.minsi %abs3A_356, %min3A_358 : vector<16xi32>
    %sub3A_360 = arith.constant 1 : i32
    %sub3A_361 = vector.broadcast %sub3A_360 : i32 to vector<16xi32>
    %sub3A_362 = arith.subi %sub3A_361, %min3A_359 : vector<16xi32>
    %swap3A_363 = arith.constant 0 : index
    %swap3A_364 = tpu.vector_load %arg21[%swap3A_363] {strides = array<i32>} : memref<16xi32, #tpu.memory_space<vmem>>, vector<16xi32>,
    tpu.vector_store %arg21[%swap3A_363], %broadcast_in_dim3A_2 {strides = array<i32>} : memref<16xi32, #tpu.memory_space<vmem>>, vector<16xi32>,
    tpu.vector_store_idx %arg21[%broadcast_in_dim3A_2], %sub3A_362 {add = true} : memref<16xi32, #tpu.memory_space<vmem>>[vector<16xi32>], vector<16xi32>,
    %get3A_365 = arith.constant 0 : index
    %get3A_366 = tpu.vector_load %arg21[%get3A_365] {strides = array<i32>} : memref<16xi32, #tpu.memory_space<vmem>>, vector<16xi32>,
    %slice3A_367 = vector.extract_strided_slice %get3A_366 {offsets = [0], sizes = [1], strides = [1]} : vector<16xi32> to vector<1xi32>
    %squeeze3A_368 = vector.extract %slice3A_367[0] : i32 from vector<1xi32>
    %gt3A_369 = arith.constant 0 : i32
    %gt3A_370 = arith.cmpi sgt, %squeeze3A_368, %gt3A_369 : i32
    %convert_element_type3A_371 = arith.extui %gt3A_370 : i1 to i32
    %cond3A_372 = arith.constant 0 : i32
    %cond3A_373 = arith.cmpi ne, %convert_element_type3A_371, %cond3A_372 : i32
    scf.if %cond3A_373 {
      %add3A_1003 = arith.constant 624 : i32
      %add3A_1004 = vector.broadcast %add3A_1003 : i32 to vector<16xi32>
      %add3A_1005 = arith.addi %add3A_1004, %iota3A : vector<16xi32>
      %swap3A_1006 = arith.index_cast %add3A_349 : i32 to index
      %swap3A_1007 = tpu.vector_load %arg17[%swap3A_1006] masked %eq3A_355 {strides = array<i32>} : memref<656xi32, #tpu.memory_space<vmem>>, vector<16xi32>, vector<16xi1>
      tpu.vector_store %arg17[%swap3A_1006], %add3A_1005 masked %eq3A_355 {strides = array<i32>} : memref<656xi32, #tpu.memory_space<vmem>>, vector<16xi32>, vector<16xi1>
    } else {
    }
    %add3A_374 = arith.addi %add3A_349, %squeeze3A_368 : i32
    %broadcast_in_dim3A_375 = arith.constant 0 : i32
    %broadcast_in_dim3A_376 = vector.broadcast %broadcast_in_dim3A_375 : i32 to vector<16xi32>
    %swap3A_377 = arith.index_cast %add3A_374 : i32 to index
    %swap3A_378 = tpu.vector_load %arg17[%swap3A_377] {strides = array<i32>} : memref<656xi32, #tpu.memory_space<vmem>>, vector<16xi32>,
    tpu.vector_store %arg17[%swap3A_377], %broadcast_in_dim3A_376 {strides = array<i32>} : memref<656xi32, #tpu.memory_space<vmem>>, vector<16xi32>,
    %mul3A_379 = arith.constant 10000 : i32
    %mul3A_380 = arith.muli %arg1, %mul3A_379 : i32
    %add3A_381 = arith.constant 16 : i32
    %add3A_382 = arith.addi %add3A_163, %add3A_381 : i32
    %sub3A_383 = arith.constant 1 : i32
    %sub3A_384 = arith.subi %add3A_382, %sub3A_383 : i32
    %jit3A = arith.constant 16 : i32
    %div3A = arith.divsi %sub3A_384, %jit3A : i32
    %sign3A = arith.constant 0 : i32
    %sign3A_385 = arith.cmpi sgt, %sub3A_384, %sign3A : i32
    %sign3A_386 = arith.extui %sign3A_385 : i1 to i32
    %sign3A_387 = arith.constant 0 : i32
    %sign3A_388 = arith.cmpi slt, %sub3A_384, %sign3A_387 : i32
    %sign3A_389 = arith.extui %sign3A_388 : i1 to i32
    %sign3A_390 = arith.subi %sign3A_386, %sign3A_389 : i32
    %sign3A_391 = arith.constant 0 : i32
    %sign3A_392 = arith.cmpi sgt, %jit3A, %sign3A_391 : i32
    %sign3A_393 = arith.extui %sign3A_392 : i1 to i32
    %sign3A_394 = arith.constant 0 : i32
    %sign3A_395 = arith.cmpi slt, %jit3A, %sign3A_394 : i32
    %sign3A_396 = arith.extui %sign3A_395 : i1 to i32
    %sign3A_397 = arith.subi %sign3A_393, %sign3A_396 : i32
    %ne3A = arith.cmpi ne, %sign3A_390, %sign3A_397 : i32
    %rem3A = arith.remsi %sub3A_384, %jit3A : i32
    %ne3A_398 = arith.constant 0 : i32
    %ne3A_399 = arith.cmpi ne, %rem3A, %ne3A_398 : i32
    %and3A = arith.andi %ne3A, %ne3A_399 : i1
    %sub3A_400 = arith.constant 1 : i32
    %sub3A_401 = arith.subi %div3A, %sub3A_400 : i32
    %select_n3A = arith.select %and3A, %sub3A_401, %div3A : i32
    %while3A = arith.constant 0 : i32
    %while3A_402 = arith.constant 0 : i32
    %while3A_403 = arith.subi %select_n3A, %while3A : i32
    %while3A_404 = arith.addi %while3A, %while3A_403 : i32
    %while3A_405 = arith.constant 1 : i32
    %while3A_406 = arith.divsi %while3A_403, %while3A_405 : i32
    %while3A_407 = arith.muli %while3A_406, %while3A_405 : i32
    %while3A_408 = arith.addi %while3A, %while3A_407 : i32
    %while3A_409 = arith.constant 1 : i32
    %while3A_410 = scf.for %while3A_1003 = %while3A to %while3A_408 step %while3A_409 iter_args(%while3A_1004 = %while3A_402) -> (i32)  : i32 {
      %mul3A_1005 = arith.constant 16 : i32
      %mul3A_1006 = arith.muli %while3A_1003, %mul3A_1005 : i32
      %get3A_1007 = arith.index_cast %mul3A_1006 : i32 to index
      %get3A_1008 = tpu.vector_load %arg16[%get3A_1007] {strides = array<i32>} : memref<10016xi32, #tpu.memory_space<vmem>>, vector<16xi32>,
      %add3A_1009 = vector.broadcast %mul3A_380 : i32 to vector<16xi32>
      %add3A_1010 = arith.addi %get3A_1008, %add3A_1009 : vector<16xi32>
      %swap3A_1011 = arith.constant 0 : index
      %swap3A_1012 = tpu.vector_load %arg19[%swap3A_1011] {strides = array<i32>} : memref<16xi32, #tpu.memory_space<vmem>>, vector<16xi32>,
      tpu.vector_store %arg19[%swap3A_1011], %add3A_1010 {strides = array<i32>} : memref<16xi32, #tpu.memory_space<vmem>>, vector<16xi32>,
      %dma_start3A = arith.constant 0 : i32
      %dma_start3A_1013 = tpu.memref_slice %arg5[%dma_start3A] : memref<320000xi32, #tpu.memory_space<hbm>> -> memref<320000xi32, #tpu.memory_space<hbm>>
      tpu.enqueue_indirect_dma source(%dma_start3A_1013 : memref<320000xi32, #tpu.memory_space<hbm>>) target(%arg20 : memref<16xi32, #tpu.memory_space<vmem>>) offsets(%arg19 : memref<16xi32, #tpu.memory_space<vmem>>) semaphore(%arg29 : memref<!tpu.dma_semaphore, #tpu.memory_space<semaphore_mem>>)
      %dma_wait3A = arith.constant 0 : i32
      %dma_wait3A_1014 = tpu.memref_slice %arg5[%dma_wait3A] : memref<320000xi32, #tpu.memory_space<hbm>> -> memref<320000xi32, #tpu.memory_space<hbm>>
      tpu.wait_indirect_dma semaphore(%arg29 : memref<!tpu.dma_semaphore, #tpu.memory_space<semaphore_mem>>) src(%dma_wait3A_1014 : memref<320000xi32, #tpu.memory_space<hbm>>) dst(%arg20 : memref<16xi32, #tpu.memory_space<vmem>>)
      %dma_start3A_1015 = arith.constant 0 : i32
      %dma_start3A_1016 = arith.constant 0 : i32
      %dma_start3A_1017 = tpu.memref_slice %arg8[%dma_start3A_1015, %dma_start3A_1016] : memref<10000x256xf32, #tpu.memory_space<hbm>> -> memref<10000x256xf32, #tpu.memory_space<hbm>>
      tpu.enqueue_indirect_dma source(%dma_start3A_1017 : memref<10000x256xf32, #tpu.memory_space<hbm>>) target(%arg18 : memref<16x256xf32, #tpu.memory_space<vmem>>) offsets(%arg20 : memref<16xi32, #tpu.memory_space<vmem>>) semaphore(%arg29 : memref<!tpu.dma_semaphore, #tpu.memory_space<semaphore_mem>>)
      %dma_wait3A_1018 = arith.constant 0 : i32
      %dma_wait3A_1019 = arith.constant 0 : i32
      %dma_wait3A_1020 = tpu.memref_slice %arg8[%dma_wait3A_1018, %dma_wait3A_1019] : memref<10000x256xf32, #tpu.memory_space<hbm>> -> memref<10000x256xf32, #tpu.memory_space<hbm>>
      tpu.wait_indirect_dma semaphore(%arg29 : memref<!tpu.dma_semaphore, #tpu.memory_space<semaphore_mem>>) src(%dma_wait3A_1020 : memref<10000x256xf32, #tpu.memory_space<hbm>>) dst(%arg18 : memref<16x256xf32, #tpu.memory_space<vmem>>)
      %mul3A_1021 = arith.constant 16 : i32
      %mul3A_1022 = arith.muli %while3A_1003, %mul3A_1021 : i32
      %sub3A_1023 = arith.subi %add3A_163, %mul3A_1022 : i32
      %min3A_1024 = arith.constant 16 : i32
      %min3A_1025 = arith.minsi %sub3A_1023, %min3A_1024 : i32
      %while3A_1026 = arith.constant 0 : i32
      %while3A_1027 = arith.constant 0 : i32
      %while3A_1028 = arith.subi %min3A_1025, %while3A_1026 : i32
      %while3A_1029 = arith.addi %while3A_1026, %while3A_1028 : i32
      %while3A_1030 = arith.constant 1 : i32
      %while3A_1031 = arith.divsi %while3A_1028, %while3A_1030 : i32
      %while3A_1032 = arith.muli %while3A_1031, %while3A_1030 : i32
      %while3A_1033 = arith.addi %while3A_1026, %while3A_1032 : i32
      %while3A_1034 = arith.constant 1 : i32
      %while3A_1035 = scf.for %while3A_1039 = %while3A_1026 to %while3A_1033 step %while3A_1034 iter_args(%while3A_1040 = %while3A_1027) -> (i32)  : i32 {
        %get3A_1041 = arith.constant 0 : i32
        %get3A_1042 = arith.index_cast %get3A_1041 : i32 to index
        %get3A_1043 = arith.constant 0 : index
        %get3A_1044 = tpu.vector_load %arg22[%get3A_1042, %get3A_1043] {strides = array<i32>} : memref<2x256xf32, #tpu.memory_space<vmem>>, vector<16xf32>,
        %get3A_1045 = arith.index_cast %while3A_1039 : i32 to index
        %get3A_1046 = arith.constant 0 : index
        %get3A_1047 = tpu.vector_load %arg18[%get3A_1045, %get3A_1046] {strides = array<i32>} : memref<16x256xf32, #tpu.memory_space<vmem>>, vector<16xf32>,
        %add3A_1048 = arith.addf %get3A_1044, %get3A_1047 : vector<16xf32>
        %swap3A_1049 = arith.constant 0 : i32
        %swap3A_1050 = arith.index_cast %swap3A_1049 : i32 to index
        %swap3A_1051 = arith.constant 0 : index
        %swap3A_1052 = tpu.vector_load %arg22[%swap3A_1050, %swap3A_1051] {strides = array<i32>} : memref<2x256xf32, #tpu.memory_space<vmem>>, vector<16xf32>,
        tpu.vector_store %arg22[%swap3A_1050, %swap3A_1051], %add3A_1048 {strides = array<i32>} : memref<2x256xf32, #tpu.memory_space<vmem>>, vector<16xf32>,
        %get3A_1053 = arith.constant 0 : i32
        %get3A_1054 = arith.index_cast %get3A_1053 : i32 to index
        %get3A_1055 = arith.constant 16 : index
        %get3A_1056 = tpu.vector_load %arg22[%get3A_1054, %get3A_1055] {strides = array<i32>} : memref<2x256xf32, #tpu.memory_space<vmem>>, vector<16xf32>,
        %get3A_1057 = arith.index_cast %while3A_1039 : i32 to index
        %get3A_1058 = arith.constant 16 : index
        %get3A_1059 = tpu.vector_load %arg18[%get3A_1057, %get3A_1058] {strides = array<i32>} : memref<16x256xf32, #tpu.memory_space<vmem>>, vector<16xf32>,
        %add3A_1060 = arith.addf %get3A_1056, %get3A_1059 : vector<16xf32>
        %swap3A_1061 = arith.constant 0 : i32
        %swap3A_1062 = arith.index_cast %swap3A_1061 : i32 to index
        %swap3A_1063 = arith.constant 16 : index
        %swap3A_1064 = tpu.vector_load %arg22[%swap3A_1062, %swap3A_1063] {strides = array<i32>} : memref<2x256xf32, #tpu.memory_space<vmem>>, vector<16xf32>,
        tpu.vector_store %arg22[%swap3A_1062, %swap3A_1063], %add3A_1060 {strides = array<i32>} : memref<2x256xf32, #tpu.memory_space<vmem>>, vector<16xf32>,
        %get3A_1065 = arith.constant 0 : i32
        %get3A_1066 = arith.index_cast %get3A_1065 : i32 to index
        %get3A_1067 = arith.constant 32 : index
        %get3A_1068 = tpu.vector_load %arg22[%get3A_1066, %get3A_1067] {strides = array<i32>} : memref<2x256xf32, #tpu.memory_space<vmem>>, vector<16xf32>,
        %get3A_1069 = arith.index_cast %while3A_1039 : i32 to index
        %get3A_1070 = arith.constant 32 : index
        %get3A_1071 = tpu.vector_load %arg18[%get3A_1069, %get3A_1070] {strides = array<i32>} : memref<16x256xf32, #tpu.memory_space<vmem>>, vector<16xf32>,
        %add3A_1072 = arith.addf %get3A_1068, %get3A_1071 : vector<16xf32>
        %swap3A_1073 = arith.constant 0 : i32
        %swap3A_1074 = arith.index_cast %swap3A_1073 : i32 to index
        %swap3A_1075 = arith.constant 32 : index
        %swap3A_1076 = tpu.vector_load %arg22[%swap3A_1074, %swap3A_1075] {strides = array<i32>} : memref<2x256xf32, #tpu.memory_space<vmem>>, vector<16xf32>,
        tpu.vector_store %arg22[%swap3A_1074, %swap3A_1075], %add3A_1072 {strides = array<i32>} : memref<2x256xf32, #tpu.memory_space<vmem>>, vector<16xf32>,
        %get3A_1077 = arith.constant 0 : i32
        %get3A_1078 = arith.index_cast %get3A_1077 : i32 to index
        %get3A_1079 = arith.constant 48 : index
        %get3A_1080 = tpu.vector_load %arg22[%get3A_1078, %get3A_1079] {strides = array<i32>} : memref<2x256xf32, #tpu.memory_space<vmem>>, vector<16xf32>,
        %get3A_1081 = arith.index_cast %while3A_1039 : i32 to index
        %get3A_1082 = arith.constant 48 : index
        %get3A_1083 = tpu.vector_load %arg18[%get3A_1081, %get3A_1082] {strides = array<i32>} : memref<16x256xf32, #tpu.memory_space<vmem>>, vector<16xf32>,
        %add3A_1084 = arith.addf %get3A_1080, %get3A_1083 : vector<16xf32>
        %swap3A_1085 = arith.constant 0 : i32
        %swap3A_1086 = arith.index_cast %swap3A_1085 : i32 to index
        %swap3A_1087 = arith.constant 48 : index
        %swap3A_1088 = tpu.vector_load %arg22[%swap3A_1086, %swap3A_1087] {strides = array<i32>} : memref<2x256xf32, #tpu.memory_space<vmem>>, vector<16xf32>,
        tpu.vector_store %arg22[%swap3A_1086, %swap3A_1087], %add3A_1084 {strides = array<i32>} : memref<2x256xf32, #tpu.memory_space<vmem>>, vector<16xf32>,
        %get3A_1089 = arith.constant 0 : i32
        %get3A_1090 = arith.index_cast %get3A_1089 : i32 to index
        %get3A_1091 = arith.constant 64 : index
        %get3A_1092 = tpu.vector_load %arg22[%get3A_1090, %get3A_1091] {strides = array<i32>} : memref<2x256xf32, #tpu.memory_space<vmem>>, vector<16xf32>,
        %get3A_1093 = arith.index_cast %while3A_1039 : i32 to index
        %get3A_1094 = arith.constant 64 : index
        %get3A_1095 = tpu.vector_load %arg18[%get3A_1093, %get3A_1094] {strides = array<i32>} : memref<16x256xf32, #tpu.memory_space<vmem>>, vector<16xf32>,
        %add3A_1096 = arith.addf %get3A_1092, %get3A_1095 : vector<16xf32>
        %swap3A_1097 = arith.constant 0 : i32
        %swap3A_1098 = arith.index_cast %swap3A_1097 : i32 to index
        %swap3A_1099 = arith.constant 64 : index
        %swap3A_1100 = tpu.vector_load %arg22[%swap3A_1098, %swap3A_1099] {strides = array<i32>} : memref<2x256xf32, #tpu.memory_space<vmem>>, vector<16xf32>,
        tpu.vector_store %arg22[%swap3A_1098, %swap3A_1099], %add3A_1096 {strides = array<i32>} : memref<2x256xf32, #tpu.memory_space<vmem>>, vector<16xf32>,
        %get3A_1101 = arith.constant 0 : i32
        %get3A_1102 = arith.index_cast %get3A_1101 : i32 to index
        %get3A_1103 = arith.constant 80 : index
        %get3A_1104 = tpu.vector_load %arg22[%get3A_1102, %get3A_1103] {strides = array<i32>} : memref<2x256xf32, #tpu.memory_space<vmem>>, vector<16xf32>,
        %get3A_1105 = arith.index_cast %while3A_1039 : i32 to index
        %get3A_1106 = arith.constant 80 : index
        %get3A_1107 = tpu.vector_load %arg18[%get3A_1105, %get3A_1106] {strides = array<i32>} : memref<16x256xf32, #tpu.memory_space<vmem>>, vector<16xf32>,
        %add3A_1108 = arith.addf %get3A_1104, %get3A_1107 : vector<16xf32>
        %swap3A_1109 = arith.constant 0 : i32
        %swap3A_1110 = arith.index_cast %swap3A_1109 : i32 to index
        %swap3A_1111 = arith.constant 80 : index
        %swap3A_1112 = tpu.vector_load %arg22[%swap3A_1110, %swap3A_1111] {strides = array<i32>} : memref<2x256xf32, #tpu.memory_space<vmem>>, vector<16xf32>,
        tpu.vector_store %arg22[%swap3A_1110, %swap3A_1111], %add3A_1108 {strides = array<i32>} : memref<2x256xf32, #tpu.memory_space<vmem>>, vector<16xf32>,
        %get3A_1113 = arith.constant 0 : i32
        %get3A_1114 = arith.index_cast %get3A_1113 : i32 to index
        %get3A_1115 = arith.constant 96 : index
        %get3A_1116 = tpu.vector_load %arg22[%get3A_1114, %get3A_1115] {strides = array<i32>} : memref<2x256xf32, #tpu.memory_space<vmem>>, vector<16xf32>,
        %get3A_1117 = arith.index_cast %while3A_1039 : i32 to index
        %get3A_1118 = arith.constant 96 : index
        %get3A_1119 = tpu.vector_load %arg18[%get3A_1117, %get3A_1118] {strides = array<i32>} : memref<16x256xf32, #tpu.memory_space<vmem>>, vector<16xf32>,
        %add3A_1120 = arith.addf %get3A_1116, %get3A_1119 : vector<16xf32>
        %swap3A_1121 = arith.constant 0 : i32
        %swap3A_1122 = arith.index_cast %swap3A_1121 : i32 to index
        %swap3A_1123 = arith.constant 96 : index
        %swap3A_1124 = tpu.vector_load %arg22[%swap3A_1122, %swap3A_1123] {strides = array<i32>} : memref<2x256xf32, #tpu.memory_space<vmem>>, vector<16xf32>,
        tpu.vector_store %arg22[%swap3A_1122, %swap3A_1123], %add3A_1120 {strides = array<i32>} : memref<2x256xf32, #tpu.memory_space<vmem>>, vector<16xf32>,
        %get3A_1125 = arith.constant 0 : i32
        %get3A_1126 = arith.index_cast %get3A_1125 : i32 to index
        %get3A_1127 = arith.constant 112 : index
        %get3A_1128 = tpu.vector_load %arg22[%get3A_1126, %get3A_1127] {strides = array<i32>} : memref<2x256xf32, #tpu.memory_space<vmem>>, vector<16xf32>,
        %get3A_1129 = arith.index_cast %while3A_1039 : i32 to index
        %get3A_1130 = arith.constant 112 : index
        %get3A_1131 = tpu.vector_load %arg18[%get3A_1129, %get3A_1130] {strides = array<i32>} : memref<16x256xf32, #tpu.memory_space<vmem>>, vector<16xf32>,
        %add3A_1132 = arith.addf %get3A_1128, %get3A_1131 : vector<16xf32>
        %swap3A_1133 = arith.constant 0 : i32
        %swap3A_1134 = arith.index_cast %swap3A_1133 : i32 to index
        %swap3A_1135 = arith.constant 112 : index
        %swap3A_1136 = tpu.vector_load %arg22[%swap3A_1134, %swap3A_1135] {strides = array<i32>} : memref<2x256xf32, #tpu.memory_space<vmem>>, vector<16xf32>,
        tpu.vector_store %arg22[%swap3A_1134, %swap3A_1135], %add3A_1132 {strides = array<i32>} : memref<2x256xf32, #tpu.memory_space<vmem>>, vector<16xf32>,
        %get3A_1137 = arith.constant 0 : i32
        %get3A_1138 = arith.index_cast %get3A_1137 : i32 to index
        %get3A_1139 = arith.constant 128 : index
        %get3A_1140 = tpu.vector_load %arg22[%get3A_1138, %get3A_1139] {strides = array<i32>} : memref<2x256xf32, #tpu.memory_space<vmem>>, vector<16xf32>,
        %get3A_1141 = arith.index_cast %while3A_1039 : i32 to index
        %get3A_1142 = arith.constant 128 : index
        %get3A_1143 = tpu.vector_load %arg18[%get3A_1141, %get3A_1142] {strides = array<i32>} : memref<16x256xf32, #tpu.memory_space<vmem>>, vector<16xf32>,
        %add3A_1144 = arith.addf %get3A_1140, %get3A_1143 : vector<16xf32>
        %swap3A_1145 = arith.constant 0 : i32
        %swap3A_1146 = arith.index_cast %swap3A_1145 : i32 to index
        %swap3A_1147 = arith.constant 128 : index
        %swap3A_1148 = tpu.vector_load %arg22[%swap3A_1146, %swap3A_1147] {strides = array<i32>} : memref<2x256xf32, #tpu.memory_space<vmem>>, vector<16xf32>,
        tpu.vector_store %arg22[%swap3A_1146, %swap3A_1147], %add3A_1144 {strides = array<i32>} : memref<2x256xf32, #tpu.memory_space<vmem>>, vector<16xf32>,
        %get3A_1149 = arith.constant 0 : i32
        %get3A_1150 = arith.index_cast %get3A_1149 : i32 to index
        %get3A_1151 = arith.constant 144 : index
        %get3A_1152 = tpu.vector_load %arg22[%get3A_1150, %get3A_1151] {strides = array<i32>} : memref<2x256xf32, #tpu.memory_space<vmem>>, vector<16xf32>,
        %get3A_1153 = arith.index_cast %while3A_1039 : i32 to index
        %get3A_1154 = arith.constant 144 : index
        %get3A_1155 = tpu.vector_load %arg18[%get3A_1153, %get3A_1154] {strides = array<i32>} : memref<16x256xf32, #tpu.memory_space<vmem>>, vector<16xf32>,
        %add3A_1156 = arith.addf %get3A_1152, %get3A_1155 : vector<16xf32>
        %swap3A_1157 = arith.constant 0 : i32
        %swap3A_1158 = arith.index_cast %swap3A_1157 : i32 to index
        %swap3A_1159 = arith.constant 144 : index
        %swap3A_1160 = tpu.vector_load %arg22[%swap3A_1158, %swap3A_1159] {strides = array<i32>} : memref<2x256xf32, #tpu.memory_space<vmem>>, vector<16xf32>,
        tpu.vector_store %arg22[%swap3A_1158, %swap3A_1159], %add3A_1156 {strides = array<i32>} : memref<2x256xf32, #tpu.memory_space<vmem>>, vector<16xf32>,
        %get3A_1161 = arith.constant 0 : i32
        %get3A_1162 = arith.index_cast %get3A_1161 : i32 to index
        %get3A_1163 = arith.constant 160 : index
        %get3A_1164 = tpu.vector_load %arg22[%get3A_1162, %get3A_1163] {strides = array<i32>} : memref<2x256xf32, #tpu.memory_space<vmem>>, vector<16xf32>,
        %get3A_1165 = arith.index_cast %while3A_1039 : i32 to index
        %get3A_1166 = arith.constant 160 : index
        %get3A_1167 = tpu.vector_load %arg18[%get3A_1165, %get3A_1166] {strides = array<i32>} : memref<16x256xf32, #tpu.memory_space<vmem>>, vector<16xf32>,
        %add3A_1168 = arith.addf %get3A_1164, %get3A_1167 : vector<16xf32>
        %swap3A_1169 = arith.constant 0 : i32
        %swap3A_1170 = arith.index_cast %swap3A_1169 : i32 to index
        %swap3A_1171 = arith.constant 160 : index
        %swap3A_1172 = tpu.vector_load %arg22[%swap3A_1170, %swap3A_1171] {strides = array<i32>} : memref<2x256xf32, #tpu.memory_space<vmem>>, vector<16xf32>,
        tpu.vector_store %arg22[%swap3A_1170, %swap3A_1171], %add3A_1168 {strides = array<i32>} : memref<2x256xf32, #tpu.memory_space<vmem>>, vector<16xf32>,
        %get3A_1173 = arith.constant 0 : i32
        %get3A_1174 = arith.index_cast %get3A_1173 : i32 to index
        %get3A_1175 = arith.constant 176 : index
        %get3A_1176 = tpu.vector_load %arg22[%get3A_1174, %get3A_1175] {strides = array<i32>} : memref<2x256xf32, #tpu.memory_space<vmem>>, vector<16xf32>,
        %get3A_1177 = arith.index_cast %while3A_1039 : i32 to index
        %get3A_1178 = arith.constant 176 : index
        %get3A_1179 = tpu.vector_load %arg18[%get3A_1177, %get3A_1178] {strides = array<i32>} : memref<16x256xf32, #tpu.memory_space<vmem>>, vector<16xf32>,
        %add3A_1180 = arith.addf %get3A_1176, %get3A_1179 : vector<16xf32>
        %swap3A_1181 = arith.constant 0 : i32
        %swap3A_1182 = arith.index_cast %swap3A_1181 : i32 to index
        %swap3A_1183 = arith.constant 176 : index
        %swap3A_1184 = tpu.vector_load %arg22[%swap3A_1182, %swap3A_1183] {strides = array<i32>} : memref<2x256xf32, #tpu.memory_space<vmem>>, vector<16xf32>,
        tpu.vector_store %arg22[%swap3A_1182, %swap3A_1183], %add3A_1180 {strides = array<i32>} : memref<2x256xf32, #tpu.memory_space<vmem>>, vector<16xf32>,
        %get3A_1185 = arith.constant 0 : i32
        %get3A_1186 = arith.index_cast %get3A_1185 : i32 to index
        %get3A_1187 = arith.constant 192 : index
        %get3A_1188 = tpu.vector_load %arg22[%get3A_1186, %get3A_1187] {strides = array<i32>} : memref<2x256xf32, #tpu.memory_space<vmem>>, vector<16xf32>,
        %get3A_1189 = arith.index_cast %while3A_1039 : i32 to index
        %get3A_1190 = arith.constant 192 : index
        %get3A_1191 = tpu.vector_load %arg18[%get3A_1189, %get3A_1190] {strides = array<i32>} : memref<16x256xf32, #tpu.memory_space<vmem>>, vector<16xf32>,
        %add3A_1192 = arith.addf %get3A_1188, %get3A_1191 : vector<16xf32>
        %swap3A_1193 = arith.constant 0 : i32
        %swap3A_1194 = arith.index_cast %swap3A_1193 : i32 to index
        %swap3A_1195 = arith.constant 192 : index
        %swap3A_1196 = tpu.vector_load %arg22[%swap3A_1194, %swap3A_1195] {strides = array<i32>} : memref<2x256xf32, #tpu.memory_space<vmem>>, vector<16xf32>,
        tpu.vector_store %arg22[%swap3A_1194, %swap3A_1195], %add3A_1192 {strides = array<i32>} : memref<2x256xf32, #tpu.memory_space<vmem>>, vector<16xf32>,
        %get3A_1197 = arith.constant 0 : i32
        %get3A_1198 = arith.index_cast %get3A_1197 : i32 to index
        %get3A_1199 = arith.constant 208 : index
        %get3A_1200 = tpu.vector_load %arg22[%get3A_1198, %get3A_1199] {strides = array<i32>} : memref<2x256xf32, #tpu.memory_space<vmem>>, vector<16xf32>,
        %get3A_1201 = arith.index_cast %while3A_1039 : i32 to index
        %get3A_1202 = arith.constant 208 : index
        %get3A_1203 = tpu.vector_load %arg18[%get3A_1201, %get3A_1202] {strides = array<i32>} : memref<16x256xf32, #tpu.memory_space<vmem>>, vector<16xf32>,
        %add3A_1204 = arith.addf %get3A_1200, %get3A_1203 : vector<16xf32>
        %swap3A_1205 = arith.constant 0 : i32
        %swap3A_1206 = arith.index_cast %swap3A_1205 : i32 to index
        %swap3A_1207 = arith.constant 208 : index
        %swap3A_1208 = tpu.vector_load %arg22[%swap3A_1206, %swap3A_1207] {strides = array<i32>} : memref<2x256xf32, #tpu.memory_space<vmem>>, vector<16xf32>,
        tpu.vector_store %arg22[%swap3A_1206, %swap3A_1207], %add3A_1204 {strides = array<i32>} : memref<2x256xf32, #tpu.memory_space<vmem>>, vector<16xf32>,
        %get3A_1209 = arith.constant 0 : i32
        %get3A_1210 = arith.index_cast %get3A_1209 : i32 to index
        %get3A_1211 = arith.constant 224 : index
        %get3A_1212 = tpu.vector_load %arg22[%get3A_1210, %get3A_1211] {strides = array<i32>} : memref<2x256xf32, #tpu.memory_space<vmem>>, vector<16xf32>,
        %get3A_1213 = arith.index_cast %while3A_1039 : i32 to index
        %get3A_1214 = arith.constant 224 : index
        %get3A_1215 = tpu.vector_load %arg18[%get3A_1213, %get3A_1214] {strides = array<i32>} : memref<16x256xf32, #tpu.memory_space<vmem>>, vector<16xf32>,
        %add3A_1216 = arith.addf %get3A_1212, %get3A_1215 : vector<16xf32>
        %swap3A_1217 = arith.constant 0 : i32
        %swap3A_1218 = arith.index_cast %swap3A_1217 : i32 to index
        %swap3A_1219 = arith.constant 224 : index
        %swap3A_1220 = tpu.vector_load %arg22[%swap3A_1218, %swap3A_1219] {strides = array<i32>} : memref<2x256xf32, #tpu.memory_space<vmem>>, vector<16xf32>,
        tpu.vector_store %arg22[%swap3A_1218, %swap3A_1219], %add3A_1216 {strides = array<i32>} : memref<2x256xf32, #tpu.memory_space<vmem>>, vector<16xf32>,
        %get3A_1221 = arith.constant 0 : i32
        %get3A_1222 = arith.index_cast %get3A_1221 : i32 to index
        %get3A_1223 = arith.constant 240 : index
        %get3A_1224 = tpu.vector_load %arg22[%get3A_1222, %get3A_1223] {strides = array<i32>} : memref<2x256xf32, #tpu.memory_space<vmem>>, vector<16xf32>,
        %get3A_1225 = arith.index_cast %while3A_1039 : i32 to index
        %get3A_1226 = arith.constant 240 : index
        %get3A_1227 = tpu.vector_load %arg18[%get3A_1225, %get3A_1226] {strides = array<i32>} : memref<16x256xf32, #tpu.memory_space<vmem>>, vector<16xf32>,
        %add3A_1228 = arith.addf %get3A_1224, %get3A_1227 : vector<16xf32>
        %swap3A_1229 = arith.constant 0 : i32
        %swap3A_1230 = arith.index_cast %swap3A_1229 : i32 to index
        %swap3A_1231 = arith.constant 240 : index
        %swap3A_1232 = tpu.vector_load %arg22[%swap3A_1230, %swap3A_1231] {strides = array<i32>} : memref<2x256xf32, #tpu.memory_space<vmem>>, vector<16xf32>,
        tpu.vector_store %arg22[%swap3A_1230, %swap3A_1231], %add3A_1228 {strides = array<i32>} : memref<2x256xf32, #tpu.memory_space<vmem>>, vector<16xf32>,
        %while3A_1233 = arith.constant 0 : i32
        scf.yield %while3A_1233 : i32
      }
      %while3A_1036 = arith.constant 1 : i32
      %while3A_1037 = scf.for %while3A_1039 = %while3A_1033 to %while3A_1029 step %while3A_1036 iter_args(%while3A_1040 = %while3A_1035) -> (i32)  : i32 {
        %get3A_1041 = arith.constant 0 : i32
        %get3A_1042 = arith.index_cast %get3A_1041 : i32 to index
        %get3A_1043 = arith.constant 0 : index
        %get3A_1044 = tpu.vector_load %arg22[%get3A_1042, %get3A_1043] {strides = array<i32>} : memref<2x256xf32, #tpu.memory_space<vmem>>, vector<16xf32>,
        %get3A_1045 = arith.index_cast %while3A_1039 : i32 to index
        %get3A_1046 = arith.constant 0 : index
        %get3A_1047 = tpu.vector_load %arg18[%get3A_1045, %get3A_1046] {strides = array<i32>} : memref<16x256xf32, #tpu.memory_space<vmem>>, vector<16xf32>,
        %add3A_1048 = arith.addf %get3A_1044, %get3A_1047 : vector<16xf32>
        %swap3A_1049 = arith.constant 0 : i32
        %swap3A_1050 = arith.index_cast %swap3A_1049 : i32 to index
        %swap3A_1051 = arith.constant 0 : index
        %swap3A_1052 = tpu.vector_load %arg22[%swap3A_1050, %swap3A_1051] {strides = array<i32>} : memref<2x256xf32, #tpu.memory_space<vmem>>, vector<16xf32>,
        tpu.vector_store %arg22[%swap3A_1050, %swap3A_1051], %add3A_1048 {strides = array<i32>} : memref<2x256xf32, #tpu.memory_space<vmem>>, vector<16xf32>,
        %get3A_1053 = arith.constant 0 : i32
        %get3A_1054 = arith.index_cast %get3A_1053 : i32 to index
        %get3A_1055 = arith.constant 16 : index
        %get3A_1056 = tpu.vector_load %arg22[%get3A_1054, %get3A_1055] {strides = array<i32>} : memref<2x256xf32, #tpu.memory_space<vmem>>, vector<16xf32>,
        %get3A_1057 = arith.index_cast %while3A_1039 : i32 to index
        %get3A_1058 = arith.constant 16 : index
        %get3A_1059 = tpu.vector_load %arg18[%get3A_1057, %get3A_1058] {strides = array<i32>} : memref<16x256xf32, #tpu.memory_space<vmem>>, vector<16xf32>,
        %add3A_1060 = arith.addf %get3A_1056, %get3A_1059 : vector<16xf32>
        %swap3A_1061 = arith.constant 0 : i32
        %swap3A_1062 = arith.index_cast %swap3A_1061 : i32 to index
        %swap3A_1063 = arith.constant 16 : index
        %swap3A_1064 = tpu.vector_load %arg22[%swap3A_1062, %swap3A_1063] {strides = array<i32>} : memref<2x256xf32, #tpu.memory_space<vmem>>, vector<16xf32>,
        tpu.vector_store %arg22[%swap3A_1062, %swap3A_1063], %add3A_1060 {strides = array<i32>} : memref<2x256xf32, #tpu.memory_space<vmem>>, vector<16xf32>,
        %get3A_1065 = arith.constant 0 : i32
        %get3A_1066 = arith.index_cast %get3A_1065 : i32 to index
        %get3A_1067 = arith.constant 32 : index
        %get3A_1068 = tpu.vector_load %arg22[%get3A_1066, %get3A_1067] {strides = array<i32>} : memref<2x256xf32, #tpu.memory_space<vmem>>, vector<16xf32>,
        %get3A_1069 = arith.index_cast %while3A_1039 : i32 to index
        %get3A_1070 = arith.constant 32 : index
        %get3A_1071 = tpu.vector_load %arg18[%get3A_1069, %get3A_1070] {strides = array<i32>} : memref<16x256xf32, #tpu.memory_space<vmem>>, vector<16xf32>,
        %add3A_1072 = arith.addf %get3A_1068, %get3A_1071 : vector<16xf32>
        %swap3A_1073 = arith.constant 0 : i32
        %swap3A_1074 = arith.index_cast %swap3A_1073 : i32 to index
        %swap3A_1075 = arith.constant 32 : index
        %swap3A_1076 = tpu.vector_load %arg22[%swap3A_1074, %swap3A_1075] {strides = array<i32>} : memref<2x256xf32, #tpu.memory_space<vmem>>, vector<16xf32>,
        tpu.vector_store %arg22[%swap3A_1074, %swap3A_1075], %add3A_1072 {strides = array<i32>} : memref<2x256xf32, #tpu.memory_space<vmem>>, vector<16xf32>,
        %get3A_1077 = arith.constant 0 : i32
        %get3A_1078 = arith.index_cast %get3A_1077 : i32 to index
        %get3A_1079 = arith.constant 48 : index
        %get3A_1080 = tpu.vector_load %arg22[%get3A_1078, %get3A_1079] {strides = array<i32>} : memref<2x256xf32, #tpu.memory_space<vmem>>, vector<16xf32>,
        %get3A_1081 = arith.index_cast %while3A_1039 : i32 to index
        %get3A_1082 = arith.constant 48 : index
        %get3A_1083 = tpu.vector_load %arg18[%get3A_1081, %get3A_1082] {strides = array<i32>} : memref<16x256xf32, #tpu.memory_space<vmem>>, vector<16xf32>,
        %add3A_1084 = arith.addf %get3A_1080, %get3A_1083 : vector<16xf32>
        %swap3A_1085 = arith.constant 0 : i32
        %swap3A_1086 = arith.index_cast %swap3A_1085 : i32 to index
        %swap3A_1087 = arith.constant 48 : index
        %swap3A_1088 = tpu.vector_load %arg22[%swap3A_1086, %swap3A_1087] {strides = array<i32>} : memref<2x256xf32, #tpu.memory_space<vmem>>, vector<16xf32>,
        tpu.vector_store %arg22[%swap3A_1086, %swap3A_1087], %add3A_1084 {strides = array<i32>} : memref<2x256xf32, #tpu.memory_space<vmem>>, vector<16xf32>,
        %get3A_1089 = arith.constant 0 : i32
        %get3A_1090 = arith.index_cast %get3A_1089 : i32 to index
        %get3A_1091 = arith.constant 64 : index
        %get3A_1092 = tpu.vector_load %arg22[%get3A_1090, %get3A_1091] {strides = array<i32>} : memref<2x256xf32, #tpu.memory_space<vmem>>, vector<16xf32>,
        %get3A_1093 = arith.index_cast %while3A_1039 : i32 to index
        %get3A_1094 = arith.constant 64 : index
        %get3A_1095 = tpu.vector_load %arg18[%get3A_1093, %get3A_1094] {strides = array<i32>} : memref<16x256xf32, #tpu.memory_space<vmem>>, vector<16xf32>,
        %add3A_1096 = arith.addf %get3A_1092, %get3A_1095 : vector<16xf32>
        %swap3A_1097 = arith.constant 0 : i32
        %swap3A_1098 = arith.index_cast %swap3A_1097 : i32 to index
        %swap3A_1099 = arith.constant 64 : index
        %swap3A_1100 = tpu.vector_load %arg22[%swap3A_1098, %swap3A_1099] {strides = array<i32>} : memref<2x256xf32, #tpu.memory_space<vmem>>, vector<16xf32>,
        tpu.vector_store %arg22[%swap3A_1098, %swap3A_1099], %add3A_1096 {strides = array<i32>} : memref<2x256xf32, #tpu.memory_space<vmem>>, vector<16xf32>,
        %get3A_1101 = arith.constant 0 : i32
        %get3A_1102 = arith.index_cast %get3A_1101 : i32 to index
        %get3A_1103 = arith.constant 80 : index
        %get3A_1104 = tpu.vector_load %arg22[%get3A_1102, %get3A_1103] {strides = array<i32>} : memref<2x256xf32, #tpu.memory_space<vmem>>, vector<16xf32>,
        %get3A_1105 = arith.index_cast %while3A_1039 : i32 to index
        %get3A_1106 = arith.constant 80 : index
        %get3A_1107 = tpu.vector_load %arg18[%get3A_1105, %get3A_1106] {strides = array<i32>} : memref<16x256xf32, #tpu.memory_space<vmem>>, vector<16xf32>,
        %add3A_1108 = arith.addf %get3A_1104, %get3A_1107 : vector<16xf32>
        %swap3A_1109 = arith.constant 0 : i32
        %swap3A_1110 = arith.index_cast %swap3A_1109 : i32 to index
        %swap3A_1111 = arith.constant 80 : index
        %swap3A_1112 = tpu.vector_load %arg22[%swap3A_1110, %swap3A_1111] {strides = array<i32>} : memref<2x256xf32, #tpu.memory_space<vmem>>, vector<16xf32>,
        tpu.vector_store %arg22[%swap3A_1110, %swap3A_1111], %add3A_1108 {strides = array<i32>} : memref<2x256xf32, #tpu.memory_space<vmem>>, vector<16xf32>,
        %get3A_1113 = arith.constant 0 : i32
        %get3A_1114 = arith.index_cast %get3A_1113 : i32 to index
        %get3A_1115 = arith.constant 96 : index
        %get3A_1116 = tpu.vector_load %arg22[%get3A_1114, %get3A_1115] {strides = array<i32>} : memref<2x256xf32, #tpu.memory_space<vmem>>, vector<16xf32>,
        %get3A_1117 = arith.index_cast %while3A_1039 : i32 to index
        %get3A_1118 = arith.constant 96 : index
        %get3A_1119 = tpu.vector_load %arg18[%get3A_1117, %get3A_1118] {strides = array<i32>} : memref<16x256xf32, #tpu.memory_space<vmem>>, vector<16xf32>,
        %add3A_1120 = arith.addf %get3A_1116, %get3A_1119 : vector<16xf32>
        %swap3A_1121 = arith.constant 0 : i32
        %swap3A_1122 = arith.index_cast %swap3A_1121 : i32 to index
        %swap3A_1123 = arith.constant 96 : index
        %swap3A_1124 = tpu.vector_load %arg22[%swap3A_1122, %swap3A_1123] {strides = array<i32>} : memref<2x256xf32, #tpu.memory_space<vmem>>, vector<16xf32>,
        tpu.vector_store %arg22[%swap3A_1122, %swap3A_1123], %add3A_1120 {strides = array<i32>} : memref<2x256xf32, #tpu.memory_space<vmem>>, vector<16xf32>,
        %get3A_1125 = arith.constant 0 : i32
        %get3A_1126 = arith.index_cast %get3A_1125 : i32 to index
        %get3A_1127 = arith.constant 112 : index
        %get3A_1128 = tpu.vector_load %arg22[%get3A_1126, %get3A_1127] {strides = array<i32>} : memref<2x256xf32, #tpu.memory_space<vmem>>, vector<16xf32>,
        %get3A_1129 = arith.index_cast %while3A_1039 : i32 to index
        %get3A_1130 = arith.constant 112 : index
        %get3A_1131 = tpu.vector_load %arg18[%get3A_1129, %get3A_1130] {strides = array<i32>} : memref<16x256xf32, #tpu.memory_space<vmem>>, vector<16xf32>,
        %add3A_1132 = arith.addf %get3A_1128, %get3A_1131 : vector<16xf32>
        %swap3A_1133 = arith.constant 0 : i32
        %swap3A_1134 = arith.index_cast %swap3A_1133 : i32 to index
        %swap3A_1135 = arith.constant 112 : index
        %swap3A_1136 = tpu.vector_load %arg22[%swap3A_1134, %swap3A_1135] {strides = array<i32>} : memref<2x256xf32, #tpu.memory_space<vmem>>, vector<16xf32>,
        tpu.vector_store %arg22[%swap3A_1134, %swap3A_1135], %add3A_1132 {strides = array<i32>} : memref<2x256xf32, #tpu.memory_space<vmem>>, vector<16xf32>,
        %get3A_1137 = arith.constant 0 : i32
        %get3A_1138 = arith.index_cast %get3A_1137 : i32 to index
        %get3A_1139 = arith.constant 128 : index
        %get3A_1140 = tpu.vector_load %arg22[%get3A_1138, %get3A_1139] {strides = array<i32>} : memref<2x256xf32, #tpu.memory_space<vmem>>, vector<16xf32>,
        %get3A_1141 = arith.index_cast %while3A_1039 : i32 to index
        %get3A_1142 = arith.constant 128 : index
        %get3A_1143 = tpu.vector_load %arg18[%get3A_1141, %get3A_1142] {strides = array<i32>} : memref<16x256xf32, #tpu.memory_space<vmem>>, vector<16xf32>,
        %add3A_1144 = arith.addf %get3A_1140, %get3A_1143 : vector<16xf32>
        %swap3A_1145 = arith.constant 0 : i32
        %swap3A_1146 = arith.index_cast %swap3A_1145 : i32 to index
        %swap3A_1147 = arith.constant 128 : index
        %swap3A_1148 = tpu.vector_load %arg22[%swap3A_1146, %swap3A_1147] {strides = array<i32>} : memref<2x256xf32, #tpu.memory_space<vmem>>, vector<16xf32>,
        tpu.vector_store %arg22[%swap3A_1146, %swap3A_1147], %add3A_1144 {strides = array<i32>} : memref<2x256xf32, #tpu.memory_space<vmem>>, vector<16xf32>,
        %get3A_1149 = arith.constant 0 : i32
        %get3A_1150 = arith.index_cast %get3A_1149 : i32 to index
        %get3A_1151 = arith.constant 144 : index
        %get3A_1152 = tpu.vector_load %arg22[%get3A_1150, %get3A_1151] {strides = array<i32>} : memref<2x256xf32, #tpu.memory_space<vmem>>, vector<16xf32>,
        %get3A_1153 = arith.index_cast %while3A_1039 : i32 to index
        %get3A_1154 = arith.constant 144 : index
        %get3A_1155 = tpu.vector_load %arg18[%get3A_1153, %get3A_1154] {strides = array<i32>} : memref<16x256xf32, #tpu.memory_space<vmem>>, vector<16xf32>,
        %add3A_1156 = arith.addf %get3A_1152, %get3A_1155 : vector<16xf32>
        %swap3A_1157 = arith.constant 0 : i32
        %swap3A_1158 = arith.index_cast %swap3A_1157 : i32 to index
        %swap3A_1159 = arith.constant 144 : index
        %swap3A_1160 = tpu.vector_load %arg22[%swap3A_1158, %swap3A_1159] {strides = array<i32>} : memref<2x256xf32, #tpu.memory_space<vmem>>, vector<16xf32>,
        tpu.vector_store %arg22[%swap3A_1158, %swap3A_1159], %add3A_1156 {strides = array<i32>} : memref<2x256xf32, #tpu.memory_space<vmem>>, vector<16xf32>,
        %get3A_1161 = arith.constant 0 : i32
        %get3A_1162 = arith.index_cast %get3A_1161 : i32 to index
        %get3A_1163 = arith.constant 160 : index
        %get3A_1164 = tpu.vector_load %arg22[%get3A_1162, %get3A_1163] {strides = array<i32>} : memref<2x256xf32, #tpu.memory_space<vmem>>, vector<16xf32>,
        %get3A_1165 = arith.index_cast %while3A_1039 : i32 to index
        %get3A_1166 = arith.constant 160 : index
        %get3A_1167 = tpu.vector_load %arg18[%get3A_1165, %get3A_1166] {strides = array<i32>} : memref<16x256xf32, #tpu.memory_space<vmem>>, vector<16xf32>,
        %add3A_1168 = arith.addf %get3A_1164, %get3A_1167 : vector<16xf32>
        %swap3A_1169 = arith.constant 0 : i32
        %swap3A_1170 = arith.index_cast %swap3A_1169 : i32 to index
        %swap3A_1171 = arith.constant 160 : index
        %swap3A_1172 = tpu.vector_load %arg22[%swap3A_1170, %swap3A_1171] {strides = array<i32>} : memref<2x256xf32, #tpu.memory_space<vmem>>, vector<16xf32>,
        tpu.vector_store %arg22[%swap3A_1170, %swap3A_1171], %add3A_1168 {strides = array<i32>} : memref<2x256xf32, #tpu.memory_space<vmem>>, vector<16xf32>,
        %get3A_1173 = arith.constant 0 : i32
        %get3A_1174 = arith.index_cast %get3A_1173 : i32 to index
        %get3A_1175 = arith.constant 176 : index
        %get3A_1176 = tpu.vector_load %arg22[%get3A_1174, %get3A_1175] {strides = array<i32>} : memref<2x256xf32, #tpu.memory_space<vmem>>, vector<16xf32>,
        %get3A_1177 = arith.index_cast %while3A_1039 : i32 to index
        %get3A_1178 = arith.constant 176 : index
        %get3A_1179 = tpu.vector_load %arg18[%get3A_1177, %get3A_1178] {strides = array<i32>} : memref<16x256xf32, #tpu.memory_space<vmem>>, vector<16xf32>,
        %add3A_1180 = arith.addf %get3A_1176, %get3A_1179 : vector<16xf32>
        %swap3A_1181 = arith.constant 0 : i32
        %swap3A_1182 = arith.index_cast %swap3A_1181 : i32 to index
        %swap3A_1183 = arith.constant 176 : index
        %swap3A_1184 = tpu.vector_load %arg22[%swap3A_1182, %swap3A_1183] {strides = array<i32>} : memref<2x256xf32, #tpu.memory_space<vmem>>, vector<16xf32>,
        tpu.vector_store %arg22[%swap3A_1182, %swap3A_1183], %add3A_1180 {strides = array<i32>} : memref<2x256xf32, #tpu.memory_space<vmem>>, vector<16xf32>,
        %get3A_1185 = arith.constant 0 : i32
        %get3A_1186 = arith.index_cast %get3A_1185 : i32 to index
        %get3A_1187 = arith.constant 192 : index
        %get3A_1188 = tpu.vector_load %arg22[%get3A_1186, %get3A_1187] {strides = array<i32>} : memref<2x256xf32, #tpu.memory_space<vmem>>, vector<16xf32>,
        %get3A_1189 = arith.index_cast %while3A_1039 : i32 to index
        %get3A_1190 = arith.constant 192 : index
        %get3A_1191 = tpu.vector_load %arg18[%get3A_1189, %get3A_1190] {strides = array<i32>} : memref<16x256xf32, #tpu.memory_space<vmem>>, vector<16xf32>,
        %add3A_1192 = arith.addf %get3A_1188, %get3A_1191 : vector<16xf32>
        %swap3A_1193 = arith.constant 0 : i32
        %swap3A_1194 = arith.index_cast %swap3A_1193 : i32 to index
        %swap3A_1195 = arith.constant 192 : index
        %swap3A_1196 = tpu.vector_load %arg22[%swap3A_1194, %swap3A_1195] {strides = array<i32>} : memref<2x256xf32, #tpu.memory_space<vmem>>, vector<16xf32>,
        tpu.vector_store %arg22[%swap3A_1194, %swap3A_1195], %add3A_1192 {strides = array<i32>} : memref<2x256xf32, #tpu.memory_space<vmem>>, vector<16xf32>,
        %get3A_1197 = arith.constant 0 : i32
        %get3A_1198 = arith.index_cast %get3A_1197 : i32 to index
        %get3A_1199 = arith.constant 208 : index
        %get3A_1200 = tpu.vector_load %arg22[%get3A_1198, %get3A_1199] {strides = array<i32>} : memref<2x256xf32, #tpu.memory_space<vmem>>, vector<16xf32>,
        %get3A_1201 = arith.index_cast %while3A_1039 : i32 to index
        %get3A_1202 = arith.constant 208 : index
        %get3A_1203 = tpu.vector_load %arg18[%get3A_1201, %get3A_1202] {strides = array<i32>} : memref<16x256xf32, #tpu.memory_space<vmem>>, vector<16xf32>,
        %add3A_1204 = arith.addf %get3A_1200, %get3A_1203 : vector<16xf32>
        %swap3A_1205 = arith.constant 0 : i32
        %swap3A_1206 = arith.index_cast %swap3A_1205 : i32 to index
        %swap3A_1207 = arith.constant 208 : index
        %swap3A_1208 = tpu.vector_load %arg22[%swap3A_1206, %swap3A_1207] {strides = array<i32>} : memref<2x256xf32, #tpu.memory_space<vmem>>, vector<16xf32>,
        tpu.vector_store %arg22[%swap3A_1206, %swap3A_1207], %add3A_1204 {strides = array<i32>} : memref<2x256xf32, #tpu.memory_space<vmem>>, vector<16xf32>,
        %get3A_1209 = arith.constant 0 : i32
        %get3A_1210 = arith.index_cast %get3A_1209 : i32 to index
        %get3A_1211 = arith.constant 224 : index
        %get3A_1212 = tpu.vector_load %arg22[%get3A_1210, %get3A_1211] {strides = array<i32>} : memref<2x256xf32, #tpu.memory_space<vmem>>, vector<16xf32>,
        %get3A_1213 = arith.index_cast %while3A_1039 : i32 to index
        %get3A_1214 = arith.constant 224 : index
        %get3A_1215 = tpu.vector_load %arg18[%get3A_1213, %get3A_1214] {strides = array<i32>} : memref<16x256xf32, #tpu.memory_space<vmem>>, vector<16xf32>,
        %add3A_1216 = arith.addf %get3A_1212, %get3A_1215 : vector<16xf32>
        %swap3A_1217 = arith.constant 0 : i32
        %swap3A_1218 = arith.index_cast %swap3A_1217 : i32 to index
        %swap3A_1219 = arith.constant 224 : index
        %swap3A_1220 = tpu.vector_load %arg22[%swap3A_1218, %swap3A_1219] {strides = array<i32>} : memref<2x256xf32, #tpu.memory_space<vmem>>, vector<16xf32>,
        tpu.vector_store %arg22[%swap3A_1218, %swap3A_1219], %add3A_1216 {strides = array<i32>} : memref<2x256xf32, #tpu.memory_space<vmem>>, vector<16xf32>,
        %get3A_1221 = arith.constant 0 : i32
        %get3A_1222 = arith.index_cast %get3A_1221 : i32 to index
        %get3A_1223 = arith.constant 240 : index
        %get3A_1224 = tpu.vector_load %arg22[%get3A_1222, %get3A_1223] {strides = array<i32>} : memref<2x256xf32, #tpu.memory_space<vmem>>, vector<16xf32>,
        %get3A_1225 = arith.index_cast %while3A_1039 : i32 to index
        %get3A_1226 = arith.constant 240 : index
        %get3A_1227 = tpu.vector_load %arg18[%get3A_1225, %get3A_1226] {strides = array<i32>} : memref<16x256xf32, #tpu.memory_space<vmem>>, vector<16xf32>,
        %add3A_1228 = arith.addf %get3A_1224, %get3A_1227 : vector<16xf32>
        %swap3A_1229 = arith.constant 0 : i32
        %swap3A_1230 = arith.index_cast %swap3A_1229 : i32 to index
        %swap3A_1231 = arith.constant 240 : index
        %swap3A_1232 = tpu.vector_load %arg22[%swap3A_1230, %swap3A_1231] {strides = array<i32>} : memref<2x256xf32, #tpu.memory_space<vmem>>, vector<16xf32>,
        tpu.vector_store %arg22[%swap3A_1230, %swap3A_1231], %add3A_1228 {strides = array<i32>} : memref<2x256xf32, #tpu.memory_space<vmem>>, vector<16xf32>,
        %while3A_1233 = arith.constant 0 : i32
        scf.yield %while3A_1233 : i32
      }
      %while3A_1038 = arith.constant 0 : i32
      scf.yield %while3A_1038 : i32
    }
    %while3A_411 = arith.constant 1 : i32
    %while3A_412 = scf.for %while3A_1003 = %while3A_408 to %while3A_404 step %while3A_411 iter_args(%while3A_1004 = %while3A_410) -> (i32)  : i32 {
      %mul3A_1005 = arith.constant 16 : i32
      %mul3A_1006 = arith.muli %while3A_1003, %mul3A_1005 : i32
      %get3A_1007 = arith.index_cast %mul3A_1006 : i32 to index
      %get3A_1008 = tpu.vector_load %arg16[%get3A_1007] {strides = array<i32>} : memref<10016xi32, #tpu.memory_space<vmem>>, vector<16xi32>,
      %add3A_1009 = vector.broadcast %mul3A_380 : i32 to vector<16xi32>
      %add3A_1010 = arith.addi %get3A_1008, %add3A_1009 : vector<16xi32>
      %swap3A_1011 = arith.constant 0 : index
      %swap3A_1012 = tpu.vector_load %arg19[%swap3A_1011] {strides = array<i32>} : memref<16xi32, #tpu.memory_space<vmem>>, vector<16xi32>,
      tpu.vector_store %arg19[%swap3A_1011], %add3A_1010 {strides = array<i32>} : memref<16xi32, #tpu.memory_space<vmem>>, vector<16xi32>,
      %dma_start3A = arith.constant 0 : i32
      %dma_start3A_1013 = tpu.memref_slice %arg5[%dma_start3A] : memref<320000xi32, #tpu.memory_space<hbm>> -> memref<320000xi32, #tpu.memory_space<hbm>>
      tpu.enqueue_indirect_dma source(%dma_start3A_1013 : memref<320000xi32, #tpu.memory_space<hbm>>) target(%arg20 : memref<16xi32, #tpu.memory_space<vmem>>) offsets(%arg19 : memref<16xi32, #tpu.memory_space<vmem>>) semaphore(%arg29 : memref<!tpu.dma_semaphore, #tpu.memory_space<semaphore_mem>>)
      %dma_wait3A = arith.constant 0 : i32
      %dma_wait3A_1014 = tpu.memref_slice %arg5[%dma_wait3A] : memref<320000xi32, #tpu.memory_space<hbm>> -> memref<320000xi32, #tpu.memory_space<hbm>>
      tpu.wait_indirect_dma semaphore(%arg29 : memref<!tpu.dma_semaphore, #tpu.memory_space<semaphore_mem>>) src(%dma_wait3A_1014 : memref<320000xi32, #tpu.memory_space<hbm>>) dst(%arg20 : memref<16xi32, #tpu.memory_space<vmem>>)
      %dma_start3A_1015 = arith.constant 0 : i32
      %dma_start3A_1016 = arith.constant 0 : i32
      %dma_start3A_1017 = tpu.memref_slice %arg8[%dma_start3A_1015, %dma_start3A_1016] : memref<10000x256xf32, #tpu.memory_space<hbm>> -> memref<10000x256xf32, #tpu.memory_space<hbm>>
      tpu.enqueue_indirect_dma source(%dma_start3A_1017 : memref<10000x256xf32, #tpu.memory_space<hbm>>) target(%arg18 : memref<16x256xf32, #tpu.memory_space<vmem>>) offsets(%arg20 : memref<16xi32, #tpu.memory_space<vmem>>) semaphore(%arg29 : memref<!tpu.dma_semaphore, #tpu.memory_space<semaphore_mem>>)
      %dma_wait3A_1018 = arith.constant 0 : i32
      %dma_wait3A_1019 = arith.constant 0 : i32
      %dma_wait3A_1020 = tpu.memref_slice %arg8[%dma_wait3A_1018, %dma_wait3A_1019] : memref<10000x256xf32, #tpu.memory_space<hbm>> -> memref<10000x256xf32, #tpu.memory_space<hbm>>
      tpu.wait_indirect_dma semaphore(%arg29 : memref<!tpu.dma_semaphore, #tpu.memory_space<semaphore_mem>>) src(%dma_wait3A_1020 : memref<10000x256xf32, #tpu.memory_space<hbm>>) dst(%arg18 : memref<16x256xf32, #tpu.memory_space<vmem>>)
      %mul3A_1021 = arith.constant 16 : i32
      %mul3A_1022 = arith.muli %while3A_1003, %mul3A_1021 : i32
      %sub3A_1023 = arith.subi %add3A_163, %mul3A_1022 : i32
      %min3A_1024 = arith.constant 16 : i32
      %min3A_1025 = arith.minsi %sub3A_1023, %min3A_1024 : i32
      %while3A_1026 = arith.constant 0 : i32
      %while3A_1027 = arith.constant 0 : i32
      %while3A_1028 = arith.subi %min3A_1025, %while3A_1026 : i32
      %while3A_1029 = arith.addi %while3A_1026, %while3A_1028 : i32
      %while3A_1030 = arith.constant 1 : i32
      %while3A_1031 = arith.divsi %while3A_1028, %while3A_1030 : i32
      %while3A_1032 = arith.muli %while3A_1031, %while3A_1030 : i32
      %while3A_1033 = arith.addi %while3A_1026, %while3A_1032 : i32
      %while3A_1034 = arith.constant 1 : i32
      %while3A_1035 = scf.for %while3A_1039 = %while3A_1026 to %while3A_1033 step %while3A_1034 iter_args(%while3A_1040 = %while3A_1027) -> (i32)  : i32 {
        %get3A_1041 = arith.constant 0 : i32
        %get3A_1042 = arith.index_cast %get3A_1041 : i32 to index
        %get3A_1043 = arith.constant 0 : index
        %get3A_1044 = tpu.vector_load %arg22[%get3A_1042, %get3A_1043] {strides = array<i32>} : memref<2x256xf32, #tpu.memory_space<vmem>>, vector<16xf32>,
        %get3A_1045 = arith.index_cast %while3A_1039 : i32 to index
        %get3A_1046 = arith.constant 0 : index
        %get3A_1047 = tpu.vector_load %arg18[%get3A_1045, %get3A_1046] {strides = array<i32>} : memref<16x256xf32, #tpu.memory_space<vmem>>, vector<16xf32>,
        %add3A_1048 = arith.addf %get3A_1044, %get3A_1047 : vector<16xf32>
        %swap3A_1049 = arith.constant 0 : i32
        %swap3A_1050 = arith.index_cast %swap3A_1049 : i32 to index
        %swap3A_1051 = arith.constant 0 : index
        %swap3A_1052 = tpu.vector_load %arg22[%swap3A_1050, %swap3A_1051] {strides = array<i32>} : memref<2x256xf32, #tpu.memory_space<vmem>>, vector<16xf32>,
        tpu.vector_store %arg22[%swap3A_1050, %swap3A_1051], %add3A_1048 {strides = array<i32>} : memref<2x256xf32, #tpu.memory_space<vmem>>, vector<16xf32>,
        %get3A_1053 = arith.constant 0 : i32
        %get3A_1054 = arith.index_cast %get3A_1053 : i32 to index
        %get3A_1055 = arith.constant 16 : index
        %get3A_1056 = tpu.vector_load %arg22[%get3A_1054, %get3A_1055] {strides = array<i32>} : memref<2x256xf32, #tpu.memory_space<vmem>>, vector<16xf32>,
        %get3A_1057 = arith.index_cast %while3A_1039 : i32 to index
        %get3A_1058 = arith.constant 16 : index
        %get3A_1059 = tpu.vector_load %arg18[%get3A_1057, %get3A_1058] {strides = array<i32>} : memref<16x256xf32, #tpu.memory_space<vmem>>, vector<16xf32>,
        %add3A_1060 = arith.addf %get3A_1056, %get3A_1059 : vector<16xf32>
        %swap3A_1061 = arith.constant 0 : i32
        %swap3A_1062 = arith.index_cast %swap3A_1061 : i32 to index
        %swap3A_1063 = arith.constant 16 : index
        %swap3A_1064 = tpu.vector_load %arg22[%swap3A_1062, %swap3A_1063] {strides = array<i32>} : memref<2x256xf32, #tpu.memory_space<vmem>>, vector<16xf32>,
        tpu.vector_store %arg22[%swap3A_1062, %swap3A_1063], %add3A_1060 {strides = array<i32>} : memref<2x256xf32, #tpu.memory_space<vmem>>, vector<16xf32>,
        %get3A_1065 = arith.constant 0 : i32
        %get3A_1066 = arith.index_cast %get3A_1065 : i32 to index
        %get3A_1067 = arith.constant 32 : index
        %get3A_1068 = tpu.vector_load %arg22[%get3A_1066, %get3A_1067] {strides = array<i32>} : memref<2x256xf32, #tpu.memory_space<vmem>>, vector<16xf32>,
        %get3A_1069 = arith.index_cast %while3A_1039 : i32 to index
        %get3A_1070 = arith.constant 32 : index
        %get3A_1071 = tpu.vector_load %arg18[%get3A_1069, %get3A_1070] {strides = array<i32>} : memref<16x256xf32, #tpu.memory_space<vmem>>, vector<16xf32>,
        %add3A_1072 = arith.addf %get3A_1068, %get3A_1071 : vector<16xf32>
        %swap3A_1073 = arith.constant 0 : i32
        %swap3A_1074 = arith.index_cast %swap3A_1073 : i32 to index
        %swap3A_1075 = arith.constant 32 : index
        %swap3A_1076 = tpu.vector_load %arg22[%swap3A_1074, %swap3A_1075] {strides = array<i32>} : memref<2x256xf32, #tpu.memory_space<vmem>>, vector<16xf32>,
        tpu.vector_store %arg22[%swap3A_1074, %swap3A_1075], %add3A_1072 {strides = array<i32>} : memref<2x256xf32, #tpu.memory_space<vmem>>, vector<16xf32>,
        %get3A_1077 = arith.constant 0 : i32
        %get3A_1078 = arith.index_cast %get3A_1077 : i32 to index
        %get3A_1079 = arith.constant 48 : index
        %get3A_1080 = tpu.vector_load %arg22[%get3A_1078, %get3A_1079] {strides = array<i32>} : memref<2x256xf32, #tpu.memory_space<vmem>>, vector<16xf32>,
        %get3A_1081 = arith.index_cast %while3A_1039 : i32 to index
        %get3A_1082 = arith.constant 48 : index
        %get3A_1083 = tpu.vector_load %arg18[%get3A_1081, %get3A_1082] {strides = array<i32>} : memref<16x256xf32, #tpu.memory_space<vmem>>, vector<16xf32>,
        %add3A_1084 = arith.addf %get3A_1080, %get3A_1083 : vector<16xf32>
        %swap3A_1085 = arith.constant 0 : i32
        %swap3A_1086 = arith.index_cast %swap3A_1085 : i32 to index
        %swap3A_1087 = arith.constant 48 : index
        %swap3A_1088 = tpu.vector_load %arg22[%swap3A_1086, %swap3A_1087] {strides = array<i32>} : memref<2x256xf32, #tpu.memory_space<vmem>>, vector<16xf32>,
        tpu.vector_store %arg22[%swap3A_1086, %swap3A_1087], %add3A_1084 {strides = array<i32>} : memref<2x256xf32, #tpu.memory_space<vmem>>, vector<16xf32>,
        %get3A_1089 = arith.constant 0 : i32
        %get3A_1090 = arith.index_cast %get3A_1089 : i32 to index
        %get3A_1091 = arith.constant 64 : index
        %get3A_1092 = tpu.vector_load %arg22[%get3A_1090, %get3A_1091] {strides = array<i32>} : memref<2x256xf32, #tpu.memory_space<vmem>>, vector<16xf32>,
        %get3A_1093 = arith.index_cast %while3A_1039 : i32 to index
        %get3A_1094 = arith.constant 64 : index
        %get3A_1095 = tpu.vector_load %arg18[%get3A_1093, %get3A_1094] {strides = array<i32>} : memref<16x256xf32, #tpu.memory_space<vmem>>, vector<16xf32>,
        %add3A_1096 = arith.addf %get3A_1092, %get3A_1095 : vector<16xf32>
        %swap3A_1097 = arith.constant 0 : i32
        %swap3A_1098 = arith.index_cast %swap3A_1097 : i32 to index
        %swap3A_1099 = arith.constant 64 : index
        %swap3A_1100 = tpu.vector_load %arg22[%swap3A_1098, %swap3A_1099] {strides = array<i32>} : memref<2x256xf32, #tpu.memory_space<vmem>>, vector<16xf32>,
        tpu.vector_store %arg22[%swap3A_1098, %swap3A_1099], %add3A_1096 {strides = array<i32>} : memref<2x256xf32, #tpu.memory_space<vmem>>, vector<16xf32>,
        %get3A_1101 = arith.constant 0 : i32
        %get3A_1102 = arith.index_cast %get3A_1101 : i32 to index
        %get3A_1103 = arith.constant 80 : index
        %get3A_1104 = tpu.vector_load %arg22[%get3A_1102, %get3A_1103] {strides = array<i32>} : memref<2x256xf32, #tpu.memory_space<vmem>>, vector<16xf32>,
        %get3A_1105 = arith.index_cast %while3A_1039 : i32 to index
        %get3A_1106 = arith.constant 80 : index
        %get3A_1107 = tpu.vector_load %arg18[%get3A_1105, %get3A_1106] {strides = array<i32>} : memref<16x256xf32, #tpu.memory_space<vmem>>, vector<16xf32>,
        %add3A_1108 = arith.addf %get3A_1104, %get3A_1107 : vector<16xf32>
        %swap3A_1109 = arith.constant 0 : i32
        %swap3A_1110 = arith.index_cast %swap3A_1109 : i32 to index
        %swap3A_1111 = arith.constant 80 : index
        %swap3A_1112 = tpu.vector_load %arg22[%swap3A_1110, %swap3A_1111] {strides = array<i32>} : memref<2x256xf32, #tpu.memory_space<vmem>>, vector<16xf32>,
        tpu.vector_store %arg22[%swap3A_1110, %swap3A_1111], %add3A_1108 {strides = array<i32>} : memref<2x256xf32, #tpu.memory_space<vmem>>, vector<16xf32>,
        %get3A_1113 = arith.constant 0 : i32
        %get3A_1114 = arith.index_cast %get3A_1113 : i32 to index
        %get3A_1115 = arith.constant 96 : index
        %get3A_1116 = tpu.vector_load %arg22[%get3A_1114, %get3A_1115] {strides = array<i32>} : memref<2x256xf32, #tpu.memory_space<vmem>>, vector<16xf32>,
        %get3A_1117 = arith.index_cast %while3A_1039 : i32 to index
        %get3A_1118 = arith.constant 96 : index
        %get3A_1119 = tpu.vector_load %arg18[%get3A_1117, %get3A_1118] {strides = array<i32>} : memref<16x256xf32, #tpu.memory_space<vmem>>, vector<16xf32>,
        %add3A_1120 = arith.addf %get3A_1116, %get3A_1119 : vector<16xf32>
        %swap3A_1121 = arith.constant 0 : i32
        %swap3A_1122 = arith.index_cast %swap3A_1121 : i32 to index
        %swap3A_1123 = arith.constant 96 : index
        %swap3A_1124 = tpu.vector_load %arg22[%swap3A_1122, %swap3A_1123] {strides = array<i32>} : memref<2x256xf32, #tpu.memory_space<vmem>>, vector<16xf32>,
        tpu.vector_store %arg22[%swap3A_1122, %swap3A_1123], %add3A_1120 {strides = array<i32>} : memref<2x256xf32, #tpu.memory_space<vmem>>, vector<16xf32>,
        %get3A_1125 = arith.constant 0 : i32
        %get3A_1126 = arith.index_cast %get3A_1125 : i32 to index
        %get3A_1127 = arith.constant 112 : index
        %get3A_1128 = tpu.vector_load %arg22[%get3A_1126, %get3A_1127] {strides = array<i32>} : memref<2x256xf32, #tpu.memory_space<vmem>>, vector<16xf32>,
        %get3A_1129 = arith.index_cast %while3A_1039 : i32 to index
        %get3A_1130 = arith.constant 112 : index
        %get3A_1131 = tpu.vector_load %arg18[%get3A_1129, %get3A_1130] {strides = array<i32>} : memref<16x256xf32, #tpu.memory_space<vmem>>, vector<16xf32>,
        %add3A_1132 = arith.addf %get3A_1128, %get3A_1131 : vector<16xf32>
        %swap3A_1133 = arith.constant 0 : i32
        %swap3A_1134 = arith.index_cast %swap3A_1133 : i32 to index
        %swap3A_1135 = arith.constant 112 : index
        %swap3A_1136 = tpu.vector_load %arg22[%swap3A_1134, %swap3A_1135] {strides = array<i32>} : memref<2x256xf32, #tpu.memory_space<vmem>>, vector<16xf32>,
        tpu.vector_store %arg22[%swap3A_1134, %swap3A_1135], %add3A_1132 {strides = array<i32>} : memref<2x256xf32, #tpu.memory_space<vmem>>, vector<16xf32>,
        %get3A_1137 = arith.constant 0 : i32
        %get3A_1138 = arith.index_cast %get3A_1137 : i32 to index
        %get3A_1139 = arith.constant 128 : index
        %get3A_1140 = tpu.vector_load %arg22[%get3A_1138, %get3A_1139] {strides = array<i32>} : memref<2x256xf32, #tpu.memory_space<vmem>>, vector<16xf32>,
        %get3A_1141 = arith.index_cast %while3A_1039 : i32 to index
        %get3A_1142 = arith.constant 128 : index
        %get3A_1143 = tpu.vector_load %arg18[%get3A_1141, %get3A_1142] {strides = array<i32>} : memref<16x256xf32, #tpu.memory_space<vmem>>, vector<16xf32>,
        %add3A_1144 = arith.addf %get3A_1140, %get3A_1143 : vector<16xf32>
        %swap3A_1145 = arith.constant 0 : i32
        %swap3A_1146 = arith.index_cast %swap3A_1145 : i32 to index
        %swap3A_1147 = arith.constant 128 : index
        %swap3A_1148 = tpu.vector_load %arg22[%swap3A_1146, %swap3A_1147] {strides = array<i32>} : memref<2x256xf32, #tpu.memory_space<vmem>>, vector<16xf32>,
        tpu.vector_store %arg22[%swap3A_1146, %swap3A_1147], %add3A_1144 {strides = array<i32>} : memref<2x256xf32, #tpu.memory_space<vmem>>, vector<16xf32>,
        %get3A_1149 = arith.constant 0 : i32
        %get3A_1150 = arith.index_cast %get3A_1149 : i32 to index
        %get3A_1151 = arith.constant 144 : index
        %get3A_1152 = tpu.vector_load %arg22[%get3A_1150, %get3A_1151] {strides = array<i32>} : memref<2x256xf32, #tpu.memory_space<vmem>>, vector<16xf32>,
        %get3A_1153 = arith.index_cast %while3A_1039 : i32 to index
        %get3A_1154 = arith.constant 144 : index
        %get3A_1155 = tpu.vector_load %arg18[%get3A_1153, %get3A_1154] {strides = array<i32>} : memref<16x256xf32, #tpu.memory_space<vmem>>, vector<16xf32>,
        %add3A_1156 = arith.addf %get3A_1152, %get3A_1155 : vector<16xf32>
        %swap3A_1157 = arith.constant 0 : i32
        %swap3A_1158 = arith.index_cast %swap3A_1157 : i32 to index
        %swap3A_1159 = arith.constant 144 : index
        %swap3A_1160 = tpu.vector_load %arg22[%swap3A_1158, %swap3A_1159] {strides = array<i32>} : memref<2x256xf32, #tpu.memory_space<vmem>>, vector<16xf32>,
        tpu.vector_store %arg22[%swap3A_1158, %swap3A_1159], %add3A_1156 {strides = array<i32>} : memref<2x256xf32, #tpu.memory_space<vmem>>, vector<16xf32>,
        %get3A_1161 = arith.constant 0 : i32
        %get3A_1162 = arith.index_cast %get3A_1161 : i32 to index
        %get3A_1163 = arith.constant 160 : index
        %get3A_1164 = tpu.vector_load %arg22[%get3A_1162, %get3A_1163] {strides = array<i32>} : memref<2x256xf32, #tpu.memory_space<vmem>>, vector<16xf32>,
        %get3A_1165 = arith.index_cast %while3A_1039 : i32 to index
        %get3A_1166 = arith.constant 160 : index
        %get3A_1167 = tpu.vector_load %arg18[%get3A_1165, %get3A_1166] {strides = array<i32>} : memref<16x256xf32, #tpu.memory_space<vmem>>, vector<16xf32>,
        %add3A_1168 = arith.addf %get3A_1164, %get3A_1167 : vector<16xf32>
        %swap3A_1169 = arith.constant 0 : i32
        %swap3A_1170 = arith.index_cast %swap3A_1169 : i32 to index
        %swap3A_1171 = arith.constant 160 : index
        %swap3A_1172 = tpu.vector_load %arg22[%swap3A_1170, %swap3A_1171] {strides = array<i32>} : memref<2x256xf32, #tpu.memory_space<vmem>>, vector<16xf32>,
        tpu.vector_store %arg22[%swap3A_1170, %swap3A_1171], %add3A_1168 {strides = array<i32>} : memref<2x256xf32, #tpu.memory_space<vmem>>, vector<16xf32>,
        %get3A_1173 = arith.constant 0 : i32
        %get3A_1174 = arith.index_cast %get3A_1173 : i32 to index
        %get3A_1175 = arith.constant 176 : index
        %get3A_1176 = tpu.vector_load %arg22[%get3A_1174, %get3A_1175] {strides = array<i32>} : memref<2x256xf32, #tpu.memory_space<vmem>>, vector<16xf32>,
        %get3A_1177 = arith.index_cast %while3A_1039 : i32 to index
        %get3A_1178 = arith.constant 176 : index
        %get3A_1179 = tpu.vector_load %arg18[%get3A_1177, %get3A_1178] {strides = array<i32>} : memref<16x256xf32, #tpu.memory_space<vmem>>, vector<16xf32>,
        %add3A_1180 = arith.addf %get3A_1176, %get3A_1179 : vector<16xf32>
        %swap3A_1181 = arith.constant 0 : i32
        %swap3A_1182 = arith.index_cast %swap3A_1181 : i32 to index
        %swap3A_1183 = arith.constant 176 : index
        %swap3A_1184 = tpu.vector_load %arg22[%swap3A_1182, %swap3A_1183] {strides = array<i32>} : memref<2x256xf32, #tpu.memory_space<vmem>>, vector<16xf32>,
        tpu.vector_store %arg22[%swap3A_1182, %swap3A_1183], %add3A_1180 {strides = array<i32>} : memref<2x256xf32, #tpu.memory_space<vmem>>, vector<16xf32>,
        %get3A_1185 = arith.constant 0 : i32
        %get3A_1186 = arith.index_cast %get3A_1185 : i32 to index
        %get3A_1187 = arith.constant 192 : index
        %get3A_1188 = tpu.vector_load %arg22[%get3A_1186, %get3A_1187] {strides = array<i32>} : memref<2x256xf32, #tpu.memory_space<vmem>>, vector<16xf32>,
        %get3A_1189 = arith.index_cast %while3A_1039 : i32 to index
        %get3A_1190 = arith.constant 192 : index
        %get3A_1191 = tpu.vector_load %arg18[%get3A_1189, %get3A_1190] {strides = array<i32>} : memref<16x256xf32, #tpu.memory_space<vmem>>, vector<16xf32>,
        %add3A_1192 = arith.addf %get3A_1188, %get3A_1191 : vector<16xf32>
        %swap3A_1193 = arith.constant 0 : i32
        %swap3A_1194 = arith.index_cast %swap3A_1193 : i32 to index
        %swap3A_1195 = arith.constant 192 : index
        %swap3A_1196 = tpu.vector_load %arg22[%swap3A_1194, %swap3A_1195] {strides = array<i32>} : memref<2x256xf32, #tpu.memory_space<vmem>>, vector<16xf32>,
        tpu.vector_store %arg22[%swap3A_1194, %swap3A_1195], %add3A_1192 {strides = array<i32>} : memref<2x256xf32, #tpu.memory_space<vmem>>, vector<16xf32>,
        %get3A_1197 = arith.constant 0 : i32
        %get3A_1198 = arith.index_cast %get3A_1197 : i32 to index
        %get3A_1199 = arith.constant 208 : index
        %get3A_1200 = tpu.vector_load %arg22[%get3A_1198, %get3A_1199] {strides = array<i32>} : memref<2x256xf32, #tpu.memory_space<vmem>>, vector<16xf32>,
        %get3A_1201 = arith.index_cast %while3A_1039 : i32 to index
        %get3A_1202 = arith.constant 208 : index
        %get3A_1203 = tpu.vector_load %arg18[%get3A_1201, %get3A_1202] {strides = array<i32>} : memref<16x256xf32, #tpu.memory_space<vmem>>, vector<16xf32>,
        %add3A_1204 = arith.addf %get3A_1200, %get3A_1203 : vector<16xf32>
        %swap3A_1205 = arith.constant 0 : i32
        %swap3A_1206 = arith.index_cast %swap3A_1205 : i32 to index
        %swap3A_1207 = arith.constant 208 : index
        %swap3A_1208 = tpu.vector_load %arg22[%swap3A_1206, %swap3A_1207] {strides = array<i32>} : memref<2x256xf32, #tpu.memory_space<vmem>>, vector<16xf32>,
        tpu.vector_store %arg22[%swap3A_1206, %swap3A_1207], %add3A_1204 {strides = array<i32>} : memref<2x256xf32, #tpu.memory_space<vmem>>, vector<16xf32>,
        %get3A_1209 = arith.constant 0 : i32
        %get3A_1210 = arith.index_cast %get3A_1209 : i32 to index
        %get3A_1211 = arith.constant 224 : index
        %get3A_1212 = tpu.vector_load %arg22[%get3A_1210, %get3A_1211] {strides = array<i32>} : memref<2x256xf32, #tpu.memory_space<vmem>>, vector<16xf32>,
        %get3A_1213 = arith.index_cast %while3A_1039 : i32 to index
        %get3A_1214 = arith.constant 224 : index
        %get3A_1215 = tpu.vector_load %arg18[%get3A_1213, %get3A_1214] {strides = array<i32>} : memref<16x256xf32, #tpu.memory_space<vmem>>, vector<16xf32>,
        %add3A_1216 = arith.addf %get3A_1212, %get3A_1215 : vector<16xf32>
        %swap3A_1217 = arith.constant 0 : i32
        %swap3A_1218 = arith.index_cast %swap3A_1217 : i32 to index
        %swap3A_1219 = arith.constant 224 : index
        %swap3A_1220 = tpu.vector_load %arg22[%swap3A_1218, %swap3A_1219] {strides = array<i32>} : memref<2x256xf32, #tpu.memory_space<vmem>>, vector<16xf32>,
        tpu.vector_store %arg22[%swap3A_1218, %swap3A_1219], %add3A_1216 {strides = array<i32>} : memref<2x256xf32, #tpu.memory_space<vmem>>, vector<16xf32>,
        %get3A_1221 = arith.constant 0 : i32
        %get3A_1222 = arith.index_cast %get3A_1221 : i32 to index
        %get3A_1223 = arith.constant 240 : index
        %get3A_1224 = tpu.vector_load %arg22[%get3A_1222, %get3A_1223] {strides = array<i32>} : memref<2x256xf32, #tpu.memory_space<vmem>>, vector<16xf32>,
        %get3A_1225 = arith.index_cast %while3A_1039 : i32 to index
        %get3A_1226 = arith.constant 240 : index
        %get3A_1227 = tpu.vector_load %arg18[%get3A_1225, %get3A_1226] {strides = array<i32>} : memref<16x256xf32, #tpu.memory_space<vmem>>, vector<16xf32>,
        %add3A_1228 = arith.addf %get3A_1224, %get3A_1227 : vector<16xf32>
        %swap3A_1229 = arith.constant 0 : i32
        %swap3A_1230 = arith.index_cast %swap3A_1229 : i32 to index
        %swap3A_1231 = arith.constant 240 : index
        %swap3A_1232 = tpu.vector_load %arg22[%swap3A_1230, %swap3A_1231] {strides = array<i32>} : memref<2x256xf32, #tpu.memory_space<vmem>>, vector<16xf32>,
        tpu.vector_store %arg22[%swap3A_1230, %swap3A_1231], %add3A_1228 {strides = array<i32>} : memref<2x256xf32, #tpu.memory_space<vmem>>, vector<16xf32>,
        %while3A_1233 = arith.constant 0 : i32
        scf.yield %while3A_1233 : i32
      }
      %while3A_1036 = arith.constant 1 : i32
      %while3A_1037 = scf.for %while3A_1039 = %while3A_1033 to %while3A_1029 step %while3A_1036 iter_args(%while3A_1040 = %while3A_1035) -> (i32)  : i32 {
        %get3A_1041 = arith.constant 0 : i32
        %get3A_1042 = arith.index_cast %get3A_1041 : i32 to index
        %get3A_1043 = arith.constant 0 : index
        %get3A_1044 = tpu.vector_load %arg22[%get3A_1042, %get3A_1043] {strides = array<i32>} : memref<2x256xf32, #tpu.memory_space<vmem>>, vector<16xf32>,
        %get3A_1045 = arith.index_cast %while3A_1039 : i32 to index
        %get3A_1046 = arith.constant 0 : index
        %get3A_1047 = tpu.vector_load %arg18[%get3A_1045, %get3A_1046] {strides = array<i32>} : memref<16x256xf32, #tpu.memory_space<vmem>>, vector<16xf32>,
        %add3A_1048 = arith.addf %get3A_1044, %get3A_1047 : vector<16xf32>
        %swap3A_1049 = arith.constant 0 : i32
        %swap3A_1050 = arith.index_cast %swap3A_1049 : i32 to index
        %swap3A_1051 = arith.constant 0 : index
        %swap3A_1052 = tpu.vector_load %arg22[%swap3A_1050, %swap3A_1051] {strides = array<i32>} : memref<2x256xf32, #tpu.memory_space<vmem>>, vector<16xf32>,
        tpu.vector_store %arg22[%swap3A_1050, %swap3A_1051], %add3A_1048 {strides = array<i32>} : memref<2x256xf32, #tpu.memory_space<vmem>>, vector<16xf32>,
        %get3A_1053 = arith.constant 0 : i32
        %get3A_1054 = arith.index_cast %get3A_1053 : i32 to index
        %get3A_1055 = arith.constant 16 : index
        %get3A_1056 = tpu.vector_load %arg22[%get3A_1054, %get3A_1055] {strides = array<i32>} : memref<2x256xf32, #tpu.memory_space<vmem>>, vector<16xf32>,
        %get3A_1057 = arith.index_cast %while3A_1039 : i32 to index
        %get3A_1058 = arith.constant 16 : index
        %get3A_1059 = tpu.vector_load %arg18[%get3A_1057, %get3A_1058] {strides = array<i32>} : memref<16x256xf32, #tpu.memory_space<vmem>>, vector<16xf32>,
        %add3A_1060 = arith.addf %get3A_1056, %get3A_1059 : vector<16xf32>
        %swap3A_1061 = arith.constant 0 : i32
        %swap3A_1062 = arith.index_cast %swap3A_1061 : i32 to index
        %swap3A_1063 = arith.constant 16 : index
        %swap3A_1064 = tpu.vector_load %arg22[%swap3A_1062, %swap3A_1063] {strides = array<i32>} : memref<2x256xf32, #tpu.memory_space<vmem>>, vector<16xf32>,
        tpu.vector_store %arg22[%swap3A_1062, %swap3A_1063], %add3A_1060 {strides = array<i32>} : memref<2x256xf32, #tpu.memory_space<vmem>>, vector<16xf32>,
        %get3A_1065 = arith.constant 0 : i32
        %get3A_1066 = arith.index_cast %get3A_1065 : i32 to index
        %get3A_1067 = arith.constant 32 : index
        %get3A_1068 = tpu.vector_load %arg22[%get3A_1066, %get3A_1067] {strides = array<i32>} : memref<2x256xf32, #tpu.memory_space<vmem>>, vector<16xf32>,
        %get3A_1069 = arith.index_cast %while3A_1039 : i32 to index
        %get3A_1070 = arith.constant 32 : index
        %get3A_1071 = tpu.vector_load %arg18[%get3A_1069, %get3A_1070] {strides = array<i32>} : memref<16x256xf32, #tpu.memory_space<vmem>>, vector<16xf32>,
        %add3A_1072 = arith.addf %get3A_1068, %get3A_1071 : vector<16xf32>
        %swap3A_1073 = arith.constant 0 : i32
        %swap3A_1074 = arith.index_cast %swap3A_1073 : i32 to index
        %swap3A_1075 = arith.constant 32 : index
        %swap3A_1076 = tpu.vector_load %arg22[%swap3A_1074, %swap3A_1075] {strides = array<i32>} : memref<2x256xf32, #tpu.memory_space<vmem>>, vector<16xf32>,
        tpu.vector_store %arg22[%swap3A_1074, %swap3A_1075], %add3A_1072 {strides = array<i32>} : memref<2x256xf32, #tpu.memory_space<vmem>>, vector<16xf32>,
        %get3A_1077 = arith.constant 0 : i32
        %get3A_1078 = arith.index_cast %get3A_1077 : i32 to index
        %get3A_1079 = arith.constant 48 : index
        %get3A_1080 = tpu.vector_load %arg22[%get3A_1078, %get3A_1079] {strides = array<i32>} : memref<2x256xf32, #tpu.memory_space<vmem>>, vector<16xf32>,
        %get3A_1081 = arith.index_cast %while3A_1039 : i32 to index
        %get3A_1082 = arith.constant 48 : index
        %get3A_1083 = tpu.vector_load %arg18[%get3A_1081, %get3A_1082] {strides = array<i32>} : memref<16x256xf32, #tpu.memory_space<vmem>>, vector<16xf32>,
        %add3A_1084 = arith.addf %get3A_1080, %get3A_1083 : vector<16xf32>
        %swap3A_1085 = arith.constant 0 : i32
        %swap3A_1086 = arith.index_cast %swap3A_1085 : i32 to index
        %swap3A_1087 = arith.constant 48 : index
        %swap3A_1088 = tpu.vector_load %arg22[%swap3A_1086, %swap3A_1087] {strides = array<i32>} : memref<2x256xf32, #tpu.memory_space<vmem>>, vector<16xf32>,
        tpu.vector_store %arg22[%swap3A_1086, %swap3A_1087], %add3A_1084 {strides = array<i32>} : memref<2x256xf32, #tpu.memory_space<vmem>>, vector<16xf32>,
        %get3A_1089 = arith.constant 0 : i32
        %get3A_1090 = arith.index_cast %get3A_1089 : i32 to index
        %get3A_1091 = arith.constant 64 : index
        %get3A_1092 = tpu.vector_load %arg22[%get3A_1090, %get3A_1091] {strides = array<i32>} : memref<2x256xf32, #tpu.memory_space<vmem>>, vector<16xf32>,
        %get3A_1093 = arith.index_cast %while3A_1039 : i32 to index
        %get3A_1094 = arith.constant 64 : index
        %get3A_1095 = tpu.vector_load %arg18[%get3A_1093, %get3A_1094] {strides = array<i32>} : memref<16x256xf32, #tpu.memory_space<vmem>>, vector<16xf32>,
        %add3A_1096 = arith.addf %get3A_1092, %get3A_1095 : vector<16xf32>
        %swap3A_1097 = arith.constant 0 : i32
        %swap3A_1098 = arith.index_cast %swap3A_1097 : i32 to index
        %swap3A_1099 = arith.constant 64 : index
        %swap3A_1100 = tpu.vector_load %arg22[%swap3A_1098, %swap3A_1099] {strides = array<i32>} : memref<2x256xf32, #tpu.memory_space<vmem>>, vector<16xf32>,
        tpu.vector_store %arg22[%swap3A_1098, %swap3A_1099], %add3A_1096 {strides = array<i32>} : memref<2x256xf32, #tpu.memory_space<vmem>>, vector<16xf32>,
        %get3A_1101 = arith.constant 0 : i32
        %get3A_1102 = arith.index_cast %get3A_1101 : i32 to index
        %get3A_1103 = arith.constant 80 : index
        %get3A_1104 = tpu.vector_load %arg22[%get3A_1102, %get3A_1103] {strides = array<i32>} : memref<2x256xf32, #tpu.memory_space<vmem>>, vector<16xf32>,
        %get3A_1105 = arith.index_cast %while3A_1039 : i32 to index
        %get3A_1106 = arith.constant 80 : index
        %get3A_1107 = tpu.vector_load %arg18[%get3A_1105, %get3A_1106] {strides = array<i32>} : memref<16x256xf32, #tpu.memory_space<vmem>>, vector<16xf32>,
        %add3A_1108 = arith.addf %get3A_1104, %get3A_1107 : vector<16xf32>
        %swap3A_1109 = arith.constant 0 : i32
        %swap3A_1110 = arith.index_cast %swap3A_1109 : i32 to index
        %swap3A_1111 = arith.constant 80 : index
        %swap3A_1112 = tpu.vector_load %arg22[%swap3A_1110, %swap3A_1111] {strides = array<i32>} : memref<2x256xf32, #tpu.memory_space<vmem>>, vector<16xf32>,
        tpu.vector_store %arg22[%swap3A_1110, %swap3A_1111], %add3A_1108 {strides = array<i32>} : memref<2x256xf32, #tpu.memory_space<vmem>>, vector<16xf32>,
        %get3A_1113 = arith.constant 0 : i32
        %get3A_1114 = arith.index_cast %get3A_1113 : i32 to index
        %get3A_1115 = arith.constant 96 : index
        %get3A_1116 = tpu.vector_load %arg22[%get3A_1114, %get3A_1115] {strides = array<i32>} : memref<2x256xf32, #tpu.memory_space<vmem>>, vector<16xf32>,
        %get3A_1117 = arith.index_cast %while3A_1039 : i32 to index
        %get3A_1118 = arith.constant 96 : index
        %get3A_1119 = tpu.vector_load %arg18[%get3A_1117, %get3A_1118] {strides = array<i32>} : memref<16x256xf32, #tpu.memory_space<vmem>>, vector<16xf32>,
        %add3A_1120 = arith.addf %get3A_1116, %get3A_1119 : vector<16xf32>
        %swap3A_1121 = arith.constant 0 : i32
        %swap3A_1122 = arith.index_cast %swap3A_1121 : i32 to index
        %swap3A_1123 = arith.constant 96 : index
        %swap3A_1124 = tpu.vector_load %arg22[%swap3A_1122, %swap3A_1123] {strides = array<i32>} : memref<2x256xf32, #tpu.memory_space<vmem>>, vector<16xf32>,
        tpu.vector_store %arg22[%swap3A_1122, %swap3A_1123], %add3A_1120 {strides = array<i32>} : memref<2x256xf32, #tpu.memory_space<vmem>>, vector<16xf32>,
        %get3A_1125 = arith.constant 0 : i32
        %get3A_1126 = arith.index_cast %get3A_1125 : i32 to index
        %get3A_1127 = arith.constant 112 : index
        %get3A_1128 = tpu.vector_load %arg22[%get3A_1126, %get3A_1127] {strides = array<i32>} : memref<2x256xf32, #tpu.memory_space<vmem>>, vector<16xf32>,
        %get3A_1129 = arith.index_cast %while3A_1039 : i32 to index
        %get3A_1130 = arith.constant 112 : index
        %get3A_1131 = tpu.vector_load %arg18[%get3A_1129, %get3A_1130] {strides = array<i32>} : memref<16x256xf32, #tpu.memory_space<vmem>>, vector<16xf32>,
        %add3A_1132 = arith.addf %get3A_1128, %get3A_1131 : vector<16xf32>
        %swap3A_1133 = arith.constant 0 : i32
        %swap3A_1134 = arith.index_cast %swap3A_1133 : i32 to index
        %swap3A_1135 = arith.constant 112 : index
        %swap3A_1136 = tpu.vector_load %arg22[%swap3A_1134, %swap3A_1135] {strides = array<i32>} : memref<2x256xf32, #tpu.memory_space<vmem>>, vector<16xf32>,
        tpu.vector_store %arg22[%swap3A_1134, %swap3A_1135], %add3A_1132 {strides = array<i32>} : memref<2x256xf32, #tpu.memory_space<vmem>>, vector<16xf32>,
        %get3A_1137 = arith.constant 0 : i32
        %get3A_1138 = arith.index_cast %get3A_1137 : i32 to index
        %get3A_1139 = arith.constant 128 : index
        %get3A_1140 = tpu.vector_load %arg22[%get3A_1138, %get3A_1139] {strides = array<i32>} : memref<2x256xf32, #tpu.memory_space<vmem>>, vector<16xf32>,
        %get3A_1141 = arith.index_cast %while3A_1039 : i32 to index
        %get3A_1142 = arith.constant 128 : index
        %get3A_1143 = tpu.vector_load %arg18[%get3A_1141, %get3A_1142] {strides = array<i32>} : memref<16x256xf32, #tpu.memory_space<vmem>>, vector<16xf32>,
        %add3A_1144 = arith.addf %get3A_1140, %get3A_1143 : vector<16xf32>
        %swap3A_1145 = arith.constant 0 : i32
        %swap3A_1146 = arith.index_cast %swap3A_1145 : i32 to index
        %swap3A_1147 = arith.constant 128 : index
        %swap3A_1148 = tpu.vector_load %arg22[%swap3A_1146, %swap3A_1147] {strides = array<i32>} : memref<2x256xf32, #tpu.memory_space<vmem>>, vector<16xf32>,
        tpu.vector_store %arg22[%swap3A_1146, %swap3A_1147], %add3A_1144 {strides = array<i32>} : memref<2x256xf32, #tpu.memory_space<vmem>>, vector<16xf32>,
        %get3A_1149 = arith.constant 0 : i32
        %get3A_1150 = arith.index_cast %get3A_1149 : i32 to index
        %get3A_1151 = arith.constant 144 : index
        %get3A_1152 = tpu.vector_load %arg22[%get3A_1150, %get3A_1151] {strides = array<i32>} : memref<2x256xf32, #tpu.memory_space<vmem>>, vector<16xf32>,
        %get3A_1153 = arith.index_cast %while3A_1039 : i32 to index
        %get3A_1154 = arith.constant 144 : index
        %get3A_1155 = tpu.vector_load %arg18[%get3A_1153, %get3A_1154] {strides = array<i32>} : memref<16x256xf32, #tpu.memory_space<vmem>>, vector<16xf32>,
        %add3A_1156 = arith.addf %get3A_1152, %get3A_1155 : vector<16xf32>
        %swap3A_1157 = arith.constant 0 : i32
        %swap3A_1158 = arith.index_cast %swap3A_1157 : i32 to index
        %swap3A_1159 = arith.constant 144 : index
        %swap3A_1160 = tpu.vector_load %arg22[%swap3A_1158, %swap3A_1159] {strides = array<i32>} : memref<2x256xf32, #tpu.memory_space<vmem>>, vector<16xf32>,
        tpu.vector_store %arg22[%swap3A_1158, %swap3A_1159], %add3A_1156 {strides = array<i32>} : memref<2x256xf32, #tpu.memory_space<vmem>>, vector<16xf32>,
        %get3A_1161 = arith.constant 0 : i32
        %get3A_1162 = arith.index_cast %get3A_1161 : i32 to index
        %get3A_1163 = arith.constant 160 : index
        %get3A_1164 = tpu.vector_load %arg22[%get3A_1162, %get3A_1163] {strides = array<i32>} : memref<2x256xf32, #tpu.memory_space<vmem>>, vector<16xf32>,
        %get3A_1165 = arith.index_cast %while3A_1039 : i32 to index
        %get3A_1166 = arith.constant 160 : index
        %get3A_1167 = tpu.vector_load %arg18[%get3A_1165, %get3A_1166] {strides = array<i32>} : memref<16x256xf32, #tpu.memory_space<vmem>>, vector<16xf32>,
        %add3A_1168 = arith.addf %get3A_1164, %get3A_1167 : vector<16xf32>
        %swap3A_1169 = arith.constant 0 : i32
        %swap3A_1170 = arith.index_cast %swap3A_1169 : i32 to index
        %swap3A_1171 = arith.constant 160 : index
        %swap3A_1172 = tpu.vector_load %arg22[%swap3A_1170, %swap3A_1171] {strides = array<i32>} : memref<2x256xf32, #tpu.memory_space<vmem>>, vector<16xf32>,
        tpu.vector_store %arg22[%swap3A_1170, %swap3A_1171], %add3A_1168 {strides = array<i32>} : memref<2x256xf32, #tpu.memory_space<vmem>>, vector<16xf32>,
        %get3A_1173 = arith.constant 0 : i32
        %get3A_1174 = arith.index_cast %get3A_1173 : i32 to index
        %get3A_1175 = arith.constant 176 : index
        %get3A_1176 = tpu.vector_load %arg22[%get3A_1174, %get3A_1175] {strides = array<i32>} : memref<2x256xf32, #tpu.memory_space<vmem>>, vector<16xf32>,
        %get3A_1177 = arith.index_cast %while3A_1039 : i32 to index
        %get3A_1178 = arith.constant 176 : index
        %get3A_1179 = tpu.vector_load %arg18[%get3A_1177, %get3A_1178] {strides = array<i32>} : memref<16x256xf32, #tpu.memory_space<vmem>>, vector<16xf32>,
        %add3A_1180 = arith.addf %get3A_1176, %get3A_1179 : vector<16xf32>
        %swap3A_1181 = arith.constant 0 : i32
        %swap3A_1182 = arith.index_cast %swap3A_1181 : i32 to index
        %swap3A_1183 = arith.constant 176 : index
        %swap3A_1184 = tpu.vector_load %arg22[%swap3A_1182, %swap3A_1183] {strides = array<i32>} : memref<2x256xf32, #tpu.memory_space<vmem>>, vector<16xf32>,
        tpu.vector_store %arg22[%swap3A_1182, %swap3A_1183], %add3A_1180 {strides = array<i32>} : memref<2x256xf32, #tpu.memory_space<vmem>>, vector<16xf32>,
        %get3A_1185 = arith.constant 0 : i32
        %get3A_1186 = arith.index_cast %get3A_1185 : i32 to index
        %get3A_1187 = arith.constant 192 : index
        %get3A_1188 = tpu.vector_load %arg22[%get3A_1186, %get3A_1187] {strides = array<i32>} : memref<2x256xf32, #tpu.memory_space<vmem>>, vector<16xf32>,
        %get3A_1189 = arith.index_cast %while3A_1039 : i32 to index
        %get3A_1190 = arith.constant 192 : index
        %get3A_1191 = tpu.vector_load %arg18[%get3A_1189, %get3A_1190] {strides = array<i32>} : memref<16x256xf32, #tpu.memory_space<vmem>>, vector<16xf32>,
        %add3A_1192 = arith.addf %get3A_1188, %get3A_1191 : vector<16xf32>
        %swap3A_1193 = arith.constant 0 : i32
        %swap3A_1194 = arith.index_cast %swap3A_1193 : i32 to index
        %swap3A_1195 = arith.constant 192 : index
        %swap3A_1196 = tpu.vector_load %arg22[%swap3A_1194, %swap3A_1195] {strides = array<i32>} : memref<2x256xf32, #tpu.memory_space<vmem>>, vector<16xf32>,
        tpu.vector_store %arg22[%swap3A_1194, %swap3A_1195], %add3A_1192 {strides = array<i32>} : memref<2x256xf32, #tpu.memory_space<vmem>>, vector<16xf32>,
        %get3A_1197 = arith.constant 0 : i32
        %get3A_1198 = arith.index_cast %get3A_1197 : i32 to index
        %get3A_1199 = arith.constant 208 : index
        %get3A_1200 = tpu.vector_load %arg22[%get3A_1198, %get3A_1199] {strides = array<i32>} : memref<2x256xf32, #tpu.memory_space<vmem>>, vector<16xf32>,
        %get3A_1201 = arith.index_cast %while3A_1039 : i32 to index
        %get3A_1202 = arith.constant 208 : index
        %get3A_1203 = tpu.vector_load %arg18[%get3A_1201, %get3A_1202] {strides = array<i32>} : memref<16x256xf32, #tpu.memory_space<vmem>>, vector<16xf32>,
        %add3A_1204 = arith.addf %get3A_1200, %get3A_1203 : vector<16xf32>
        %swap3A_1205 = arith.constant 0 : i32
        %swap3A_1206 = arith.index_cast %swap3A_1205 : i32 to index
        %swap3A_1207 = arith.constant 208 : index
        %swap3A_1208 = tpu.vector_load %arg22[%swap3A_1206, %swap3A_1207] {strides = array<i32>} : memref<2x256xf32, #tpu.memory_space<vmem>>, vector<16xf32>,
        tpu.vector_store %arg22[%swap3A_1206, %swap3A_1207], %add3A_1204 {strides = array<i32>} : memref<2x256xf32, #tpu.memory_space<vmem>>, vector<16xf32>,
        %get3A_1209 = arith.constant 0 : i32
        %get3A_1210 = arith.index_cast %get3A_1209 : i32 to index
        %get3A_1211 = arith.constant 224 : index
        %get3A_1212 = tpu.vector_load %arg22[%get3A_1210, %get3A_1211] {strides = array<i32>} : memref<2x256xf32, #tpu.memory_space<vmem>>, vector<16xf32>,
        %get3A_1213 = arith.index_cast %while3A_1039 : i32 to index
        %get3A_1214 = arith.constant 224 : index
        %get3A_1215 = tpu.vector_load %arg18[%get3A_1213, %get3A_1214] {strides = array<i32>} : memref<16x256xf32, #tpu.memory_space<vmem>>, vector<16xf32>,
        %add3A_1216 = arith.addf %get3A_1212, %get3A_1215 : vector<16xf32>
        %swap3A_1217 = arith.constant 0 : i32
        %swap3A_1218 = arith.index_cast %swap3A_1217 : i32 to index
        %swap3A_1219 = arith.constant 224 : index
        %swap3A_1220 = tpu.vector_load %arg22[%swap3A_1218, %swap3A_1219] {strides = array<i32>} : memref<2x256xf32, #tpu.memory_space<vmem>>, vector<16xf32>,
        tpu.vector_store %arg22[%swap3A_1218, %swap3A_1219], %add3A_1216 {strides = array<i32>} : memref<2x256xf32, #tpu.memory_space<vmem>>, vector<16xf32>,
        %get3A_1221 = arith.constant 0 : i32
        %get3A_1222 = arith.index_cast %get3A_1221 : i32 to index
        %get3A_1223 = arith.constant 240 : index
        %get3A_1224 = tpu.vector_load %arg22[%get3A_1222, %get3A_1223] {strides = array<i32>} : memref<2x256xf32, #tpu.memory_space<vmem>>, vector<16xf32>,
        %get3A_1225 = arith.index_cast %while3A_1039 : i32 to index
        %get3A_1226 = arith.constant 240 : index
        %get3A_1227 = tpu.vector_load %arg18[%get3A_1225, %get3A_1226] {strides = array<i32>} : memref<16x256xf32, #tpu.memory_space<vmem>>, vector<16xf32>,
        %add3A_1228 = arith.addf %get3A_1224, %get3A_1227 : vector<16xf32>
        %swap3A_1229 = arith.constant 0 : i32
        %swap3A_1230 = arith.index_cast %swap3A_1229 : i32 to index
        %swap3A_1231 = arith.constant 240 : index
        %swap3A_1232 = tpu.vector_load %arg22[%swap3A_1230, %swap3A_1231] {strides = array<i32>} : memref<2x256xf32, #tpu.memory_space<vmem>>, vector<16xf32>,
        tpu.vector_store %arg22[%swap3A_1230, %swap3A_1231], %add3A_1228 {strides = array<i32>} : memref<2x256xf32, #tpu.memory_space<vmem>>, vector<16xf32>,
        %while3A_1233 = arith.constant 0 : i32
        scf.yield %while3A_1233 : i32
      }
      %while3A_1038 = arith.constant 0 : i32
      scf.yield %while3A_1038 : i32
    }
    %mul3A_413 = arith.constant 640 : i32
    %mul3A_414 = arith.muli %arg1, %mul3A_413 : i32
    %add3A_415 = arith.constant 16 : i32
    %add3A_416 = arith.addi %add3A_374, %add3A_415 : i32
    %sub3A_417 = arith.constant 1 : i32
    %sub3A_418 = arith.subi %add3A_416, %sub3A_417 : i32
    %jit3A_419 = arith.constant 16 : i32
    %div3A_420 = arith.divsi %sub3A_418, %jit3A_419 : i32
    %sign3A_421 = arith.constant 0 : i32
    %sign3A_422 = arith.cmpi sgt, %sub3A_418, %sign3A_421 : i32
    %sign3A_423 = arith.extui %sign3A_422 : i1 to i32
    %sign3A_424 = arith.constant 0 : i32
    %sign3A_425 = arith.cmpi slt, %sub3A_418, %sign3A_424 : i32
    %sign3A_426 = arith.extui %sign3A_425 : i1 to i32
    %sign3A_427 = arith.subi %sign3A_423, %sign3A_426 : i32
    %sign3A_428 = arith.constant 0 : i32
    %sign3A_429 = arith.cmpi sgt, %jit3A_419, %sign3A_428 : i32
    %sign3A_430 = arith.extui %sign3A_429 : i1 to i32
    %sign3A_431 = arith.constant 0 : i32
    %sign3A_432 = arith.cmpi slt, %jit3A_419, %sign3A_431 : i32
    %sign3A_433 = arith.extui %sign3A_432 : i1 to i32
    %sign3A_434 = arith.subi %sign3A_430, %sign3A_433 : i32
    %ne3A_435 = arith.cmpi ne, %sign3A_427, %sign3A_434 : i32
    %rem3A_436 = arith.remsi %sub3A_418, %jit3A_419 : i32
    %ne3A_437 = arith.constant 0 : i32
    %ne3A_438 = arith.cmpi ne, %rem3A_436, %ne3A_437 : i32
    %and3A_439 = arith.andi %ne3A_435, %ne3A_438 : i1
    %sub3A_440 = arith.constant 1 : i32
    %sub3A_441 = arith.subi %div3A_420, %sub3A_440 : i32
    %select_n3A_442 = arith.select %and3A_439, %sub3A_441, %div3A_420 : i32
    %while3A_443 = arith.constant 0 : i32
    %while3A_444 = arith.constant 0 : i32
    %while3A_445 = arith.subi %select_n3A_442, %while3A_443 : i32
    %while3A_446 = arith.addi %while3A_443, %while3A_445 : i32
    %while3A_447 = arith.constant 1 : i32
    %while3A_448 = arith.divsi %while3A_445, %while3A_447 : i32
    %while3A_449 = arith.muli %while3A_448, %while3A_447 : i32
    %while3A_450 = arith.addi %while3A_443, %while3A_449 : i32
    %while3A_451 = arith.constant 1 : i32
    %while3A_452 = scf.for %while3A_1003 = %while3A_443 to %while3A_450 step %while3A_451 iter_args(%while3A_1004 = %while3A_444) -> (i32)  : i32 {
      %mul3A_1005 = arith.constant 16 : i32
      %mul3A_1006 = arith.muli %while3A_1003, %mul3A_1005 : i32
      %get3A_1007 = arith.index_cast %mul3A_1006 : i32 to index
      %get3A_1008 = tpu.vector_load %arg17[%get3A_1007] {strides = array<i32>} : memref<656xi32, #tpu.memory_space<vmem>>, vector<16xi32>,
      %add3A_1009 = vector.broadcast %mul3A_414 : i32 to vector<16xi32>
      %add3A_1010 = arith.addi %get3A_1008, %add3A_1009 : vector<16xi32>
      %swap3A_1011 = arith.constant 0 : index
      %swap3A_1012 = tpu.vector_load %arg19[%swap3A_1011] {strides = array<i32>} : memref<16xi32, #tpu.memory_space<vmem>>, vector<16xi32>,
      tpu.vector_store %arg19[%swap3A_1011], %add3A_1010 {strides = array<i32>} : memref<16xi32, #tpu.memory_space<vmem>>, vector<16xi32>,
      %dma_start3A = arith.constant 0 : i32
      %dma_start3A_1013 = tpu.memref_slice %arg7[%dma_start3A] : memref<10000xi32, #tpu.memory_space<hbm>> -> memref<10000xi32, #tpu.memory_space<hbm>>
      tpu.enqueue_indirect_dma source(%dma_start3A_1013 : memref<10000xi32, #tpu.memory_space<hbm>>) target(%arg20 : memref<16xi32, #tpu.memory_space<vmem>>) offsets(%arg19 : memref<16xi32, #tpu.memory_space<vmem>>) semaphore(%arg29 : memref<!tpu.dma_semaphore, #tpu.memory_space<semaphore_mem>>)
      %dma_wait3A = arith.constant 0 : i32
      %dma_wait3A_1014 = tpu.memref_slice %arg7[%dma_wait3A] : memref<10000xi32, #tpu.memory_space<hbm>> -> memref<10000xi32, #tpu.memory_space<hbm>>
      tpu.wait_indirect_dma semaphore(%arg29 : memref<!tpu.dma_semaphore, #tpu.memory_space<semaphore_mem>>) src(%dma_wait3A_1014 : memref<10000xi32, #tpu.memory_space<hbm>>) dst(%arg20 : memref<16xi32, #tpu.memory_space<vmem>>)
      %dma_start3A_1015 = arith.constant 0 : i32
      %dma_start3A_1016 = arith.constant 0 : i32
      %dma_start3A_1017 = tpu.memref_slice %arg9[%dma_start3A_1015, %dma_start3A_1016] : memref<1000x256xf32, #tpu.memory_space<hbm>> -> memref<1000x256xf32, #tpu.memory_space<hbm>>
      tpu.enqueue_indirect_dma source(%dma_start3A_1017 : memref<1000x256xf32, #tpu.memory_space<hbm>>) target(%arg18 : memref<16x256xf32, #tpu.memory_space<vmem>>) offsets(%arg20 : memref<16xi32, #tpu.memory_space<vmem>>) semaphore(%arg29 : memref<!tpu.dma_semaphore, #tpu.memory_space<semaphore_mem>>)
      %dma_wait3A_1018 = arith.constant 0 : i32
      %dma_wait3A_1019 = arith.constant 0 : i32
      %dma_wait3A_1020 = tpu.memref_slice %arg9[%dma_wait3A_1018, %dma_wait3A_1019] : memref<1000x256xf32, #tpu.memory_space<hbm>> -> memref<1000x256xf32, #tpu.memory_space<hbm>>
      tpu.wait_indirect_dma semaphore(%arg29 : memref<!tpu.dma_semaphore, #tpu.memory_space<semaphore_mem>>) src(%dma_wait3A_1020 : memref<1000x256xf32, #tpu.memory_space<hbm>>) dst(%arg18 : memref<16x256xf32, #tpu.memory_space<vmem>>)
      %mul3A_1021 = arith.constant 16 : i32
      %mul3A_1022 = arith.muli %while3A_1003, %mul3A_1021 : i32
      %sub3A_1023 = arith.subi %add3A_374, %mul3A_1022 : i32
      %min3A_1024 = arith.constant 16 : i32
      %min3A_1025 = arith.minsi %sub3A_1023, %min3A_1024 : i32
      %while3A_1026 = arith.constant 0 : i32
      %while3A_1027 = arith.constant 0 : i32
      %while3A_1028 = arith.subi %min3A_1025, %while3A_1026 : i32
      %while3A_1029 = arith.addi %while3A_1026, %while3A_1028 : i32
      %while3A_1030 = arith.constant 1 : i32
      %while3A_1031 = arith.divsi %while3A_1028, %while3A_1030 : i32
      %while3A_1032 = arith.muli %while3A_1031, %while3A_1030 : i32
      %while3A_1033 = arith.addi %while3A_1026, %while3A_1032 : i32
      %while3A_1034 = arith.constant 1 : i32
      %while3A_1035 = scf.for %while3A_1039 = %while3A_1026 to %while3A_1033 step %while3A_1034 iter_args(%while3A_1040 = %while3A_1027) -> (i32)  : i32 {
        %get3A_1041 = arith.constant 1 : i32
        %get3A_1042 = arith.index_cast %get3A_1041 : i32 to index
        %get3A_1043 = arith.constant 0 : index
        %get3A_1044 = tpu.vector_load %arg22[%get3A_1042, %get3A_1043] {strides = array<i32>} : memref<2x256xf32, #tpu.memory_space<vmem>>, vector<16xf32>,
        %get3A_1045 = arith.index_cast %while3A_1039 : i32 to index
        %get3A_1046 = arith.constant 0 : index
        %get3A_1047 = tpu.vector_load %arg18[%get3A_1045, %get3A_1046] {strides = array<i32>} : memref<16x256xf32, #tpu.memory_space<vmem>>, vector<16xf32>,
        %add3A_1048 = arith.addf %get3A_1044, %get3A_1047 : vector<16xf32>
        %swap3A_1049 = arith.constant 1 : i32
        %swap3A_1050 = arith.index_cast %swap3A_1049 : i32 to index
        %swap3A_1051 = arith.constant 0 : index
        %swap3A_1052 = tpu.vector_load %arg22[%swap3A_1050, %swap3A_1051] {strides = array<i32>} : memref<2x256xf32, #tpu.memory_space<vmem>>, vector<16xf32>,
        tpu.vector_store %arg22[%swap3A_1050, %swap3A_1051], %add3A_1048 {strides = array<i32>} : memref<2x256xf32, #tpu.memory_space<vmem>>, vector<16xf32>,
        %get3A_1053 = arith.constant 1 : i32
        %get3A_1054 = arith.index_cast %get3A_1053 : i32 to index
        %get3A_1055 = arith.constant 16 : index
        %get3A_1056 = tpu.vector_load %arg22[%get3A_1054, %get3A_1055] {strides = array<i32>} : memref<2x256xf32, #tpu.memory_space<vmem>>, vector<16xf32>,
        %get3A_1057 = arith.index_cast %while3A_1039 : i32 to index
        %get3A_1058 = arith.constant 16 : index
        %get3A_1059 = tpu.vector_load %arg18[%get3A_1057, %get3A_1058] {strides = array<i32>} : memref<16x256xf32, #tpu.memory_space<vmem>>, vector<16xf32>,
        %add3A_1060 = arith.addf %get3A_1056, %get3A_1059 : vector<16xf32>
        %swap3A_1061 = arith.constant 1 : i32
        %swap3A_1062 = arith.index_cast %swap3A_1061 : i32 to index
        %swap3A_1063 = arith.constant 16 : index
        %swap3A_1064 = tpu.vector_load %arg22[%swap3A_1062, %swap3A_1063] {strides = array<i32>} : memref<2x256xf32, #tpu.memory_space<vmem>>, vector<16xf32>,
        tpu.vector_store %arg22[%swap3A_1062, %swap3A_1063], %add3A_1060 {strides = array<i32>} : memref<2x256xf32, #tpu.memory_space<vmem>>, vector<16xf32>,
        %get3A_1065 = arith.constant 1 : i32
        %get3A_1066 = arith.index_cast %get3A_1065 : i32 to index
        %get3A_1067 = arith.constant 32 : index
        %get3A_1068 = tpu.vector_load %arg22[%get3A_1066, %get3A_1067] {strides = array<i32>} : memref<2x256xf32, #tpu.memory_space<vmem>>, vector<16xf32>,
        %get3A_1069 = arith.index_cast %while3A_1039 : i32 to index
        %get3A_1070 = arith.constant 32 : index
        %get3A_1071 = tpu.vector_load %arg18[%get3A_1069, %get3A_1070] {strides = array<i32>} : memref<16x256xf32, #tpu.memory_space<vmem>>, vector<16xf32>,
        %add3A_1072 = arith.addf %get3A_1068, %get3A_1071 : vector<16xf32>
        %swap3A_1073 = arith.constant 1 : i32
        %swap3A_1074 = arith.index_cast %swap3A_1073 : i32 to index
        %swap3A_1075 = arith.constant 32 : index
        %swap3A_1076 = tpu.vector_load %arg22[%swap3A_1074, %swap3A_1075] {strides = array<i32>} : memref<2x256xf32, #tpu.memory_space<vmem>>, vector<16xf32>,
        tpu.vector_store %arg22[%swap3A_1074, %swap3A_1075], %add3A_1072 {strides = array<i32>} : memref<2x256xf32, #tpu.memory_space<vmem>>, vector<16xf32>,
        %get3A_1077 = arith.constant 1 : i32
        %get3A_1078 = arith.index_cast %get3A_1077 : i32 to index
        %get3A_1079 = arith.constant 48 : index
        %get3A_1080 = tpu.vector_load %arg22[%get3A_1078, %get3A_1079] {strides = array<i32>} : memref<2x256xf32, #tpu.memory_space<vmem>>, vector<16xf32>,
        %get3A_1081 = arith.index_cast %while3A_1039 : i32 to index
        %get3A_1082 = arith.constant 48 : index
        %get3A_1083 = tpu.vector_load %arg18[%get3A_1081, %get3A_1082] {strides = array<i32>} : memref<16x256xf32, #tpu.memory_space<vmem>>, vector<16xf32>,
        %add3A_1084 = arith.addf %get3A_1080, %get3A_1083 : vector<16xf32>
        %swap3A_1085 = arith.constant 1 : i32
        %swap3A_1086 = arith.index_cast %swap3A_1085 : i32 to index
        %swap3A_1087 = arith.constant 48 : index
        %swap3A_1088 = tpu.vector_load %arg22[%swap3A_1086, %swap3A_1087] {strides = array<i32>} : memref<2x256xf32, #tpu.memory_space<vmem>>, vector<16xf32>,
        tpu.vector_store %arg22[%swap3A_1086, %swap3A_1087], %add3A_1084 {strides = array<i32>} : memref<2x256xf32, #tpu.memory_space<vmem>>, vector<16xf32>,
        %get3A_1089 = arith.constant 1 : i32
        %get3A_1090 = arith.index_cast %get3A_1089 : i32 to index
        %get3A_1091 = arith.constant 64 : index
        %get3A_1092 = tpu.vector_load %arg22[%get3A_1090, %get3A_1091] {strides = array<i32>} : memref<2x256xf32, #tpu.memory_space<vmem>>, vector<16xf32>,
        %get3A_1093 = arith.index_cast %while3A_1039 : i32 to index
        %get3A_1094 = arith.constant 64 : index
        %get3A_1095 = tpu.vector_load %arg18[%get3A_1093, %get3A_1094] {strides = array<i32>} : memref<16x256xf32, #tpu.memory_space<vmem>>, vector<16xf32>,
        %add3A_1096 = arith.addf %get3A_1092, %get3A_1095 : vector<16xf32>
        %swap3A_1097 = arith.constant 1 : i32
        %swap3A_1098 = arith.index_cast %swap3A_1097 : i32 to index
        %swap3A_1099 = arith.constant 64 : index
        %swap3A_1100 = tpu.vector_load %arg22[%swap3A_1098, %swap3A_1099] {strides = array<i32>} : memref<2x256xf32, #tpu.memory_space<vmem>>, vector<16xf32>,
        tpu.vector_store %arg22[%swap3A_1098, %swap3A_1099], %add3A_1096 {strides = array<i32>} : memref<2x256xf32, #tpu.memory_space<vmem>>, vector<16xf32>,
        %get3A_1101 = arith.constant 1 : i32
        %get3A_1102 = arith.index_cast %get3A_1101 : i32 to index
        %get3A_1103 = arith.constant 80 : index
        %get3A_1104 = tpu.vector_load %arg22[%get3A_1102, %get3A_1103] {strides = array<i32>} : memref<2x256xf32, #tpu.memory_space<vmem>>, vector<16xf32>,
        %get3A_1105 = arith.index_cast %while3A_1039 : i32 to index
        %get3A_1106 = arith.constant 80 : index
        %get3A_1107 = tpu.vector_load %arg18[%get3A_1105, %get3A_1106] {strides = array<i32>} : memref<16x256xf32, #tpu.memory_space<vmem>>, vector<16xf32>,
        %add3A_1108 = arith.addf %get3A_1104, %get3A_1107 : vector<16xf32>
        %swap3A_1109 = arith.constant 1 : i32
        %swap3A_1110 = arith.index_cast %swap3A_1109 : i32 to index
        %swap3A_1111 = arith.constant 80 : index
        %swap3A_1112 = tpu.vector_load %arg22[%swap3A_1110, %swap3A_1111] {strides = array<i32>} : memref<2x256xf32, #tpu.memory_space<vmem>>, vector<16xf32>,
        tpu.vector_store %arg22[%swap3A_1110, %swap3A_1111], %add3A_1108 {strides = array<i32>} : memref<2x256xf32, #tpu.memory_space<vmem>>, vector<16xf32>,
        %get3A_1113 = arith.constant 1 : i32
        %get3A_1114 = arith.index_cast %get3A_1113 : i32 to index
        %get3A_1115 = arith.constant 96 : index
        %get3A_1116 = tpu.vector_load %arg22[%get3A_1114, %get3A_1115] {strides = array<i32>} : memref<2x256xf32, #tpu.memory_space<vmem>>, vector<16xf32>,
        %get3A_1117 = arith.index_cast %while3A_1039 : i32 to index
        %get3A_1118 = arith.constant 96 : index
        %get3A_1119 = tpu.vector_load %arg18[%get3A_1117, %get3A_1118] {strides = array<i32>} : memref<16x256xf32, #tpu.memory_space<vmem>>, vector<16xf32>,
        %add3A_1120 = arith.addf %get3A_1116, %get3A_1119 : vector<16xf32>
        %swap3A_1121 = arith.constant 1 : i32
        %swap3A_1122 = arith.index_cast %swap3A_1121 : i32 to index
        %swap3A_1123 = arith.constant 96 : index
        %swap3A_1124 = tpu.vector_load %arg22[%swap3A_1122, %swap3A_1123] {strides = array<i32>} : memref<2x256xf32, #tpu.memory_space<vmem>>, vector<16xf32>,
        tpu.vector_store %arg22[%swap3A_1122, %swap3A_1123], %add3A_1120 {strides = array<i32>} : memref<2x256xf32, #tpu.memory_space<vmem>>, vector<16xf32>,
        %get3A_1125 = arith.constant 1 : i32
        %get3A_1126 = arith.index_cast %get3A_1125 : i32 to index
        %get3A_1127 = arith.constant 112 : index
        %get3A_1128 = tpu.vector_load %arg22[%get3A_1126, %get3A_1127] {strides = array<i32>} : memref<2x256xf32, #tpu.memory_space<vmem>>, vector<16xf32>,
        %get3A_1129 = arith.index_cast %while3A_1039 : i32 to index
        %get3A_1130 = arith.constant 112 : index
        %get3A_1131 = tpu.vector_load %arg18[%get3A_1129, %get3A_1130] {strides = array<i32>} : memref<16x256xf32, #tpu.memory_space<vmem>>, vector<16xf32>,
        %add3A_1132 = arith.addf %get3A_1128, %get3A_1131 : vector<16xf32>
        %swap3A_1133 = arith.constant 1 : i32
        %swap3A_1134 = arith.index_cast %swap3A_1133 : i32 to index
        %swap3A_1135 = arith.constant 112 : index
        %swap3A_1136 = tpu.vector_load %arg22[%swap3A_1134, %swap3A_1135] {strides = array<i32>} : memref<2x256xf32, #tpu.memory_space<vmem>>, vector<16xf32>,
        tpu.vector_store %arg22[%swap3A_1134, %swap3A_1135], %add3A_1132 {strides = array<i32>} : memref<2x256xf32, #tpu.memory_space<vmem>>, vector<16xf32>,
        %get3A_1137 = arith.constant 1 : i32
        %get3A_1138 = arith.index_cast %get3A_1137 : i32 to index
        %get3A_1139 = arith.constant 128 : index
        %get3A_1140 = tpu.vector_load %arg22[%get3A_1138, %get3A_1139] {strides = array<i32>} : memref<2x256xf32, #tpu.memory_space<vmem>>, vector<16xf32>,
        %get3A_1141 = arith.index_cast %while3A_1039 : i32 to index
        %get3A_1142 = arith.constant 128 : index
        %get3A_1143 = tpu.vector_load %arg18[%get3A_1141, %get3A_1142] {strides = array<i32>} : memref<16x256xf32, #tpu.memory_space<vmem>>, vector<16xf32>,
        %add3A_1144 = arith.addf %get3A_1140, %get3A_1143 : vector<16xf32>
        %swap3A_1145 = arith.constant 1 : i32
        %swap3A_1146 = arith.index_cast %swap3A_1145 : i32 to index
        %swap3A_1147 = arith.constant 128 : index
        %swap3A_1148 = tpu.vector_load %arg22[%swap3A_1146, %swap3A_1147] {strides = array<i32>} : memref<2x256xf32, #tpu.memory_space<vmem>>, vector<16xf32>,
        tpu.vector_store %arg22[%swap3A_1146, %swap3A_1147], %add3A_1144 {strides = array<i32>} : memref<2x256xf32, #tpu.memory_space<vmem>>, vector<16xf32>,
        %get3A_1149 = arith.constant 1 : i32
        %get3A_1150 = arith.index_cast %get3A_1149 : i32 to index
        %get3A_1151 = arith.constant 144 : index
        %get3A_1152 = tpu.vector_load %arg22[%get3A_1150, %get3A_1151] {strides = array<i32>} : memref<2x256xf32, #tpu.memory_space<vmem>>, vector<16xf32>,
        %get3A_1153 = arith.index_cast %while3A_1039 : i32 to index
        %get3A_1154 = arith.constant 144 : index
        %get3A_1155 = tpu.vector_load %arg18[%get3A_1153, %get3A_1154] {strides = array<i32>} : memref<16x256xf32, #tpu.memory_space<vmem>>, vector<16xf32>,
        %add3A_1156 = arith.addf %get3A_1152, %get3A_1155 : vector<16xf32>
        %swap3A_1157 = arith.constant 1 : i32
        %swap3A_1158 = arith.index_cast %swap3A_1157 : i32 to index
        %swap3A_1159 = arith.constant 144 : index
        %swap3A_1160 = tpu.vector_load %arg22[%swap3A_1158, %swap3A_1159] {strides = array<i32>} : memref<2x256xf32, #tpu.memory_space<vmem>>, vector<16xf32>,
        tpu.vector_store %arg22[%swap3A_1158, %swap3A_1159], %add3A_1156 {strides = array<i32>} : memref<2x256xf32, #tpu.memory_space<vmem>>, vector<16xf32>,
        %get3A_1161 = arith.constant 1 : i32
        %get3A_1162 = arith.index_cast %get3A_1161 : i32 to index
        %get3A_1163 = arith.constant 160 : index
        %get3A_1164 = tpu.vector_load %arg22[%get3A_1162, %get3A_1163] {strides = array<i32>} : memref<2x256xf32, #tpu.memory_space<vmem>>, vector<16xf32>,
        %get3A_1165 = arith.index_cast %while3A_1039 : i32 to index
        %get3A_1166 = arith.constant 160 : index
        %get3A_1167 = tpu.vector_load %arg18[%get3A_1165, %get3A_1166] {strides = array<i32>} : memref<16x256xf32, #tpu.memory_space<vmem>>, vector<16xf32>,
        %add3A_1168 = arith.addf %get3A_1164, %get3A_1167 : vector<16xf32>
        %swap3A_1169 = arith.constant 1 : i32
        %swap3A_1170 = arith.index_cast %swap3A_1169 : i32 to index
        %swap3A_1171 = arith.constant 160 : index
        %swap3A_1172 = tpu.vector_load %arg22[%swap3A_1170, %swap3A_1171] {strides = array<i32>} : memref<2x256xf32, #tpu.memory_space<vmem>>, vector<16xf32>,
        tpu.vector_store %arg22[%swap3A_1170, %swap3A_1171], %add3A_1168 {strides = array<i32>} : memref<2x256xf32, #tpu.memory_space<vmem>>, vector<16xf32>,
        %get3A_1173 = arith.constant 1 : i32
        %get3A_1174 = arith.index_cast %get3A_1173 : i32 to index
        %get3A_1175 = arith.constant 176 : index
        %get3A_1176 = tpu.vector_load %arg22[%get3A_1174, %get3A_1175] {strides = array<i32>} : memref<2x256xf32, #tpu.memory_space<vmem>>, vector<16xf32>,
        %get3A_1177 = arith.index_cast %while3A_1039 : i32 to index
        %get3A_1178 = arith.constant 176 : index
        %get3A_1179 = tpu.vector_load %arg18[%get3A_1177, %get3A_1178] {strides = array<i32>} : memref<16x256xf32, #tpu.memory_space<vmem>>, vector<16xf32>,
        %add3A_1180 = arith.addf %get3A_1176, %get3A_1179 : vector<16xf32>
        %swap3A_1181 = arith.constant 1 : i32
        %swap3A_1182 = arith.index_cast %swap3A_1181 : i32 to index
        %swap3A_1183 = arith.constant 176 : index
        %swap3A_1184 = tpu.vector_load %arg22[%swap3A_1182, %swap3A_1183] {strides = array<i32>} : memref<2x256xf32, #tpu.memory_space<vmem>>, vector<16xf32>,
        tpu.vector_store %arg22[%swap3A_1182, %swap3A_1183], %add3A_1180 {strides = array<i32>} : memref<2x256xf32, #tpu.memory_space<vmem>>, vector<16xf32>,
        %get3A_1185 = arith.constant 1 : i32
        %get3A_1186 = arith.index_cast %get3A_1185 : i32 to index
        %get3A_1187 = arith.constant 192 : index
        %get3A_1188 = tpu.vector_load %arg22[%get3A_1186, %get3A_1187] {strides = array<i32>} : memref<2x256xf32, #tpu.memory_space<vmem>>, vector<16xf32>,
        %get3A_1189 = arith.index_cast %while3A_1039 : i32 to index
        %get3A_1190 = arith.constant 192 : index
        %get3A_1191 = tpu.vector_load %arg18[%get3A_1189, %get3A_1190] {strides = array<i32>} : memref<16x256xf32, #tpu.memory_space<vmem>>, vector<16xf32>,
        %add3A_1192 = arith.addf %get3A_1188, %get3A_1191 : vector<16xf32>
        %swap3A_1193 = arith.constant 1 : i32
        %swap3A_1194 = arith.index_cast %swap3A_1193 : i32 to index
        %swap3A_1195 = arith.constant 192 : index
        %swap3A_1196 = tpu.vector_load %arg22[%swap3A_1194, %swap3A_1195] {strides = array<i32>} : memref<2x256xf32, #tpu.memory_space<vmem>>, vector<16xf32>,
        tpu.vector_store %arg22[%swap3A_1194, %swap3A_1195], %add3A_1192 {strides = array<i32>} : memref<2x256xf32, #tpu.memory_space<vmem>>, vector<16xf32>,
        %get3A_1197 = arith.constant 1 : i32
        %get3A_1198 = arith.index_cast %get3A_1197 : i32 to index
        %get3A_1199 = arith.constant 208 : index
        %get3A_1200 = tpu.vector_load %arg22[%get3A_1198, %get3A_1199] {strides = array<i32>} : memref<2x256xf32, #tpu.memory_space<vmem>>, vector<16xf32>,
        %get3A_1201 = arith.index_cast %while3A_1039 : i32 to index
        %get3A_1202 = arith.constant 208 : index
        %get3A_1203 = tpu.vector_load %arg18[%get3A_1201, %get3A_1202] {strides = array<i32>} : memref<16x256xf32, #tpu.memory_space<vmem>>, vector<16xf32>,
        %add3A_1204 = arith.addf %get3A_1200, %get3A_1203 : vector<16xf32>
        %swap3A_1205 = arith.constant 1 : i32
        %swap3A_1206 = arith.index_cast %swap3A_1205 : i32 to index
        %swap3A_1207 = arith.constant 208 : index
        %swap3A_1208 = tpu.vector_load %arg22[%swap3A_1206, %swap3A_1207] {strides = array<i32>} : memref<2x256xf32, #tpu.memory_space<vmem>>, vector<16xf32>,
        tpu.vector_store %arg22[%swap3A_1206, %swap3A_1207], %add3A_1204 {strides = array<i32>} : memref<2x256xf32, #tpu.memory_space<vmem>>, vector<16xf32>,
        %get3A_1209 = arith.constant 1 : i32
        %get3A_1210 = arith.index_cast %get3A_1209 : i32 to index
        %get3A_1211 = arith.constant 224 : index
        %get3A_1212 = tpu.vector_load %arg22[%get3A_1210, %get3A_1211] {strides = array<i32>} : memref<2x256xf32, #tpu.memory_space<vmem>>, vector<16xf32>,
        %get3A_1213 = arith.index_cast %while3A_1039 : i32 to index
        %get3A_1214 = arith.constant 224 : index
        %get3A_1215 = tpu.vector_load %arg18[%get3A_1213, %get3A_1214] {strides = array<i32>} : memref<16x256xf32, #tpu.memory_space<vmem>>, vector<16xf32>,
        %add3A_1216 = arith.addf %get3A_1212, %get3A_1215 : vector<16xf32>
        %swap3A_1217 = arith.constant 1 : i32
        %swap3A_1218 = arith.index_cast %swap3A_1217 : i32 to index
        %swap3A_1219 = arith.constant 224 : index
        %swap3A_1220 = tpu.vector_load %arg22[%swap3A_1218, %swap3A_1219] {strides = array<i32>} : memref<2x256xf32, #tpu.memory_space<vmem>>, vector<16xf32>,
        tpu.vector_store %arg22[%swap3A_1218, %swap3A_1219], %add3A_1216 {strides = array<i32>} : memref<2x256xf32, #tpu.memory_space<vmem>>, vector<16xf32>,
        %get3A_1221 = arith.constant 1 : i32
        %get3A_1222 = arith.index_cast %get3A_1221 : i32 to index
        %get3A_1223 = arith.constant 240 : index
        %get3A_1224 = tpu.vector_load %arg22[%get3A_1222, %get3A_1223] {strides = array<i32>} : memref<2x256xf32, #tpu.memory_space<vmem>>, vector<16xf32>,
        %get3A_1225 = arith.index_cast %while3A_1039 : i32 to index
        %get3A_1226 = arith.constant 240 : index
        %get3A_1227 = tpu.vector_load %arg18[%get3A_1225, %get3A_1226] {strides = array<i32>} : memref<16x256xf32, #tpu.memory_space<vmem>>, vector<16xf32>,
        %add3A_1228 = arith.addf %get3A_1224, %get3A_1227 : vector<16xf32>
        %swap3A_1229 = arith.constant 1 : i32
        %swap3A_1230 = arith.index_cast %swap3A_1229 : i32 to index
        %swap3A_1231 = arith.constant 240 : index
        %swap3A_1232 = tpu.vector_load %arg22[%swap3A_1230, %swap3A_1231] {strides = array<i32>} : memref<2x256xf32, #tpu.memory_space<vmem>>, vector<16xf32>,
        tpu.vector_store %arg22[%swap3A_1230, %swap3A_1231], %add3A_1228 {strides = array<i32>} : memref<2x256xf32, #tpu.memory_space<vmem>>, vector<16xf32>,
        %while3A_1233 = arith.constant 0 : i32
        scf.yield %while3A_1233 : i32
      }
      %while3A_1036 = arith.constant 1 : i32
      %while3A_1037 = scf.for %while3A_1039 = %while3A_1033 to %while3A_1029 step %while3A_1036 iter_args(%while3A_1040 = %while3A_1035) -> (i32)  : i32 {
        %get3A_1041 = arith.constant 1 : i32
        %get3A_1042 = arith.index_cast %get3A_1041 : i32 to index
        %get3A_1043 = arith.constant 0 : index
        %get3A_1044 = tpu.vector_load %arg22[%get3A_1042, %get3A_1043] {strides = array<i32>} : memref<2x256xf32, #tpu.memory_space<vmem>>, vector<16xf32>,
        %get3A_1045 = arith.index_cast %while3A_1039 : i32 to index
        %get3A_1046 = arith.constant 0 : index
        %get3A_1047 = tpu.vector_load %arg18[%get3A_1045, %get3A_1046] {strides = array<i32>} : memref<16x256xf32, #tpu.memory_space<vmem>>, vector<16xf32>,
        %add3A_1048 = arith.addf %get3A_1044, %get3A_1047 : vector<16xf32>
        %swap3A_1049 = arith.constant 1 : i32
        %swap3A_1050 = arith.index_cast %swap3A_1049 : i32 to index
        %swap3A_1051 = arith.constant 0 : index
        %swap3A_1052 = tpu.vector_load %arg22[%swap3A_1050, %swap3A_1051] {strides = array<i32>} : memref<2x256xf32, #tpu.memory_space<vmem>>, vector<16xf32>,
        tpu.vector_store %arg22[%swap3A_1050, %swap3A_1051], %add3A_1048 {strides = array<i32>} : memref<2x256xf32, #tpu.memory_space<vmem>>, vector<16xf32>,
        %get3A_1053 = arith.constant 1 : i32
        %get3A_1054 = arith.index_cast %get3A_1053 : i32 to index
        %get3A_1055 = arith.constant 16 : index
        %get3A_1056 = tpu.vector_load %arg22[%get3A_1054, %get3A_1055] {strides = array<i32>} : memref<2x256xf32, #tpu.memory_space<vmem>>, vector<16xf32>,
        %get3A_1057 = arith.index_cast %while3A_1039 : i32 to index
        %get3A_1058 = arith.constant 16 : index
        %get3A_1059 = tpu.vector_load %arg18[%get3A_1057, %get3A_1058] {strides = array<i32>} : memref<16x256xf32, #tpu.memory_space<vmem>>, vector<16xf32>,
        %add3A_1060 = arith.addf %get3A_1056, %get3A_1059 : vector<16xf32>
        %swap3A_1061 = arith.constant 1 : i32
        %swap3A_1062 = arith.index_cast %swap3A_1061 : i32 to index
        %swap3A_1063 = arith.constant 16 : index
        %swap3A_1064 = tpu.vector_load %arg22[%swap3A_1062, %swap3A_1063] {strides = array<i32>} : memref<2x256xf32, #tpu.memory_space<vmem>>, vector<16xf32>,
        tpu.vector_store %arg22[%swap3A_1062, %swap3A_1063], %add3A_1060 {strides = array<i32>} : memref<2x256xf32, #tpu.memory_space<vmem>>, vector<16xf32>,
        %get3A_1065 = arith.constant 1 : i32
        %get3A_1066 = arith.index_cast %get3A_1065 : i32 to index
        %get3A_1067 = arith.constant 32 : index
        %get3A_1068 = tpu.vector_load %arg22[%get3A_1066, %get3A_1067] {strides = array<i32>} : memref<2x256xf32, #tpu.memory_space<vmem>>, vector<16xf32>,
        %get3A_1069 = arith.index_cast %while3A_1039 : i32 to index
        %get3A_1070 = arith.constant 32 : index
        %get3A_1071 = tpu.vector_load %arg18[%get3A_1069, %get3A_1070] {strides = array<i32>} : memref<16x256xf32, #tpu.memory_space<vmem>>, vector<16xf32>,
        %add3A_1072 = arith.addf %get3A_1068, %get3A_1071 : vector<16xf32>
        %swap3A_1073 = arith.constant 1 : i32
        %swap3A_1074 = arith.index_cast %swap3A_1073 : i32 to index
        %swap3A_1075 = arith.constant 32 : index
        %swap3A_1076 = tpu.vector_load %arg22[%swap3A_1074, %swap3A_1075] {strides = array<i32>} : memref<2x256xf32, #tpu.memory_space<vmem>>, vector<16xf32>,
        tpu.vector_store %arg22[%swap3A_1074, %swap3A_1075], %add3A_1072 {strides = array<i32>} : memref<2x256xf32, #tpu.memory_space<vmem>>, vector<16xf32>,
        %get3A_1077 = arith.constant 1 : i32
        %get3A_1078 = arith.index_cast %get3A_1077 : i32 to index
        %get3A_1079 = arith.constant 48 : index
        %get3A_1080 = tpu.vector_load %arg22[%get3A_1078, %get3A_1079] {strides = array<i32>} : memref<2x256xf32, #tpu.memory_space<vmem>>, vector<16xf32>,
        %get3A_1081 = arith.index_cast %while3A_1039 : i32 to index
        %get3A_1082 = arith.constant 48 : index
        %get3A_1083 = tpu.vector_load %arg18[%get3A_1081, %get3A_1082] {strides = array<i32>} : memref<16x256xf32, #tpu.memory_space<vmem>>, vector<16xf32>,
        %add3A_1084 = arith.addf %get3A_1080, %get3A_1083 : vector<16xf32>
        %swap3A_1085 = arith.constant 1 : i32
        %swap3A_1086 = arith.index_cast %swap3A_1085 : i32 to index
        %swap3A_1087 = arith.constant 48 : index
        %swap3A_1088 = tpu.vector_load %arg22[%swap3A_1086, %swap3A_1087] {strides = array<i32>} : memref<2x256xf32, #tpu.memory_space<vmem>>, vector<16xf32>,
        tpu.vector_store %arg22[%swap3A_1086, %swap3A_1087], %add3A_1084 {strides = array<i32>} : memref<2x256xf32, #tpu.memory_space<vmem>>, vector<16xf32>,
        %get3A_1089 = arith.constant 1 : i32
        %get3A_1090 = arith.index_cast %get3A_1089 : i32 to index
        %get3A_1091 = arith.constant 64 : index
        %get3A_1092 = tpu.vector_load %arg22[%get3A_1090, %get3A_1091] {strides = array<i32>} : memref<2x256xf32, #tpu.memory_space<vmem>>, vector<16xf32>,
        %get3A_1093 = arith.index_cast %while3A_1039 : i32 to index
        %get3A_1094 = arith.constant 64 : index
        %get3A_1095 = tpu.vector_load %arg18[%get3A_1093, %get3A_1094] {strides = array<i32>} : memref<16x256xf32, #tpu.memory_space<vmem>>, vector<16xf32>,
        %add3A_1096 = arith.addf %get3A_1092, %get3A_1095 : vector<16xf32>
        %swap3A_1097 = arith.constant 1 : i32
        %swap3A_1098 = arith.index_cast %swap3A_1097 : i32 to index
        %swap3A_1099 = arith.constant 64 : index
        %swap3A_1100 = tpu.vector_load %arg22[%swap3A_1098, %swap3A_1099] {strides = array<i32>} : memref<2x256xf32, #tpu.memory_space<vmem>>, vector<16xf32>,
        tpu.vector_store %arg22[%swap3A_1098, %swap3A_1099], %add3A_1096 {strides = array<i32>} : memref<2x256xf32, #tpu.memory_space<vmem>>, vector<16xf32>,
        %get3A_1101 = arith.constant 1 : i32
        %get3A_1102 = arith.index_cast %get3A_1101 : i32 to index
        %get3A_1103 = arith.constant 80 : index
        %get3A_1104 = tpu.vector_load %arg22[%get3A_1102, %get3A_1103] {strides = array<i32>} : memref<2x256xf32, #tpu.memory_space<vmem>>, vector<16xf32>,
        %get3A_1105 = arith.index_cast %while3A_1039 : i32 to index
        %get3A_1106 = arith.constant 80 : index
        %get3A_1107 = tpu.vector_load %arg18[%get3A_1105, %get3A_1106] {strides = array<i32>} : memref<16x256xf32, #tpu.memory_space<vmem>>, vector<16xf32>,
        %add3A_1108 = arith.addf %get3A_1104, %get3A_1107 : vector<16xf32>
        %swap3A_1109 = arith.constant 1 : i32
        %swap3A_1110 = arith.index_cast %swap3A_1109 : i32 to index
        %swap3A_1111 = arith.constant 80 : index
        %swap3A_1112 = tpu.vector_load %arg22[%swap3A_1110, %swap3A_1111] {strides = array<i32>} : memref<2x256xf32, #tpu.memory_space<vmem>>, vector<16xf32>,
        tpu.vector_store %arg22[%swap3A_1110, %swap3A_1111], %add3A_1108 {strides = array<i32>} : memref<2x256xf32, #tpu.memory_space<vmem>>, vector<16xf32>,
        %get3A_1113 = arith.constant 1 : i32
        %get3A_1114 = arith.index_cast %get3A_1113 : i32 to index
        %get3A_1115 = arith.constant 96 : index
        %get3A_1116 = tpu.vector_load %arg22[%get3A_1114, %get3A_1115] {strides = array<i32>} : memref<2x256xf32, #tpu.memory_space<vmem>>, vector<16xf32>,
        %get3A_1117 = arith.index_cast %while3A_1039 : i32 to index
        %get3A_1118 = arith.constant 96 : index
        %get3A_1119 = tpu.vector_load %arg18[%get3A_1117, %get3A_1118] {strides = array<i32>} : memref<16x256xf32, #tpu.memory_space<vmem>>, vector<16xf32>,
        %add3A_1120 = arith.addf %get3A_1116, %get3A_1119 : vector<16xf32>
        %swap3A_1121 = arith.constant 1 : i32
        %swap3A_1122 = arith.index_cast %swap3A_1121 : i32 to index
        %swap3A_1123 = arith.constant 96 : index
        %swap3A_1124 = tpu.vector_load %arg22[%swap3A_1122, %swap3A_1123] {strides = array<i32>} : memref<2x256xf32, #tpu.memory_space<vmem>>, vector<16xf32>,
        tpu.vector_store %arg22[%swap3A_1122, %swap3A_1123], %add3A_1120 {strides = array<i32>} : memref<2x256xf32, #tpu.memory_space<vmem>>, vector<16xf32>,
        %get3A_1125 = arith.constant 1 : i32
        %get3A_1126 = arith.index_cast %get3A_1125 : i32 to index
        %get3A_1127 = arith.constant 112 : index
        %get3A_1128 = tpu.vector_load %arg22[%get3A_1126, %get3A_1127] {strides = array<i32>} : memref<2x256xf32, #tpu.memory_space<vmem>>, vector<16xf32>,
        %get3A_1129 = arith.index_cast %while3A_1039 : i32 to index
        %get3A_1130 = arith.constant 112 : index
        %get3A_1131 = tpu.vector_load %arg18[%get3A_1129, %get3A_1130] {strides = array<i32>} : memref<16x256xf32, #tpu.memory_space<vmem>>, vector<16xf32>,
        %add3A_1132 = arith.addf %get3A_1128, %get3A_1131 : vector<16xf32>
        %swap3A_1133 = arith.constant 1 : i32
        %swap3A_1134 = arith.index_cast %swap3A_1133 : i32 to index
        %swap3A_1135 = arith.constant 112 : index
        %swap3A_1136 = tpu.vector_load %arg22[%swap3A_1134, %swap3A_1135] {strides = array<i32>} : memref<2x256xf32, #tpu.memory_space<vmem>>, vector<16xf32>,
        tpu.vector_store %arg22[%swap3A_1134, %swap3A_1135], %add3A_1132 {strides = array<i32>} : memref<2x256xf32, #tpu.memory_space<vmem>>, vector<16xf32>,
        %get3A_1137 = arith.constant 1 : i32
        %get3A_1138 = arith.index_cast %get3A_1137 : i32 to index
        %get3A_1139 = arith.constant 128 : index
        %get3A_1140 = tpu.vector_load %arg22[%get3A_1138, %get3A_1139] {strides = array<i32>} : memref<2x256xf32, #tpu.memory_space<vmem>>, vector<16xf32>,
        %get3A_1141 = arith.index_cast %while3A_1039 : i32 to index
        %get3A_1142 = arith.constant 128 : index
        %get3A_1143 = tpu.vector_load %arg18[%get3A_1141, %get3A_1142] {strides = array<i32>} : memref<16x256xf32, #tpu.memory_space<vmem>>, vector<16xf32>,
        %add3A_1144 = arith.addf %get3A_1140, %get3A_1143 : vector<16xf32>
        %swap3A_1145 = arith.constant 1 : i32
        %swap3A_1146 = arith.index_cast %swap3A_1145 : i32 to index
        %swap3A_1147 = arith.constant 128 : index
        %swap3A_1148 = tpu.vector_load %arg22[%swap3A_1146, %swap3A_1147] {strides = array<i32>} : memref<2x256xf32, #tpu.memory_space<vmem>>, vector<16xf32>,
        tpu.vector_store %arg22[%swap3A_1146, %swap3A_1147], %add3A_1144 {strides = array<i32>} : memref<2x256xf32, #tpu.memory_space<vmem>>, vector<16xf32>,
        %get3A_1149 = arith.constant 1 : i32
        %get3A_1150 = arith.index_cast %get3A_1149 : i32 to index
        %get3A_1151 = arith.constant 144 : index
        %get3A_1152 = tpu.vector_load %arg22[%get3A_1150, %get3A_1151] {strides = array<i32>} : memref<2x256xf32, #tpu.memory_space<vmem>>, vector<16xf32>,
        %get3A_1153 = arith.index_cast %while3A_1039 : i32 to index
        %get3A_1154 = arith.constant 144 : index
        %get3A_1155 = tpu.vector_load %arg18[%get3A_1153, %get3A_1154] {strides = array<i32>} : memref<16x256xf32, #tpu.memory_space<vmem>>, vector<16xf32>,
        %add3A_1156 = arith.addf %get3A_1152, %get3A_1155 : vector<16xf32>
        %swap3A_1157 = arith.constant 1 : i32
        %swap3A_1158 = arith.index_cast %swap3A_1157 : i32 to index
        %swap3A_1159 = arith.constant 144 : index
        %swap3A_1160 = tpu.vector_load %arg22[%swap3A_1158, %swap3A_1159] {strides = array<i32>} : memref<2x256xf32, #tpu.memory_space<vmem>>, vector<16xf32>,
        tpu.vector_store %arg22[%swap3A_1158, %swap3A_1159], %add3A_1156 {strides = array<i32>} : memref<2x256xf32, #tpu.memory_space<vmem>>, vector<16xf32>,
        %get3A_1161 = arith.constant 1 : i32
        %get3A_1162 = arith.index_cast %get3A_1161 : i32 to index
        %get3A_1163 = arith.constant 160 : index
        %get3A_1164 = tpu.vector_load %arg22[%get3A_1162, %get3A_1163] {strides = array<i32>} : memref<2x256xf32, #tpu.memory_space<vmem>>, vector<16xf32>,
        %get3A_1165 = arith.index_cast %while3A_1039 : i32 to index
        %get3A_1166 = arith.constant 160 : index
        %get3A_1167 = tpu.vector_load %arg18[%get3A_1165, %get3A_1166] {strides = array<i32>} : memref<16x256xf32, #tpu.memory_space<vmem>>, vector<16xf32>,
        %add3A_1168 = arith.addf %get3A_1164, %get3A_1167 : vector<16xf32>
        %swap3A_1169 = arith.constant 1 : i32
        %swap3A_1170 = arith.index_cast %swap3A_1169 : i32 to index
        %swap3A_1171 = arith.constant 160 : index
        %swap3A_1172 = tpu.vector_load %arg22[%swap3A_1170, %swap3A_1171] {strides = array<i32>} : memref<2x256xf32, #tpu.memory_space<vmem>>, vector<16xf32>,
        tpu.vector_store %arg22[%swap3A_1170, %swap3A_1171], %add3A_1168 {strides = array<i32>} : memref<2x256xf32, #tpu.memory_space<vmem>>, vector<16xf32>,
        %get3A_1173 = arith.constant 1 : i32
        %get3A_1174 = arith.index_cast %get3A_1173 : i32 to index
        %get3A_1175 = arith.constant 176 : index
        %get3A_1176 = tpu.vector_load %arg22[%get3A_1174, %get3A_1175] {strides = array<i32>} : memref<2x256xf32, #tpu.memory_space<vmem>>, vector<16xf32>,
        %get3A_1177 = arith.index_cast %while3A_1039 : i32 to index
        %get3A_1178 = arith.constant 176 : index
        %get3A_1179 = tpu.vector_load %arg18[%get3A_1177, %get3A_1178] {strides = array<i32>} : memref<16x256xf32, #tpu.memory_space<vmem>>, vector<16xf32>,
        %add3A_1180 = arith.addf %get3A_1176, %get3A_1179 : vector<16xf32>
        %swap3A_1181 = arith.constant 1 : i32
        %swap3A_1182 = arith.index_cast %swap3A_1181 : i32 to index
        %swap3A_1183 = arith.constant 176 : index
        %swap3A_1184 = tpu.vector_load %arg22[%swap3A_1182, %swap3A_1183] {strides = array<i32>} : memref<2x256xf32, #tpu.memory_space<vmem>>, vector<16xf32>,
        tpu.vector_store %arg22[%swap3A_1182, %swap3A_1183], %add3A_1180 {strides = array<i32>} : memref<2x256xf32, #tpu.memory_space<vmem>>, vector<16xf32>,
        %get3A_1185 = arith.constant 1 : i32
        %get3A_1186 = arith.index_cast %get3A_1185 : i32 to index
        %get3A_1187 = arith.constant 192 : index
        %get3A_1188 = tpu.vector_load %arg22[%get3A_1186, %get3A_1187] {strides = array<i32>} : memref<2x256xf32, #tpu.memory_space<vmem>>, vector<16xf32>,
        %get3A_1189 = arith.index_cast %while3A_1039 : i32 to index
        %get3A_1190 = arith.constant 192 : index
        %get3A_1191 = tpu.vector_load %arg18[%get3A_1189, %get3A_1190] {strides = array<i32>} : memref<16x256xf32, #tpu.memory_space<vmem>>, vector<16xf32>,
        %add3A_1192 = arith.addf %get3A_1188, %get3A_1191 : vector<16xf32>
        %swap3A_1193 = arith.constant 1 : i32
        %swap3A_1194 = arith.index_cast %swap3A_1193 : i32 to index
        %swap3A_1195 = arith.constant 192 : index
        %swap3A_1196 = tpu.vector_load %arg22[%swap3A_1194, %swap3A_1195] {strides = array<i32>} : memref<2x256xf32, #tpu.memory_space<vmem>>, vector<16xf32>,
        tpu.vector_store %arg22[%swap3A_1194, %swap3A_1195], %add3A_1192 {strides = array<i32>} : memref<2x256xf32, #tpu.memory_space<vmem>>, vector<16xf32>,
        %get3A_1197 = arith.constant 1 : i32
        %get3A_1198 = arith.index_cast %get3A_1197 : i32 to index
        %get3A_1199 = arith.constant 208 : index
        %get3A_1200 = tpu.vector_load %arg22[%get3A_1198, %get3A_1199] {strides = array<i32>} : memref<2x256xf32, #tpu.memory_space<vmem>>, vector<16xf32>,
        %get3A_1201 = arith.index_cast %while3A_1039 : i32 to index
        %get3A_1202 = arith.constant 208 : index
        %get3A_1203 = tpu.vector_load %arg18[%get3A_1201, %get3A_1202] {strides = array<i32>} : memref<16x256xf32, #tpu.memory_space<vmem>>, vector<16xf32>,
        %add3A_1204 = arith.addf %get3A_1200, %get3A_1203 : vector<16xf32>
        %swap3A_1205 = arith.constant 1 : i32
        %swap3A_1206 = arith.index_cast %swap3A_1205 : i32 to index
        %swap3A_1207 = arith.constant 208 : index
        %swap3A_1208 = tpu.vector_load %arg22[%swap3A_1206, %swap3A_1207] {strides = array<i32>} : memref<2x256xf32, #tpu.memory_space<vmem>>, vector<16xf32>,
        tpu.vector_store %arg22[%swap3A_1206, %swap3A_1207], %add3A_1204 {strides = array<i32>} : memref<2x256xf32, #tpu.memory_space<vmem>>, vector<16xf32>,
        %get3A_1209 = arith.constant 1 : i32
        %get3A_1210 = arith.index_cast %get3A_1209 : i32 to index
        %get3A_1211 = arith.constant 224 : index
        %get3A_1212 = tpu.vector_load %arg22[%get3A_1210, %get3A_1211] {strides = array<i32>} : memref<2x256xf32, #tpu.memory_space<vmem>>, vector<16xf32>,
        %get3A_1213 = arith.index_cast %while3A_1039 : i32 to index
        %get3A_1214 = arith.constant 224 : index
        %get3A_1215 = tpu.vector_load %arg18[%get3A_1213, %get3A_1214] {strides = array<i32>} : memref<16x256xf32, #tpu.memory_space<vmem>>, vector<16xf32>,
        %add3A_1216 = arith.addf %get3A_1212, %get3A_1215 : vector<16xf32>
        %swap3A_1217 = arith.constant 1 : i32
        %swap3A_1218 = arith.index_cast %swap3A_1217 : i32 to index
        %swap3A_1219 = arith.constant 224 : index
        %swap3A_1220 = tpu.vector_load %arg22[%swap3A_1218, %swap3A_1219] {strides = array<i32>} : memref<2x256xf32, #tpu.memory_space<vmem>>, vector<16xf32>,
        tpu.vector_store %arg22[%swap3A_1218, %swap3A_1219], %add3A_1216 {strides = array<i32>} : memref<2x256xf32, #tpu.memory_space<vmem>>, vector<16xf32>,
        %get3A_1221 = arith.constant 1 : i32
        %get3A_1222 = arith.index_cast %get3A_1221 : i32 to index
        %get3A_1223 = arith.constant 240 : index
        %get3A_1224 = tpu.vector_load %arg22[%get3A_1222, %get3A_1223] {strides = array<i32>} : memref<2x256xf32, #tpu.memory_space<vmem>>, vector<16xf32>,
        %get3A_1225 = arith.index_cast %while3A_1039 : i32 to index
        %get3A_1226 = arith.constant 240 : index
        %get3A_1227 = tpu.vector_load %arg18[%get3A_1225, %get3A_1226] {strides = array<i32>} : memref<16x256xf32, #tpu.memory_space<vmem>>, vector<16xf32>,
        %add3A_1228 = arith.addf %get3A_1224, %get3A_1227 : vector<16xf32>
        %swap3A_1229 = arith.constant 1 : i32
        %swap3A_1230 = arith.index_cast %swap3A_1229 : i32 to index
        %swap3A_1231 = arith.constant 240 : index
        %swap3A_1232 = tpu.vector_load %arg22[%swap3A_1230, %swap3A_1231] {strides = array<i32>} : memref<2x256xf32, #tpu.memory_space<vmem>>, vector<16xf32>,
        tpu.vector_store %arg22[%swap3A_1230, %swap3A_1231], %add3A_1228 {strides = array<i32>} : memref<2x256xf32, #tpu.memory_space<vmem>>, vector<16xf32>,
        %while3A_1233 = arith.constant 0 : i32
        scf.yield %while3A_1233 : i32
      }
      %while3A_1038 = arith.constant 0 : i32
      scf.yield %while3A_1038 : i32
    }
    %while3A_453 = arith.constant 1 : i32
    %while3A_454 = scf.for %while3A_1003 = %while3A_450 to %while3A_446 step %while3A_453 iter_args(%while3A_1004 = %while3A_452) -> (i32)  : i32 {
      %mul3A_1005 = arith.constant 16 : i32
      %mul3A_1006 = arith.muli %while3A_1003, %mul3A_1005 : i32
      %get3A_1007 = arith.index_cast %mul3A_1006 : i32 to index
      %get3A_1008 = tpu.vector_load %arg17[%get3A_1007] {strides = array<i32>} : memref<656xi32, #tpu.memory_space<vmem>>, vector<16xi32>,
      %add3A_1009 = vector.broadcast %mul3A_414 : i32 to vector<16xi32>
      %add3A_1010 = arith.addi %get3A_1008, %add3A_1009 : vector<16xi32>
      %swap3A_1011 = arith.constant 0 : index
      %swap3A_1012 = tpu.vector_load %arg19[%swap3A_1011] {strides = array<i32>} : memref<16xi32, #tpu.memory_space<vmem>>, vector<16xi32>,
      tpu.vector_store %arg19[%swap3A_1011], %add3A_1010 {strides = array<i32>} : memref<16xi32, #tpu.memory_space<vmem>>, vector<16xi32>,
      %dma_start3A = arith.constant 0 : i32
      %dma_start3A_1013 = tpu.memref_slice %arg7[%dma_start3A] : memref<10000xi32, #tpu.memory_space<hbm>> -> memref<10000xi32, #tpu.memory_space<hbm>>
      tpu.enqueue_indirect_dma source(%dma_start3A_1013 : memref<10000xi32, #tpu.memory_space<hbm>>) target(%arg20 : memref<16xi32, #tpu.memory_space<vmem>>) offsets(%arg19 : memref<16xi32, #tpu.memory_space<vmem>>) semaphore(%arg29 : memref<!tpu.dma_semaphore, #tpu.memory_space<semaphore_mem>>)
      %dma_wait3A = arith.constant 0 : i32
      %dma_wait3A_1014 = tpu.memref_slice %arg7[%dma_wait3A] : memref<10000xi32, #tpu.memory_space<hbm>> -> memref<10000xi32, #tpu.memory_space<hbm>>
      tpu.wait_indirect_dma semaphore(%arg29 : memref<!tpu.dma_semaphore, #tpu.memory_space<semaphore_mem>>) src(%dma_wait3A_1014 : memref<10000xi32, #tpu.memory_space<hbm>>) dst(%arg20 : memref<16xi32, #tpu.memory_space<vmem>>)
      %dma_start3A_1015 = arith.constant 0 : i32
      %dma_start3A_1016 = arith.constant 0 : i32
      %dma_start3A_1017 = tpu.memref_slice %arg9[%dma_start3A_1015, %dma_start3A_1016] : memref<1000x256xf32, #tpu.memory_space<hbm>> -> memref<1000x256xf32, #tpu.memory_space<hbm>>
      tpu.enqueue_indirect_dma source(%dma_start3A_1017 : memref<1000x256xf32, #tpu.memory_space<hbm>>) target(%arg18 : memref<16x256xf32, #tpu.memory_space<vmem>>) offsets(%arg20 : memref<16xi32, #tpu.memory_space<vmem>>) semaphore(%arg29 : memref<!tpu.dma_semaphore, #tpu.memory_space<semaphore_mem>>)
      %dma_wait3A_1018 = arith.constant 0 : i32
      %dma_wait3A_1019 = arith.constant 0 : i32
      %dma_wait3A_1020 = tpu.memref_slice %arg9[%dma_wait3A_1018, %dma_wait3A_1019] : memref<1000x256xf32, #tpu.memory_space<hbm>> -> memref<1000x256xf32, #tpu.memory_space<hbm>>
      tpu.wait_indirect_dma semaphore(%arg29 : memref<!tpu.dma_semaphore, #tpu.memory_space<semaphore_mem>>) src(%dma_wait3A_1020 : memref<1000x256xf32, #tpu.memory_space<hbm>>) dst(%arg18 : memref<16x256xf32, #tpu.memory_space<vmem>>)
      %mul3A_1021 = arith.constant 16 : i32
      %mul3A_1022 = arith.muli %while3A_1003, %mul3A_1021 : i32
      %sub3A_1023 = arith.subi %add3A_374, %mul3A_1022 : i32
      %min3A_1024 = arith.constant 16 : i32
      %min3A_1025 = arith.minsi %sub3A_1023, %min3A_1024 : i32
      %while3A_1026 = arith.constant 0 : i32
      %while3A_1027 = arith.constant 0 : i32
      %while3A_1028 = arith.subi %min3A_1025, %while3A_1026 : i32
      %while3A_1029 = arith.addi %while3A_1026, %while3A_1028 : i32
      %while3A_1030 = arith.constant 1 : i32
      %while3A_1031 = arith.divsi %while3A_1028, %while3A_1030 : i32
      %while3A_1032 = arith.muli %while3A_1031, %while3A_1030 : i32
      %while3A_1033 = arith.addi %while3A_1026, %while3A_1032 : i32
      %while3A_1034 = arith.constant 1 : i32
      %while3A_1035 = scf.for %while3A_1039 = %while3A_1026 to %while3A_1033 step %while3A_1034 iter_args(%while3A_1040 = %while3A_1027) -> (i32)  : i32 {
        %get3A_1041 = arith.constant 1 : i32
        %get3A_1042 = arith.index_cast %get3A_1041 : i32 to index
        %get3A_1043 = arith.constant 0 : index
        %get3A_1044 = tpu.vector_load %arg22[%get3A_1042, %get3A_1043] {strides = array<i32>} : memref<2x256xf32, #tpu.memory_space<vmem>>, vector<16xf32>,
        %get3A_1045 = arith.index_cast %while3A_1039 : i32 to index
        %get3A_1046 = arith.constant 0 : index
        %get3A_1047 = tpu.vector_load %arg18[%get3A_1045, %get3A_1046] {strides = array<i32>} : memref<16x256xf32, #tpu.memory_space<vmem>>, vector<16xf32>,
        %add3A_1048 = arith.addf %get3A_1044, %get3A_1047 : vector<16xf32>
        %swap3A_1049 = arith.constant 1 : i32
        %swap3A_1050 = arith.index_cast %swap3A_1049 : i32 to index
        %swap3A_1051 = arith.constant 0 : index
        %swap3A_1052 = tpu.vector_load %arg22[%swap3A_1050, %swap3A_1051] {strides = array<i32>} : memref<2x256xf32, #tpu.memory_space<vmem>>, vector<16xf32>,
        tpu.vector_store %arg22[%swap3A_1050, %swap3A_1051], %add3A_1048 {strides = array<i32>} : memref<2x256xf32, #tpu.memory_space<vmem>>, vector<16xf32>,
        %get3A_1053 = arith.constant 1 : i32
        %get3A_1054 = arith.index_cast %get3A_1053 : i32 to index
        %get3A_1055 = arith.constant 16 : index
        %get3A_1056 = tpu.vector_load %arg22[%get3A_1054, %get3A_1055] {strides = array<i32>} : memref<2x256xf32, #tpu.memory_space<vmem>>, vector<16xf32>,
        %get3A_1057 = arith.index_cast %while3A_1039 : i32 to index
        %get3A_1058 = arith.constant 16 : index
        %get3A_1059 = tpu.vector_load %arg18[%get3A_1057, %get3A_1058] {strides = array<i32>} : memref<16x256xf32, #tpu.memory_space<vmem>>, vector<16xf32>,
        %add3A_1060 = arith.addf %get3A_1056, %get3A_1059 : vector<16xf32>
        %swap3A_1061 = arith.constant 1 : i32
        %swap3A_1062 = arith.index_cast %swap3A_1061 : i32 to index
        %swap3A_1063 = arith.constant 16 : index
        %swap3A_1064 = tpu.vector_load %arg22[%swap3A_1062, %swap3A_1063] {strides = array<i32>} : memref<2x256xf32, #tpu.memory_space<vmem>>, vector<16xf32>,
        tpu.vector_store %arg22[%swap3A_1062, %swap3A_1063], %add3A_1060 {strides = array<i32>} : memref<2x256xf32, #tpu.memory_space<vmem>>, vector<16xf32>,
        %get3A_1065 = arith.constant 1 : i32
        %get3A_1066 = arith.index_cast %get3A_1065 : i32 to index
        %get3A_1067 = arith.constant 32 : index
        %get3A_1068 = tpu.vector_load %arg22[%get3A_1066, %get3A_1067] {strides = array<i32>} : memref<2x256xf32, #tpu.memory_space<vmem>>, vector<16xf32>,
        %get3A_1069 = arith.index_cast %while3A_1039 : i32 to index
        %get3A_1070 = arith.constant 32 : index
        %get3A_1071 = tpu.vector_load %arg18[%get3A_1069, %get3A_1070] {strides = array<i32>} : memref<16x256xf32, #tpu.memory_space<vmem>>, vector<16xf32>,
        %add3A_1072 = arith.addf %get3A_1068, %get3A_1071 : vector<16xf32>
        %swap3A_1073 = arith.constant 1 : i32
        %swap3A_1074 = arith.index_cast %swap3A_1073 : i32 to index
        %swap3A_1075 = arith.constant 32 : index
        %swap3A_1076 = tpu.vector_load %arg22[%swap3A_1074, %swap3A_1075] {strides = array<i32>} : memref<2x256xf32, #tpu.memory_space<vmem>>, vector<16xf32>,
        tpu.vector_store %arg22[%swap3A_1074, %swap3A_1075], %add3A_1072 {strides = array<i32>} : memref<2x256xf32, #tpu.memory_space<vmem>>, vector<16xf32>,
        %get3A_1077 = arith.constant 1 : i32
        %get3A_1078 = arith.index_cast %get3A_1077 : i32 to index
        %get3A_1079 = arith.constant 48 : index
        %get3A_1080 = tpu.vector_load %arg22[%get3A_1078, %get3A_1079] {strides = array<i32>} : memref<2x256xf32, #tpu.memory_space<vmem>>, vector<16xf32>,
        %get3A_1081 = arith.index_cast %while3A_1039 : i32 to index
        %get3A_1082 = arith.constant 48 : index
        %get3A_1083 = tpu.vector_load %arg18[%get3A_1081, %get3A_1082] {strides = array<i32>} : memref<16x256xf32, #tpu.memory_space<vmem>>, vector<16xf32>,
        %add3A_1084 = arith.addf %get3A_1080, %get3A_1083 : vector<16xf32>
        %swap3A_1085 = arith.constant 1 : i32
        %swap3A_1086 = arith.index_cast %swap3A_1085 : i32 to index
        %swap3A_1087 = arith.constant 48 : index
        %swap3A_1088 = tpu.vector_load %arg22[%swap3A_1086, %swap3A_1087] {strides = array<i32>} : memref<2x256xf32, #tpu.memory_space<vmem>>, vector<16xf32>,
        tpu.vector_store %arg22[%swap3A_1086, %swap3A_1087], %add3A_1084 {strides = array<i32>} : memref<2x256xf32, #tpu.memory_space<vmem>>, vector<16xf32>,
        %get3A_1089 = arith.constant 1 : i32
        %get3A_1090 = arith.index_cast %get3A_1089 : i32 to index
        %get3A_1091 = arith.constant 64 : index
        %get3A_1092 = tpu.vector_load %arg22[%get3A_1090, %get3A_1091] {strides = array<i32>} : memref<2x256xf32, #tpu.memory_space<vmem>>, vector<16xf32>,
        %get3A_1093 = arith.index_cast %while3A_1039 : i32 to index
        %get3A_1094 = arith.constant 64 : index
        %get3A_1095 = tpu.vector_load %arg18[%get3A_1093, %get3A_1094] {strides = array<i32>} : memref<16x256xf32, #tpu.memory_space<vmem>>, vector<16xf32>,
        %add3A_1096 = arith.addf %get3A_1092, %get3A_1095 : vector<16xf32>
        %swap3A_1097 = arith.constant 1 : i32
        %swap3A_1098 = arith.index_cast %swap3A_1097 : i32 to index
        %swap3A_1099 = arith.constant 64 : index
        %swap3A_1100 = tpu.vector_load %arg22[%swap3A_1098, %swap3A_1099] {strides = array<i32>} : memref<2x256xf32, #tpu.memory_space<vmem>>, vector<16xf32>,
        tpu.vector_store %arg22[%swap3A_1098, %swap3A_1099], %add3A_1096 {strides = array<i32>} : memref<2x256xf32, #tpu.memory_space<vmem>>, vector<16xf32>,
        %get3A_1101 = arith.constant 1 : i32
        %get3A_1102 = arith.index_cast %get3A_1101 : i32 to index
        %get3A_1103 = arith.constant 80 : index
        %get3A_1104 = tpu.vector_load %arg22[%get3A_1102, %get3A_1103] {strides = array<i32>} : memref<2x256xf32, #tpu.memory_space<vmem>>, vector<16xf32>,
        %get3A_1105 = arith.index_cast %while3A_1039 : i32 to index
        %get3A_1106 = arith.constant 80 : index
        %get3A_1107 = tpu.vector_load %arg18[%get3A_1105, %get3A_1106] {strides = array<i32>} : memref<16x256xf32, #tpu.memory_space<vmem>>, vector<16xf32>,
        %add3A_1108 = arith.addf %get3A_1104, %get3A_1107 : vector<16xf32>
        %swap3A_1109 = arith.constant 1 : i32
        %swap3A_1110 = arith.index_cast %swap3A_1109 : i32 to index
        %swap3A_1111 = arith.constant 80 : index
        %swap3A_1112 = tpu.vector_load %arg22[%swap3A_1110, %swap3A_1111] {strides = array<i32>} : memref<2x256xf32, #tpu.memory_space<vmem>>, vector<16xf32>,
        tpu.vector_store %arg22[%swap3A_1110, %swap3A_1111], %add3A_1108 {strides = array<i32>} : memref<2x256xf32, #tpu.memory_space<vmem>>, vector<16xf32>,
        %get3A_1113 = arith.constant 1 : i32
        %get3A_1114 = arith.index_cast %get3A_1113 : i32 to index
        %get3A_1115 = arith.constant 96 : index
        %get3A_1116 = tpu.vector_load %arg22[%get3A_1114, %get3A_1115] {strides = array<i32>} : memref<2x256xf32, #tpu.memory_space<vmem>>, vector<16xf32>,
        %get3A_1117 = arith.index_cast %while3A_1039 : i32 to index
        %get3A_1118 = arith.constant 96 : index
        %get3A_1119 = tpu.vector_load %arg18[%get3A_1117, %get3A_1118] {strides = array<i32>} : memref<16x256xf32, #tpu.memory_space<vmem>>, vector<16xf32>,
        %add3A_1120 = arith.addf %get3A_1116, %get3A_1119 : vector<16xf32>
        %swap3A_1121 = arith.constant 1 : i32
        %swap3A_1122 = arith.index_cast %swap3A_1121 : i32 to index
        %swap3A_1123 = arith.constant 96 : index
        %swap3A_1124 = tpu.vector_load %arg22[%swap3A_1122, %swap3A_1123] {strides = array<i32>} : memref<2x256xf32, #tpu.memory_space<vmem>>, vector<16xf32>,
        tpu.vector_store %arg22[%swap3A_1122, %swap3A_1123], %add3A_1120 {strides = array<i32>} : memref<2x256xf32, #tpu.memory_space<vmem>>, vector<16xf32>,
        %get3A_1125 = arith.constant 1 : i32
        %get3A_1126 = arith.index_cast %get3A_1125 : i32 to index
        %get3A_1127 = arith.constant 112 : index
        %get3A_1128 = tpu.vector_load %arg22[%get3A_1126, %get3A_1127] {strides = array<i32>} : memref<2x256xf32, #tpu.memory_space<vmem>>, vector<16xf32>,
        %get3A_1129 = arith.index_cast %while3A_1039 : i32 to index
        %get3A_1130 = arith.constant 112 : index
        %get3A_1131 = tpu.vector_load %arg18[%get3A_1129, %get3A_1130] {strides = array<i32>} : memref<16x256xf32, #tpu.memory_space<vmem>>, vector<16xf32>,
        %add3A_1132 = arith.addf %get3A_1128, %get3A_1131 : vector<16xf32>
        %swap3A_1133 = arith.constant 1 : i32
        %swap3A_1134 = arith.index_cast %swap3A_1133 : i32 to index
        %swap3A_1135 = arith.constant 112 : index
        %swap3A_1136 = tpu.vector_load %arg22[%swap3A_1134, %swap3A_1135] {strides = array<i32>} : memref<2x256xf32, #tpu.memory_space<vmem>>, vector<16xf32>,
        tpu.vector_store %arg22[%swap3A_1134, %swap3A_1135], %add3A_1132 {strides = array<i32>} : memref<2x256xf32, #tpu.memory_space<vmem>>, vector<16xf32>,
        %get3A_1137 = arith.constant 1 : i32
        %get3A_1138 = arith.index_cast %get3A_1137 : i32 to index
        %get3A_1139 = arith.constant 128 : index
        %get3A_1140 = tpu.vector_load %arg22[%get3A_1138, %get3A_1139] {strides = array<i32>} : memref<2x256xf32, #tpu.memory_space<vmem>>, vector<16xf32>,
        %get3A_1141 = arith.index_cast %while3A_1039 : i32 to index
        %get3A_1142 = arith.constant 128 : index
        %get3A_1143 = tpu.vector_load %arg18[%get3A_1141, %get3A_1142] {strides = array<i32>} : memref<16x256xf32, #tpu.memory_space<vmem>>, vector<16xf32>,
        %add3A_1144 = arith.addf %get3A_1140, %get3A_1143 : vector<16xf32>
        %swap3A_1145 = arith.constant 1 : i32
        %swap3A_1146 = arith.index_cast %swap3A_1145 : i32 to index
        %swap3A_1147 = arith.constant 128 : index
        %swap3A_1148 = tpu.vector_load %arg22[%swap3A_1146, %swap3A_1147] {strides = array<i32>} : memref<2x256xf32, #tpu.memory_space<vmem>>, vector<16xf32>,
        tpu.vector_store %arg22[%swap3A_1146, %swap3A_1147], %add3A_1144 {strides = array<i32>} : memref<2x256xf32, #tpu.memory_space<vmem>>, vector<16xf32>,
        %get3A_1149 = arith.constant 1 : i32
        %get3A_1150 = arith.index_cast %get3A_1149 : i32 to index
        %get3A_1151 = arith.constant 144 : index
        %get3A_1152 = tpu.vector_load %arg22[%get3A_1150, %get3A_1151] {strides = array<i32>} : memref<2x256xf32, #tpu.memory_space<vmem>>, vector<16xf32>,
        %get3A_1153 = arith.index_cast %while3A_1039 : i32 to index
        %get3A_1154 = arith.constant 144 : index
        %get3A_1155 = tpu.vector_load %arg18[%get3A_1153, %get3A_1154] {strides = array<i32>} : memref<16x256xf32, #tpu.memory_space<vmem>>, vector<16xf32>,
        %add3A_1156 = arith.addf %get3A_1152, %get3A_1155 : vector<16xf32>
        %swap3A_1157 = arith.constant 1 : i32
        %swap3A_1158 = arith.index_cast %swap3A_1157 : i32 to index
        %swap3A_1159 = arith.constant 144 : index
        %swap3A_1160 = tpu.vector_load %arg22[%swap3A_1158, %swap3A_1159] {strides = array<i32>} : memref<2x256xf32, #tpu.memory_space<vmem>>, vector<16xf32>,
        tpu.vector_store %arg22[%swap3A_1158, %swap3A_1159], %add3A_1156 {strides = array<i32>} : memref<2x256xf32, #tpu.memory_space<vmem>>, vector<16xf32>,
        %get3A_1161 = arith.constant 1 : i32
        %get3A_1162 = arith.index_cast %get3A_1161 : i32 to index
        %get3A_1163 = arith.constant 160 : index
        %get3A_1164 = tpu.vector_load %arg22[%get3A_1162, %get3A_1163] {strides = array<i32>} : memref<2x256xf32, #tpu.memory_space<vmem>>, vector<16xf32>,
        %get3A_1165 = arith.index_cast %while3A_1039 : i32 to index
        %get3A_1166 = arith.constant 160 : index
        %get3A_1167 = tpu.vector_load %arg18[%get3A_1165, %get3A_1166] {strides = array<i32>} : memref<16x256xf32, #tpu.memory_space<vmem>>, vector<16xf32>,
        %add3A_1168 = arith.addf %get3A_1164, %get3A_1167 : vector<16xf32>
        %swap3A_1169 = arith.constant 1 : i32
        %swap3A_1170 = arith.index_cast %swap3A_1169 : i32 to index
        %swap3A_1171 = arith.constant 160 : index
        %swap3A_1172 = tpu.vector_load %arg22[%swap3A_1170, %swap3A_1171] {strides = array<i32>} : memref<2x256xf32, #tpu.memory_space<vmem>>, vector<16xf32>,
        tpu.vector_store %arg22[%swap3A_1170, %swap3A_1171], %add3A_1168 {strides = array<i32>} : memref<2x256xf32, #tpu.memory_space<vmem>>, vector<16xf32>,
        %get3A_1173 = arith.constant 1 : i32
        %get3A_1174 = arith.index_cast %get3A_1173 : i32 to index
        %get3A_1175 = arith.constant 176 : index
        %get3A_1176 = tpu.vector_load %arg22[%get3A_1174, %get3A_1175] {strides = array<i32>} : memref<2x256xf32, #tpu.memory_space<vmem>>, vector<16xf32>,
        %get3A_1177 = arith.index_cast %while3A_1039 : i32 to index
        %get3A_1178 = arith.constant 176 : index
        %get3A_1179 = tpu.vector_load %arg18[%get3A_1177, %get3A_1178] {strides = array<i32>} : memref<16x256xf32, #tpu.memory_space<vmem>>, vector<16xf32>,
        %add3A_1180 = arith.addf %get3A_1176, %get3A_1179 : vector<16xf32>
        %swap3A_1181 = arith.constant 1 : i32
        %swap3A_1182 = arith.index_cast %swap3A_1181 : i32 to index
        %swap3A_1183 = arith.constant 176 : index
        %swap3A_1184 = tpu.vector_load %arg22[%swap3A_1182, %swap3A_1183] {strides = array<i32>} : memref<2x256xf32, #tpu.memory_space<vmem>>, vector<16xf32>,
        tpu.vector_store %arg22[%swap3A_1182, %swap3A_1183], %add3A_1180 {strides = array<i32>} : memref<2x256xf32, #tpu.memory_space<vmem>>, vector<16xf32>,
        %get3A_1185 = arith.constant 1 : i32
        %get3A_1186 = arith.index_cast %get3A_1185 : i32 to index
        %get3A_1187 = arith.constant 192 : index
        %get3A_1188 = tpu.vector_load %arg22[%get3A_1186, %get3A_1187] {strides = array<i32>} : memref<2x256xf32, #tpu.memory_space<vmem>>, vector<16xf32>,
        %get3A_1189 = arith.index_cast %while3A_1039 : i32 to index
        %get3A_1190 = arith.constant 192 : index
        %get3A_1191 = tpu.vector_load %arg18[%get3A_1189, %get3A_1190] {strides = array<i32>} : memref<16x256xf32, #tpu.memory_space<vmem>>, vector<16xf32>,
        %add3A_1192 = arith.addf %get3A_1188, %get3A_1191 : vector<16xf32>
        %swap3A_1193 = arith.constant 1 : i32
        %swap3A_1194 = arith.index_cast %swap3A_1193 : i32 to index
        %swap3A_1195 = arith.constant 192 : index
        %swap3A_1196 = tpu.vector_load %arg22[%swap3A_1194, %swap3A_1195] {strides = array<i32>} : memref<2x256xf32, #tpu.memory_space<vmem>>, vector<16xf32>,
        tpu.vector_store %arg22[%swap3A_1194, %swap3A_1195], %add3A_1192 {strides = array<i32>} : memref<2x256xf32, #tpu.memory_space<vmem>>, vector<16xf32>,
        %get3A_1197 = arith.constant 1 : i32
        %get3A_1198 = arith.index_cast %get3A_1197 : i32 to index
        %get3A_1199 = arith.constant 208 : index
        %get3A_1200 = tpu.vector_load %arg22[%get3A_1198, %get3A_1199] {strides = array<i32>} : memref<2x256xf32, #tpu.memory_space<vmem>>, vector<16xf32>,
        %get3A_1201 = arith.index_cast %while3A_1039 : i32 to index
        %get3A_1202 = arith.constant 208 : index
        %get3A_1203 = tpu.vector_load %arg18[%get3A_1201, %get3A_1202] {strides = array<i32>} : memref<16x256xf32, #tpu.memory_space<vmem>>, vector<16xf32>,
        %add3A_1204 = arith.addf %get3A_1200, %get3A_1203 : vector<16xf32>
        %swap3A_1205 = arith.constant 1 : i32
        %swap3A_1206 = arith.index_cast %swap3A_1205 : i32 to index
        %swap3A_1207 = arith.constant 208 : index
        %swap3A_1208 = tpu.vector_load %arg22[%swap3A_1206, %swap3A_1207] {strides = array<i32>} : memref<2x256xf32, #tpu.memory_space<vmem>>, vector<16xf32>,
        tpu.vector_store %arg22[%swap3A_1206, %swap3A_1207], %add3A_1204 {strides = array<i32>} : memref<2x256xf32, #tpu.memory_space<vmem>>, vector<16xf32>,
        %get3A_1209 = arith.constant 1 : i32
        %get3A_1210 = arith.index_cast %get3A_1209 : i32 to index
        %get3A_1211 = arith.constant 224 : index
        %get3A_1212 = tpu.vector_load %arg22[%get3A_1210, %get3A_1211] {strides = array<i32>} : memref<2x256xf32, #tpu.memory_space<vmem>>, vector<16xf32>,
        %get3A_1213 = arith.index_cast %while3A_1039 : i32 to index
        %get3A_1214 = arith.constant 224 : index
        %get3A_1215 = tpu.vector_load %arg18[%get3A_1213, %get3A_1214] {strides = array<i32>} : memref<16x256xf32, #tpu.memory_space<vmem>>, vector<16xf32>,
        %add3A_1216 = arith.addf %get3A_1212, %get3A_1215 : vector<16xf32>
        %swap3A_1217 = arith.constant 1 : i32
        %swap3A_1218 = arith.index_cast %swap3A_1217 : i32 to index
        %swap3A_1219 = arith.constant 224 : index
        %swap3A_1220 = tpu.vector_load %arg22[%swap3A_1218, %swap3A_1219] {strides = array<i32>} : memref<2x256xf32, #tpu.memory_space<vmem>>, vector<16xf32>,
        tpu.vector_store %arg22[%swap3A_1218, %swap3A_1219], %add3A_1216 {strides = array<i32>} : memref<2x256xf32, #tpu.memory_space<vmem>>, vector<16xf32>,
        %get3A_1221 = arith.constant 1 : i32
        %get3A_1222 = arith.index_cast %get3A_1221 : i32 to index
        %get3A_1223 = arith.constant 240 : index
        %get3A_1224 = tpu.vector_load %arg22[%get3A_1222, %get3A_1223] {strides = array<i32>} : memref<2x256xf32, #tpu.memory_space<vmem>>, vector<16xf32>,
        %get3A_1225 = arith.index_cast %while3A_1039 : i32 to index
        %get3A_1226 = arith.constant 240 : index
        %get3A_1227 = tpu.vector_load %arg18[%get3A_1225, %get3A_1226] {strides = array<i32>} : memref<16x256xf32, #tpu.memory_space<vmem>>, vector<16xf32>,
        %add3A_1228 = arith.addf %get3A_1224, %get3A_1227 : vector<16xf32>
        %swap3A_1229 = arith.constant 1 : i32
        %swap3A_1230 = arith.index_cast %swap3A_1229 : i32 to index
        %swap3A_1231 = arith.constant 240 : index
        %swap3A_1232 = tpu.vector_load %arg22[%swap3A_1230, %swap3A_1231] {strides = array<i32>} : memref<2x256xf32, #tpu.memory_space<vmem>>, vector<16xf32>,
        tpu.vector_store %arg22[%swap3A_1230, %swap3A_1231], %add3A_1228 {strides = array<i32>} : memref<2x256xf32, #tpu.memory_space<vmem>>, vector<16xf32>,
        %while3A_1233 = arith.constant 0 : i32
        scf.yield %while3A_1233 : i32
      }
      %while3A_1036 = arith.constant 1 : i32
      %while3A_1037 = scf.for %while3A_1039 = %while3A_1033 to %while3A_1029 step %while3A_1036 iter_args(%while3A_1040 = %while3A_1035) -> (i32)  : i32 {
        %get3A_1041 = arith.constant 1 : i32
        %get3A_1042 = arith.index_cast %get3A_1041 : i32 to index
        %get3A_1043 = arith.constant 0 : index
        %get3A_1044 = tpu.vector_load %arg22[%get3A_1042, %get3A_1043] {strides = array<i32>} : memref<2x256xf32, #tpu.memory_space<vmem>>, vector<16xf32>,
        %get3A_1045 = arith.index_cast %while3A_1039 : i32 to index
        %get3A_1046 = arith.constant 0 : index
        %get3A_1047 = tpu.vector_load %arg18[%get3A_1045, %get3A_1046] {strides = array<i32>} : memref<16x256xf32, #tpu.memory_space<vmem>>, vector<16xf32>,
        %add3A_1048 = arith.addf %get3A_1044, %get3A_1047 : vector<16xf32>
        %swap3A_1049 = arith.constant 1 : i32
        %swap3A_1050 = arith.index_cast %swap3A_1049 : i32 to index
        %swap3A_1051 = arith.constant 0 : index
        %swap3A_1052 = tpu.vector_load %arg22[%swap3A_1050, %swap3A_1051] {strides = array<i32>} : memref<2x256xf32, #tpu.memory_space<vmem>>, vector<16xf32>,
        tpu.vector_store %arg22[%swap3A_1050, %swap3A_1051], %add3A_1048 {strides = array<i32>} : memref<2x256xf32, #tpu.memory_space<vmem>>, vector<16xf32>,
        %get3A_1053 = arith.constant 1 : i32
        %get3A_1054 = arith.index_cast %get3A_1053 : i32 to index
        %get3A_1055 = arith.constant 16 : index
        %get3A_1056 = tpu.vector_load %arg22[%get3A_1054, %get3A_1055] {strides = array<i32>} : memref<2x256xf32, #tpu.memory_space<vmem>>, vector<16xf32>,
        %get3A_1057 = arith.index_cast %while3A_1039 : i32 to index
        %get3A_1058 = arith.constant 16 : index
        %get3A_1059 = tpu.vector_load %arg18[%get3A_1057, %get3A_1058] {strides = array<i32>} : memref<16x256xf32, #tpu.memory_space<vmem>>, vector<16xf32>,
        %add3A_1060 = arith.addf %get3A_1056, %get3A_1059 : vector<16xf32>
        %swap3A_1061 = arith.constant 1 : i32
        %swap3A_1062 = arith.index_cast %swap3A_1061 : i32 to index
        %swap3A_1063 = arith.constant 16 : index
        %swap3A_1064 = tpu.vector_load %arg22[%swap3A_1062, %swap3A_1063] {strides = array<i32>} : memref<2x256xf32, #tpu.memory_space<vmem>>, vector<16xf32>,
        tpu.vector_store %arg22[%swap3A_1062, %swap3A_1063], %add3A_1060 {strides = array<i32>} : memref<2x256xf32, #tpu.memory_space<vmem>>, vector<16xf32>,
        %get3A_1065 = arith.constant 1 : i32
        %get3A_1066 = arith.index_cast %get3A_1065 : i32 to index
        %get3A_1067 = arith.constant 32 : index
        %get3A_1068 = tpu.vector_load %arg22[%get3A_1066, %get3A_1067] {strides = array<i32>} : memref<2x256xf32, #tpu.memory_space<vmem>>, vector<16xf32>,
        %get3A_1069 = arith.index_cast %while3A_1039 : i32 to index
        %get3A_1070 = arith.constant 32 : index
        %get3A_1071 = tpu.vector_load %arg18[%get3A_1069, %get3A_1070] {strides = array<i32>} : memref<16x256xf32, #tpu.memory_space<vmem>>, vector<16xf32>,
        %add3A_1072 = arith.addf %get3A_1068, %get3A_1071 : vector<16xf32>
        %swap3A_1073 = arith.constant 1 : i32
        %swap3A_1074 = arith.index_cast %swap3A_1073 : i32 to index
        %swap3A_1075 = arith.constant 32 : index
        %swap3A_1076 = tpu.vector_load %arg22[%swap3A_1074, %swap3A_1075] {strides = array<i32>} : memref<2x256xf32, #tpu.memory_space<vmem>>, vector<16xf32>,
        tpu.vector_store %arg22[%swap3A_1074, %swap3A_1075], %add3A_1072 {strides = array<i32>} : memref<2x256xf32, #tpu.memory_space<vmem>>, vector<16xf32>,
        %get3A_1077 = arith.constant 1 : i32
        %get3A_1078 = arith.index_cast %get3A_1077 : i32 to index
        %get3A_1079 = arith.constant 48 : index
        %get3A_1080 = tpu.vector_load %arg22[%get3A_1078, %get3A_1079] {strides = array<i32>} : memref<2x256xf32, #tpu.memory_space<vmem>>, vector<16xf32>,
        %get3A_1081 = arith.index_cast %while3A_1039 : i32 to index
        %get3A_1082 = arith.constant 48 : index
        %get3A_1083 = tpu.vector_load %arg18[%get3A_1081, %get3A_1082] {strides = array<i32>} : memref<16x256xf32, #tpu.memory_space<vmem>>, vector<16xf32>,
        %add3A_1084 = arith.addf %get3A_1080, %get3A_1083 : vector<16xf32>
        %swap3A_1085 = arith.constant 1 : i32
        %swap3A_1086 = arith.index_cast %swap3A_1085 : i32 to index
        %swap3A_1087 = arith.constant 48 : index
        %swap3A_1088 = tpu.vector_load %arg22[%swap3A_1086, %swap3A_1087] {strides = array<i32>} : memref<2x256xf32, #tpu.memory_space<vmem>>, vector<16xf32>,
        tpu.vector_store %arg22[%swap3A_1086, %swap3A_1087], %add3A_1084 {strides = array<i32>} : memref<2x256xf32, #tpu.memory_space<vmem>>, vector<16xf32>,
        %get3A_1089 = arith.constant 1 : i32
        %get3A_1090 = arith.index_cast %get3A_1089 : i32 to index
        %get3A_1091 = arith.constant 64 : index
        %get3A_1092 = tpu.vector_load %arg22[%get3A_1090, %get3A_1091] {strides = array<i32>} : memref<2x256xf32, #tpu.memory_space<vmem>>, vector<16xf32>,
        %get3A_1093 = arith.index_cast %while3A_1039 : i32 to index
        %get3A_1094 = arith.constant 64 : index
        %get3A_1095 = tpu.vector_load %arg18[%get3A_1093, %get3A_1094] {strides = array<i32>} : memref<16x256xf32, #tpu.memory_space<vmem>>, vector<16xf32>,
        %add3A_1096 = arith.addf %get3A_1092, %get3A_1095 : vector<16xf32>
        %swap3A_1097 = arith.constant 1 : i32
        %swap3A_1098 = arith.index_cast %swap3A_1097 : i32 to index
        %swap3A_1099 = arith.constant 64 : index
        %swap3A_1100 = tpu.vector_load %arg22[%swap3A_1098, %swap3A_1099] {strides = array<i32>} : memref<2x256xf32, #tpu.memory_space<vmem>>, vector<16xf32>,
        tpu.vector_store %arg22[%swap3A_1098, %swap3A_1099], %add3A_1096 {strides = array<i32>} : memref<2x256xf32, #tpu.memory_space<vmem>>, vector<16xf32>,
        %get3A_1101 = arith.constant 1 : i32
        %get3A_1102 = arith.index_cast %get3A_1101 : i32 to index
        %get3A_1103 = arith.constant 80 : index
        %get3A_1104 = tpu.vector_load %arg22[%get3A_1102, %get3A_1103] {strides = array<i32>} : memref<2x256xf32, #tpu.memory_space<vmem>>, vector<16xf32>,
        %get3A_1105 = arith.index_cast %while3A_1039 : i32 to index
        %get3A_1106 = arith.constant 80 : index
        %get3A_1107 = tpu.vector_load %arg18[%get3A_1105, %get3A_1106] {strides = array<i32>} : memref<16x256xf32, #tpu.memory_space<vmem>>, vector<16xf32>,
        %add3A_1108 = arith.addf %get3A_1104, %get3A_1107 : vector<16xf32>
        %swap3A_1109 = arith.constant 1 : i32
        %swap3A_1110 = arith.index_cast %swap3A_1109 : i32 to index
        %swap3A_1111 = arith.constant 80 : index
        %swap3A_1112 = tpu.vector_load %arg22[%swap3A_1110, %swap3A_1111] {strides = array<i32>} : memref<2x256xf32, #tpu.memory_space<vmem>>, vector<16xf32>,
        tpu.vector_store %arg22[%swap3A_1110, %swap3A_1111], %add3A_1108 {strides = array<i32>} : memref<2x256xf32, #tpu.memory_space<vmem>>, vector<16xf32>,
        %get3A_1113 = arith.constant 1 : i32
        %get3A_1114 = arith.index_cast %get3A_1113 : i32 to index
        %get3A_1115 = arith.constant 96 : index
        %get3A_1116 = tpu.vector_load %arg22[%get3A_1114, %get3A_1115] {strides = array<i32>} : memref<2x256xf32, #tpu.memory_space<vmem>>, vector<16xf32>,
        %get3A_1117 = arith.index_cast %while3A_1039 : i32 to index
        %get3A_1118 = arith.constant 96 : index
        %get3A_1119 = tpu.vector_load %arg18[%get3A_1117, %get3A_1118] {strides = array<i32>} : memref<16x256xf32, #tpu.memory_space<vmem>>, vector<16xf32>,
        %add3A_1120 = arith.addf %get3A_1116, %get3A_1119 : vector<16xf32>
        %swap3A_1121 = arith.constant 1 : i32
        %swap3A_1122 = arith.index_cast %swap3A_1121 : i32 to index
        %swap3A_1123 = arith.constant 96 : index
        %swap3A_1124 = tpu.vector_load %arg22[%swap3A_1122, %swap3A_1123] {strides = array<i32>} : memref<2x256xf32, #tpu.memory_space<vmem>>, vector<16xf32>,
        tpu.vector_store %arg22[%swap3A_1122, %swap3A_1123], %add3A_1120 {strides = array<i32>} : memref<2x256xf32, #tpu.memory_space<vmem>>, vector<16xf32>,
        %get3A_1125 = arith.constant 1 : i32
        %get3A_1126 = arith.index_cast %get3A_1125 : i32 to index
        %get3A_1127 = arith.constant 112 : index
        %get3A_1128 = tpu.vector_load %arg22[%get3A_1126, %get3A_1127] {strides = array<i32>} : memref<2x256xf32, #tpu.memory_space<vmem>>, vector<16xf32>,
        %get3A_1129 = arith.index_cast %while3A_1039 : i32 to index
        %get3A_1130 = arith.constant 112 : index
        %get3A_1131 = tpu.vector_load %arg18[%get3A_1129, %get3A_1130] {strides = array<i32>} : memref<16x256xf32, #tpu.memory_space<vmem>>, vector<16xf32>,
        %add3A_1132 = arith.addf %get3A_1128, %get3A_1131 : vector<16xf32>
        %swap3A_1133 = arith.constant 1 : i32
        %swap3A_1134 = arith.index_cast %swap3A_1133 : i32 to index
        %swap3A_1135 = arith.constant 112 : index
        %swap3A_1136 = tpu.vector_load %arg22[%swap3A_1134, %swap3A_1135] {strides = array<i32>} : memref<2x256xf32, #tpu.memory_space<vmem>>, vector<16xf32>,
        tpu.vector_store %arg22[%swap3A_1134, %swap3A_1135], %add3A_1132 {strides = array<i32>} : memref<2x256xf32, #tpu.memory_space<vmem>>, vector<16xf32>,
        %get3A_1137 = arith.constant 1 : i32
        %get3A_1138 = arith.index_cast %get3A_1137 : i32 to index
        %get3A_1139 = arith.constant 128 : index
        %get3A_1140 = tpu.vector_load %arg22[%get3A_1138, %get3A_1139] {strides = array<i32>} : memref<2x256xf32, #tpu.memory_space<vmem>>, vector<16xf32>,
        %get3A_1141 = arith.index_cast %while3A_1039 : i32 to index
        %get3A_1142 = arith.constant 128 : index
        %get3A_1143 = tpu.vector_load %arg18[%get3A_1141, %get3A_1142] {strides = array<i32>} : memref<16x256xf32, #tpu.memory_space<vmem>>, vector<16xf32>,
        %add3A_1144 = arith.addf %get3A_1140, %get3A_1143 : vector<16xf32>
        %swap3A_1145 = arith.constant 1 : i32
        %swap3A_1146 = arith.index_cast %swap3A_1145 : i32 to index
        %swap3A_1147 = arith.constant 128 : index
        %swap3A_1148 = tpu.vector_load %arg22[%swap3A_1146, %swap3A_1147] {strides = array<i32>} : memref<2x256xf32, #tpu.memory_space<vmem>>, vector<16xf32>,
        tpu.vector_store %arg22[%swap3A_1146, %swap3A_1147], %add3A_1144 {strides = array<i32>} : memref<2x256xf32, #tpu.memory_space<vmem>>, vector<16xf32>,
        %get3A_1149 = arith.constant 1 : i32
        %get3A_1150 = arith.index_cast %get3A_1149 : i32 to index
        %get3A_1151 = arith.constant 144 : index
        %get3A_1152 = tpu.vector_load %arg22[%get3A_1150, %get3A_1151] {strides = array<i32>} : memref<2x256xf32, #tpu.memory_space<vmem>>, vector<16xf32>,
        %get3A_1153 = arith.index_cast %while3A_1039 : i32 to index
        %get3A_1154 = arith.constant 144 : index
        %get3A_1155 = tpu.vector_load %arg18[%get3A_1153, %get3A_1154] {strides = array<i32>} : memref<16x256xf32, #tpu.memory_space<vmem>>, vector<16xf32>,
        %add3A_1156 = arith.addf %get3A_1152, %get3A_1155 : vector<16xf32>
        %swap3A_1157 = arith.constant 1 : i32
        %swap3A_1158 = arith.index_cast %swap3A_1157 : i32 to index
        %swap3A_1159 = arith.constant 144 : index
        %swap3A_1160 = tpu.vector_load %arg22[%swap3A_1158, %swap3A_1159] {strides = array<i32>} : memref<2x256xf32, #tpu.memory_space<vmem>>, vector<16xf32>,
        tpu.vector_store %arg22[%swap3A_1158, %swap3A_1159], %add3A_1156 {strides = array<i32>} : memref<2x256xf32, #tpu.memory_space<vmem>>, vector<16xf32>,
        %get3A_1161 = arith.constant 1 : i32
        %get3A_1162 = arith.index_cast %get3A_1161 : i32 to index
        %get3A_1163 = arith.constant 160 : index
        %get3A_1164 = tpu.vector_load %arg22[%get3A_1162, %get3A_1163] {strides = array<i32>} : memref<2x256xf32, #tpu.memory_space<vmem>>, vector<16xf32>,
        %get3A_1165 = arith.index_cast %while3A_1039 : i32 to index
        %get3A_1166 = arith.constant 160 : index
        %get3A_1167 = tpu.vector_load %arg18[%get3A_1165, %get3A_1166] {strides = array<i32>} : memref<16x256xf32, #tpu.memory_space<vmem>>, vector<16xf32>,
        %add3A_1168 = arith.addf %get3A_1164, %get3A_1167 : vector<16xf32>
        %swap3A_1169 = arith.constant 1 : i32
        %swap3A_1170 = arith.index_cast %swap3A_1169 : i32 to index
        %swap3A_1171 = arith.constant 160 : index
        %swap3A_1172 = tpu.vector_load %arg22[%swap3A_1170, %swap3A_1171] {strides = array<i32>} : memref<2x256xf32, #tpu.memory_space<vmem>>, vector<16xf32>,
        tpu.vector_store %arg22[%swap3A_1170, %swap3A_1171], %add3A_1168 {strides = array<i32>} : memref<2x256xf32, #tpu.memory_space<vmem>>, vector<16xf32>,
        %get3A_1173 = arith.constant 1 : i32
        %get3A_1174 = arith.index_cast %get3A_1173 : i32 to index
        %get3A_1175 = arith.constant 176 : index
        %get3A_1176 = tpu.vector_load %arg22[%get3A_1174, %get3A_1175] {strides = array<i32>} : memref<2x256xf32, #tpu.memory_space<vmem>>, vector<16xf32>,
        %get3A_1177 = arith.index_cast %while3A_1039 : i32 to index
        %get3A_1178 = arith.constant 176 : index
        %get3A_1179 = tpu.vector_load %arg18[%get3A_1177, %get3A_1178] {strides = array<i32>} : memref<16x256xf32, #tpu.memory_space<vmem>>, vector<16xf32>,
        %add3A_1180 = arith.addf %get3A_1176, %get3A_1179 : vector<16xf32>
        %swap3A_1181 = arith.constant 1 : i32
        %swap3A_1182 = arith.index_cast %swap3A_1181 : i32 to index
        %swap3A_1183 = arith.constant 176 : index
        %swap3A_1184 = tpu.vector_load %arg22[%swap3A_1182, %swap3A_1183] {strides = array<i32>} : memref<2x256xf32, #tpu.memory_space<vmem>>, vector<16xf32>,
        tpu.vector_store %arg22[%swap3A_1182, %swap3A_1183], %add3A_1180 {strides = array<i32>} : memref<2x256xf32, #tpu.memory_space<vmem>>, vector<16xf32>,
        %get3A_1185 = arith.constant 1 : i32
        %get3A_1186 = arith.index_cast %get3A_1185 : i32 to index
        %get3A_1187 = arith.constant 192 : index
        %get3A_1188 = tpu.vector_load %arg22[%get3A_1186, %get3A_1187] {strides = array<i32>} : memref<2x256xf32, #tpu.memory_space<vmem>>, vector<16xf32>,
        %get3A_1189 = arith.index_cast %while3A_1039 : i32 to index
        %get3A_1190 = arith.constant 192 : index
        %get3A_1191 = tpu.vector_load %arg18[%get3A_1189, %get3A_1190] {strides = array<i32>} : memref<16x256xf32, #tpu.memory_space<vmem>>, vector<16xf32>,
        %add3A_1192 = arith.addf %get3A_1188, %get3A_1191 : vector<16xf32>
        %swap3A_1193 = arith.constant 1 : i32
        %swap3A_1194 = arith.index_cast %swap3A_1193 : i32 to index
        %swap3A_1195 = arith.constant 192 : index
        %swap3A_1196 = tpu.vector_load %arg22[%swap3A_1194, %swap3A_1195] {strides = array<i32>} : memref<2x256xf32, #tpu.memory_space<vmem>>, vector<16xf32>,
        tpu.vector_store %arg22[%swap3A_1194, %swap3A_1195], %add3A_1192 {strides = array<i32>} : memref<2x256xf32, #tpu.memory_space<vmem>>, vector<16xf32>,
        %get3A_1197 = arith.constant 1 : i32
        %get3A_1198 = arith.index_cast %get3A_1197 : i32 to index
        %get3A_1199 = arith.constant 208 : index
        %get3A_1200 = tpu.vector_load %arg22[%get3A_1198, %get3A_1199] {strides = array<i32>} : memref<2x256xf32, #tpu.memory_space<vmem>>, vector<16xf32>,
        %get3A_1201 = arith.index_cast %while3A_1039 : i32 to index
        %get3A_1202 = arith.constant 208 : index
        %get3A_1203 = tpu.vector_load %arg18[%get3A_1201, %get3A_1202] {strides = array<i32>} : memref<16x256xf32, #tpu.memory_space<vmem>>, vector<16xf32>,
        %add3A_1204 = arith.addf %get3A_1200, %get3A_1203 : vector<16xf32>
        %swap3A_1205 = arith.constant 1 : i32
        %swap3A_1206 = arith.index_cast %swap3A_1205 : i32 to index
        %swap3A_1207 = arith.constant 208 : index
        %swap3A_1208 = tpu.vector_load %arg22[%swap3A_1206, %swap3A_1207] {strides = array<i32>} : memref<2x256xf32, #tpu.memory_space<vmem>>, vector<16xf32>,
        tpu.vector_store %arg22[%swap3A_1206, %swap3A_1207], %add3A_1204 {strides = array<i32>} : memref<2x256xf32, #tpu.memory_space<vmem>>, vector<16xf32>,
        %get3A_1209 = arith.constant 1 : i32
        %get3A_1210 = arith.index_cast %get3A_1209 : i32 to index
        %get3A_1211 = arith.constant 224 : index
        %get3A_1212 = tpu.vector_load %arg22[%get3A_1210, %get3A_1211] {strides = array<i32>} : memref<2x256xf32, #tpu.memory_space<vmem>>, vector<16xf32>,
        %get3A_1213 = arith.index_cast %while3A_1039 : i32 to index
        %get3A_1214 = arith.constant 224 : index
        %get3A_1215 = tpu.vector_load %arg18[%get3A_1213, %get3A_1214] {strides = array<i32>} : memref<16x256xf32, #tpu.memory_space<vmem>>, vector<16xf32>,
        %add3A_1216 = arith.addf %get3A_1212, %get3A_1215 : vector<16xf32>
        %swap3A_1217 = arith.constant 1 : i32
        %swap3A_1218 = arith.index_cast %swap3A_1217 : i32 to index
        %swap3A_1219 = arith.constant 224 : index
        %swap3A_1220 = tpu.vector_load %arg22[%swap3A_1218, %swap3A_1219] {strides = array<i32>} : memref<2x256xf32, #tpu.memory_space<vmem>>, vector<16xf32>,
        tpu.vector_store %arg22[%swap3A_1218, %swap3A_1219], %add3A_1216 {strides = array<i32>} : memref<2x256xf32, #tpu.memory_space<vmem>>, vector<16xf32>,
        %get3A_1221 = arith.constant 1 : i32
        %get3A_1222 = arith.index_cast %get3A_1221 : i32 to index
        %get3A_1223 = arith.constant 240 : index
        %get3A_1224 = tpu.vector_load %arg22[%get3A_1222, %get3A_1223] {strides = array<i32>} : memref<2x256xf32, #tpu.memory_space<vmem>>, vector<16xf32>,
        %get3A_1225 = arith.index_cast %while3A_1039 : i32 to index
        %get3A_1226 = arith.constant 240 : index
        %get3A_1227 = tpu.vector_load %arg18[%get3A_1225, %get3A_1226] {strides = array<i32>} : memref<16x256xf32, #tpu.memory_space<vmem>>, vector<16xf32>,
        %add3A_1228 = arith.addf %get3A_1224, %get3A_1227 : vector<16xf32>
        %swap3A_1229 = arith.constant 1 : i32
        %swap3A_1230 = arith.index_cast %swap3A_1229 : i32 to index
        %swap3A_1231 = arith.constant 240 : index
        %swap3A_1232 = tpu.vector_load %arg22[%swap3A_1230, %swap3A_1231] {strides = array<i32>} : memref<2x256xf32, #tpu.memory_space<vmem>>, vector<16xf32>,
        tpu.vector_store %arg22[%swap3A_1230, %swap3A_1231], %add3A_1228 {strides = array<i32>} : memref<2x256xf32, #tpu.memory_space<vmem>>, vector<16xf32>,
        %while3A_1233 = arith.constant 0 : i32
        scf.yield %while3A_1233 : i32
      }
      %while3A_1038 = arith.constant 0 : i32
      scf.yield %while3A_1038 : i32
    }
    %broadcast_in_dim3A_455 = vector.broadcast %add3A_163 : i32 to vector<16xi32>
    %convert_element_type3A_456 = arith.sitofp %broadcast_in_dim3A_455 : vector<16xi32> to vector<16xf32>
    %swap3A_457 = arith.constant 0 : i32
    %swap3A_458 = arith.index_cast %swap3A_457 : i32 to index
    %swap3A_459 = arith.constant 0 : index
    %swap3A_460 = tpu.vector_load %arg23[%swap3A_458, %swap3A_459] {strides = array<i32>} : memref<2x16xf32, #tpu.memory_space<vmem>>, vector<16xf32>,
    tpu.vector_store %arg23[%swap3A_458, %swap3A_459], %convert_element_type3A_456 {strides = array<i32>} : memref<2x16xf32, #tpu.memory_space<vmem>>, vector<16xf32>,
    %broadcast_in_dim3A_461 = vector.broadcast %add3A_374 : i32 to vector<16xi32>
    %convert_element_type3A_462 = arith.sitofp %broadcast_in_dim3A_461 : vector<16xi32> to vector<16xf32>
    %swap3A_463 = arith.constant 1 : i32
    %swap3A_464 = arith.index_cast %swap3A_463 : i32 to index
    %swap3A_465 = arith.constant 0 : index
    %swap3A_466 = tpu.vector_load %arg23[%swap3A_464, %swap3A_465] {strides = array<i32>} : memref<2x16xf32, #tpu.memory_space<vmem>>, vector<16xf32>,
    tpu.vector_store %arg23[%swap3A_464, %swap3A_465], %convert_element_type3A_462 {strides = array<i32>} : memref<2x16xf32, #tpu.memory_space<vmem>>, vector<16xf32>,
    "tpu.region"() ({
      %run_scoped3A = tpu.sem_alloc : memref<!tpu.dma_semaphore, #tpu.memory_space<semaphore_mem>>
      %dma_start3A = arith.constant 0 : i32
      %dma_start3A_1003 = arith.constant 0 : i32
      %dma_start3A_1004 = tpu.memref_slice %arg11[%arg1, %dma_start3A, %dma_start3A_1003] : memref<16x2x256xf32, #tpu.memory_space<hbm>> -> memref<1x2x256xf32, #tpu.memory_space<hbm>>
      %dma_start3A_1005 = tpu.memref_squeeze %dma_start3A_1004 : memref<1x2x256xf32, #tpu.memory_space<hbm>> -> memref<2x256xf32, #tpu.memory_space<hbm>>
      %dma_start3A_1006 = arith.constant 0 : i32
      %dma_start3A_1007 = arith.constant 0 : i32
      %dma_start3A_1008 = tpu.memref_slice %arg11[%arg1, %dma_start3A_1006, %dma_start3A_1007] : memref<16x2x256xf32, #tpu.memory_space<hbm>> -> memref<1x2x256xf32, #tpu.memory_space<hbm>>
      %dma_start3A_1009 = tpu.memref_squeeze %dma_start3A_1008 : memref<1x2x256xf32, #tpu.memory_space<hbm>> -> memref<2x256xf32, #tpu.memory_space<hbm>>
      tpu.enqueue_dma source(%arg22 : memref<2x256xf32, #tpu.memory_space<vmem>>) target(%dma_start3A_1009 : memref<2x256xf32, #tpu.memory_space<hbm>>) target_semaphore(%run_scoped3A : memref<!tpu.dma_semaphore, #tpu.memory_space<semaphore_mem>>)
      %dma_wait3A = arith.constant 0 : i32
      %dma_wait3A_1010 = arith.constant 0 : i32
      %dma_wait3A_1011 = tpu.memref_slice %arg11[%arg1, %dma_wait3A, %dma_wait3A_1010] : memref<16x2x256xf32, #tpu.memory_space<hbm>> -> memref<1x2x256xf32, #tpu.memory_space<hbm>>
      %dma_wait3A_1012 = tpu.memref_squeeze %dma_wait3A_1011 : memref<1x2x256xf32, #tpu.memory_space<hbm>> -> memref<2x256xf32, #tpu.memory_space<hbm>>
      %dma_wait3A_1013 = arith.constant 0 : i32
      %dma_wait3A_1014 = arith.constant 0 : i32
      %dma_wait3A_1015 = tpu.memref_slice %arg11[%arg1, %dma_wait3A_1013, %dma_wait3A_1014] : memref<16x2x256xf32, #tpu.memory_space<hbm>> -> memref<1x2x256xf32, #tpu.memory_space<hbm>>
      %dma_wait3A_1016 = tpu.memref_squeeze %dma_wait3A_1015 : memref<1x2x256xf32, #tpu.memory_space<hbm>> -> memref<2x256xf32, #tpu.memory_space<hbm>>
      tpu.wait_dma2 semaphore(%run_scoped3A : memref<!tpu.dma_semaphore, #tpu.memory_space<semaphore_mem>>) src(%arg22 : memref<2x256xf32, #tpu.memory_space<vmem>>) dst(%dma_wait3A_1016 : memref<2x256xf32, #tpu.memory_space<hbm>>)
      tpu.yield
    }) : () -> ()
    "tpu.region"() ({
      %run_scoped3A = tpu.sem_alloc : memref<!tpu.dma_semaphore, #tpu.memory_space<semaphore_mem>>
      %dma_start3A = arith.constant 0 : i32
      %dma_start3A_1003 = arith.constant 0 : i32
      %dma_start3A_1004 = tpu.memref_slice %arg12[%arg1, %dma_start3A, %dma_start3A_1003] : memref<16x2x16xf32, #tpu.memory_space<hbm>> -> memref<1x2x16xf32, #tpu.memory_space<hbm>>
      %dma_start3A_1005 = tpu.memref_squeeze %dma_start3A_1004 : memref<1x2x16xf32, #tpu.memory_space<hbm>> -> memref<2x16xf32, #tpu.memory_space<hbm>>
      %dma_start3A_1006 = arith.constant 0 : i32
      %dma_start3A_1007 = arith.constant 0 : i32
      %dma_start3A_1008 = tpu.memref_slice %arg12[%arg1, %dma_start3A_1006, %dma_start3A_1007] : memref<16x2x16xf32, #tpu.memory_space<hbm>> -> memref<1x2x16xf32, #tpu.memory_space<hbm>>
      %dma_start3A_1009 = tpu.memref_squeeze %dma_start3A_1008 : memref<1x2x16xf32, #tpu.memory_space<hbm>> -> memref<2x16xf32, #tpu.memory_space<hbm>>
      tpu.enqueue_dma source(%arg23 : memref<2x16xf32, #tpu.memory_space<vmem>>) target(%dma_start3A_1009 : memref<2x16xf32, #tpu.memory_space<hbm>>) target_semaphore(%run_scoped3A : memref<!tpu.dma_semaphore, #tpu.memory_space<semaphore_mem>>)
      %dma_wait3A = arith.constant 0 : i32
      %dma_wait3A_1010 = arith.constant 0 : i32
      %dma_wait3A_1011 = tpu.memref_slice %arg12[%arg1, %dma_wait3A, %dma_wait3A_1010] : memref<16x2x16xf32, #tpu.memory_space<hbm>> -> memref<1x2x16xf32, #tpu.memory_space<hbm>>
      %dma_wait3A_1012 = tpu.memref_squeeze %dma_wait3A_1011 : memref<1x2x16xf32, #tpu.memory_space<hbm>> -> memref<2x16xf32, #tpu.memory_space<hbm>>
      %dma_wait3A_1013 = arith.constant 0 : i32
      %dma_wait3A_1014 = arith.constant 0 : i32
      %dma_wait3A_1015 = tpu.memref_slice %arg12[%arg1, %dma_wait3A_1013, %dma_wait3A_1014] : memref<16x2x16xf32, #tpu.memory_space<hbm>> -> memref<1x2x16xf32, #tpu.memory_space<hbm>>
      %dma_wait3A_1016 = tpu.memref_squeeze %dma_wait3A_1015 : memref<1x2x16xf32, #tpu.memory_space<hbm>> -> memref<2x16xf32, #tpu.memory_space<hbm>>
      tpu.wait_dma2 semaphore(%run_scoped3A : memref<!tpu.dma_semaphore, #tpu.memory_space<semaphore_mem>>) src(%arg23 : memref<2x16xf32, #tpu.memory_space<vmem>>) dst(%dma_wait3A_1016 : memref<2x16xf32, #tpu.memory_space<hbm>>)
      tpu.yield
    }) : () -> ()
    %barrier3A = arith.constant 0 : index
    tpu.barrier barrier_id(%barrier3A)
    "tpu.region"() ({
      %run_scoped3A = tpu.sem_alloc : memref<!tpu.dma_semaphore, #tpu.memory_space<semaphore_mem>>
      tpu.enqueue_dma source(%arg11 : memref<16x2x256xf32, #tpu.memory_space<hbm>>) target(%arg26 : memref<16x2x256xf32, #tpu.memory_space<vmem>>) target_semaphore(%run_scoped3A : memref<!tpu.dma_semaphore, #tpu.memory_space<semaphore_mem>>)
      tpu.wait_dma2 semaphore(%run_scoped3A : memref<!tpu.dma_semaphore, #tpu.memory_space<semaphore_mem>>) src(%arg11 : memref<16x2x256xf32, #tpu.memory_space<hbm>>) dst(%arg26 : memref<16x2x256xf32, #tpu.memory_space<vmem>>)
      tpu.yield
    }) : () -> ()
    "tpu.region"() ({
      %run_scoped3A = tpu.sem_alloc : memref<!tpu.dma_semaphore, #tpu.memory_space<semaphore_mem>>
      tpu.enqueue_dma source(%arg12 : memref<16x2x16xf32, #tpu.memory_space<hbm>>) target(%arg27 : memref<16x2x16xf32, #tpu.memory_space<vmem>>) target_semaphore(%run_scoped3A : memref<!tpu.dma_semaphore, #tpu.memory_space<semaphore_mem>>)
      tpu.wait_dma2 semaphore(%run_scoped3A : memref<!tpu.dma_semaphore, #tpu.memory_space<semaphore_mem>>) src(%arg12 : memref<16x2x16xf32, #tpu.memory_space<hbm>>) dst(%arg27 : memref<16x2x16xf32, #tpu.memory_space<vmem>>)
      tpu.yield
    }) : () -> ()
    %get3A_467 = arith.constant 0 : i32
    %get3A_468 = arith.constant 0 : i32
    %get3A_469 = arith.index_cast %get3A_467 : i32 to index
    %get3A_470 = arith.index_cast %get3A_468 : i32 to index
    %get3A_471 = arith.constant 0 : index
    %get3A_472 = tpu.vector_load %arg27[%get3A_469, %get3A_470, %get3A_471] {strides = array<i32>} : memref<16x2x16xf32, #tpu.memory_space<vmem>>, vector<16xf32>,
    %add3A_473 = arith.addf %broadcast_in_dim3A_0, %get3A_472 : vector<16xf32>
    %get3A_474 = arith.constant 0 : i32
    %get3A_475 = arith.constant 1 : i32
    %get3A_476 = arith.index_cast %get3A_474 : i32 to index
    %get3A_477 = arith.index_cast %get3A_475 : i32 to index
    %get3A_478 = arith.constant 0 : index
    %get3A_479 = tpu.vector_load %arg27[%get3A_476, %get3A_477, %get3A_478] {strides = array<i32>} : memref<16x2x16xf32, #tpu.memory_space<vmem>>, vector<16xf32>,
    %add3A_480 = arith.addf %broadcast_in_dim3A_0, %get3A_479 : vector<16xf32>
    %mul3A_481 = arith.constant 16 : i32
    %mul3A_482 = arith.muli %arg1, %mul3A_481 : i32
    %get3A_483 = arith.constant 0 : i32
    %get3A_484 = arith.constant 0 : i32
    %get3A_485 = arith.index_cast %get3A_483 : i32 to index
    %get3A_486 = arith.index_cast %get3A_484 : i32 to index
    %get3A_487 = arith.index_cast %mul3A_482 : i32 to index
    %get3A_488 = tpu.vector_load %arg26[%get3A_485, %get3A_486, %get3A_487] {strides = array<i32>} : memref<16x2x256xf32, #tpu.memory_space<vmem>>, vector<16xf32>,
    %add3A_489 = arith.addf %broadcast_in_dim3A_0, %get3A_488 : vector<16xf32>
    %mul3A_490 = arith.constant 16 : i32
    %mul3A_491 = arith.muli %arg1, %mul3A_490 : i32
    %get3A_492 = arith.constant 0 : i32
    %get3A_493 = arith.constant 1 : i32
    %get3A_494 = arith.index_cast %get3A_492 : i32 to index
    %get3A_495 = arith.index_cast %get3A_493 : i32 to index
    %get3A_496 = arith.index_cast %mul3A_491 : i32 to index
    %get3A_497 = tpu.vector_load %arg26[%get3A_494, %get3A_495, %get3A_496] {strides = array<i32>} : memref<16x2x256xf32, #tpu.memory_space<vmem>>, vector<16xf32>,
    %add3A_498 = arith.addf %broadcast_in_dim3A_0, %get3A_497 : vector<16xf32>
    %get3A_499 = arith.constant 1 : i32
    %get3A_500 = arith.constant 0 : i32
    %get3A_501 = arith.index_cast %get3A_499 : i32 to index
    %get3A_502 = arith.index_cast %get3A_500 : i32 to index
    %get3A_503 = arith.constant 0 : index
    %get3A_504 = tpu.vector_load %arg27[%get3A_501, %get3A_502, %get3A_503] {strides = array<i32>} : memref<16x2x16xf32, #tpu.memory_space<vmem>>, vector<16xf32>,
    %add3A_505 = arith.addf %add3A_473, %get3A_504 : vector<16xf32>
    %get3A_506 = arith.constant 1 : i32
    %get3A_507 = arith.constant 1 : i32
    %get3A_508 = arith.index_cast %get3A_506 : i32 to index
    %get3A_509 = arith.index_cast %get3A_507 : i32 to index
    %get3A_510 = arith.constant 0 : index
    %get3A_511 = tpu.vector_load %arg27[%get3A_508, %get3A_509, %get3A_510] {strides = array<i32>} : memref<16x2x16xf32, #tpu.memory_space<vmem>>, vector<16xf32>,
    %add3A_512 = arith.addf %add3A_480, %get3A_511 : vector<16xf32>
    %mul3A_513 = arith.constant 16 : i32
    %mul3A_514 = arith.muli %arg1, %mul3A_513 : i32
    %get3A_515 = arith.constant 1 : i32
    %get3A_516 = arith.constant 0 : i32
    %get3A_517 = arith.index_cast %get3A_515 : i32 to index
    %get3A_518 = arith.index_cast %get3A_516 : i32 to index
    %get3A_519 = arith.index_cast %mul3A_514 : i32 to index
    %get3A_520 = tpu.vector_load %arg26[%get3A_517, %get3A_518, %get3A_519] {strides = array<i32>} : memref<16x2x256xf32, #tpu.memory_space<vmem>>, vector<16xf32>,
    %add3A_521 = arith.addf %add3A_489, %get3A_520 : vector<16xf32>
    %mul3A_522 = arith.constant 16 : i32
    %mul3A_523 = arith.muli %arg1, %mul3A_522 : i32
    %get3A_524 = arith.constant 1 : i32
    %get3A_525 = arith.constant 1 : i32
    %get3A_526 = arith.index_cast %get3A_524 : i32 to index
    %get3A_527 = arith.index_cast %get3A_525 : i32 to index
    %get3A_528 = arith.index_cast %mul3A_523 : i32 to index
    %get3A_529 = tpu.vector_load %arg26[%get3A_526, %get3A_527, %get3A_528] {strides = array<i32>} : memref<16x2x256xf32, #tpu.memory_space<vmem>>, vector<16xf32>,
    %add3A_530 = arith.addf %add3A_498, %get3A_529 : vector<16xf32>
    %get3A_531 = arith.constant 2 : i32
    %get3A_532 = arith.constant 0 : i32
    %get3A_533 = arith.index_cast %get3A_531 : i32 to index
    %get3A_534 = arith.index_cast %get3A_532 : i32 to index
    %get3A_535 = arith.constant 0 : index
    %get3A_536 = tpu.vector_load %arg27[%get3A_533, %get3A_534, %get3A_535] {strides = array<i32>} : memref<16x2x16xf32, #tpu.memory_space<vmem>>, vector<16xf32>,
    %add3A_537 = arith.addf %add3A_505, %get3A_536 : vector<16xf32>
    %get3A_538 = arith.constant 2 : i32
    %get3A_539 = arith.constant 1 : i32
    %get3A_540 = arith.index_cast %get3A_538 : i32 to index
    %get3A_541 = arith.index_cast %get3A_539 : i32 to index
    %get3A_542 = arith.constant 0 : index
    %get3A_543 = tpu.vector_load %arg27[%get3A_540, %get3A_541, %get3A_542] {strides = array<i32>} : memref<16x2x16xf32, #tpu.memory_space<vmem>>, vector<16xf32>,
    %add3A_544 = arith.addf %add3A_512, %get3A_543 : vector<16xf32>
    %mul3A_545 = arith.constant 16 : i32
    %mul3A_546 = arith.muli %arg1, %mul3A_545 : i32
    %get3A_547 = arith.constant 2 : i32
    %get3A_548 = arith.constant 0 : i32
    %get3A_549 = arith.index_cast %get3A_547 : i32 to index
    %get3A_550 = arith.index_cast %get3A_548 : i32 to index
    %get3A_551 = arith.index_cast %mul3A_546 : i32 to index
    %get3A_552 = tpu.vector_load %arg26[%get3A_549, %get3A_550, %get3A_551] {strides = array<i32>} : memref<16x2x256xf32, #tpu.memory_space<vmem>>, vector<16xf32>,
    %add3A_553 = arith.addf %add3A_521, %get3A_552 : vector<16xf32>
    %mul3A_554 = arith.constant 16 : i32
    %mul3A_555 = arith.muli %arg1, %mul3A_554 : i32
    %get3A_556 = arith.constant 2 : i32
    %get3A_557 = arith.constant 1 : i32
    %get3A_558 = arith.index_cast %get3A_556 : i32 to index
    %get3A_559 = arith.index_cast %get3A_557 : i32 to index
    %get3A_560 = arith.index_cast %mul3A_555 : i32 to index
    %get3A_561 = tpu.vector_load %arg26[%get3A_558, %get3A_559, %get3A_560] {strides = array<i32>} : memref<16x2x256xf32, #tpu.memory_space<vmem>>, vector<16xf32>,
    %add3A_562 = arith.addf %add3A_530, %get3A_561 : vector<16xf32>
    %get3A_563 = arith.constant 3 : i32
    %get3A_564 = arith.constant 0 : i32
    %get3A_565 = arith.index_cast %get3A_563 : i32 to index
    %get3A_566 = arith.index_cast %get3A_564 : i32 to index
    %get3A_567 = arith.constant 0 : index
    %get3A_568 = tpu.vector_load %arg27[%get3A_565, %get3A_566, %get3A_567] {strides = array<i32>} : memref<16x2x16xf32, #tpu.memory_space<vmem>>, vector<16xf32>,
    %add3A_569 = arith.addf %add3A_537, %get3A_568 : vector<16xf32>
    %get3A_570 = arith.constant 3 : i32
    %get3A_571 = arith.constant 1 : i32
    %get3A_572 = arith.index_cast %get3A_570 : i32 to index
    %get3A_573 = arith.index_cast %get3A_571 : i32 to index
    %get3A_574 = arith.constant 0 : index
    %get3A_575 = tpu.vector_load %arg27[%get3A_572, %get3A_573, %get3A_574] {strides = array<i32>} : memref<16x2x16xf32, #tpu.memory_space<vmem>>, vector<16xf32>,
    %add3A_576 = arith.addf %add3A_544, %get3A_575 : vector<16xf32>
    %mul3A_577 = arith.constant 16 : i32
    %mul3A_578 = arith.muli %arg1, %mul3A_577 : i32
    %get3A_579 = arith.constant 3 : i32
    %get3A_580 = arith.constant 0 : i32
    %get3A_581 = arith.index_cast %get3A_579 : i32 to index
    %get3A_582 = arith.index_cast %get3A_580 : i32 to index
    %get3A_583 = arith.index_cast %mul3A_578 : i32 to index
    %get3A_584 = tpu.vector_load %arg26[%get3A_581, %get3A_582, %get3A_583] {strides = array<i32>} : memref<16x2x256xf32, #tpu.memory_space<vmem>>, vector<16xf32>,
    %add3A_585 = arith.addf %add3A_553, %get3A_584 : vector<16xf32>
    %mul3A_586 = arith.constant 16 : i32
    %mul3A_587 = arith.muli %arg1, %mul3A_586 : i32
    %get3A_588 = arith.constant 3 : i32
    %get3A_589 = arith.constant 1 : i32
    %get3A_590 = arith.index_cast %get3A_588 : i32 to index
    %get3A_591 = arith.index_cast %get3A_589 : i32 to index
    %get3A_592 = arith.index_cast %mul3A_587 : i32 to index
    %get3A_593 = tpu.vector_load %arg26[%get3A_590, %get3A_591, %get3A_592] {strides = array<i32>} : memref<16x2x256xf32, #tpu.memory_space<vmem>>, vector<16xf32>,
    %add3A_594 = arith.addf %add3A_562, %get3A_593 : vector<16xf32>
    %get3A_595 = arith.constant 4 : i32
    %get3A_596 = arith.constant 0 : i32
    %get3A_597 = arith.index_cast %get3A_595 : i32 to index
    %get3A_598 = arith.index_cast %get3A_596 : i32 to index
    %get3A_599 = arith.constant 0 : index
    %get3A_600 = tpu.vector_load %arg27[%get3A_597, %get3A_598, %get3A_599] {strides = array<i32>} : memref<16x2x16xf32, #tpu.memory_space<vmem>>, vector<16xf32>,
    %add3A_601 = arith.addf %add3A_569, %get3A_600 : vector<16xf32>
    %get3A_602 = arith.constant 4 : i32
    %get3A_603 = arith.constant 1 : i32
    %get3A_604 = arith.index_cast %get3A_602 : i32 to index
    %get3A_605 = arith.index_cast %get3A_603 : i32 to index
    %get3A_606 = arith.constant 0 : index
    %get3A_607 = tpu.vector_load %arg27[%get3A_604, %get3A_605, %get3A_606] {strides = array<i32>} : memref<16x2x16xf32, #tpu.memory_space<vmem>>, vector<16xf32>,
    %add3A_608 = arith.addf %add3A_576, %get3A_607 : vector<16xf32>
    %mul3A_609 = arith.constant 16 : i32
    %mul3A_610 = arith.muli %arg1, %mul3A_609 : i32
    %get3A_611 = arith.constant 4 : i32
    %get3A_612 = arith.constant 0 : i32
    %get3A_613 = arith.index_cast %get3A_611 : i32 to index
    %get3A_614 = arith.index_cast %get3A_612 : i32 to index
    %get3A_615 = arith.index_cast %mul3A_610 : i32 to index
    %get3A_616 = tpu.vector_load %arg26[%get3A_613, %get3A_614, %get3A_615] {strides = array<i32>} : memref<16x2x256xf32, #tpu.memory_space<vmem>>, vector<16xf32>,
    %add3A_617 = arith.addf %add3A_585, %get3A_616 : vector<16xf32>
    %mul3A_618 = arith.constant 16 : i32
    %mul3A_619 = arith.muli %arg1, %mul3A_618 : i32
    %get3A_620 = arith.constant 4 : i32
    %get3A_621 = arith.constant 1 : i32
    %get3A_622 = arith.index_cast %get3A_620 : i32 to index
    %get3A_623 = arith.index_cast %get3A_621 : i32 to index
    %get3A_624 = arith.index_cast %mul3A_619 : i32 to index
    %get3A_625 = tpu.vector_load %arg26[%get3A_622, %get3A_623, %get3A_624] {strides = array<i32>} : memref<16x2x256xf32, #tpu.memory_space<vmem>>, vector<16xf32>,
    %add3A_626 = arith.addf %add3A_594, %get3A_625 : vector<16xf32>
    %get3A_627 = arith.constant 5 : i32
    %get3A_628 = arith.constant 0 : i32
    %get3A_629 = arith.index_cast %get3A_627 : i32 to index
    %get3A_630 = arith.index_cast %get3A_628 : i32 to index
    %get3A_631 = arith.constant 0 : index
    %get3A_632 = tpu.vector_load %arg27[%get3A_629, %get3A_630, %get3A_631] {strides = array<i32>} : memref<16x2x16xf32, #tpu.memory_space<vmem>>, vector<16xf32>,
    %add3A_633 = arith.addf %add3A_601, %get3A_632 : vector<16xf32>
    %get3A_634 = arith.constant 5 : i32
    %get3A_635 = arith.constant 1 : i32
    %get3A_636 = arith.index_cast %get3A_634 : i32 to index
    %get3A_637 = arith.index_cast %get3A_635 : i32 to index
    %get3A_638 = arith.constant 0 : index
    %get3A_639 = tpu.vector_load %arg27[%get3A_636, %get3A_637, %get3A_638] {strides = array<i32>} : memref<16x2x16xf32, #tpu.memory_space<vmem>>, vector<16xf32>,
    %add3A_640 = arith.addf %add3A_608, %get3A_639 : vector<16xf32>
    %mul3A_641 = arith.constant 16 : i32
    %mul3A_642 = arith.muli %arg1, %mul3A_641 : i32
    %get3A_643 = arith.constant 5 : i32
    %get3A_644 = arith.constant 0 : i32
    %get3A_645 = arith.index_cast %get3A_643 : i32 to index
    %get3A_646 = arith.index_cast %get3A_644 : i32 to index
    %get3A_647 = arith.index_cast %mul3A_642 : i32 to index
    %get3A_648 = tpu.vector_load %arg26[%get3A_645, %get3A_646, %get3A_647] {strides = array<i32>} : memref<16x2x256xf32, #tpu.memory_space<vmem>>, vector<16xf32>,
    %add3A_649 = arith.addf %add3A_617, %get3A_648 : vector<16xf32>
    %mul3A_650 = arith.constant 16 : i32
    %mul3A_651 = arith.muli %arg1, %mul3A_650 : i32
    %get3A_652 = arith.constant 5 : i32
    %get3A_653 = arith.constant 1 : i32
    %get3A_654 = arith.index_cast %get3A_652 : i32 to index
    %get3A_655 = arith.index_cast %get3A_653 : i32 to index
    %get3A_656 = arith.index_cast %mul3A_651 : i32 to index
    %get3A_657 = tpu.vector_load %arg26[%get3A_654, %get3A_655, %get3A_656] {strides = array<i32>} : memref<16x2x256xf32, #tpu.memory_space<vmem>>, vector<16xf32>,
    %add3A_658 = arith.addf %add3A_626, %get3A_657 : vector<16xf32>
    %get3A_659 = arith.constant 6 : i32
    %get3A_660 = arith.constant 0 : i32
    %get3A_661 = arith.index_cast %get3A_659 : i32 to index
    %get3A_662 = arith.index_cast %get3A_660 : i32 to index
    %get3A_663 = arith.constant 0 : index
    %get3A_664 = tpu.vector_load %arg27[%get3A_661, %get3A_662, %get3A_663] {strides = array<i32>} : memref<16x2x16xf32, #tpu.memory_space<vmem>>, vector<16xf32>,
    %add3A_665 = arith.addf %add3A_633, %get3A_664 : vector<16xf32>
    %get3A_666 = arith.constant 6 : i32
    %get3A_667 = arith.constant 1 : i32
    %get3A_668 = arith.index_cast %get3A_666 : i32 to index
    %get3A_669 = arith.index_cast %get3A_667 : i32 to index
    %get3A_670 = arith.constant 0 : index
    %get3A_671 = tpu.vector_load %arg27[%get3A_668, %get3A_669, %get3A_670] {strides = array<i32>} : memref<16x2x16xf32, #tpu.memory_space<vmem>>, vector<16xf32>,
    %add3A_672 = arith.addf %add3A_640, %get3A_671 : vector<16xf32>
    %mul3A_673 = arith.constant 16 : i32
    %mul3A_674 = arith.muli %arg1, %mul3A_673 : i32
    %get3A_675 = arith.constant 6 : i32
    %get3A_676 = arith.constant 0 : i32
    %get3A_677 = arith.index_cast %get3A_675 : i32 to index
    %get3A_678 = arith.index_cast %get3A_676 : i32 to index
    %get3A_679 = arith.index_cast %mul3A_674 : i32 to index
    %get3A_680 = tpu.vector_load %arg26[%get3A_677, %get3A_678, %get3A_679] {strides = array<i32>} : memref<16x2x256xf32, #tpu.memory_space<vmem>>, vector<16xf32>,
    %add3A_681 = arith.addf %add3A_649, %get3A_680 : vector<16xf32>
    %mul3A_682 = arith.constant 16 : i32
    %mul3A_683 = arith.muli %arg1, %mul3A_682 : i32
    %get3A_684 = arith.constant 6 : i32
    %get3A_685 = arith.constant 1 : i32
    %get3A_686 = arith.index_cast %get3A_684 : i32 to index
    %get3A_687 = arith.index_cast %get3A_685 : i32 to index
    %get3A_688 = arith.index_cast %mul3A_683 : i32 to index
    %get3A_689 = tpu.vector_load %arg26[%get3A_686, %get3A_687, %get3A_688] {strides = array<i32>} : memref<16x2x256xf32, #tpu.memory_space<vmem>>, vector<16xf32>,
    %add3A_690 = arith.addf %add3A_658, %get3A_689 : vector<16xf32>
    %get3A_691 = arith.constant 7 : i32
    %get3A_692 = arith.constant 0 : i32
    %get3A_693 = arith.index_cast %get3A_691 : i32 to index
    %get3A_694 = arith.index_cast %get3A_692 : i32 to index
    %get3A_695 = arith.constant 0 : index
    %get3A_696 = tpu.vector_load %arg27[%get3A_693, %get3A_694, %get3A_695] {strides = array<i32>} : memref<16x2x16xf32, #tpu.memory_space<vmem>>, vector<16xf32>,
    %add3A_697 = arith.addf %add3A_665, %get3A_696 : vector<16xf32>
    %get3A_698 = arith.constant 7 : i32
    %get3A_699 = arith.constant 1 : i32
    %get3A_700 = arith.index_cast %get3A_698 : i32 to index
    %get3A_701 = arith.index_cast %get3A_699 : i32 to index
    %get3A_702 = arith.constant 0 : index
    %get3A_703 = tpu.vector_load %arg27[%get3A_700, %get3A_701, %get3A_702] {strides = array<i32>} : memref<16x2x16xf32, #tpu.memory_space<vmem>>, vector<16xf32>,
    %add3A_704 = arith.addf %add3A_672, %get3A_703 : vector<16xf32>
    %mul3A_705 = arith.constant 16 : i32
    %mul3A_706 = arith.muli %arg1, %mul3A_705 : i32
    %get3A_707 = arith.constant 7 : i32
    %get3A_708 = arith.constant 0 : i32
    %get3A_709 = arith.index_cast %get3A_707 : i32 to index
    %get3A_710 = arith.index_cast %get3A_708 : i32 to index
    %get3A_711 = arith.index_cast %mul3A_706 : i32 to index
    %get3A_712 = tpu.vector_load %arg26[%get3A_709, %get3A_710, %get3A_711] {strides = array<i32>} : memref<16x2x256xf32, #tpu.memory_space<vmem>>, vector<16xf32>,
    %add3A_713 = arith.addf %add3A_681, %get3A_712 : vector<16xf32>
    %mul3A_714 = arith.constant 16 : i32
    %mul3A_715 = arith.muli %arg1, %mul3A_714 : i32
    %get3A_716 = arith.constant 7 : i32
    %get3A_717 = arith.constant 1 : i32
    %get3A_718 = arith.index_cast %get3A_716 : i32 to index
    %get3A_719 = arith.index_cast %get3A_717 : i32 to index
    %get3A_720 = arith.index_cast %mul3A_715 : i32 to index
    %get3A_721 = tpu.vector_load %arg26[%get3A_718, %get3A_719, %get3A_720] {strides = array<i32>} : memref<16x2x256xf32, #tpu.memory_space<vmem>>, vector<16xf32>,
    %add3A_722 = arith.addf %add3A_690, %get3A_721 : vector<16xf32>
    %get3A_723 = arith.constant 8 : i32
    %get3A_724 = arith.constant 0 : i32
    %get3A_725 = arith.index_cast %get3A_723 : i32 to index
    %get3A_726 = arith.index_cast %get3A_724 : i32 to index
    %get3A_727 = arith.constant 0 : index
    %get3A_728 = tpu.vector_load %arg27[%get3A_725, %get3A_726, %get3A_727] {strides = array<i32>} : memref<16x2x16xf32, #tpu.memory_space<vmem>>, vector<16xf32>,
    %add3A_729 = arith.addf %add3A_697, %get3A_728 : vector<16xf32>
    %get3A_730 = arith.constant 8 : i32
    %get3A_731 = arith.constant 1 : i32
    %get3A_732 = arith.index_cast %get3A_730 : i32 to index
    %get3A_733 = arith.index_cast %get3A_731 : i32 to index
    %get3A_734 = arith.constant 0 : index
    %get3A_735 = tpu.vector_load %arg27[%get3A_732, %get3A_733, %get3A_734] {strides = array<i32>} : memref<16x2x16xf32, #tpu.memory_space<vmem>>, vector<16xf32>,
    %add3A_736 = arith.addf %add3A_704, %get3A_735 : vector<16xf32>
    %mul3A_737 = arith.constant 16 : i32
    %mul3A_738 = arith.muli %arg1, %mul3A_737 : i32
    %get3A_739 = arith.constant 8 : i32
    %get3A_740 = arith.constant 0 : i32
    %get3A_741 = arith.index_cast %get3A_739 : i32 to index
    %get3A_742 = arith.index_cast %get3A_740 : i32 to index
    %get3A_743 = arith.index_cast %mul3A_738 : i32 to index
    %get3A_744 = tpu.vector_load %arg26[%get3A_741, %get3A_742, %get3A_743] {strides = array<i32>} : memref<16x2x256xf32, #tpu.memory_space<vmem>>, vector<16xf32>,
    %add3A_745 = arith.addf %add3A_713, %get3A_744 : vector<16xf32>
    %mul3A_746 = arith.constant 16 : i32
    %mul3A_747 = arith.muli %arg1, %mul3A_746 : i32
    %get3A_748 = arith.constant 8 : i32
    %get3A_749 = arith.constant 1 : i32
    %get3A_750 = arith.index_cast %get3A_748 : i32 to index
    %get3A_751 = arith.index_cast %get3A_749 : i32 to index
    %get3A_752 = arith.index_cast %mul3A_747 : i32 to index
    %get3A_753 = tpu.vector_load %arg26[%get3A_750, %get3A_751, %get3A_752] {strides = array<i32>} : memref<16x2x256xf32, #tpu.memory_space<vmem>>, vector<16xf32>,
    %add3A_754 = arith.addf %add3A_722, %get3A_753 : vector<16xf32>
    %get3A_755 = arith.constant 9 : i32
    %get3A_756 = arith.constant 0 : i32
    %get3A_757 = arith.index_cast %get3A_755 : i32 to index
    %get3A_758 = arith.index_cast %get3A_756 : i32 to index
    %get3A_759 = arith.constant 0 : index
    %get3A_760 = tpu.vector_load %arg27[%get3A_757, %get3A_758, %get3A_759] {strides = array<i32>} : memref<16x2x16xf32, #tpu.memory_space<vmem>>, vector<16xf32>,
    %add3A_761 = arith.addf %add3A_729, %get3A_760 : vector<16xf32>
    %get3A_762 = arith.constant 9 : i32
    %get3A_763 = arith.constant 1 : i32
    %get3A_764 = arith.index_cast %get3A_762 : i32 to index
    %get3A_765 = arith.index_cast %get3A_763 : i32 to index
    %get3A_766 = arith.constant 0 : index
    %get3A_767 = tpu.vector_load %arg27[%get3A_764, %get3A_765, %get3A_766] {strides = array<i32>} : memref<16x2x16xf32, #tpu.memory_space<vmem>>, vector<16xf32>,
    %add3A_768 = arith.addf %add3A_736, %get3A_767 : vector<16xf32>
    %mul3A_769 = arith.constant 16 : i32
    %mul3A_770 = arith.muli %arg1, %mul3A_769 : i32
    %get3A_771 = arith.constant 9 : i32
    %get3A_772 = arith.constant 0 : i32
    %get3A_773 = arith.index_cast %get3A_771 : i32 to index
    %get3A_774 = arith.index_cast %get3A_772 : i32 to index
    %get3A_775 = arith.index_cast %mul3A_770 : i32 to index
    %get3A_776 = tpu.vector_load %arg26[%get3A_773, %get3A_774, %get3A_775] {strides = array<i32>} : memref<16x2x256xf32, #tpu.memory_space<vmem>>, vector<16xf32>,
    %add3A_777 = arith.addf %add3A_745, %get3A_776 : vector<16xf32>
    %mul3A_778 = arith.constant 16 : i32
    %mul3A_779 = arith.muli %arg1, %mul3A_778 : i32
    %get3A_780 = arith.constant 9 : i32
    %get3A_781 = arith.constant 1 : i32
    %get3A_782 = arith.index_cast %get3A_780 : i32 to index
    %get3A_783 = arith.index_cast %get3A_781 : i32 to index
    %get3A_784 = arith.index_cast %mul3A_779 : i32 to index
    %get3A_785 = tpu.vector_load %arg26[%get3A_782, %get3A_783, %get3A_784] {strides = array<i32>} : memref<16x2x256xf32, #tpu.memory_space<vmem>>, vector<16xf32>,
    %add3A_786 = arith.addf %add3A_754, %get3A_785 : vector<16xf32>
    %get3A_787 = arith.constant 10 : i32
    %get3A_788 = arith.constant 0 : i32
    %get3A_789 = arith.index_cast %get3A_787 : i32 to index
    %get3A_790 = arith.index_cast %get3A_788 : i32 to index
    %get3A_791 = arith.constant 0 : index
    %get3A_792 = tpu.vector_load %arg27[%get3A_789, %get3A_790, %get3A_791] {strides = array<i32>} : memref<16x2x16xf32, #tpu.memory_space<vmem>>, vector<16xf32>,
    %add3A_793 = arith.addf %add3A_761, %get3A_792 : vector<16xf32>
    %get3A_794 = arith.constant 10 : i32
    %get3A_795 = arith.constant 1 : i32
    %get3A_796 = arith.index_cast %get3A_794 : i32 to index
    %get3A_797 = arith.index_cast %get3A_795 : i32 to index
    %get3A_798 = arith.constant 0 : index
    %get3A_799 = tpu.vector_load %arg27[%get3A_796, %get3A_797, %get3A_798] {strides = array<i32>} : memref<16x2x16xf32, #tpu.memory_space<vmem>>, vector<16xf32>,
    %add3A_800 = arith.addf %add3A_768, %get3A_799 : vector<16xf32>
    %mul3A_801 = arith.constant 16 : i32
    %mul3A_802 = arith.muli %arg1, %mul3A_801 : i32
    %get3A_803 = arith.constant 10 : i32
    %get3A_804 = arith.constant 0 : i32
    %get3A_805 = arith.index_cast %get3A_803 : i32 to index
    %get3A_806 = arith.index_cast %get3A_804 : i32 to index
    %get3A_807 = arith.index_cast %mul3A_802 : i32 to index
    %get3A_808 = tpu.vector_load %arg26[%get3A_805, %get3A_806, %get3A_807] {strides = array<i32>} : memref<16x2x256xf32, #tpu.memory_space<vmem>>, vector<16xf32>,
    %add3A_809 = arith.addf %add3A_777, %get3A_808 : vector<16xf32>
    %mul3A_810 = arith.constant 16 : i32
    %mul3A_811 = arith.muli %arg1, %mul3A_810 : i32
    %get3A_812 = arith.constant 10 : i32
    %get3A_813 = arith.constant 1 : i32
    %get3A_814 = arith.index_cast %get3A_812 : i32 to index
    %get3A_815 = arith.index_cast %get3A_813 : i32 to index
    %get3A_816 = arith.index_cast %mul3A_811 : i32 to index
    %get3A_817 = tpu.vector_load %arg26[%get3A_814, %get3A_815, %get3A_816] {strides = array<i32>} : memref<16x2x256xf32, #tpu.memory_space<vmem>>, vector<16xf32>,
    %add3A_818 = arith.addf %add3A_786, %get3A_817 : vector<16xf32>
    %get3A_819 = arith.constant 11 : i32
    %get3A_820 = arith.constant 0 : i32
    %get3A_821 = arith.index_cast %get3A_819 : i32 to index
    %get3A_822 = arith.index_cast %get3A_820 : i32 to index
    %get3A_823 = arith.constant 0 : index
    %get3A_824 = tpu.vector_load %arg27[%get3A_821, %get3A_822, %get3A_823] {strides = array<i32>} : memref<16x2x16xf32, #tpu.memory_space<vmem>>, vector<16xf32>,
    %add3A_825 = arith.addf %add3A_793, %get3A_824 : vector<16xf32>
    %get3A_826 = arith.constant 11 : i32
    %get3A_827 = arith.constant 1 : i32
    %get3A_828 = arith.index_cast %get3A_826 : i32 to index
    %get3A_829 = arith.index_cast %get3A_827 : i32 to index
    %get3A_830 = arith.constant 0 : index
    %get3A_831 = tpu.vector_load %arg27[%get3A_828, %get3A_829, %get3A_830] {strides = array<i32>} : memref<16x2x16xf32, #tpu.memory_space<vmem>>, vector<16xf32>,
    %add3A_832 = arith.addf %add3A_800, %get3A_831 : vector<16xf32>
    %mul3A_833 = arith.constant 16 : i32
    %mul3A_834 = arith.muli %arg1, %mul3A_833 : i32
    %get3A_835 = arith.constant 11 : i32
    %get3A_836 = arith.constant 0 : i32
    %get3A_837 = arith.index_cast %get3A_835 : i32 to index
    %get3A_838 = arith.index_cast %get3A_836 : i32 to index
    %get3A_839 = arith.index_cast %mul3A_834 : i32 to index
    %get3A_840 = tpu.vector_load %arg26[%get3A_837, %get3A_838, %get3A_839] {strides = array<i32>} : memref<16x2x256xf32, #tpu.memory_space<vmem>>, vector<16xf32>,
    %add3A_841 = arith.addf %add3A_809, %get3A_840 : vector<16xf32>
    %mul3A_842 = arith.constant 16 : i32
    %mul3A_843 = arith.muli %arg1, %mul3A_842 : i32
    %get3A_844 = arith.constant 11 : i32
    %get3A_845 = arith.constant 1 : i32
    %get3A_846 = arith.index_cast %get3A_844 : i32 to index
    %get3A_847 = arith.index_cast %get3A_845 : i32 to index
    %get3A_848 = arith.index_cast %mul3A_843 : i32 to index
    %get3A_849 = tpu.vector_load %arg26[%get3A_846, %get3A_847, %get3A_848] {strides = array<i32>} : memref<16x2x256xf32, #tpu.memory_space<vmem>>, vector<16xf32>,
    %add3A_850 = arith.addf %add3A_818, %get3A_849 : vector<16xf32>
    %get3A_851 = arith.constant 12 : i32
    %get3A_852 = arith.constant 0 : i32
    %get3A_853 = arith.index_cast %get3A_851 : i32 to index
    %get3A_854 = arith.index_cast %get3A_852 : i32 to index
    %get3A_855 = arith.constant 0 : index
    %get3A_856 = tpu.vector_load %arg27[%get3A_853, %get3A_854, %get3A_855] {strides = array<i32>} : memref<16x2x16xf32, #tpu.memory_space<vmem>>, vector<16xf32>,
    %add3A_857 = arith.addf %add3A_825, %get3A_856 : vector<16xf32>
    %get3A_858 = arith.constant 12 : i32
    %get3A_859 = arith.constant 1 : i32
    %get3A_860 = arith.index_cast %get3A_858 : i32 to index
    %get3A_861 = arith.index_cast %get3A_859 : i32 to index
    %get3A_862 = arith.constant 0 : index
    %get3A_863 = tpu.vector_load %arg27[%get3A_860, %get3A_861, %get3A_862] {strides = array<i32>} : memref<16x2x16xf32, #tpu.memory_space<vmem>>, vector<16xf32>,
    %add3A_864 = arith.addf %add3A_832, %get3A_863 : vector<16xf32>
    %mul3A_865 = arith.constant 16 : i32
    %mul3A_866 = arith.muli %arg1, %mul3A_865 : i32
    %get3A_867 = arith.constant 12 : i32
    %get3A_868 = arith.constant 0 : i32
    %get3A_869 = arith.index_cast %get3A_867 : i32 to index
    %get3A_870 = arith.index_cast %get3A_868 : i32 to index
    %get3A_871 = arith.index_cast %mul3A_866 : i32 to index
    %get3A_872 = tpu.vector_load %arg26[%get3A_869, %get3A_870, %get3A_871] {strides = array<i32>} : memref<16x2x256xf32, #tpu.memory_space<vmem>>, vector<16xf32>,
    %add3A_873 = arith.addf %add3A_841, %get3A_872 : vector<16xf32>
    %mul3A_874 = arith.constant 16 : i32
    %mul3A_875 = arith.muli %arg1, %mul3A_874 : i32
    %get3A_876 = arith.constant 12 : i32
    %get3A_877 = arith.constant 1 : i32
    %get3A_878 = arith.index_cast %get3A_876 : i32 to index
    %get3A_879 = arith.index_cast %get3A_877 : i32 to index
    %get3A_880 = arith.index_cast %mul3A_875 : i32 to index
    %get3A_881 = tpu.vector_load %arg26[%get3A_878, %get3A_879, %get3A_880] {strides = array<i32>} : memref<16x2x256xf32, #tpu.memory_space<vmem>>, vector<16xf32>,
    %add3A_882 = arith.addf %add3A_850, %get3A_881 : vector<16xf32>
    %get3A_883 = arith.constant 13 : i32
    %get3A_884 = arith.constant 0 : i32
    %get3A_885 = arith.index_cast %get3A_883 : i32 to index
    %get3A_886 = arith.index_cast %get3A_884 : i32 to index
    %get3A_887 = arith.constant 0 : index
    %get3A_888 = tpu.vector_load %arg27[%get3A_885, %get3A_886, %get3A_887] {strides = array<i32>} : memref<16x2x16xf32, #tpu.memory_space<vmem>>, vector<16xf32>,
    %add3A_889 = arith.addf %add3A_857, %get3A_888 : vector<16xf32>
    %get3A_890 = arith.constant 13 : i32
    %get3A_891 = arith.constant 1 : i32
    %get3A_892 = arith.index_cast %get3A_890 : i32 to index
    %get3A_893 = arith.index_cast %get3A_891 : i32 to index
    %get3A_894 = arith.constant 0 : index
    %get3A_895 = tpu.vector_load %arg27[%get3A_892, %get3A_893, %get3A_894] {strides = array<i32>} : memref<16x2x16xf32, #tpu.memory_space<vmem>>, vector<16xf32>,
    %add3A_896 = arith.addf %add3A_864, %get3A_895 : vector<16xf32>
    %mul3A_897 = arith.constant 16 : i32
    %mul3A_898 = arith.muli %arg1, %mul3A_897 : i32
    %get3A_899 = arith.constant 13 : i32
    %get3A_900 = arith.constant 0 : i32
    %get3A_901 = arith.index_cast %get3A_899 : i32 to index
    %get3A_902 = arith.index_cast %get3A_900 : i32 to index
    %get3A_903 = arith.index_cast %mul3A_898 : i32 to index
    %get3A_904 = tpu.vector_load %arg26[%get3A_901, %get3A_902, %get3A_903] {strides = array<i32>} : memref<16x2x256xf32, #tpu.memory_space<vmem>>, vector<16xf32>,
    %add3A_905 = arith.addf %add3A_873, %get3A_904 : vector<16xf32>
    %mul3A_906 = arith.constant 16 : i32
    %mul3A_907 = arith.muli %arg1, %mul3A_906 : i32
    %get3A_908 = arith.constant 13 : i32
    %get3A_909 = arith.constant 1 : i32
    %get3A_910 = arith.index_cast %get3A_908 : i32 to index
    %get3A_911 = arith.index_cast %get3A_909 : i32 to index
    %get3A_912 = arith.index_cast %mul3A_907 : i32 to index
    %get3A_913 = tpu.vector_load %arg26[%get3A_910, %get3A_911, %get3A_912] {strides = array<i32>} : memref<16x2x256xf32, #tpu.memory_space<vmem>>, vector<16xf32>,
    %add3A_914 = arith.addf %add3A_882, %get3A_913 : vector<16xf32>
    %get3A_915 = arith.constant 14 : i32
    %get3A_916 = arith.constant 0 : i32
    %get3A_917 = arith.index_cast %get3A_915 : i32 to index
    %get3A_918 = arith.index_cast %get3A_916 : i32 to index
    %get3A_919 = arith.constant 0 : index
    %get3A_920 = tpu.vector_load %arg27[%get3A_917, %get3A_918, %get3A_919] {strides = array<i32>} : memref<16x2x16xf32, #tpu.memory_space<vmem>>, vector<16xf32>,
    %add3A_921 = arith.addf %add3A_889, %get3A_920 : vector<16xf32>
    %get3A_922 = arith.constant 14 : i32
    %get3A_923 = arith.constant 1 : i32
    %get3A_924 = arith.index_cast %get3A_922 : i32 to index
    %get3A_925 = arith.index_cast %get3A_923 : i32 to index
    %get3A_926 = arith.constant 0 : index
    %get3A_927 = tpu.vector_load %arg27[%get3A_924, %get3A_925, %get3A_926] {strides = array<i32>} : memref<16x2x16xf32, #tpu.memory_space<vmem>>, vector<16xf32>,
    %add3A_928 = arith.addf %add3A_896, %get3A_927 : vector<16xf32>
    %mul3A_929 = arith.constant 16 : i32
    %mul3A_930 = arith.muli %arg1, %mul3A_929 : i32
    %get3A_931 = arith.constant 14 : i32
    %get3A_932 = arith.constant 0 : i32
    %get3A_933 = arith.index_cast %get3A_931 : i32 to index
    %get3A_934 = arith.index_cast %get3A_932 : i32 to index
    %get3A_935 = arith.index_cast %mul3A_930 : i32 to index
    %get3A_936 = tpu.vector_load %arg26[%get3A_933, %get3A_934, %get3A_935] {strides = array<i32>} : memref<16x2x256xf32, #tpu.memory_space<vmem>>, vector<16xf32>,
    %add3A_937 = arith.addf %add3A_905, %get3A_936 : vector<16xf32>
    %mul3A_938 = arith.constant 16 : i32
    %mul3A_939 = arith.muli %arg1, %mul3A_938 : i32
    %get3A_940 = arith.constant 14 : i32
    %get3A_941 = arith.constant 1 : i32
    %get3A_942 = arith.index_cast %get3A_940 : i32 to index
    %get3A_943 = arith.index_cast %get3A_941 : i32 to index
    %get3A_944 = arith.index_cast %mul3A_939 : i32 to index
    %get3A_945 = tpu.vector_load %arg26[%get3A_942, %get3A_943, %get3A_944] {strides = array<i32>} : memref<16x2x256xf32, #tpu.memory_space<vmem>>, vector<16xf32>,
    %add3A_946 = arith.addf %add3A_914, %get3A_945 : vector<16xf32>
    %get3A_947 = arith.constant 15 : i32
    %get3A_948 = arith.constant 0 : i32
    %get3A_949 = arith.index_cast %get3A_947 : i32 to index
    %get3A_950 = arith.index_cast %get3A_948 : i32 to index
    %get3A_951 = arith.constant 0 : index
    %get3A_952 = tpu.vector_load %arg27[%get3A_949, %get3A_950, %get3A_951] {strides = array<i32>} : memref<16x2x16xf32, #tpu.memory_space<vmem>>, vector<16xf32>,
    %add3A_953 = arith.addf %add3A_921, %get3A_952 : vector<16xf32>
    %get3A_954 = arith.constant 15 : i32
    %get3A_955 = arith.constant 1 : i32
    %get3A_956 = arith.index_cast %get3A_954 : i32 to index
    %get3A_957 = arith.index_cast %get3A_955 : i32 to index
    %get3A_958 = arith.constant 0 : index
    %get3A_959 = tpu.vector_load %arg27[%get3A_956, %get3A_957, %get3A_958] {strides = array<i32>} : memref<16x2x16xf32, #tpu.memory_space<vmem>>, vector<16xf32>,
    %add3A_960 = arith.addf %add3A_928, %get3A_959 : vector<16xf32>
    %mul3A_961 = arith.constant 16 : i32
    %mul3A_962 = arith.muli %arg1, %mul3A_961 : i32
    %get3A_963 = arith.constant 15 : i32
    %get3A_964 = arith.constant 0 : i32
    %get3A_965 = arith.index_cast %get3A_963 : i32 to index
    %get3A_966 = arith.index_cast %get3A_964 : i32 to index
    %get3A_967 = arith.index_cast %mul3A_962 : i32 to index
    %get3A_968 = tpu.vector_load %arg26[%get3A_965, %get3A_966, %get3A_967] {strides = array<i32>} : memref<16x2x256xf32, #tpu.memory_space<vmem>>, vector<16xf32>,
    %add3A_969 = arith.addf %add3A_937, %get3A_968 : vector<16xf32>
    %mul3A_970 = arith.constant 16 : i32
    %mul3A_971 = arith.muli %arg1, %mul3A_970 : i32
    %get3A_972 = arith.constant 15 : i32
    %get3A_973 = arith.constant 1 : i32
    %get3A_974 = arith.index_cast %get3A_972 : i32 to index
    %get3A_975 = arith.index_cast %get3A_973 : i32 to index
    %get3A_976 = arith.index_cast %mul3A_971 : i32 to index
    %get3A_977 = tpu.vector_load %arg26[%get3A_974, %get3A_975, %get3A_976] {strides = array<i32>} : memref<16x2x256xf32, #tpu.memory_space<vmem>>, vector<16xf32>,
    %add3A_978 = arith.addf %add3A_946, %get3A_977 : vector<16xf32>
    %broadcast_in_dim3A_979 = arith.constant 1.000000e+00 : f32
    %broadcast_in_dim3A_980 = vector.broadcast %broadcast_in_dim3A_979 : f32 to vector<16xf32>
    %gt3A_981 = arith.constant 0.000000e+00 : f32
    %gt3A_982 = vector.broadcast %gt3A_981 : f32 to vector<16xf32>
    %gt3A_983 = arith.cmpf ogt, %add3A_953, %gt3A_982 : vector<16xf32>
    %get3A_984 = arith.constant 0 : index
    %get3A_985 = tpu.vector_load %arg24[%get3A_984] {strides = array<i32>} : memref<16xf32, #tpu.memory_space<vmem>>, vector<16xf32>,
    %max3A = arith.maximumf %add3A_953, %broadcast_in_dim3A_980 : vector<16xf32>
    %div3A_986 = arith.divf %get3A_985, %max3A : vector<16xf32>
    %select_n3A_987 = arith.select %gt3A_983, %div3A_986, %broadcast_in_dim3A_0 : vector<16xi1>, vector<16xf32>
    %gt3A_988 = arith.constant 0.000000e+00 : f32
    %gt3A_989 = vector.broadcast %gt3A_988 : f32 to vector<16xf32>
    %gt3A_990 = arith.cmpf ogt, %add3A_960, %gt3A_989 : vector<16xf32>
    %get3A_991 = arith.constant 0 : index
    %get3A_992 = tpu.vector_load %arg25[%get3A_991] {strides = array<i32>} : memref<16xf32, #tpu.memory_space<vmem>>, vector<16xf32>,
    %max3A_993 = arith.maximumf %add3A_960, %broadcast_in_dim3A_980 : vector<16xf32>
    %div3A_994 = arith.divf %get3A_992, %max3A_993 : vector<16xf32>
    %select_n3A_995 = arith.select %gt3A_990, %div3A_994, %broadcast_in_dim3A_0 : vector<16xi1>, vector<16xf32>
    %mul3A_996 = arith.mulf %add3A_969, %select_n3A_987 : vector<16xf32>
    %mul3A_997 = arith.mulf %add3A_978, %select_n3A_995 : vector<16xf32>
    %add3A_998 = arith.addf %mul3A_996, %mul3A_997 : vector<16xf32>
    %swap3A_999 = arith.constant 0 : index
    %swap3A_1000 = tpu.vector_load %arg28[%swap3A_999] {strides = array<i32>} : memref<16xf32, #tpu.memory_space<vmem>>, vector<16xf32>,
    tpu.vector_store %arg28[%swap3A_999], %add3A_998 {strides = array<i32>} : memref<16xf32, #tpu.memory_space<vmem>>, vector<16xf32>,
    %mul3A_1001 = arith.constant 16 : i32
    %mul3A_1002 = arith.muli %arg1, %mul3A_1001 : i32
    "tpu.region"() ({
      %run_scoped3A = tpu.sem_alloc : memref<!tpu.dma_semaphore, #tpu.memory_space<semaphore_mem>>
      %dma_start3A = tpu.memref_slice %arg10[%mul3A_1002] : memref<256xf32, #tpu.memory_space<hbm>> -> memref<16xf32, #tpu.memory_space<hbm>>
      %dma_start3A_1003 = tpu.memref_slice %arg10[%mul3A_1002] : memref<256xf32, #tpu.memory_space<hbm>> -> memref<16xf32, #tpu.memory_space<hbm>>
      tpu.enqueue_dma source(%arg28 : memref<16xf32, #tpu.memory_space<vmem>>) target(%dma_start3A_1003 : memref<16xf32, #tpu.memory_space<hbm>>) target_semaphore(%run_scoped3A : memref<!tpu.dma_semaphore, #tpu.memory_space<semaphore_mem>>)
      %dma_wait3A = tpu.memref_slice %arg10[%mul3A_1002] : memref<256xf32, #tpu.memory_space<hbm>> -> memref<16xf32, #tpu.memory_space<hbm>>
      %dma_wait3A_1004 = tpu.memref_slice %arg10[%mul3A_1002] : memref<256xf32, #tpu.memory_space<hbm>> -> memref<16xf32, #tpu.memory_space<hbm>>
      tpu.wait_dma2 semaphore(%run_scoped3A : memref<!tpu.dma_semaphore, #tpu.memory_space<semaphore_mem>>) src(%arg28 : memref<16xf32, #tpu.memory_space<vmem>>) dst(%dma_wait3A_1004 : memref<16xf32, #tpu.memory_space<hbm>>)
      tpu.yield
    }) : () -> ()
    return
  }
}

</mosaic_0001>

<sc_bundles>
// kernel: kernel.3.cloned.1.call-start
scs
__scs_entry_jumppad:
0x0: {  	(pc) =	sbr.rel $0x88, $3  }
0x1: {  	(tag) =	ssettag $0x0;
	lr =	simm.s32 $0x1  }
0x2: {  	[smem:$0x3F99] =	sst lr;
	_ =	strace $0xD0000000  }
0x3: {  	_ = 	snop  }
0x4: {  	_ = 	snop  }
0x5: {  	_ = 	snop  }
0x6: {  	_ = 	snop  }
0x7: {  	_ = 	snop  }
__scs_overlays_trampoline_lowered:
0x8: {  	[smem:$0x3FA8] =	sst s0  }
0x9: {  	[smem:$0x3FA9] =	sst s1  }
0xa: {  	[smem:$0x3FAA] =	sst s2  }
0xb: {  	[smem:$0x3FAB] =	sst s3  }
0xc: {  	[smem:$0x3FAC] =	sst s4  }
0xd: {  	[smem:$0x3FAD] =	sst s5  }
0xe: {  	[smem:$0x3FAE] =	sst s6  }
0xf: {  	[smem:$0x3FAF] =	sst s7  }
0x10: {  	[smem:$0x3FB0] =	sst s8  }
0x11: {  	[smem:$0x3FB1] =	sst s9;
	s0 =	simm.s32 @!p0 $0x0  }
0x12: {  	s1 =	sld [smem:$0x3F97];
	s0 =	simm.s32 @p0 $0x1  }
0x13: {  	[smem:$0x3FB2] =	sst s0;
	s0 =	simm.s32 @!p1 $0x0  }
0x14: {  	s2 =	sld [smem:$0x3F96];
	s0 =	simm.s32 @p1 $0x1  }
0x15: {  	[smem:$0x3FB3] =	sst s0;
	s0 =	simm.s32 @!p2 $0x0  }
0x16: {  	s3 =	sld [smem:$0x3FDB];
	s0 =	simm.s32 @p2 $0x1  }
0x17: {  	s4 =	simm.s32 $0x1BF5;
	[smem:$0x3FB5] =	sst s0  }
0x18: {  	s0 =	sld [smem:$0x3F98];
	_ =	swait.ge [sflag:s4], $0x0  }
0x19: {  	s7 =	sld [smem:$0x3F99]  }
0x1a: {  	s8 =	sadd.s32 $0xFFFFE003, lr  }
0x1b: {  	s9 =	sadd.s32 $0xFFFFFEF7, lr;
	s5 =	simm.s32 $0xFFFFFFFF;
	p2 =	slt.u32 s8, $0xFFFFF086  }
0x1c: {  	p1 =	slt.u32 s9, $0xF7A;
	s5 =	simm.s32 @!p2 $0x0  }
0x1d: {  	s5 =	simm.s32 @p1 $0x1;
	p0 =	seq.s32 s7, s2  }
0x1e: {  	s7 =	smul.u32 @!p0 $0xF7A, s2;
	p2 =	seq.s32 @!p0 s5, $0x0  }
0x1f: {  	s9 =	smul.u32 $0xF7A, s1;
	s8 =	simm.s32 @!p0 $0x1BF5;
	p2 =	por !p2, p0  }
0x20: {  	[sflag:s8] =	ssyncset.s32 @!p0 $0xFFFFF086;
	s6 =	sadd.s32 @!p0 s3, s7;
	s7 =	simm.s32 @!p0 $0x108  }
0x21: {  	s3 =	sadd.s32 s3, s9;
	s6 =	sadd.s32 @!p0 $0x88, s6;
	s7 =	simm.s32 @p2 $0x1082  }
0x22: {  	[simem:s7], [sflag:s8] =	dma.local @!p0 [hbm:s6], $0xF7A  }
0x23: {  	s9 =	sor.u32 $0xD0000000, s2;
	s6 =	simm.s32 $0x108;
	_ =	swait.ge @!p0 [sflag:s8], $0x0  }
0x24: {  	s3 =	sadd.s32 $0x88, s3;
	s6 =	simm.s32 @!p1 $0x1082;
	[sflag:s4] =	ssyncset.s32 $0xFFFFF086  }
0x25: {  	[simem:s6], [sflag:s4] =	dma.local [hbm:s3], $0xF7A  }
0x26: {  	[smem:$0x3F99] =	sst s1;
	(tag) =	ssettag s2;
	_ =	strace s9  }
0x27: {  	s1 =	sld [smem:$0x3FA9]  }
0x28: {  	s2 =	sld [smem:$0x3FAA]  }
0x29: {  	s4 =	sld [smem:$0x3FAC]  }
0x2a: {  	p0 =	seq.s32 s5, $0x0;
	s5 =	sld [smem:$0x3FAD]  }
0x2b: {  	s6 =	sld [smem:$0x3FAE]  }
0x2c: {  	s7 =	sld [smem:$0x3FAF]  }
0x2d: {  	s3 =	simm.s32 $0x108;
	s8 =	sld [smem:$0x3FB0]  }
0x2e: {  	s3 =	simm.s32 @!p0 $0x1082;
	s9 =	sld [smem:$0x3FB1]  }
0x2f: {  	lr =	sadd.s32 s0, s3;
	s0 =	sld [smem:$0x3FA8]  }
0x30: {  	s3 =	sld [smem:$0x3FAB]  }
0x31: {  	[smem:$0x3FB4] =	sst s10  }
0x32: {  	s10 =	sld [smem:$0x3FB2];
	_ =	sdelay $0x3  }
0x33: {  	p0 =	seq.s32 s10, $0x1;
	s10 =	sld [smem:$0x3FB4];
	_ =	sdelay $0x3  }
0x34: {  	[smem:$0x3FB4] =	sst s10  }
0x35: {  	s10 =	sld [smem:$0x3FB3];
	_ =	sdelay $0x3  }
0x36: {  	p1 =	seq.s32 s10, $0x1;
	s10 =	sld [smem:$0x3FB4];
	_ =	sdelay $0x3  }
0x37: {  	[smem:$0x3FB4] =	sst s10  }
0x38: {  	s10 =	sld [smem:$0x3FB5]  }
0x39: {  	_ = 	snop;
	(pc) =	sbr.ind lr, $3  }
0x3a: {  	_ = 	snop  }
0x3b: {  	_ = 	snop  }
0x3c: {  	p2 =	seq.s32 s10, $0x1;
	s10 =	sld [smem:$0x3FB4]  }
0x3d: {  	_ =	shalt  }
0x3e: {  	_ =	shalt  }
0x3f: {  	_ =	shalt  }
0x40: {  	_ =	shalt  }
0x41: {  	_ =	shalt  }
0x42: {  	_ =	shalt  }
0x43: {  	_ =	shalt  }
0x44: {  	_ =	shalt  }
0x45: {  	_ =	shalt  }
0x46: {  	_ =	shalt  }
0x47: {  	_ =	shalt  }
0x48: {  	_ =	shalt  }
0x49: {  	_ =	shalt  }
0x4a: {  	_ =	shalt  }
0x4b: {  	_ =	shalt  }
0x4c: {  	_ =	shalt  }
0x4d: {  	_ =	shalt  }
0x4e: {  	_ =	shalt  }
0x4f: {  	_ =	shalt  }
0x50: {  	_ =	shalt  }
0x51: {  	_ =	shalt  }
0x52: {  	_ =	shalt  }
0x53: {  	_ =	shalt  }
0x54: {  	_ =	shalt  }
0x55: {  	_ =	shalt  }
0x56: {  	_ =	shalt  }
0x57: {  	_ =	shalt  }
0x58: {  	_ =	shalt  }
0x59: {  	_ =	shalt  }
0x5a: {  	_ =	shalt  }
0x5b: {  	_ =	shalt  }
0x5c: {  	_ =	shalt  }
0x5d: {  	_ =	shalt  }
0x5e: {  	_ =	shalt  }
0x5f: {  	_ =	shalt  }
0x60: {  	_ =	shalt  }
0x61: {  	_ =	shalt  }
0x62: {  	_ =	shalt  }
0x63: {  	_ =	shalt  }
0x64: {  	_ =	shalt  }
0x65: {  	_ =	shalt  }
0x66: {  	_ =	shalt  }
0x67: {  	_ =	shalt  }
0x68: {  	_ =	shalt  }
0x69: {  	_ =	shalt  }
0x6a: {  	_ =	shalt  }
0x6b: {  	_ =	shalt  }
0x6c: {  	_ =	shalt  }
0x6d: {  	_ =	shalt  }
0x6e: {  	_ =	shalt  }
0x6f: {  	_ =	shalt  }
0x70: {  	_ =	shalt  }
0x71: {  	_ =	shalt  }
0x72: {  	_ =	shalt  }
0x73: {  	_ =	shalt  }
0x74: {  	_ =	shalt  }
0x75: {  	_ =	shalt  }
0x76: {  	_ =	shalt  }
0x77: {  	_ =	shalt  }
0x78: {  	_ =	shalt  }
0x79: {  	_ =	shalt  }
0x7a: {  	_ =	shalt  }
0x7b: {  	_ =	shalt  }
0x7c: {  	_ =	shalt  }
0x7d: {  	_ =	shalt  }
0x7e: {  	_ =	shalt  }
0x7f: {  	_ =	shalt  }
0x80: {  	_ =	shalt  }
0x81: {  	_ =	shalt  }
0x82: {  	_ =	shalt  }
0x83: {  	_ =	shalt  }
0x84: {  	_ =	shalt  }
0x85: {  	_ =	shalt  }
0x86: {  	_ =	shalt  }
0x87: {  	_ =	shalt  }
.Lfunc_end0:
.L_simem_size_0:
called_computation_lowered:
.L_overlay_start_0:
0x88: {  	s0 =	sld [smem:$0x3FD9]  }
0x89: {  	s1 =	sld [smem:$0x3FFE];
	_ =	sdelay $0x3  }
0x8a: {  	s0 =	sadd.s32 s1, s0  }
0x8b: {  	[smem:$0x3FC0] =	sst s0  }
0x8c: {  	_ = 	snop  }
0x8d: {  	s0 =	sld [smem:$0x3FC7]  }
0x8e: {  	s16 =	sld [smem:$0x3FC6]  }
0x8f: {  	s2 =	sld [smem:$0x3FC5]  }
0x90: {  	s3 =	sld [smem:$0x3FC4]  }
0x91: {  	s4 =	sld [smem:$0x3FD0];
	(tm) =	ssettm $0x1  }
0x92: {  	s5 =	sld [smem:$0x3FFB];
	_ =	sdelay $0x3  }
0x93: {  	_ =	strace s5  }
0x94: {  	s5 =	sld [smem:$0x3FFC];
	_ =	sdelay $0x3  }
0x95: {  	_ =	strace s5  }
0x96: {  	s5 =	sld [smem:$0x3FFD];
	_ =	sdelay $0x3  }
0x97: {  	_ =	strace s5  }
0x98: {  	_ =	strace $0x8FFFFFFF  }
0x99: {  	s17 =	sld [smem:$0x3FDB];
	_ =	sdelay $0x1  }
0x9a: {  	s6 =	simm.s32 $_scs_section_size  }
0x9b: {  	s7 =	simm.s32 $_size__tile_overlayer_lowered;
	s8 =	simm.s32 $_tile_overlayer_lowered  }
0x9c: {  	s20 =	simm.s32 $0x1BFF;
	s19 =	sshll.u32 s8, $0x1;
	s5 =	sadd.s32 s6, s17  }
0x9d: {  	s9 =	simm.s32 $0x0;
	s18 =	sshll.u32 s7, $0x1;
	s7 =	sadd.s32 s19, s5  }
0x9e: {  	[timem:s9], [sflag:s20] =	dma.local [hbm:s7], s18  }
0x9f: {  	_ =	swait.ge [sflag:s20], s18  }
0xa0: {  	s6 =	ssub.s32 $0x0, s18;
	[sflag:s20] =	ssyncset.done $0x0  }
0xa1: {  	[sflag:s20] =	ssyncadd.s32 s6;
	_ =	sdelay $0x1  }
0xa2: {  	s21 =	simm.s32 $0x1B8B  }
0xa3: {  	_ =	swait.ge [sflag:s21], $0x1  }
0xa4: {  	[sflag:s21] =	ssyncset.done $0x0  }
0xa5: {  	s23 =	simm.s32 $0x1B8E;
	s22 =	sld [smem:$0x3FFE];
	[sflag:s21] =	ssyncadd.s32 $0xFFFFFFFF  }
0xa6: {  	s24 =	simm.s32 $execute0_lowered;
	[smem:$0x3FD2] =	sst s23  }
0xa7: {  	s7 =	sshll.u32 s24, $0x1;
	_ =	strace $0x80000046;
	[dreg:$0x1] =	wrdreg $0xFFFFFFFF  }
0xa8: {  	s25 =	simm.s32 $_size_execute0_lowered;
	s5 =	sadd.s32 s5, s7;
	[dreg:$0x0] =	wrdreg $0x0  }
0xa9: {  	s7 =	sshll.u32 s25, $0x1;
	[dreg:$0x2] =	wrdreg s5  }
0xaa: {  	[dreg:$0x3] =	wrdreg s7  }
0xab: {  	[dreg:$0x4] =	wrdreg $0xC0  }
0xac: {  	_ =	task [dreg:s9], $0x5FFFF  }
0xad: {  	[dreg:$0x1] =	wrdreg $0xFFFFFFFF  }
0xae: {  	[dreg:$0x0] =	wrdreg $0x60  }
0xaf: {  	[dreg:$0x2] =	wrdreg s22  }
0xb0: {  	[dreg:$0x3] =	wrdreg s0  }
0xb1: {  	[dreg:$0x4] =	wrdreg s16  }
0xb2: {  	[dreg:$0x5] =	wrdreg s2  }
0xb3: {  	[dreg:$0x6] =	wrdreg s3  }
0xb4: {  	[dreg:$0x7] =	wrdreg s4  }
0xb5: {  	[dreg:$0x8] =	wrdreg $0x9  }
0xb6: {  	_ =	task.clear_ibuf [dreg:s9], $0x9FFFF;
	_ =	strace $0x90000046  }
0xb7: {  	s26 =	simm.s32 $0x9;
	_ =	strace $0x80000048  }
0xb8: {  	_ =	swait.ge [sflag:s26], $0x1  }
0xb9: {  	[sflag:s26] =	ssyncadd.s32 $0xFFFFFFFF  }
0xba: {  	_ =	strace $0x90000048  }
0xbb: {  	_ =	sfence  }
0xbc: {  	s28 =	sld [smem:$0x0];
	_ =	sdelay $0x1  }
0xbd: {  	s29 =	srdreg.scid  }
0xbe: {  	s30 =	sshll.u32 s29, $0xD;
	s31 =	sshrl.u32 s29, $0x2  }
0xbf: {  	s1 =	sand.u32 $0x1, s29;
	s2 =	sand.u32 $0x4000, s30;
	s0 =	sadd.s32 s31, s28  }
0xc0: {  	s1 =	sor.u32 s2, s1;
	s0 =	sshll.u32 s0, $0x11  }
0xc1: {  	s0 =	sor.u32 s0, s1  }
0xc2: {  	s0 =	sadd.s32 $0x8F2B, s0  }
0xc3: {  	[sflag:s0] =	ssyncadd.remote.s32 $0x1  }
0xc4: {  	_ =	sfence.sel $0xFFFF  }
0xc5: {  	[dreg:$0x0] =	wrdreg $0xFFFFFFFF;
	(pc) =	sbr.abs _section_cstart, $3  }
0xc6: {  	[dreg:$0x1] =	wrdreg $0xFFFFFFFF  }
0xc7: {  	_ =	task.clear_ibuf [dreg:s9], $0x2FFFF;
	_ =	strace $0x9FFFFFFF  }
0xc8: {  	(tm) =	ssettm $0x7FFFFFFF  }
0xc9: {  	_ =	shalt  }
tec
execute0_lowered:
.L_overlay_start_1:
0x0: {  	(tag) =	ssettag $0x1  }
0x1: {  	s3 =	rddreg [dreg:$0x0]  }
0x2: {  	s5 =	rddreg [dreg:$0x1]  }
0x3: {  	s10 =	rddreg [dreg:$0x2]  }
0x4: {  	s26 =	rddreg [dreg:$0x3]  }
0x5: {  	s11 =	rddreg [dreg:$0x4]  }
0x6: {  	s4 =	rddreg [dreg:$0x5];
	s0 =	simm.s32 $0x0  }
0x7: {  	s1 =	stileid.u32;
	s21 =	simm.s32 $0x2;
	[smem:$0x7FF] =	sst s0  }
0x8: {  	s6 =	sadd.s32 $0xA600, s3;
	s2 =	smul.u32 $0x2710, s1;
	_ =	strace $0x80000047  }
0x9: {  	[tilespmem:s0], [sflag:$0x2] =	stream.linear.gather [hbm4b:s6+s0], $0x80, $0x38;
	[tilespmem:$0x9B00] =	vst v63  }
0xa: {  	s28 =	sadd.s32 $0x800, s3;
	s7 =	sshrl.u32 s2, $0x3;
	_ =	swait.ge [sflag:s21], $0x80  }
0xb: {  	s7 =	sadd.s32 s28, s7;
	[sflag:s21] =	ssyncset.done $0x0  }
0xc: {  	s8 =	simm.s32 $0x80;
	s7 =	sadd.s32 $0x4E20, s7;
	[sflag:s21] =	ssyncadd.s32 $0xFFFFFF80  }
0xd: {  	[tilespmem:s8], [sflag:$0x2] =	stream.linear.gather [hbm4b:s7+s0], $0x2710, $0x38;
	[tilespmem:$0x9B00] =	vst v63  }
0xe: {  	p0 =	seq.s32 s1, $0xF;
	_ =	swait.ge [sflag:s21], $0x2710  }
0xf: {  	s9 =	simm.s32 @p0 $0x2800;
	[sflag:s21] =	ssyncset.done $0x0  }
0x10: {  	s7 =	sadd.s32 @p0 $0x4B0, s5;
	s8 =	simm.s32 @p0 $0x0;
	[sflag:s21] =	ssyncadd.s32 $0xFFFFD8F0  }
0x11: {  	[tilespmem:s9], [sflag:$0x2] =	stream.linear.gather @p0 [hbm4b:s7+s8], $0x190, $0x38;
	[tilespmem:$0x9B00] =	vst v63  }
0x12: {  	s7 =	simm.s32 @p0 $0x2  }
0x13: {  	_ =	swait.ge @p0 [sflag:s7], $0x190  }
0x14: {  	[sflag:s7] =	ssyncset.done @p0 $0x0  }
0x15: {  	v0 =	vimm.s32 @p0 $0xFFFFFFFF;
	[sflag:s7] =	ssyncadd.s32 @p0 $0xFFFFFE70  }
0x16: {  	[tilespmem:$0x2990] =	vst @p0 v0  }
0x17: {  	[tilespmem:$0x29A0] =	vst @p0 v0  }
0x18: {  	[tilespmem:$0x29B0] =	vst @p0 v0  }
0x19: {  	[tilespmem:$0x29C0] =	vst @p0 v0  }
0x1a: {  	[tilespmem:$0x29D0] =	vst @p0 v0  }
0x1b: {  	[tilespmem:$0x29E0] =	vst @p0 v0  }
0x1c: {  	[tilespmem:$0x29F0] =	vst @p0 v0  }
0x1d: {  	[tilespmem:$0x2A00] =	vst @p0 v0  }
0x1e: {  	[tilespmem:$0x2A10] =	vst @p0 v0  }
0x1f: {  	[tilespmem:$0x2A20] =	vst @p0 v0  }
0x20: {  	[tilespmem:$0x2A30] =	vst @p0 v0  }
0x21: {  	[tilespmem:$0x2A40] =	vst @p0 v0  }
0x22: {  	s7 =	smul.u32 @!p0 $0x50, s1;
	[tilespmem:$0x2A50] =	vst @p0 v0  }
0x23: {  	[tilespmem:$0x2A60] =	vst @p0 v0  }
0x24: {  	s8 =	simm.s32 @!p0 $0x2800;
	[tilespmem:$0x2A70] =	vst @p0 v0;
	s5 =	sadd.s32 @!p0 s5, s7;
	s7 =	simm.s32 @!p0 $0x0  }
0x25: {  	[tilespmem:s8], [sflag:$0x2] =	stream.linear.gather @!p0 [hbm4b:s5+s7], $0x280, $0x38;
	[tilespmem:$0x9B00] =	vst v63  }
0x26: {  	s5 =	simm.s32 @!p0 $0x2  }
0x27: {  	_ =	swait.ge @!p0 [sflag:s5], $0x280  }
0x28: {  	[sflag:s5] =	ssyncset.done @!p0 $0x0  }
0x29: {  	s23 =	simm.s32 $0x6980;
	s22 =	sadd.s32 $0xA800, s3;
	[sflag:s5] =	ssyncadd.s32 @!p0 $0xFFFFFD80  }
0x2a: {  	[tilespmem:s23], [sflag:$0x2] =	stream.linear.gather [hbm4b:s22+s0], $0x80, $0x38;
	[tilespmem:$0x9B00] =	vst v63  }
0x2b: {  	_ =	swait.ge [sflag:s21], $0x80  }
0x2c: {  	[sflag:s21] =	ssyncset.done $0x0  }
0x2d: {  	s25 =	simm.s32 $0x6A00;
	s24 =	sadd.s32 $0xAA00, s3;
	[sflag:s21] =	ssyncadd.s32 $0xFFFFFF80  }
0x2e: {  	[tilespmem:s25], [sflag:$0x2] =	stream.linear.gather [hbm4b:s24+s0], $0x80, $0x38;
	[tilespmem:$0x9B00] =	vst v63  }
0x2f: {  	_ =	swait.ge [sflag:s21], $0x80  }
0x30: {  	[sflag:s21] =	ssyncset.done $0x0  }
0x31: {  	v3 =	vimm.f32 $0.0e+00;
	[sflag:s21] =	ssyncadd.s32 $0xFFFFFF80  }
0x32: {  	[tilespmem:$0x6680] =	vst v3  }
0x33: {  	[tilespmem:$0x6690] =	vst v3  }
0x34: {  	[tilespmem:$0x66A0] =	vst v3  }
0x35: {  	[tilespmem:$0x66B0] =	vst v3  }
0x36: {  	[tilespmem:$0x66C0] =	vst v3  }
0x37: {  	[tilespmem:$0x66D0] =	vst v3  }
0x38: {  	[tilespmem:$0x66E0] =	vst v3  }
0x39: {  	[tilespmem:$0x66F0] =	vst v3  }
0x3a: {  	[tilespmem:$0x6780] =	vst v3  }
0x3b: {  	[tilespmem:$0x6790] =	vst v3  }
0x3c: {  	[tilespmem:$0x67A0] =	vst v3  }
0x3d: {  	[tilespmem:$0x67B0] =	vst v3  }
0x3e: {  	[tilespmem:$0x67C0] =	vst v3  }
0x3f: {  	[tilespmem:$0x67D0] =	vst v3  }
0x40: {  	[tilespmem:$0x67E0] =	vst v3  }
0x41: {  	[tilespmem:$0x67F0] =	vst v3  }
0x42: {  	s18 =	sadd.s32 $0xB000, s3;
	s9 =	sshll.u32 s1, $0x4;
	s8 =	sshll.u32 s1, $0x5;
	[tilespmem:$0x6700] =	vst v3  }
0x43: {  	s17 =	sshll.u32 s1, $0x1;
	s6 =	sand.u32 $0x70, s9;
	s13 =	sand.u32 $0x100, s8;
	[tilespmem:$0x6710] =	vst v3  }
0x44: {  	s4 =	sadd.s32 s4, s17;
	s21 =	sadd.s32 $0xAC00, s3;
	s3 =	sor.u32 s6, s13;
	[tilespmem:$0x6720] =	vst v3  }
0x45: {  	[dreg:$0x7] =	wrdreg s4;
	[tilespmem:$0x6730] =	vst v3;
	s6 =	sor.u32 $0x7280, s3  }
0x46: {  	[tilespmem:$0x6740] =	vst v3;
	s14 =	sor.u32 $0x7480, s3;
	[dreg:$0x13] =	wrdreg s6  }
0x47: {  	s29 =	simm.s32 $0xF0;
	[tilespmem:$0x6750] =	vst v3;
	s15 =	sor.u32 $0x7680, s3;
	[dreg:$0x12] =	wrdreg s14  }
0x48: {  	s30 =	simm.s32 $0x100;
	[tilespmem:$0x6760] =	vst v3;
	s16 =	sor.u32 $0x7880, s3;
	[dreg:$0x11] =	wrdreg s15  }
0x49: {  	s24 =	sadd.s32 s18, s8;
	[tilespmem:$0x6770] =	vst v3;
	s8 =	sor.u32 $0x7A80, s3;
	[dreg:$0x10] =	wrdreg s16  }
0x4a: {  	s12 =	sshll.u32 s1, $0x6;
	[tilespmem:$0x6800] =	vst v3;
	s9 =	sor.u32 $0x7C80, s3;
	[dreg:$0xf] =	wrdreg s8  }
0x4b: {  	s25 =	sadd.s32 s21, s12;
	[tilespmem:$0x6810] =	vst v3;
	s12 =	sor.u32 $0x7E80, s3;
	[dreg:$0xe] =	wrdreg s9  }
0x4c: {  	s31 =	simm.s32 $0x6600;
	[tilespmem:$0x6820] =	vst v3;
	s13 =	sor.u32 $0x8080, s3;
	[dreg:$0xd] =	wrdreg s12  }
.Ltmp0:
0x4d: {  	[tilespmem:$0x6830] =	vst v3;
	s17 =	sor.u32 $0x8880, s3;
	[dreg:$0xc] =	wrdreg s13;
	(pc) =	sbr.rel .LBB2_1-.Ltmp0, $4  }
0x4e: {  	s5 =	smul.u32 $0x280, s1;
	[tilespmem:$0x6840] =	vst v3;
	s14 =	sor.u32 $0x8280, s3;
	[dreg:$0x8] =	wrdreg s17  }
0x4f: {  	s23 =	sor.u32 $0x6A80, s3;
	[tilespmem:$0x6850] =	vst v3;
	s15 =	sor.u32 $0x8480, s3;
	[dreg:$0xb] =	wrdreg s14  }
0x50: {  	s22 =	sor.u32 $0x6C80, s3;
	[tilespmem:$0x6860] =	vst v3;
	s16 =	sor.u32 $0x8680, s3;
	[dreg:$0xa] =	wrdreg s15  }
0x51: {  	v4 =	vimm.s32 $0x0;
	v1 =	vmov s2;
	v0 =	vmov s5;
	s20 =	sor.u32 $0x6E80, s3;
	s19 =	sor.u32 $0x7080, s3;
	v2 =	vld [tilespmem:$0x0];
	[tilespmem:$0x6870] =	vst v3;
	[dreg:$0x9] =	wrdreg s16  }
.LBB2_3:
0x52: {  	s29 =	sadd.s32 $0x100, s29  }
0x53: {  	p0 =	sne.s32 s29, $0x27F0  }
.Ltmp1:
0x54: {  	_ = 	snop;
	(pc) =	sbr.rel @!p0 .LBB2_4-.Ltmp1, $2  }
0x55: {  	_ =	sdelay $0x2  }
0x56: {  	s30 =	sadd.s32 $0x100, s30  }
.LBB2_1:
0x57: {  	v5 =	vld [tilespmem:s30+$0xFFFFFF90]  }
0x58: {  	v6 =	vld [tilespmem:s30+$0xFFFFFFA0]  }
0x59: {  	v7 =	vld [tilespmem:s30+$0xFFFFFFB0]  }
0x5a: {  	v8 =	vld [tilespmem:s30+$0xFFFFFFC0]  }
0x5b: {  	v9 =	vld [tilespmem:s30+$0xFFFFFFD0]  }
0x5c: {  	v10 =	vld [tilespmem:s30+$0xFFFFFFE0]  }
0x5d: {  	vm0 =	veq.s32 v5, v2;
	vm1 =	veq.s32 v6, v2;
	v5 =	vld [tilespmem:s30+$0xFFFFFFF0]  }
0x5e: {  	vm15 =	veq.s32 v7, v2;
	v6 =	vld [tilespmem:s30+$0x0];
	vm0 =	vmor vm0, vm1  }
0x5f: {  	vm4 =	veq.s32 v8, v2;
	v7 =	vld [tilespmem:s30+$0x10];
	vm0 =	vmor vm0, vm15  }
0x60: {  	v60 =	vld [tilespmem:s30+$0x20];
	vm5 =	veq.s32 v9, v2;
	vm0 =	vmor vm0, vm4  }
0x61: {  	v61 =	vld [tilespmem:s30+$0x30];
	vm6 =	veq.s32 v10, v2;
	vm0 =	vmor vm0, vm5  }
0x62: {  	v62 =	vld [tilespmem:s30+$0x40];
	vm0 =	vmor vm0, vm6;
	vm7 =	veq.s32 v5, v2  }
0x63: {  	vm8 =	veq.s32 v6, v2;
	v6 =	vld [tilespmem:s30+$0x50];
	vm0 =	vmor vm0, vm7  }
0x64: {  	vm9 =	veq.s32 v7, v2;
	v7 =	vld [tilespmem:s30+$0x60];
	vm0 =	vmor vm0, vm8  }
0x65: {  	v63 =	vld [tilespmem:s30+$0x70];
	vm10 =	veq.s32 v60, v2;
	vm0 =	vmor vm0, vm9  }
0x66: {  	vm11 =	veq.s32 v61, v2;
	v5 =	vld [tilespmem:s30+$0xFFFFFF80];
	vm0 =	vmor vm0, vm10  }
0x67: {  	vm2 =	veq.s32 v62, v2;
	vm0 =	vmor vm0, vm11  }
0x68: {  	vm12 =	veq.s32 v6, v2;
	vm0 =	vmor vm0, vm2  }
0x69: {  	vm13 =	veq.s32 v7, v2;
	vm0 =	vmor vm0, vm12  }
0x6a: {  	vm14 =	veq.s32 v63, v2;
	vm0 =	vmor vm0, vm13  }
0x6b: {  	vm15 =	veq.s32 v5, v2;
	vm0 =	vmor vm0, vm14  }
0x6c: {  	vm0 =	vmor vm15, vm0  }
0x6d: {  	v6 =	vsel vm0, $0x3F800000, v3  }
0x6e: {  	(xrf0) =	vmax.scan.msk.f32 $0xffff, v6;
	_ =	sdelay $0x5  }
0x6f: {  	v6, _, _ =	vpop (xrf0)  }
0x70: {  	(v2sf) =	vpush v6, $0xF;
	_ =	sdelay $0xe  }
0x71: {  	s2 =	spop (v2sf)  }
0x72: {  	p0 =	sgt.f32 s2, $0.0e+00  }
.Ltmp2:
0x73: {  	_ = 	snop;
	(pc) =	sbr.rel @!p0 .LBB2_3-.Ltmp2, $1  }
0x74: {  	_ =	sdelay $0x3  }
0x75: {  	v6 =	vsub.s32 v5, v2  }
0x76: {  	v7 =	vsub.s32 $0x0, v6  }
0x77: {  	v6 =	vmin.u32 v6, v7  }
0x78: {  	vm0 =	vlt.s32 v6, $0x1  }
0x79: {  	v6 =	vnsel vm0, $0x1, v6  }
0x7a: {  	[tilespmem:$0x6600] =	vst v4;
	v6 =	vsub.s32 $0x1, v6  }
0x7b: {  	[tilespmem:v4+s31+$0x0] =	vst.idx.add.s32.msk $0xffff, v6  }
0x7c: {  	v6 =	vld [tilespmem:$0x6600];
	_ =	sdelay $0x4  }
0x7d: {  	(v2sf) =	vpush v6, $0x0;
	_ =	sdelay $0xe  }
0x7e: {  	s2 =	spop (v2sf)  }
0x7f: {  	p0 =	slt.s32 s2, $0x1  }
0x80: {  	s4 =	sadd.s32 $0xFFFFFF10, s29;
	v6 =	vlaneseq.u32 @!p0  }
0x81: {  	vm0 =	veq.s32 @!p0 v5, v2;
	v5 =	vor.u32 @!p0 s4, v6  }
0x82: {  	[tilespmem:s0+$0x2A80] =	vst.msk @!p0 vm0, v5  }
0x83: {  	v5 =	vld [tilespmem:s30+$0xFFFFFF90];
	_ =	sdelay $0x4  }
0x84: {  	v6 =	vsub.s32 v5, v2  }
0x85: {  	v7 =	vsub.s32 $0x0, v6  }
0x86: {  	v6 =	vmin.u32 v6, v7  }
0x87: {  	vm13 =	vlt.s32 v6, $0x1  }
0x88: {  	v6 =	vnsel vm13, $0x1, v6  }
0x89: {  	[tilespmem:$0x6600] =	vst v4;
	v6 =	vsub.s32 $0x1, v6  }
0x8a: {  	[tilespmem:v4+s31+$0x0] =	vst.idx.add.s32.msk $0xffff, v6  }
0x8b: {  	v6 =	vld [tilespmem:$0x6600];
	_ =	sdelay $0x4  }
0x8c: {  	(v2sf) =	vpush v6, $0x0;
	_ =	sdelay $0xe  }
0x8d: {  	s13 =	spop (v2sf)  }
0x8e: {  	p0 =	slt.s32 s13, $0x1  }
0x8f: {  	s5 =	sadd.s32 $0xFFFFFF20, s29;
	v6 =	vlaneseq.u32 @!p0  }
0x90: {  	s0 =	sadd.s32 s0, s2;
	vm0 =	veq.s32 @!p0 v5, v2;
	v5 =	vor.u32 @!p0 s5, v6  }
0x91: {  	[tilespmem:s0+$0x2A80] =	vst.msk @!p0 vm0, v5  }
0x92: {  	v5 =	vld [tilespmem:s30+$0xFFFFFFA0];
	_ =	sdelay $0x4  }
0x93: {  	v6 =	vsub.s32 v5, v2  }
0x94: {  	v7 =	vsub.s32 $0x0, v6  }
0x95: {  	v6 =	vmin.u32 v6, v7  }
0x96: {  	vm14 =	vlt.s32 v6, $0x1  }
0x97: {  	v6 =	vnsel vm14, $0x1, v6  }
0x98: {  	[tilespmem:$0x6600] =	vst v4;
	v6 =	vsub.s32 $0x1, v6  }
0x99: {  	[tilespmem:v4+s31+$0x0] =	vst.idx.add.s32.msk $0xffff, v6  }
0x9a: {  	v6 =	vld [tilespmem:$0x6600];
	_ =	sdelay $0x4  }
0x9b: {  	(v2sf) =	vpush v6, $0x0;
	_ =	sdelay $0xe  }
0x9c: {  	s14 =	spop (v2sf)  }
0x9d: {  	p0 =	slt.s32 s14, $0x1  }
0x9e: {  	s5 =	sadd.s32 $0xFFFFFF30, s29;
	v6 =	vlaneseq.u32 @!p0  }
0x9f: {  	s0 =	sadd.s32 s0, s13;
	vm0 =	veq.s32 @!p0 v5, v2;
	v5 =	vor.u32 @!p0 s5, v6  }
0xa0: {  	[tilespmem:s0+$0x2A80] =	vst.msk @!p0 vm0, v5  }
0xa1: {  	v5 =	vld [tilespmem:s30+$0xFFFFFFB0];
	_ =	sdelay $0x4  }
0xa2: {  	v6 =	vsub.s32 v5, v2  }
0xa3: {  	v7 =	vsub.s32 $0x0, v6  }
0xa4: {  	v6 =	vmin.u32 v6, v7  }
0xa5: {  	vm15 =	vlt.s32 v6, $0x1  }
0xa6: {  	v6 =	vnsel vm15, $0x1, v6  }
0xa7: {  	[tilespmem:$0x6600] =	vst v4;
	v6 =	vsub.s32 $0x1, v6  }
0xa8: {  	[tilespmem:v4+s31+$0x0] =	vst.idx.add.s32.msk $0xffff, v6  }
0xa9: {  	v6 =	vld [tilespmem:$0x6600];
	_ =	sdelay $0x4  }
0xaa: {  	(v2sf) =	vpush v6, $0x0;
	_ =	sdelay $0xe  }
0xab: {  	s15 =	spop (v2sf)  }
0xac: {  	p0 =	slt.s32 s15, $0x1  }
0xad: {  	s5 =	sadd.s32 $0xFFFFFF40, s29;
	v6 =	vlaneseq.u32 @!p0  }
0xae: {  	s0 =	sadd.s32 s0, s14;
	vm0 =	veq.s32 @!p0 v5, v2;
	v5 =	vor.u32 @!p0 s5, v6  }
0xaf: {  	[tilespmem:s0+$0x2A80] =	vst.msk @!p0 vm0, v5  }
0xb0: {  	v5 =	vld [tilespmem:s30+$0xFFFFFFC0];
	_ =	sdelay $0x4  }
0xb1: {  	v6 =	vsub.s32 v5, v2  }
0xb2: {  	v7 =	vsub.s32 $0x0, v6  }
0xb3: {  	v6 =	vmin.u32 v6, v7  }
0xb4: {  	vm4 =	vlt.s32 v6, $0x1  }
0xb5: {  	v6 =	vnsel vm4, $0x1, v6  }
0xb6: {  	[tilespmem:$0x6600] =	vst v4;
	v6 =	vsub.s32 $0x1, v6  }
0xb7: {  	[tilespmem:v4+s31+$0x0] =	vst.idx.add.s32.msk $0xffff, v6  }
0xb8: {  	v6 =	vld [tilespmem:$0x6600];
	_ =	sdelay $0x4  }
0xb9: {  	(v2sf) =	vpush v6, $0x0;
	_ =	sdelay $0xe  }
0xba: {  	s16 =	spop (v2sf)  }
0xbb: {  	p0 =	slt.s32 s16, $0x1  }
0xbc: {  	s5 =	sadd.s32 $0xFFFFFF50, s29;
	v6 =	vlaneseq.u32 @!p0  }
0xbd: {  	s0 =	sadd.s32 s0, s15;
	vm0 =	veq.s32 @!p0 v5, v2;
	v5 =	vor.u32 @!p0 s5, v6  }
0xbe: {  	[tilespmem:s0+$0x2A80] =	vst.msk @!p0 vm0, v5  }
0xbf: {  	v5 =	vld [tilespmem:s30+$0xFFFFFFD0];
	_ =	sdelay $0x4  }
0xc0: {  	v6 =	vsub.s32 v5, v2  }
0xc1: {  	v7 =	vsub.s32 $0x0, v6  }
0xc2: {  	v6 =	vmin.u32 v6, v7  }
0xc3: {  	vm5 =	vlt.s32 v6, $0x1  }
0xc4: {  	v6 =	vnsel vm5, $0x1, v6  }
0xc5: {  	[tilespmem:$0x6600] =	vst v4;
	v6 =	vsub.s32 $0x1, v6  }
0xc6: {  	[tilespmem:v4+s31+$0x0] =	vst.idx.add.s32.msk $0xffff, v6  }
0xc7: {  	v6 =	vld [tilespmem:$0x6600];
	_ =	sdelay $0x4  }
0xc8: {  	(v2sf) =	vpush v6, $0x0;
	_ =	sdelay $0xe  }
0xc9: {  	s17 =	spop (v2sf)  }
0xca: {  	p0 =	slt.s32 s17, $0x1  }
0xcb: {  	s5 =	sadd.s32 $0xFFFFFF60, s29;
	v6 =	vlaneseq.u32 @!p0  }
0xcc: {  	s0 =	sadd.s32 s0, s16;
	vm0 =	veq.s32 @!p0 v5, v2;
	v5 =	vor.u32 @!p0 s5, v6  }
0xcd: {  	[tilespmem:s0+$0x2A80] =	vst.msk @!p0 vm0, v5  }
0xce: {  	v5 =	vld [tilespmem:s30+$0xFFFFFFE0];
	_ =	sdelay $0x4  }
0xcf: {  	v6 =	vsub.s32 v5, v2  }
0xd0: {  	v7 =	vsub.s32 $0x0, v6  }
0xd1: {  	v6 =	vmin.u32 v6, v7  }
0xd2: {  	vm6 =	vlt.s32 v6, $0x1  }
0xd3: {  	v6 =	vnsel vm6, $0x1, v6  }
0xd4: {  	[tilespmem:$0x6600] =	vst v4;
	v6 =	vsub.s32 $0x1, v6  }
0xd5: {  	[tilespmem:v4+s31+$0x0] =	vst.idx.add.s32.msk $0xffff, v6  }
0xd6: {  	v6 =	vld [tilespmem:$0x6600];
	_ =	sdelay $0x4  }
0xd7: {  	(v2sf) =	vpush v6, $0x0;
	_ =	sdelay $0xe  }
0xd8: {  	s6 =	spop (v2sf)  }
0xd9: {  	p0 =	slt.s32 s6, $0x1  }
0xda: {  	s5 =	sadd.s32 $0xFFFFFF70, s29;
	v6 =	vlaneseq.u32 @!p0  }
0xdb: {  	s0 =	sadd.s32 s0, s17;
	vm0 =	veq.s32 @!p0 v5, v2;
	v5 =	vor.u32 @!p0 s5, v6  }
0xdc: {  	[tilespmem:s0+$0x2A80] =	vst.msk @!p0 vm0, v5  }
0xdd: {  	v5 =	vld [tilespmem:s30+$0xFFFFFFF0];
	_ =	sdelay $0x4  }
0xde: {  	v6 =	vsub.s32 v5, v2  }
0xdf: {  	v7 =	vsub.s32 $0x0, v6  }
0xe0: {  	v6 =	vmin.u32 v6, v7  }
0xe1: {  	vm7 =	vlt.s32 v6, $0x1  }
0xe2: {  	v6 =	vnsel vm7, $0x1, v6  }
0xe3: {  	[tilespmem:$0x6600] =	vst v4;
	v6 =	vsub.s32 $0x1, v6  }
0xe4: {  	[tilespmem:v4+s31+$0x0] =	vst.idx.add.s32.msk $0xffff, v6  }
0xe5: {  	v6 =	vld [tilespmem:$0x6600];
	_ =	sdelay $0x4  }
0xe6: {  	(v2sf) =	vpush v6, $0x0;
	_ =	sdelay $0xe  }
0xe7: {  	s7 =	spop (v2sf)  }
0xe8: {  	p0 =	slt.s32 s7, $0x1  }
0xe9: {  	s5 =	sadd.s32 $0xFFFFFF80, s29;
	v6 =	vlaneseq.u32 @!p0  }
0xea: {  	s0 =	sadd.s32 s0, s6;
	vm0 =	veq.s32 @!p0 v5, v2;
	v5 =	vor.u32 @!p0 s5, v6  }
0xeb: {  	[tilespmem:s0+$0x2A80] =	vst.msk @!p0 vm0, v5  }
0xec: {  	v5 =	vld [tilespmem:s30+$0x0];
	_ =	sdelay $0x4  }
0xed: {  	v6 =	vsub.s32 v5, v2  }
0xee: {  	v7 =	vsub.s32 $0x0, v6  }
0xef: {  	v6 =	vmin.u32 v6, v7  }
0xf0: {  	vm8 =	vlt.s32 v6, $0x1  }
0xf1: {  	v6 =	vnsel vm8, $0x1, v6  }
0xf2: {  	[tilespmem:$0x6600] =	vst v4;
	v6 =	vsub.s32 $0x1, v6  }
0xf3: {  	[tilespmem:v4+s31+$0x0] =	vst.idx.add.s32.msk $0xffff, v6  }
0xf4: {  	v6 =	vld [tilespmem:$0x6600];
	_ =	sdelay $0x4  }
0xf5: {  	(v2sf) =	vpush v6, $0x0;
	_ =	sdelay $0xe  }
0xf6: {  	s8 =	spop (v2sf)  }
0xf7: {  	p0 =	slt.s32 s8, $0x1  }
0xf8: {  	s5 =	sadd.s32 $0xFFFFFF90, s29;
	v6 =	vlaneseq.u32 @!p0  }
0xf9: {  	s0 =	sadd.s32 s0, s7;
	vm0 =	veq.s32 @!p0 v5, v2;
	v5 =	vor.u32 @!p0 s5, v6  }
0xfa: {  	[tilespmem:s0+$0x2A80] =	vst.msk @!p0 vm0, v5  }
0xfb: {  	v5 =	vld [tilespmem:s30+$0x10];
	_ =	sdelay $0x4  }
0xfc: {  	v6 =	vsub.s32 v5, v2  }
0xfd: {  	v7 =	vsub.s32 $0x0, v6  }
0xfe: {  	v6 =	vmin.u32 v6, v7  }
0xff: {  	vm9 =	vlt.s32 v6, $0x1  }
0x100: {  	v6 =	vnsel vm9, $0x1, v6  }
0x101: {  	[tilespmem:$0x6600] =	vst v4;
	v6 =	vsub.s32 $0x1, v6  }
0x102: {  	[tilespmem:v4+s31+$0x0] =	vst.idx.add.s32.msk $0xffff, v6  }
0x103: {  	v6 =	vld [tilespmem:$0x6600];
	_ =	sdelay $0x4  }
0x104: {  	(v2sf) =	vpush v6, $0x0;
	_ =	sdelay $0xe  }
0x105: {  	s9 =	spop (v2sf)  }
0x106: {  	p0 =	slt.s32 s9, $0x1  }
0x107: {  	s5 =	sadd.s32 $0xFFFFFFA0, s29;
	v6 =	vlaneseq.u32 @!p0  }
0x108: {  	s0 =	sadd.s32 s0, s8;
	vm0 =	veq.s32 @!p0 v5, v2;
	v5 =	vor.u32 @!p0 s5, v6  }
0x109: {  	[tilespmem:s0+$0x2A80] =	vst.msk @!p0 vm0, v5  }
0x10a: {  	v5 =	vld [tilespmem:s30+$0x20];
	_ =	sdelay $0x4  }
0x10b: {  	v6 =	vsub.s32 v5, v2  }
0x10c: {  	v7 =	vsub.s32 $0x0, v6  }
0x10d: {  	v6 =	vmin.u32 v6, v7  }
0x10e: {  	vm10 =	vlt.s32 v6, $0x1  }
0x10f: {  	v6 =	vnsel vm10, $0x1, v6  }
0x110: {  	[tilespmem:$0x6600] =	vst v4;
	v6 =	vsub.s32 $0x1, v6  }
0x111: {  	[tilespmem:v4+s31+$0x0] =	vst.idx.add.s32.msk $0xffff, v6  }
0x112: {  	v6 =	vld [tilespmem:$0x6600];
	_ =	sdelay $0x4  }
0x113: {  	(v2sf) =	vpush v6, $0x0;
	_ =	sdelay $0xe  }
0x114: {  	s12 =	spop (v2sf)  }
0x115: {  	p0 =	slt.s32 s12, $0x1  }
0x116: {  	s5 =	sadd.s32 $0xFFFFFFB0, s29;
	v6 =	vlaneseq.u32 @!p0  }
0x117: {  	s0 =	sadd.s32 s0, s9;
	vm0 =	veq.s32 @!p0 v5, v2;
	v5 =	vor.u32 @!p0 s5, v6  }
0x118: {  	[tilespmem:s0+$0x2A80] =	vst.msk @!p0 vm0, v5  }
0x119: {  	v5 =	vld [tilespmem:s30+$0x30];
	_ =	sdelay $0x4  }
0x11a: {  	v6 =	vsub.s32 v5, v2  }
0x11b: {  	v7 =	vsub.s32 $0x0, v6  }
0x11c: {  	v6 =	vmin.u32 v6, v7  }
0x11d: {  	vm11 =	vlt.s32 v6, $0x1  }
0x11e: {  	v6 =	vnsel vm11, $0x1, v6  }
0x11f: {  	[tilespmem:$0x6600] =	vst v4;
	v6 =	vsub.s32 $0x1, v6  }
0x120: {  	[tilespmem:v4+s31+$0x0] =	vst.idx.add.s32.msk $0xffff, v6  }
0x121: {  	v6 =	vld [tilespmem:$0x6600];
	_ =	sdelay $0x4  }
0x122: {  	(v2sf) =	vpush v6, $0x0;
	_ =	sdelay $0xe  }
0x123: {  	s13 =	spop (v2sf)  }
0x124: {  	p0 =	slt.s32 s13, $0x1  }
0x125: {  	s5 =	sadd.s32 $0xFFFFFFC0, s29;
	v6 =	vlaneseq.u32 @!p0  }
0x126: {  	s0 =	sadd.s32 s0, s12;
	vm0 =	veq.s32 @!p0 v5, v2;
	v5 =	vor.u32 @!p0 s5, v6  }
0x127: {  	[tilespmem:s0+$0x2A80] =	vst.msk @!p0 vm0, v5  }
0x128: {  	v5 =	vld [tilespmem:s30+$0x40];
	_ =	sdelay $0x4  }
0x129: {  	v6 =	vsub.s32 v5, v2  }
0x12a: {  	v7 =	vsub.s32 $0x0, v6  }
0x12b: {  	v6 =	vmin.u32 v6, v7  }
0x12c: {  	vm12 =	vlt.s32 v6, $0x1  }
0x12d: {  	v6 =	vnsel vm12, $0x1, v6  }
0x12e: {  	[tilespmem:$0x6600] =	vst v4;
	v6 =	vsub.s32 $0x1, v6  }
0x12f: {  	[tilespmem:v4+s31+$0x0] =	vst.idx.add.s32.msk $0xffff, v6  }
0x130: {  	v6 =	vld [tilespmem:$0x6600];
	_ =	sdelay $0x4  }
0x131: {  	(v2sf) =	vpush v6, $0x0;
	_ =	sdelay $0xe  }
0x132: {  	s14 =	spop (v2sf)  }
0x133: {  	p0 =	slt.s32 s14, $0x1  }
0x134: {  	s5 =	sadd.s32 $0xFFFFFFD0, s29;
	v6 =	vlaneseq.u32 @!p0  }
0x135: {  	s0 =	sadd.s32 s0, s13;
	vm0 =	veq.s32 @!p0 v5, v2;
	v5 =	vor.u32 @!p0 s5, v6  }
0x136: {  	[tilespmem:s0+$0x2A80] =	vst.msk @!p0 vm0, v5  }
0x137: {  	v5 =	vld [tilespmem:s30+$0x50];
	_ =	sdelay $0x4  }
0x138: {  	v6 =	vsub.s32 v5, v2  }
0x139: {  	v7 =	vsub.s32 $0x0, v6  }
0x13a: {  	v6 =	vmin.u32 v6, v7  }
0x13b: {  	vm13 =	vlt.s32 v6, $0x1  }
0x13c: {  	v6 =	vnsel vm13, $0x1, v6  }
0x13d: {  	[tilespmem:$0x6600] =	vst v4;
	v6 =	vsub.s32 $0x1, v6  }
0x13e: {  	[tilespmem:v4+s31+$0x0] =	vst.idx.add.s32.msk $0xffff, v6  }
0x13f: {  	v6 =	vld [tilespmem:$0x6600];
	_ =	sdelay $0x4  }
0x140: {  	(v2sf) =	vpush v6, $0x0;
	_ =	sdelay $0xe  }
0x141: {  	s15 =	spop (v2sf)  }
0x142: {  	p0 =	slt.s32 s15, $0x1  }
0x143: {  	s5 =	sadd.s32 $0xFFFFFFE0, s29;
	v6 =	vlaneseq.u32 @!p0  }
0x144: {  	s0 =	sadd.s32 s0, s14;
	vm0 =	veq.s32 @!p0 v5, v2;
	v5 =	vor.u32 @!p0 s5, v6  }
0x145: {  	[tilespmem:s0+$0x2A80] =	vst.msk @!p0 vm0, v5  }
0x146: {  	v5 =	vld [tilespmem:s30+$0x60];
	_ =	sdelay $0x4  }
0x147: {  	v6 =	vsub.s32 v5, v2  }
0x148: {  	v7 =	vsub.s32 $0x0, v6  }
0x149: {  	v6 =	vmin.u32 v6, v7  }
0x14a: {  	vm14 =	vlt.s32 v6, $0x1  }
0x14b: {  	v6 =	vnsel vm14, $0x1, v6  }
0x14c: {  	[tilespmem:$0x6600] =	vst v4;
	v6 =	vsub.s32 $0x1, v6  }
0x14d: {  	[tilespmem:v4+s31+$0x0] =	vst.idx.add.s32.msk $0xffff, v6  }
0x14e: {  	v6 =	vld [tilespmem:$0x6600];
	_ =	sdelay $0x4  }
0x14f: {  	(v2sf) =	vpush v6, $0x0;
	_ =	sdelay $0xe  }
0x150: {  	s16 =	spop (v2sf)  }
0x151: {  	p0 =	slt.s32 s16, $0x1  }
0x152: {  	s5 =	sadd.s32 $0xFFFFFFF0, s29;
	v6 =	vlaneseq.u32 @!p0  }
0x153: {  	s0 =	sadd.s32 s0, s15;
	vm0 =	veq.s32 @!p0 v5, v2;
	v5 =	vor.u32 @!p0 s5, v6  }
0x154: {  	[tilespmem:s0+$0x2A80] =	vst.msk @!p0 vm0, v5  }
0x155: {  	v5 =	vld [tilespmem:s30+$0x70];
	_ =	sdelay $0x4  }
0x156: {  	v6 =	vsub.s32 v5, v2  }
0x157: {  	v7 =	vsub.s32 $0x0, v6  }
0x158: {  	v6 =	vmin.u32 v6, v7  }
0x159: {  	vm15 =	vlt.s32 v6, $0x1  }
0x15a: {  	v6 =	vnsel vm15, $0x1, v6  }
0x15b: {  	[tilespmem:$0x6600] =	vst v4;
	v6 =	vsub.s32 $0x1, v6  }
0x15c: {  	[tilespmem:v4+s31+$0x0] =	vst.idx.add.s32.msk $0xffff, v6  }
0x15d: {  	v6 =	vld [tilespmem:$0x6600];
	_ =	sdelay $0x4  }
0x15e: {  	(v2sf) =	vpush v6, $0x0;
	_ =	sdelay $0xe  }
.Ltmp3:
0x15f: {  	s17 =	spop (v2sf);
	(pc) =	sbr.rel .LBB2_3-.Ltmp3, $4  }
0x160: {  	p0 =	slt.s32 s17, $0x1  }
0x161: {  	v6 =	vlaneseq.u32 @!p0  }
0x162: {  	s0 =	sadd.s32 s0, s16;
	vm0 =	veq.s32 @!p0 v5, v2;
	v5 =	vor.u32 @!p0 s29, v6  }
0x163: {  	[tilespmem:s0+$0x2A80] =	vst.msk @!p0 vm0, v5;
	s0 =	sadd.s32 s0, s17  }
.LBB2_4:
0x164: {  	v4 =	vld [tilespmem:$0x2780];
	_ =	sdelay $0x4  }
0x165: {  	v5 =	vsub.s32 v4, v2  }
0x166: {  	v3 =	vimm.s32 $0x0;
	v6 =	vsub.s32 $0x0, v5  }
0x167: {  	v5 =	vmin.u32 v5, v6  }
0x168: {  	vm0 =	vlt.s32 v5, $0x1  }
0x169: {  	v5 =	vnsel vm0, $0x1, v5  }
0x16a: {  	s30 =	simm.s32 $0x6600;
	[tilespmem:$0x6600] =	vst v3;
	v5 =	vsub.s32 $0x1, v5  }
0x16b: {  	[tilespmem:v3+s30+$0x0] =	vst.idx.add.s32.msk $0xffff, v5  }
0x16c: {  	v5 =	vld [tilespmem:$0x6600];
	_ =	sdelay $0x4  }
0x16d: {  	(v2sf) =	vpush v5, $0x0;
	_ =	sdelay $0xe  }
0x16e: {  	s2 =	spop (v2sf)  }
.Ltmp4:
0x16f: {  	p0 =	slt.s32 s2, $0x1;
	(pc) =	sbr.rel .LBB2_5-.Ltmp4, $4  }
0x170: {  	v5 =	vlaneseq.u32 @!p0  }
0x171: {  	vm0 =	veq.s32 @!p0 v4, v2;
	v4 =	vor.u32 @!p0 $0x2700, v5  }
0x172: {  	s12 =	sadd.s32 s0, s2;
	[tilespmem:s0+$0x2A80] =	vst.msk @!p0 vm0, v4  }
0x173: {  	p1 =	por $0x1, $0x1;
	s31 =	simm.s32 $0x0;
	s0 =	simm.s32 $0x0;
	v4 =	vimm.f32 $0.0e+00;
	[tilespmem:s12+$0x2A80] =	vst v3  }
.LBB2_7:
.Ltmp5:
0x174: {  	(pc) =	sbr.rel @!p0 .LBB2_8-.Ltmp5, $2  }
0x175: {  	_ =	sdelay $0x2  }
0x176: {  	s31 =	simm.s32 $0x100;
	p1 =	por $0x0, $0x0  }
.LBB2_5:
0x177: {  	v5 =	vld [tilespmem:s31+$0x2810]  }
0x178: {  	v6 =	vld [tilespmem:s31+$0x2820]  }
0x179: {  	v7 =	vld [tilespmem:s31+$0x2830]  }
0x17a: {  	v8 =	vld [tilespmem:s31+$0x2840]  }
0x17b: {  	v9 =	vld [tilespmem:s31+$0x2850]  }
0x17c: {  	v10 =	vld [tilespmem:s31+$0x2860]  }
0x17d: {  	vm0 =	veq.s32 v5, v2;
	vm1 =	veq.s32 v6, v2;
	v5 =	vld [tilespmem:s31+$0x2870]  }
0x17e: {  	vm15 =	veq.s32 v7, v2;
	v6 =	vld [tilespmem:s31+$0x2880];
	vm0 =	vmor vm0, vm1  }
0x17f: {  	vm4 =	veq.s32 v8, v2;
	v7 =	vld [tilespmem:s31+$0x2890];
	vm0 =	vmor vm0, vm15  }
0x180: {  	v60 =	vld [tilespmem:s31+$0x28A0];
	vm5 =	veq.s32 v9, v2;
	vm0 =	vmor vm0, vm4  }
0x181: {  	v61 =	vld [tilespmem:s31+$0x28B0];
	vm6 =	veq.s32 v10, v2;
	vm0 =	vmor vm0, vm5  }
0x182: {  	v62 =	vld [tilespmem:s31+$0x28C0];
	vm0 =	vmor vm0, vm6;
	vm7 =	veq.s32 v5, v2  }
0x183: {  	vm8 =	veq.s32 v6, v2;
	v6 =	vld [tilespmem:s31+$0x28D0];
	vm0 =	vmor vm0, vm7  }
0x184: {  	vm9 =	veq.s32 v7, v2;
	v7 =	vld [tilespmem:s31+$0x28E0];
	vm0 =	vmor vm0, vm8  }
0x185: {  	v63 =	vld [tilespmem:s31+$0x28F0];
	vm10 =	veq.s32 v60, v2;
	vm0 =	vmor vm0, vm9  }
0x186: {  	vm11 =	veq.s32 v61, v2;
	v5 =	vld [tilespmem:s31+$0x2800];
	vm0 =	vmor vm0, vm10  }
0x187: {  	vm2 =	veq.s32 v62, v2;
	vm0 =	vmor vm0, vm11  }
0x188: {  	vm12 =	veq.s32 v6, v2;
	vm0 =	vmor vm0, vm2  }
0x189: {  	vm13 =	veq.s32 v7, v2;
	vm0 =	vmor vm0, vm12  }
0x18a: {  	vm14 =	veq.s32 v63, v2;
	vm0 =	vmor vm0, vm13  }
0x18b: {  	vm15 =	veq.s32 v5, v2;
	vm0 =	vmor vm0, vm14  }
0x18c: {  	vm0 =	vmor vm15, vm0  }
0x18d: {  	v6 =	vsel vm0, $0x3F800000, v4  }
0x18e: {  	(xrf0) =	vmax.scan.msk.f32 $0xffff, v6;
	_ =	sdelay $0x5  }
0x18f: {  	v6, _, _ =	vpop (xrf0)  }
0x190: {  	(v2sf) =	vpush v6, $0xF;
	_ =	sdelay $0xe  }
0x191: {  	s2 =	spop (v2sf)  }
0x192: {  	p2 =	sgt.f32 s2, $0.0e+00  }
.Ltmp6:
0x193: {  	_ = 	snop;
	(pc) =	sbr.rel @!p2 .LBB2_7-.Ltmp6, $2  }
0x194: {  	_ =	sdelay $0x2  }
0x195: {  	p0 =	por p1, p1  }
0x196: {  	v6 =	vsub.s32 v5, v2  }
0x197: {  	v7 =	vsub.s32 $0x0, v6  }
0x198: {  	v6 =	vmin.u32 v6, v7  }
0x199: {  	vm0 =	vlt.s32 v6, $0x1  }
0x19a: {  	v6 =	vnsel vm0, $0x1, v6  }
0x19b: {  	[tilespmem:$0x6600] =	vst v3;
	v6 =	vsub.s32 $0x1, v6  }
0x19c: {  	[tilespmem:v3+s30+$0x0] =	vst.idx.add.s32.msk $0xffff, v6  }
0x19d: {  	v6 =	vld [tilespmem:$0x6600];
	_ =	sdelay $0x4  }
0x19e: {  	(v2sf) =	vpush v6, $0x0;
	_ =	sdelay $0xe  }
0x19f: {  	s2 =	spop (v2sf)  }
0x1a0: {  	p1 =	slt.s32 s2, $0x1  }
0x1a1: {  	v6 =	vlaneseq.u32 @!p1  }
0x1a2: {  	vm0 =	veq.s32 @!p1 v5, v2;
	v5 =	vor.u32 @!p1 s31, v6  }
0x1a3: {  	[tilespmem:s0+$0x5200] =	vst.msk @!p1 vm0, v5  }
0x1a4: {  	v5 =	vld [tilespmem:s31+$0x2810];
	_ =	sdelay $0x4  }
0x1a5: {  	v6 =	vsub.s32 v5, v2  }
0x1a6: {  	v7 =	vsub.s32 $0x0, v6  }
0x1a7: {  	v6 =	vmin.u32 v6, v7  }
0x1a8: {  	vm13 =	vlt.s32 v6, $0x1  }
0x1a9: {  	v6 =	vnsel vm13, $0x1, v6  }
0x1aa: {  	[tilespmem:$0x6600] =	vst v3;
	v6 =	vsub.s32 $0x1, v6  }
0x1ab: {  	[tilespmem:v3+s30+$0x0] =	vst.idx.add.s32.msk $0xffff, v6  }
0x1ac: {  	v6 =	vld [tilespmem:$0x6600];
	_ =	sdelay $0x4  }
0x1ad: {  	(v2sf) =	vpush v6, $0x0;
	_ =	sdelay $0xe  }
0x1ae: {  	s4 =	spop (v2sf)  }
0x1af: {  	p1 =	slt.s32 s4, $0x1  }
0x1b0: {  	s5 =	sor.u32 $0x10, s31;
	v6 =	vlaneseq.u32 @!p1  }
0x1b1: {  	s0 =	sadd.s32 s0, s2;
	vm0 =	veq.s32 @!p1 v5, v2;
	v5 =	vor.u32 @!p1 s5, v6  }
0x1b2: {  	[tilespmem:s0+$0x5200] =	vst.msk @!p1 vm0, v5  }
0x1b3: {  	v5 =	vld [tilespmem:s31+$0x2820];
	_ =	sdelay $0x4  }
0x1b4: {  	v6 =	vsub.s32 v5, v2  }
0x1b5: {  	v7 =	vsub.s32 $0x0, v6  }
0x1b6: {  	v6 =	vmin.u32 v6, v7  }
0x1b7: {  	vm14 =	vlt.s32 v6, $0x1  }
0x1b8: {  	v6 =	vnsel vm14, $0x1, v6  }
0x1b9: {  	[tilespmem:$0x6600] =	vst v3;
	v6 =	vsub.s32 $0x1, v6  }
0x1ba: {  	[tilespmem:v3+s30+$0x0] =	vst.idx.add.s32.msk $0xffff, v6  }
0x1bb: {  	v6 =	vld [tilespmem:$0x6600];
	_ =	sdelay $0x4  }
0x1bc: {  	(v2sf) =	vpush v6, $0x0;
	_ =	sdelay $0xe  }
0x1bd: {  	s15 =	spop (v2sf)  }
0x1be: {  	p1 =	slt.s32 s15, $0x1  }
0x1bf: {  	s5 =	sor.u32 $0x20, s31;
	v6 =	vlaneseq.u32 @!p1  }
0x1c0: {  	s0 =	sadd.s32 s0, s4;
	vm0 =	veq.s32 @!p1 v5, v2;
	v5 =	vor.u32 @!p1 s5, v6  }
0x1c1: {  	[tilespmem:s0+$0x5200] =	vst.msk @!p1 vm0, v5  }
0x1c2: {  	v5 =	vld [tilespmem:s31+$0x2830];
	_ =	sdelay $0x4  }
0x1c3: {  	v6 =	vsub.s32 v5, v2  }
0x1c4: {  	v7 =	vsub.s32 $0x0, v6  }
0x1c5: {  	v6 =	vmin.u32 v6, v7  }
0x1c6: {  	vm15 =	vlt.s32 v6, $0x1  }
0x1c7: {  	v6 =	vnsel vm15, $0x1, v6  }
0x1c8: {  	[tilespmem:$0x6600] =	vst v3;
	v6 =	vsub.s32 $0x1, v6  }
0x1c9: {  	[tilespmem:v3+s30+$0x0] =	vst.idx.add.s32.msk $0xffff, v6  }
0x1ca: {  	v6 =	vld [tilespmem:$0x6600];
	_ =	sdelay $0x4  }
0x1cb: {  	(v2sf) =	vpush v6, $0x0;
	_ =	sdelay $0xe  }
0x1cc: {  	s16 =	spop (v2sf)  }
0x1cd: {  	p1 =	slt.s32 s16, $0x1  }
0x1ce: {  	s5 =	sor.u32 $0x30, s31;
	v6 =	vlaneseq.u32 @!p1  }
0x1cf: {  	s0 =	sadd.s32 s0, s15;
	vm0 =	veq.s32 @!p1 v5, v2;
	v5 =	vor.u32 @!p1 s5, v6  }
0x1d0: {  	[tilespmem:s0+$0x5200] =	vst.msk @!p1 vm0, v5  }
0x1d1: {  	v5 =	vld [tilespmem:s31+$0x2840];
	_ =	sdelay $0x4  }
0x1d2: {  	v6 =	vsub.s32 v5, v2  }
0x1d3: {  	v7 =	vsub.s32 $0x0, v6  }
0x1d4: {  	v6 =	vmin.u32 v6, v7  }
0x1d5: {  	vm4 =	vlt.s32 v6, $0x1  }
0x1d6: {  	v6 =	vnsel vm4, $0x1, v6  }
0x1d7: {  	[tilespmem:$0x6600] =	vst v3;
	v6 =	vsub.s32 $0x1, v6  }
0x1d8: {  	[tilespmem:v3+s30+$0x0] =	vst.idx.add.s32.msk $0xffff, v6  }
0x1d9: {  	v6 =	vld [tilespmem:$0x6600];
	_ =	sdelay $0x4  }
0x1da: {  	(v2sf) =	vpush v6, $0x0;
	_ =	sdelay $0xe  }
0x1db: {  	s17 =	spop (v2sf)  }
0x1dc: {  	p1 =	slt.s32 s17, $0x1  }
0x1dd: {  	s5 =	sor.u32 $0x40, s31;
	v6 =	vlaneseq.u32 @!p1  }
0x1de: {  	s0 =	sadd.s32 s0, s16;
	vm0 =	veq.s32 @!p1 v5, v2;
	v5 =	vor.u32 @!p1 s5, v6  }
0x1df: {  	[tilespmem:s0+$0x5200] =	vst.msk @!p1 vm0, v5  }
0x1e0: {  	v5 =	vld [tilespmem:s31+$0x2850];
	_ =	sdelay $0x4  }
0x1e1: {  	v6 =	vsub.s32 v5, v2  }
0x1e2: {  	v7 =	vsub.s32 $0x0, v6  }
0x1e3: {  	v6 =	vmin.u32 v6, v7  }
0x1e4: {  	vm5 =	vlt.s32 v6, $0x1  }
0x1e5: {  	v6 =	vnsel vm5, $0x1, v6  }
0x1e6: {  	[tilespmem:$0x6600] =	vst v3;
	v6 =	vsub.s32 $0x1, v6  }
0x1e7: {  	[tilespmem:v3+s30+$0x0] =	vst.idx.add.s32.msk $0xffff, v6  }
0x1e8: {  	v6 =	vld [tilespmem:$0x6600];
	_ =	sdelay $0x4  }
0x1e9: {  	(v2sf) =	vpush v6, $0x0;
	_ =	sdelay $0xe  }
0x1ea: {  	s29 =	spop (v2sf)  }
0x1eb: {  	p1 =	slt.s32 s29, $0x1  }
0x1ec: {  	s5 =	sor.u32 $0x50, s31;
	v6 =	vlaneseq.u32 @!p1  }
0x1ed: {  	s0 =	sadd.s32 s0, s17;
	vm0 =	veq.s32 @!p1 v5, v2;
	v5 =	vor.u32 @!p1 s5, v6  }
0x1ee: {  	[tilespmem:s0+$0x5200] =	vst.msk @!p1 vm0, v5  }
0x1ef: {  	v5 =	vld [tilespmem:s31+$0x2860];
	_ =	sdelay $0x4  }
0x1f0: {  	v6 =	vsub.s32 v5, v2  }
0x1f1: {  	v7 =	vsub.s32 $0x0, v6  }
0x1f2: {  	v6 =	vmin.u32 v6, v7  }
0x1f3: {  	vm6 =	vlt.s32 v6, $0x1  }
0x1f4: {  	v6 =	vnsel vm6, $0x1, v6  }
0x1f5: {  	[tilespmem:$0x6600] =	vst v3;
	v6 =	vsub.s32 $0x1, v6  }
0x1f6: {  	[tilespmem:v3+s30+$0x0] =	vst.idx.add.s32.msk $0xffff, v6  }
0x1f7: {  	v6 =	vld [tilespmem:$0x6600];
	_ =	sdelay $0x4  }
0x1f8: {  	(v2sf) =	vpush v6, $0x0;
	_ =	sdelay $0xe  }
0x1f9: {  	s6 =	spop (v2sf)  }
0x1fa: {  	p1 =	slt.s32 s6, $0x1  }
0x1fb: {  	s5 =	sor.u32 $0x60, s31;
	v6 =	vlaneseq.u32 @!p1  }
0x1fc: {  	s0 =	sadd.s32 s0, s29;
	vm0 =	veq.s32 @!p1 v5, v2;
	v5 =	vor.u32 @!p1 s5, v6  }
0x1fd: {  	[tilespmem:s0+$0x5200] =	vst.msk @!p1 vm0, v5  }
0x1fe: {  	v5 =	vld [tilespmem:s31+$0x2870];
	_ =	sdelay $0x4  }
0x1ff: {  	v6 =	vsub.s32 v5, v2  }
0x200: {  	v7 =	vsub.s32 $0x0, v6  }
0x201: {  	v6 =	vmin.u32 v6, v7  }
0x202: {  	vm7 =	vlt.s32 v6, $0x1  }
0x203: {  	v6 =	vnsel vm7, $0x1, v6  }
0x204: {  	[tilespmem:$0x6600] =	vst v3;
	v6 =	vsub.s32 $0x1, v6  }
0x205: {  	[tilespmem:v3+s30+$0x0] =	vst.idx.add.s32.msk $0xffff, v6  }
0x206: {  	v6 =	vld [tilespmem:$0x6600];
	_ =	sdelay $0x4  }
0x207: {  	(v2sf) =	vpush v6, $0x0;
	_ =	sdelay $0xe  }
0x208: {  	s7 =	spop (v2sf)  }
0x209: {  	p1 =	slt.s32 s7, $0x1  }
0x20a: {  	s5 =	sor.u32 $0x70, s31;
	v6 =	vlaneseq.u32 @!p1  }
0x20b: {  	s0 =	sadd.s32 s0, s6;
	vm0 =	veq.s32 @!p1 v5, v2;
	v5 =	vor.u32 @!p1 s5, v6  }
0x20c: {  	s2 =	sor.u32 $0x80, s31;
	[tilespmem:s0+$0x5200] =	vst.msk @!p1 vm0, v5  }
0x20d: {  	v5 =	vld [tilespmem:s2+$0x2800];
	_ =	sdelay $0x4  }
0x20e: {  	v6 =	vsub.s32 v5, v2  }
0x20f: {  	v7 =	vsub.s32 $0x0, v6  }
0x210: {  	v6 =	vmin.u32 v6, v7  }
0x211: {  	vm8 =	vlt.s32 v6, $0x1  }
0x212: {  	v6 =	vnsel vm8, $0x1, v6  }
0x213: {  	[tilespmem:$0x6600] =	vst v3;
	v6 =	vsub.s32 $0x1, v6  }
0x214: {  	[tilespmem:v3+s30+$0x0] =	vst.idx.add.s32.msk $0xffff, v6  }
0x215: {  	v6 =	vld [tilespmem:$0x6600];
	_ =	sdelay $0x4  }
0x216: {  	(v2sf) =	vpush v6, $0x0;
	_ =	sdelay $0xe  }
0x217: {  	s8 =	spop (v2sf)  }
0x218: {  	p1 =	slt.s32 s8, $0x1  }
0x219: {  	v6 =	vlaneseq.u32 @!p1  }
0x21a: {  	s0 =	sadd.s32 s0, s7;
	vm0 =	veq.s32 @!p1 v5, v2;
	v5 =	vor.u32 @!p1 s2, v6  }
0x21b: {  	[tilespmem:s0+$0x5200] =	vst.msk @!p1 vm0, v5  }
0x21c: {  	v5 =	vld [tilespmem:s31+$0x2890];
	_ =	sdelay $0x4  }
0x21d: {  	v6 =	vsub.s32 v5, v2  }
0x21e: {  	v7 =	vsub.s32 $0x0, v6  }
0x21f: {  	v6 =	vmin.u32 v6, v7  }
0x220: {  	vm9 =	vlt.s32 v6, $0x1  }
0x221: {  	v6 =	vnsel vm9, $0x1, v6  }
0x222: {  	[tilespmem:$0x6600] =	vst v3;
	v6 =	vsub.s32 $0x1, v6  }
0x223: {  	[tilespmem:v3+s30+$0x0] =	vst.idx.add.s32.msk $0xffff, v6  }
0x224: {  	v6 =	vld [tilespmem:$0x6600];
	_ =	sdelay $0x4  }
0x225: {  	(v2sf) =	vpush v6, $0x0;
	_ =	sdelay $0xe  }
0x226: {  	s9 =	spop (v2sf)  }
0x227: {  	p1 =	slt.s32 s9, $0x1  }
0x228: {  	s4 =	sor.u32 $0x90, s31;
	v6 =	vlaneseq.u32 @!p1  }
0x229: {  	s0 =	sadd.s32 s0, s8;
	vm0 =	veq.s32 @!p1 v5, v2;
	v5 =	vor.u32 @!p1 s4, v6  }
0x22a: {  	[tilespmem:s0+$0x5200] =	vst.msk @!p1 vm0, v5  }
0x22b: {  	v5 =	vld [tilespmem:s31+$0x28A0];
	_ =	sdelay $0x4  }
0x22c: {  	v6 =	vsub.s32 v5, v2  }
0x22d: {  	v7 =	vsub.s32 $0x0, v6  }
0x22e: {  	v6 =	vmin.u32 v6, v7  }
0x22f: {  	vm10 =	vlt.s32 v6, $0x1  }
0x230: {  	v6 =	vnsel vm10, $0x1, v6  }
0x231: {  	[tilespmem:$0x6600] =	vst v3;
	v6 =	vsub.s32 $0x1, v6  }
0x232: {  	[tilespmem:v3+s30+$0x0] =	vst.idx.add.s32.msk $0xffff, v6  }
0x233: {  	v6 =	vld [tilespmem:$0x6600];
	_ =	sdelay $0x4  }
0x234: {  	(v2sf) =	vpush v6, $0x0;
	_ =	sdelay $0xe  }
0x235: {  	s13 =	spop (v2sf)  }
0x236: {  	p1 =	slt.s32 s13, $0x1  }
0x237: {  	s5 =	sor.u32 $0xA0, s31;
	v6 =	vlaneseq.u32 @!p1  }
0x238: {  	s0 =	sadd.s32 s0, s9;
	vm0 =	veq.s32 @!p1 v5, v2;
	v5 =	vor.u32 @!p1 s5, v6  }
0x239: {  	[tilespmem:s0+$0x5200] =	vst.msk @!p1 vm0, v5  }
0x23a: {  	v5 =	vld [tilespmem:s31+$0x28B0];
	_ =	sdelay $0x4  }
0x23b: {  	v6 =	vsub.s32 v5, v2  }
0x23c: {  	v7 =	vsub.s32 $0x0, v6  }
0x23d: {  	v6 =	vmin.u32 v6, v7  }
0x23e: {  	vm11 =	vlt.s32 v6, $0x1  }
0x23f: {  	v6 =	vnsel vm11, $0x1, v6  }
0x240: {  	[tilespmem:$0x6600] =	vst v3;
	v6 =	vsub.s32 $0x1, v6  }
0x241: {  	[tilespmem:v3+s30+$0x0] =	vst.idx.add.s32.msk $0xffff, v6  }
0x242: {  	v6 =	vld [tilespmem:$0x6600];
	_ =	sdelay $0x4  }
0x243: {  	(v2sf) =	vpush v6, $0x0;
	_ =	sdelay $0xe  }
0x244: {  	s14 =	spop (v2sf)  }
0x245: {  	p1 =	slt.s32 s14, $0x1  }
0x246: {  	s5 =	sor.u32 $0xB0, s31;
	v6 =	vlaneseq.u32 @!p1  }
0x247: {  	s0 =	sadd.s32 s0, s13;
	vm0 =	veq.s32 @!p1 v5, v2;
	v5 =	vor.u32 @!p1 s5, v6  }
0x248: {  	[tilespmem:s0+$0x5200] =	vst.msk @!p1 vm0, v5  }
0x249: {  	v5 =	vld [tilespmem:s31+$0x28C0];
	_ =	sdelay $0x4  }
0x24a: {  	v6 =	vsub.s32 v5, v2  }
0x24b: {  	v7 =	vsub.s32 $0x0, v6  }
0x24c: {  	v6 =	vmin.u32 v6, v7  }
0x24d: {  	vm12 =	vlt.s32 v6, $0x1  }
0x24e: {  	v6 =	vnsel vm12, $0x1, v6  }
0x24f: {  	[tilespmem:$0x6600] =	vst v3;
	v6 =	vsub.s32 $0x1, v6  }
0x250: {  	[tilespmem:v3+s30+$0x0] =	vst.idx.add.s32.msk $0xffff, v6  }
0x251: {  	v6 =	vld [tilespmem:$0x6600];
	_ =	sdelay $0x4  }
0x252: {  	(v2sf) =	vpush v6, $0x0;
	_ =	sdelay $0xe  }
0x253: {  	s15 =	spop (v2sf)  }
0x254: {  	p1 =	slt.s32 s15, $0x1  }
0x255: {  	s5 =	sor.u32 $0xC0, s31;
	v6 =	vlaneseq.u32 @!p1  }
0x256: {  	s0 =	sadd.s32 s0, s14;
	vm0 =	veq.s32 @!p1 v5, v2;
	v5 =	vor.u32 @!p1 s5, v6  }
0x257: {  	[tilespmem:s0+$0x5200] =	vst.msk @!p1 vm0, v5  }
0x258: {  	v5 =	vld [tilespmem:s31+$0x28D0];
	_ =	sdelay $0x4  }
0x259: {  	v6 =	vsub.s32 v5, v2  }
0x25a: {  	v7 =	vsub.s32 $0x0, v6  }
0x25b: {  	v6 =	vmin.u32 v6, v7  }
0x25c: {  	vm13 =	vlt.s32 v6, $0x1  }
0x25d: {  	v6 =	vnsel vm13, $0x1, v6  }
0x25e: {  	[tilespmem:$0x6600] =	vst v3;
	v6 =	vsub.s32 $0x1, v6  }
0x25f: {  	[tilespmem:v3+s30+$0x0] =	vst.idx.add.s32.msk $0xffff, v6  }
0x260: {  	v6 =	vld [tilespmem:$0x6600];
	_ =	sdelay $0x4  }
0x261: {  	(v2sf) =	vpush v6, $0x0;
	_ =	sdelay $0xe  }
0x262: {  	s16 =	spop (v2sf)  }
0x263: {  	p1 =	slt.s32 s16, $0x1  }
0x264: {  	s5 =	sor.u32 $0xD0, s31;
	v6 =	vlaneseq.u32 @!p1  }
0x265: {  	s0 =	sadd.s32 s0, s15;
	vm0 =	veq.s32 @!p1 v5, v2;
	v5 =	vor.u32 @!p1 s5, v6  }
0x266: {  	[tilespmem:s0+$0x5200] =	vst.msk @!p1 vm0, v5  }
0x267: {  	v5 =	vld [tilespmem:s31+$0x28E0];
	_ =	sdelay $0x4  }
0x268: {  	v6 =	vsub.s32 v5, v2  }
0x269: {  	v7 =	vsub.s32 $0x0, v6  }
0x26a: {  	v6 =	vmin.u32 v6, v7  }
0x26b: {  	vm14 =	vlt.s32 v6, $0x1  }
0x26c: {  	v6 =	vnsel vm14, $0x1, v6  }
0x26d: {  	[tilespmem:$0x6600] =	vst v3;
	v6 =	vsub.s32 $0x1, v6  }
0x26e: {  	[tilespmem:v3+s30+$0x0] =	vst.idx.add.s32.msk $0xffff, v6  }
0x26f: {  	v6 =	vld [tilespmem:$0x6600];
	_ =	sdelay $0x4  }
0x270: {  	(v2sf) =	vpush v6, $0x0;
	_ =	sdelay $0xe  }
0x271: {  	s17 =	spop (v2sf)  }
0x272: {  	p1 =	slt.s32 s17, $0x1  }
0x273: {  	s5 =	sor.u32 $0xE0, s31;
	v6 =	vlaneseq.u32 @!p1  }
0x274: {  	s0 =	sadd.s32 s0, s16;
	vm0 =	veq.s32 @!p1 v5, v2;
	v5 =	vor.u32 @!p1 s5, v6  }
0x275: {  	[tilespmem:s0+$0x5200] =	vst.msk @!p1 vm0, v5  }
0x276: {  	v5 =	vld [tilespmem:s31+$0x28F0];
	_ =	sdelay $0x4  }
0x277: {  	v6 =	vsub.s32 v5, v2  }
0x278: {  	v7 =	vsub.s32 $0x0, v6  }
0x279: {  	v6 =	vmin.u32 v6, v7  }
0x27a: {  	vm15 =	vlt.s32 v6, $0x1  }
0x27b: {  	v6 =	vnsel vm15, $0x1, v6  }
0x27c: {  	[tilespmem:$0x6600] =	vst v3;
	v6 =	vsub.s32 $0x1, v6  }
0x27d: {  	[tilespmem:v3+s30+$0x0] =	vst.idx.add.s32.msk $0xffff, v6  }
0x27e: {  	v6 =	vld [tilespmem:$0x6600];
	_ =	sdelay $0x4  }
0x27f: {  	(v2sf) =	vpush v6, $0x0;
	_ =	sdelay $0xe  }
.Ltmp7:
0x280: {  	s29 =	spop (v2sf);
	(pc) =	sbr.rel .LBB2_7-.Ltmp7, $4  }
0x281: {  	p1 =	slt.s32 s29, $0x1  }
0x282: {  	s5 =	sor.u32 $0xF0, s31;
	v6 =	vlaneseq.u32 @!p1  }
0x283: {  	s0 =	sadd.s32 s0, s17;
	vm0 =	veq.s32 @!p1 v5, v2;
	v5 =	vor.u32 @!p1 s5, v6  }
0x284: {  	[tilespmem:s0+$0x5200] =	vst.msk @!p1 vm0, v5;
	s0 =	sadd.s32 s0, s29  }
.LBB2_8:
0x285: {  	v4 =	vld [tilespmem:$0x2A00];
	_ =	sdelay $0x4  }
0x286: {  	v5 =	vsub.s32 v4, v2  }
0x287: {  	v3 =	vimm.s32 $0x0;
	v6 =	vsub.s32 $0x0, v5  }
0x288: {  	v5 =	vmin.u32 v5, v6  }
0x289: {  	vm0 =	vlt.s32 v5, $0x1  }
0x28a: {  	v5 =	vnsel vm0, $0x1, v5  }
0x28b: {  	s2 =	simm.s32 $0x6600;
	[tilespmem:$0x6600] =	vst v3;
	v5 =	vsub.s32 $0x1, v5  }
0x28c: {  	[tilespmem:v3+s2+$0x0] =	vst.idx.add.s32.msk $0xffff, v5  }
0x28d: {  	v5 =	vld [tilespmem:$0x6600];
	_ =	sdelay $0x4  }
0x28e: {  	(v2sf) =	vpush v5, $0x0;
	_ =	sdelay $0xe  }
0x28f: {  	s4 =	spop (v2sf)  }
0x290: {  	p0 =	slt.s32 s4, $0x1  }
0x291: {  	v5 =	vlaneseq.u32 @!p0  }
0x292: {  	vm0 =	veq.s32 @!p0 v4, v2;
	v4 =	vor.u32 @!p0 $0x200, v5  }
0x293: {  	[tilespmem:s0+$0x5200] =	vst.msk @!p0 vm0, v4  }
0x294: {  	v4 =	vld [tilespmem:$0x2A10];
	_ =	sdelay $0x4  }
0x295: {  	v50 =	vsub.s32 v4, v2  }
0x296: {  	v51 =	vsub.s32 $0x0, v50  }
0x297: {  	v5 =	vmin.u32 v50, v51  }
0x298: {  	vm9 =	vlt.s32 v5, $0x1  }
0x299: {  	v5 =	vnsel vm9, $0x1, v5  }
0x29a: {  	[tilespmem:$0x6600] =	vst v3;
	v5 =	vsub.s32 $0x1, v5  }
0x29b: {  	[tilespmem:v3+s2+$0x0] =	vst.idx.add.s32.msk $0xffff, v5  }
0x29c: {  	v5 =	vld [tilespmem:$0x6600];
	_ =	sdelay $0x4  }
0x29d: {  	(v2sf) =	vpush v5, $0x0;
	_ =	sdelay $0xe  }
0x29e: {  	s5 =	spop (v2sf)  }
0x29f: {  	p0 =	slt.s32 s5, $0x1  }
0x2a0: {  	v5 =	vlaneseq.u32 @!p0  }
0x2a1: {  	s0 =	sadd.s32 s0, s4;
	vm0 =	veq.s32 @!p0 v4, v2;
	v4 =	vor.u32 @!p0 $0x210, v5  }
0x2a2: {  	[tilespmem:s0+$0x5200] =	vst.msk @!p0 vm0, v4  }
0x2a3: {  	v4 =	vld [tilespmem:$0x2A20];
	_ =	sdelay $0x4  }
0x2a4: {  	v52 =	vsub.s32 v4, v2  }
0x2a5: {  	v53 =	vsub.s32 $0x0, v52  }
0x2a6: {  	v5 =	vmin.u32 v52, v53  }
0x2a7: {  	vm10 =	vlt.s32 v5, $0x1  }
0x2a8: {  	v5 =	vnsel vm10, $0x1, v5  }
0x2a9: {  	[tilespmem:$0x6600] =	vst v3;
	v5 =	vsub.s32 $0x1, v5  }
0x2aa: {  	[tilespmem:v3+s2+$0x0] =	vst.idx.add.s32.msk $0xffff, v5  }
0x2ab: {  	v5 =	vld [tilespmem:$0x6600];
	_ =	sdelay $0x4  }
0x2ac: {  	(v2sf) =	vpush v5, $0x0;
	_ =	sdelay $0xe  }
0x2ad: {  	s8 =	spop (v2sf)  }
0x2ae: {  	p0 =	slt.s32 s8, $0x1  }
0x2af: {  	v5 =	vlaneseq.u32 @!p0  }
0x2b0: {  	s0 =	sadd.s32 s0, s5;
	vm0 =	veq.s32 @!p0 v4, v2;
	v4 =	vor.u32 @!p0 $0x220, v5  }
0x2b1: {  	[tilespmem:s0+$0x5200] =	vst.msk @!p0 vm0, v4  }
0x2b2: {  	v4 =	vld [tilespmem:$0x2A30];
	_ =	sdelay $0x4  }
0x2b3: {  	v54 =	vsub.s32 v4, v2  }
0x2b4: {  	v55 =	vsub.s32 $0x0, v54  }
0x2b5: {  	v5 =	vmin.u32 v54, v55  }
0x2b6: {  	vm11 =	vlt.s32 v5, $0x1  }
0x2b7: {  	v5 =	vnsel vm11, $0x1, v5  }
0x2b8: {  	[tilespmem:$0x6600] =	vst v3;
	v5 =	vsub.s32 $0x1, v5  }
0x2b9: {  	[tilespmem:v3+s2+$0x0] =	vst.idx.add.s32.msk $0xffff, v5  }
0x2ba: {  	v5 =	vld [tilespmem:$0x6600];
	_ =	sdelay $0x4  }
0x2bb: {  	(v2sf) =	vpush v5, $0x0;
	_ =	sdelay $0xe  }
0x2bc: {  	s9 =	spop (v2sf)  }
0x2bd: {  	p0 =	slt.s32 s9, $0x1  }
0x2be: {  	v5 =	vlaneseq.u32 @!p0  }
0x2bf: {  	s0 =	sadd.s32 s0, s8;
	vm0 =	veq.s32 @!p0 v4, v2;
	v4 =	vor.u32 @!p0 $0x230, v5  }
0x2c0: {  	[tilespmem:s0+$0x5200] =	vst.msk @!p0 vm0, v4  }
0x2c1: {  	v4 =	vld [tilespmem:$0x2A40];
	_ =	sdelay $0x4  }
0x2c2: {  	v56 =	vsub.s32 v4, v2  }
0x2c3: {  	v57 =	vsub.s32 $0x0, v56  }
0x2c4: {  	v5 =	vmin.u32 v56, v57  }
0x2c5: {  	vm12 =	vlt.s32 v5, $0x1  }
0x2c6: {  	v5 =	vnsel vm12, $0x1, v5  }
0x2c7: {  	[tilespmem:$0x6600] =	vst v3;
	v5 =	vsub.s32 $0x1, v5  }
0x2c8: {  	[tilespmem:v3+s2+$0x0] =	vst.idx.add.s32.msk $0xffff, v5  }
0x2c9: {  	v5 =	vld [tilespmem:$0x6600];
	_ =	sdelay $0x4  }
0x2ca: {  	(v2sf) =	vpush v5, $0x0;
	_ =	sdelay $0xe  }
0x2cb: {  	s13 =	spop (v2sf)  }
0x2cc: {  	p0 =	slt.s32 s13, $0x1  }
0x2cd: {  	v5 =	vlaneseq.u32 @!p0  }
0x2ce: {  	s0 =	sadd.s32 s0, s9;
	vm0 =	veq.s32 @!p0 v4, v2;
	v4 =	vor.u32 @!p0 $0x240, v5  }
0x2cf: {  	[tilespmem:s0+$0x5200] =	vst.msk @!p0 vm0, v4  }
0x2d0: {  	v4 =	vld [tilespmem:$0x2A50];
	_ =	sdelay $0x4  }
0x2d1: {  	v58 =	vsub.s32 v4, v2  }
0x2d2: {  	v59 =	vsub.s32 $0x0, v58  }
0x2d3: {  	v5 =	vmin.u32 v58, v59  }
0x2d4: {  	vm13 =	vlt.s32 v5, $0x1  }
0x2d5: {  	v5 =	vnsel vm13, $0x1, v5  }
0x2d6: {  	[tilespmem:$0x6600] =	vst v3;
	v5 =	vsub.s32 $0x1, v5  }
0x2d7: {  	[tilespmem:v3+s2+$0x0] =	vst.idx.add.s32.msk $0xffff, v5  }
0x2d8: {  	v5 =	vld [tilespmem:$0x6600];
	_ =	sdelay $0x4  }
0x2d9: {  	(v2sf) =	vpush v5, $0x0;
	_ =	sdelay $0xe  }
0x2da: {  	s14 =	spop (v2sf)  }
0x2db: {  	p0 =	slt.s32 s14, $0x1  }
0x2dc: {  	v5 =	vlaneseq.u32 @!p0  }
0x2dd: {  	s0 =	sadd.s32 s0, s13;
	vm0 =	veq.s32 @!p0 v4, v2;
	v4 =	vor.u32 @!p0 $0x250, v5  }
0x2de: {  	[tilespmem:s0+$0x5200] =	vst.msk @!p0 vm0, v4  }
0x2df: {  	v4 =	vld [tilespmem:$0x2A60];
	_ =	sdelay $0x4  }
0x2e0: {  	v60 =	vsub.s32 v4, v2  }
0x2e1: {  	v61 =	vsub.s32 $0x0, v60  }
0x2e2: {  	v5 =	vmin.u32 v60, v61  }
0x2e3: {  	vm14 =	vlt.s32 v5, $0x1  }
0x2e4: {  	v5 =	vnsel vm14, $0x1, v5  }
0x2e5: {  	[tilespmem:$0x6600] =	vst v3;
	v5 =	vsub.s32 $0x1, v5  }
0x2e6: {  	[tilespmem:v3+s2+$0x0] =	vst.idx.add.s32.msk $0xffff, v5  }
0x2e7: {  	v5 =	vld [tilespmem:$0x6600];
	_ =	sdelay $0x4  }
0x2e8: {  	(v2sf) =	vpush v5, $0x0;
	_ =	sdelay $0xe  }
0x2e9: {  	s15 =	spop (v2sf)  }
0x2ea: {  	p0 =	slt.s32 s15, $0x1  }
0x2eb: {  	v5 =	vlaneseq.u32 @!p0  }
0x2ec: {  	s0 =	sadd.s32 s0, s14;
	vm0 =	veq.s32 @!p0 v4, v2;
	v4 =	vor.u32 @!p0 $0x260, v5  }
0x2ed: {  	[tilespmem:s0+$0x5200] =	vst.msk @!p0 vm0, v4  }
0x2ee: {  	v4 =	vld [tilespmem:$0x2A70];
	_ =	sdelay $0x4  }
0x2ef: {  	v62 =	vsub.s32 v4, v2  }
0x2f0: {  	v63 =	vsub.s32 $0x0, v62  }
0x2f1: {  	v5 =	vmin.u32 v62, v63  }
0x2f2: {  	vm15 =	vlt.s32 v5, $0x1  }
0x2f3: {  	v5 =	vnsel vm15, $0x1, v5  }
0x2f4: {  	[tilespmem:$0x6600] =	vst v3;
	v5 =	vsub.s32 $0x1, v5  }
0x2f5: {  	[tilespmem:v3+s2+$0x0] =	vst.idx.add.s32.msk $0xffff, v5  }
0x2f6: {  	v5 =	vld [tilespmem:$0x6600];
	_ =	sdelay $0x4  }
0x2f7: {  	(v2sf) =	vpush v5, $0x0;
	_ =	sdelay $0x7  }
0x2f8: {  	s16 =	sadd.s32 $0xF, s12  }
0x2f9: {  	s6 =	sand.u32 $0xF, s16  }
0x2fa: {  	s29 =	sshra.s32 s16, $0x1F;
	p1 =	slt.s32 s16, $0x1;
	p6 =	sne.s32 s6, $0x0  }
0x2fb: {  	s6 =	sshrl.u32 s29, $0x1C;
	p0 =	por !p1, !p6  }
0x2fc: {  	p0 =	por !p0, !p0;
	s2 =	sadd.s32 s6, s16;
	s6 =	simm.s32 $0x1  }
0x2fd: {  	s2 =	sshra.s32 s2, $0x4;
	s6 =	simm.s32 @!p0 $0x0  }
0x2fe: {  	s4 =	sadd.s32 s0, s15;
	s0 =	ssub.s32 s2, s6  }
0x2ff: {  	p0 =	slt.s32 s0, $0x1;
	s17 =	spop (v2sf)  }
.Ltmp8:
0x300: {  	p1 =	slt.s32 s17, $0x1;
	(pc) =	sbr.rel @p0 .LBB2_15-.Ltmp8, $4  }
0x301: {  	v5 =	vlaneseq.u32 @!p1  }
0x302: {  	vm0 =	veq.s32 @!p1 v4, v2;
	v2 =	vor.u32 @!p1 $0x270, v5  }
0x303: {  	s30 =	sadd.s32 s4, s17;
	[tilespmem:s4+$0x5200] =	vst.msk @!p1 vm0, v2  }
0x304: {  	s31 =	simm.s32 $0x1;
	[tilespmem:s30+$0x5200] =	vst v3  }
.Ltmp9:
0x305: {  	(pc) =	sbr.rel .LBB2_10-.Ltmp9, $4  }
0x306: {  	_ = 	snop  }
0x307: {  	s2 =	simm.s32 $0x0;
	v4 =	vlaneseq.u32;
	s4 =	simm.s32 $0x10  }
0x308: {  	s5 =	simm.s32 $0x6500;
	s6 =	simm.s32 $0x6580;
	vm0 =	vmmov $0xffff;
	s7 =	simm.s32 $0x0;
	v3 =	vshrl.u32 v4, $0x3  }
0x309: {  	s8 =	simm.s32 $0x5500;
	s9 =	simm.s32 $0x5D00;
	s29 =	smov.u32 s12;
	v2 =	vand.u32 $0x7, v4;
	v4 =	vor.u32 $0x8, v4;
	v3 =	vmul.u32 $0x8, v3  }
.LBB2_13:
0x30a: {  	[tilespmem:$0x67F0] =	vst v20  }
.LBB2_14:
0x30b: {  	s2 =	sadd.s32 $0x1, s2  }
0x30c: {  	p0 =	sne.s32 s2, s0  }
.Ltmp10:
0x30d: {  	_ = 	snop;
	(pc) =	sbr.rel @!p0 .LBB2_15-.Ltmp10, $2  }
0x30e: {  	_ =	sdelay $0x2  }
0x30f: {  	s29 =	sadd.s32 $0xFFFFFFF0, s29  }
.LBB2_10:
0x310: {  	s13 =	sshll.u32 s2, $0x4  }
0x311: {  	v5 =	vld [tilespmem:s13+$0x2A80];
	_ =	sdelay $0x4  }
0x312: {  	v5 =	vadd.s32 v1, v5  }
0x313: {  	[tilespmem:$0x6500] =	vst v5  }
0x314: {  	[tilespmem:s6], [sflag:$0x1] =	stream.indirect.gather [hbm4b:s28+s4], $0x1, s5, s4, $0xb8;
	[tilespmem:$0x9B00] =	vst v63  }
0x315: {  	_ =	swait.ge [sflag:s31], $0x10  }
0x316: {  	[sflag:s31] =	ssyncset.done $0x0  }
0x317: {  	[sflag:s31] =	ssyncadd.s32 $0xFFFFFFF0  }
0x318: {  	v5 =	vld [tilespmem:$0x6580];
	_ =	sdelay $0x4  }
0x319: {  	v6 =	vshll.u32 v5, $0x1  }
0x31a: {  	v5 =	vand.u32 $0x7, v5;
	v6 =	vand.u32 $0xFFFFFFF0, v6  }
0x31b: {  	v5 =	vor.u32 v5, v6  }
0x31c: {  	v6 =	vperm.xlane v5, v2;
	_ =	sdelay $0x1  }
0x31d: {  	v5 =	vperm.xlane v5, v4;
	v6 =	vadd.s32 v3, v6;
	_ =	sdelay $0x1  }
0x31e: {  	v5 =	vadd.s32 v3, v5  }
0x31f: {  	s13 =	ssub.s32 s12, s13  }
0x320: {  	p0 =	slt.s32 s13, $0x1  }
0x321: {  	[tilespmem:s8], [sflag:$0x1] =	stream.indirect_vreg.gather [hbm4b:s26+s7], $0x80, v6, vm0, $0xb8;
	[tilespmem:$0x9B00] =	vst v63  }
.Ltmp11:
0x322: {  	_ = 	snop;
	(pc) =	sbr.rel @p0 .LBB2_14-.Ltmp11, $4  }
0x323: {  	[tilespmem:s9], [sflag:$0x1] =	stream.indirect_vreg.gather [hbm4b:s26+s7], $0x80, v5, vm0, $0xb8;
	[tilespmem:$0x9B00] =	vst v63  }
0x324: {  	_ =	swait.ge [sflag:s31], $0x1000  }
0x325: {  	[sflag:s31] =	ssyncset.done $0x0  }
0x326: {  	[sflag:s31] =	ssyncadd.s32 $0xFFFFF000  }
0x327: {  	s13 =	simm.s32 $0x0  }
0x328: {  	s14 =	sand.u32 $0xFFFFF800, s13;
	s13 =	sand.u32 $0x380, s13  }
0x329: {  	v5 =	vld [tilespmem:$0x6680];
	s13 =	sor.u32 s13, s14  }
0x32a: {  	v6 =	vld [tilespmem:s13+$0x5500];
	_ =	sdelay $0x4  }
0x32b: {  	v5 =	vadd.f32 v6, v5;
	_ =	sdelay $0x1  }
0x32c: {  	v6 =	vld [tilespmem:$0x6690];
	[tilespmem:$0x6680] =	vst v5  }
0x32d: {  	v7 =	vld [tilespmem:s13+$0x5510];
	_ =	sdelay $0x4  }
0x32e: {  	v6 =	vadd.f32 v7, v6;
	_ =	sdelay $0x1  }
0x32f: {  	v7 =	vld [tilespmem:$0x66A0];
	[tilespmem:$0x6690] =	vst v6  }
0x330: {  	v8 =	vld [tilespmem:s13+$0x5520];
	_ =	sdelay $0x4  }
0x331: {  	v7 =	vadd.f32 v8, v7;
	_ =	sdelay $0x1  }
0x332: {  	v8 =	vld [tilespmem:$0x66B0];
	[tilespmem:$0x66A0] =	vst v7  }
0x333: {  	v9 =	vld [tilespmem:s13+$0x5530];
	_ =	sdelay $0x4  }
0x334: {  	v8 =	vadd.f32 v9, v8;
	_ =	sdelay $0x1  }
0x335: {  	v9 =	vld [tilespmem:$0x66C0];
	[tilespmem:$0x66B0] =	vst v8  }
0x336: {  	v10 =	vld [tilespmem:s13+$0x5540];
	_ =	sdelay $0x4  }
0x337: {  	v9 =	vadd.f32 v10, v9;
	_ =	sdelay $0x1  }
0x338: {  	v10 =	vld [tilespmem:$0x66D0];
	[tilespmem:$0x66C0] =	vst v9  }
0x339: {  	v11 =	vld [tilespmem:s13+$0x5550];
	_ =	sdelay $0x4  }
0x33a: {  	v10 =	vadd.f32 v11, v10;
	_ =	sdelay $0x1  }
0x33b: {  	v11 =	vld [tilespmem:$0x66E0];
	[tilespmem:$0x66D0] =	vst v10  }
0x33c: {  	v12 =	vld [tilespmem:s13+$0x5560];
	_ =	sdelay $0x4  }
0x33d: {  	v11 =	vadd.f32 v12, v11;
	_ =	sdelay $0x1  }
0x33e: {  	v12 =	vld [tilespmem:$0x66F0];
	[tilespmem:$0x66E0] =	vst v11  }
0x33f: {  	v13 =	vld [tilespmem:s13+$0x5570];
	_ =	sdelay $0x4  }
0x340: {  	v12 =	vadd.f32 v13, v12;
	_ =	sdelay $0x1  }
0x341: {  	v13 =	vld [tilespmem:$0x6780];
	[tilespmem:$0x66F0] =	vst v12  }
0x342: {  	v14 =	vld [tilespmem:s13+$0x5900];
	_ =	sdelay $0x4  }
0x343: {  	v13 =	vadd.f32 v14, v13;
	_ =	sdelay $0x1  }
0x344: {  	v14 =	vld [tilespmem:$0x6790];
	[tilespmem:$0x6780] =	vst v13  }
0x345: {  	v15 =	vld [tilespmem:s13+$0x5910];
	_ =	sdelay $0x4  }
0x346: {  	v14 =	vadd.f32 v15, v14;
	_ =	sdelay $0x1  }
0x347: {  	v15 =	vld [tilespmem:$0x67A0];
	[tilespmem:$0x6790] =	vst v14  }
0x348: {  	v16 =	vld [tilespmem:s13+$0x5920];
	_ =	sdelay $0x4  }
0x349: {  	v15 =	vadd.f32 v16, v15;
	_ =	sdelay $0x1  }
0x34a: {  	v16 =	vld [tilespmem:$0x67B0];
	[tilespmem:$0x67A0] =	vst v15  }
0x34b: {  	v17 =	vld [tilespmem:s13+$0x5930];
	_ =	sdelay $0x4  }
0x34c: {  	v16 =	vadd.f32 v17, v16;
	_ =	sdelay $0x1  }
0x34d: {  	v17 =	vld [tilespmem:$0x67C0];
	[tilespmem:$0x67B0] =	vst v16  }
0x34e: {  	v18 =	vld [tilespmem:s13+$0x5940];
	_ =	sdelay $0x4  }
0x34f: {  	v17 =	vadd.f32 v18, v17;
	_ =	sdelay $0x1  }
0x350: {  	v18 =	vld [tilespmem:$0x67D0];
	[tilespmem:$0x67C0] =	vst v17  }
0x351: {  	v19 =	vld [tilespmem:s13+$0x5950];
	_ =	sdelay $0x4  }
0x352: {  	v18 =	vadd.f32 v19, v18;
	_ =	sdelay $0x1  }
0x353: {  	v19 =	vld [tilespmem:$0x67E0];
	[tilespmem:$0x67D0] =	vst v18  }
0x354: {  	v20 =	vld [tilespmem:s13+$0x5960];
	_ =	sdelay $0x4  }
0x355: {  	p0 =	sgt.s32 s29, $0x1;
	s14 =	smov.u32 s29;
	v19 =	vadd.f32 v20, v19  }
0x356: {  	s14 =	simm.s32 @!p0 $0x1  }
0x357: {  	s17 =	smin.u32 s14, $0x10;
	v20 =	vld [tilespmem:$0x67F0];
	[tilespmem:$0x67E0] =	vst v19  }
0x358: {  	v21 =	vld [tilespmem:s13+$0x5970];
	s13 =	sshll.u32 s17, $0x8  }
0x359: {  	p0 =	sne.s32 s13, $0x100  }
.Ltmp12:
0x35a: {  	_ = 	snop;
	(pc) =	sbr.rel @!p0 .LBB2_13-.Ltmp12, $3  }
0x35b: {  	_ =	sdelay $0x1  }
0x35c: {  	v20 =	vadd.f32 v21, v20  }
0x35d: {  	s15 =	simm.s32 $0x80;
	s14 =	simm.s32 $0x100  }
.LBB2_12:
0x35e: {  	s16 =	sand.u32 $0xFFFFF800, s14;
	s17 =	sand.u32 $0x380, s15;
	s14 =	sadd.s32 $0x100, s14  }
0x35f: {  	s16 =	sor.u32 s17, s16;
	p0 =	sne.s32 s13, s14;
	[tilespmem:$0x67F0] =	vst v20  }
0x360: {  	v21 =	vld [tilespmem:s16+$0x5500];
	_ =	sdelay $0x4  }
0x361: {  	v5 =	vadd.f32 v21, v5;
	_ =	sdelay $0x1  }
0x362: {  	[tilespmem:$0x6680] =	vst v5  }
0x363: {  	v21 =	vld [tilespmem:s16+$0x5510];
	_ =	sdelay $0x4  }
0x364: {  	v6 =	vadd.f32 v21, v6;
	_ =	sdelay $0x1  }
0x365: {  	[tilespmem:$0x6690] =	vst v6  }
0x366: {  	v21 =	vld [tilespmem:s16+$0x5520];
	_ =	sdelay $0x4  }
0x367: {  	v7 =	vadd.f32 v21, v7;
	_ =	sdelay $0x1  }
0x368: {  	[tilespmem:$0x66A0] =	vst v7  }
0x369: {  	v21 =	vld [tilespmem:s16+$0x5530];
	_ =	sdelay $0x4  }
0x36a: {  	v8 =	vadd.f32 v21, v8;
	_ =	sdelay $0x1  }
0x36b: {  	[tilespmem:$0x66B0] =	vst v8  }
0x36c: {  	v21 =	vld [tilespmem:s16+$0x5540];
	_ =	sdelay $0x4  }
0x36d: {  	v9 =	vadd.f32 v21, v9;
	_ =	sdelay $0x1  }
0x36e: {  	[tilespmem:$0x66C0] =	vst v9  }
0x36f: {  	v21 =	vld [tilespmem:s16+$0x5550];
	_ =	sdelay $0x4  }
0x370: {  	v10 =	vadd.f32 v21, v10;
	_ =	sdelay $0x1  }
0x371: {  	[tilespmem:$0x66D0] =	vst v10  }
0x372: {  	v21 =	vld [tilespmem:s16+$0x5560];
	_ =	sdelay $0x4  }
0x373: {  	v11 =	vadd.f32 v21, v11;
	_ =	sdelay $0x1  }
0x374: {  	[tilespmem:$0x66E0] =	vst v11  }
0x375: {  	v21 =	vld [tilespmem:s16+$0x5570];
	_ =	sdelay $0x4  }
0x376: {  	v12 =	vadd.f32 v21, v12;
	_ =	sdelay $0x1  }
0x377: {  	[tilespmem:$0x66F0] =	vst v12  }
0x378: {  	v21 =	vld [tilespmem:s16+$0x5900];
	_ =	sdelay $0x4  }
0x379: {  	v13 =	vadd.f32 v21, v13;
	_ =	sdelay $0x1  }
0x37a: {  	[tilespmem:$0x6780] =	vst v13  }
0x37b: {  	v21 =	vld [tilespmem:s16+$0x5910];
	_ =	sdelay $0x4  }
0x37c: {  	v14 =	vadd.f32 v21, v14;
	_ =	sdelay $0x1  }
0x37d: {  	[tilespmem:$0x6790] =	vst v14  }
0x37e: {  	v21 =	vld [tilespmem:s16+$0x5920];
	_ =	sdelay $0x4  }
0x37f: {  	v15 =	vadd.f32 v21, v15;
	_ =	sdelay $0x1  }
0x380: {  	[tilespmem:$0x67A0] =	vst v15  }
0x381: {  	v21 =	vld [tilespmem:s16+$0x5930];
	_ =	sdelay $0x4  }
0x382: {  	v16 =	vadd.f32 v21, v16;
	_ =	sdelay $0x1  }
0x383: {  	[tilespmem:$0x67B0] =	vst v16  }
0x384: {  	v21 =	vld [tilespmem:s16+$0x5940];
	_ =	sdelay $0x4  }
0x385: {  	v17 =	vadd.f32 v21, v17;
	_ =	sdelay $0x1  }
0x386: {  	[tilespmem:$0x67C0] =	vst v17  }
0x387: {  	v21 =	vld [tilespmem:s16+$0x5950];
	_ =	sdelay $0x4  }
0x388: {  	v18 =	vadd.f32 v21, v18;
	_ =	sdelay $0x1  }
0x389: {  	[tilespmem:$0x67D0] =	vst v18  }
0x38a: {  	v21 =	vld [tilespmem:s16+$0x5960];
	_ =	sdelay $0x4  }
0x38b: {  	v19 =	vadd.f32 v21, v19;
	_ =	sdelay $0x1  }
0x38c: {  	[tilespmem:$0x67E0] =	vst v19  }
0x38d: {  	v21 =	vld [tilespmem:s16+$0x5970]  }
.Ltmp13:
0x38e: {  	(pc) =	sbr.rel @p0 .LBB2_12-.Ltmp13, $2  }
0x38f: {  	_ =	sdelay $0x2  }
0x390: {  	s15 =	sadd.s32 $0x80, s15;
	v20 =	vadd.f32 v21, v20  }
.Ltmp14:
0x391: {  	_ = 	snop;
	(pc) =	sbr.rel .LBB2_13-.Ltmp14, $1  }
0x392: {  	_ =	sdelay $0x3  }
.LBB2_15:
0x393: {  	s0 =	sadd.s32 $0xF, s30  }
0x394: {  	s2 =	sand.u32 $0xF, s0  }
0x395: {  	s4 =	sshra.s32 s0, $0x1F;
	p0 =	slt.s32 s0, $0x1;
	p1 =	sne.s32 s2, $0x0  }
0x396: {  	s29 =	sshrl.u32 s4, $0x1C;
	p0 =	por !p0, !p1  }
0x397: {  	s0 =	sadd.s32 s29, s0;
	p0 =	por !p0, !p0  }
0x398: {  	s0 =	sshra.s32 s0, $0x4;
	s31 =	simm.s32 @!p0 $0x0  }
0x399: {  	s0 =	ssub.s32 s0, s31  }
0x39a: {  	p0 =	slt.s32 s0, $0x1  }
.Ltmp15:
0x39b: {  	_ = 	snop;
	(pc) =	sbr.rel @p0 .LBB2_22-.Ltmp15, $1  }
0x39c: {  	_ =	sdelay $0x3  }
.Ltmp16:
0x39d: {  	(pc) =	sbr.rel .LBB2_17-.Ltmp16, $4  }
0x39e: {  	_ = 	snop  }
0x39f: {  	s26 =	simm.s32 $0x0;
	s28 =	simm.s32 $0x10;
	v3 =	vlaneseq.u32;
	s2 =	simm.s32 $0x6500  }
0x3a0: {  	s4 =	simm.s32 $0x6580;
	s5 =	simm.s32 $0x1;
	vm0 =	vmmov $0xffff;
	s6 =	simm.s32 $0x0;
	v2 =	vshrl.u32 v3, $0x3  }
0x3a1: {  	s7 =	simm.s32 $0x5500;
	s8 =	simm.s32 $0x5D00;
	s9 =	smov.u32 s30;
	v1 =	vand.u32 $0x7, v3;
	v3 =	vor.u32 $0x8, v3;
	v2 =	vmul.u32 $0x8, v2  }
.LBB2_20:
0x3a2: {  	[tilespmem:$0x6870] =	vst v19  }
.LBB2_21:
0x3a3: {  	s26 =	sadd.s32 $0x1, s26  }
0x3a4: {  	p0 =	sne.s32 s26, s0  }
.Ltmp17:
0x3a5: {  	_ = 	snop;
	(pc) =	sbr.rel @!p0 .LBB2_22-.Ltmp17, $2  }
0x3a6: {  	_ =	sdelay $0x2  }
0x3a7: {  	s9 =	sadd.s32 $0xFFFFFFF0, s9  }
.LBB2_17:
0x3a8: {  	s13 =	sshll.u32 s26, $0x4  }
0x3a9: {  	v4 =	vld [tilespmem:s13+$0x5200];
	_ =	sdelay $0x4  }
0x3aa: {  	v4 =	vadd.s32 v0, v4  }
0x3ab: {  	[tilespmem:$0x6500] =	vst v4  }
0x3ac: {  	[tilespmem:s4], [sflag:$0x1] =	stream.indirect.gather [hbm4b:s10+s28], $0x1, s2, s28, $0xb8;
	[tilespmem:$0x9B00] =	vst v63  }
0x3ad: {  	_ =	swait.ge [sflag:s5], $0x10  }
0x3ae: {  	[sflag:s5] =	ssyncset.done $0x0  }
0x3af: {  	[sflag:s5] =	ssyncadd.s32 $0xFFFFFFF0  }
0x3b0: {  	v4 =	vld [tilespmem:$0x6580];
	_ =	sdelay $0x4  }
0x3b1: {  	v5 =	vshll.u32 v4, $0x1  }
0x3b2: {  	v4 =	vand.u32 $0x7, v4;
	v5 =	vand.u32 $0xFFFFFFF0, v5  }
0x3b3: {  	v4 =	vor.u32 v4, v5  }
0x3b4: {  	v5 =	vperm.xlane v4, v1;
	_ =	sdelay $0x1  }
0x3b5: {  	v4 =	vperm.xlane v4, v3;
	v5 =	vadd.s32 v2, v5;
	_ =	sdelay $0x1  }
0x3b6: {  	v4 =	vadd.s32 v2, v4  }
0x3b7: {  	s13 =	ssub.s32 s30, s13  }
0x3b8: {  	p0 =	slt.s32 s13, $0x1  }
0x3b9: {  	[tilespmem:s7], [sflag:$0x1] =	stream.indirect_vreg.gather [hbm4b:s11+s6], $0x80, v5, vm0, $0xb8;
	[tilespmem:$0x9B00] =	vst v63  }
.Ltmp18:
0x3ba: {  	_ = 	snop;
	(pc) =	sbr.rel @p0 .LBB2_21-.Ltmp18, $4  }
0x3bb: {  	[tilespmem:s8], [sflag:$0x1] =	stream.indirect_vreg.gather [hbm4b:s11+s6], $0x80, v4, vm0, $0xb8;
	[tilespmem:$0x9B00] =	vst v63  }
0x3bc: {  	_ =	swait.ge [sflag:s5], $0x1000  }
0x3bd: {  	[sflag:s5] =	ssyncset.done $0x0  }
0x3be: {  	[sflag:s5] =	ssyncadd.s32 $0xFFFFF000  }
0x3bf: {  	s13 =	simm.s32 $0x0  }
0x3c0: {  	s14 =	sand.u32 $0xFFFFF800, s13;
	s13 =	sand.u32 $0x380, s13  }
0x3c1: {  	v4 =	vld [tilespmem:$0x6700];
	s13 =	sor.u32 s13, s14  }
0x3c2: {  	v5 =	vld [tilespmem:s13+$0x5500];
	_ =	sdelay $0x4  }
0x3c3: {  	v4 =	vadd.f32 v5, v4;
	_ =	sdelay $0x1  }
0x3c4: {  	v5 =	vld [tilespmem:$0x6710];
	[tilespmem:$0x6700] =	vst v4  }
0x3c5: {  	v6 =	vld [tilespmem:s13+$0x5510];
	_ =	sdelay $0x4  }
0x3c6: {  	v5 =	vadd.f32 v6, v5;
	_ =	sdelay $0x1  }
0x3c7: {  	v6 =	vld [tilespmem:$0x6720];
	[tilespmem:$0x6710] =	vst v5  }
0x3c8: {  	v7 =	vld [tilespmem:s13+$0x5520];
	_ =	sdelay $0x4  }
0x3c9: {  	v6 =	vadd.f32 v7, v6;
	_ =	sdelay $0x1  }
0x3ca: {  	v7 =	vld [tilespmem:$0x6730];
	[tilespmem:$0x6720] =	vst v6  }
0x3cb: {  	v8 =	vld [tilespmem:s13+$0x5530];
	_ =	sdelay $0x4  }
0x3cc: {  	v7 =	vadd.f32 v8, v7;
	_ =	sdelay $0x1  }
0x3cd: {  	v8 =	vld [tilespmem:$0x6740];
	[tilespmem:$0x6730] =	vst v7  }
0x3ce: {  	v9 =	vld [tilespmem:s13+$0x5540];
	_ =	sdelay $0x4  }
0x3cf: {  	v8 =	vadd.f32 v9, v8;
	_ =	sdelay $0x1  }
0x3d0: {  	v9 =	vld [tilespmem:$0x6750];
	[tilespmem:$0x6740] =	vst v8  }
0x3d1: {  	v10 =	vld [tilespmem:s13+$0x5550];
	_ =	sdelay $0x4  }
0x3d2: {  	v9 =	vadd.f32 v10, v9;
	_ =	sdelay $0x1  }
0x3d3: {  	v10 =	vld [tilespmem:$0x6760];
	[tilespmem:$0x6750] =	vst v9  }
0x3d4: {  	v11 =	vld [tilespmem:s13+$0x5560];
	_ =	sdelay $0x4  }
0x3d5: {  	v10 =	vadd.f32 v11, v10;
	_ =	sdelay $0x1  }
0x3d6: {  	v11 =	vld [tilespmem:$0x6770];
	[tilespmem:$0x6760] =	vst v10  }
0x3d7: {  	v12 =	vld [tilespmem:s13+$0x5570];
	_ =	sdelay $0x4  }
0x3d8: {  	v11 =	vadd.f32 v12, v11;
	_ =	sdelay $0x1  }
0x3d9: {  	v12 =	vld [tilespmem:$0x6800];
	[tilespmem:$0x6770] =	vst v11  }
0x3da: {  	v13 =	vld [tilespmem:s13+$0x5900];
	_ =	sdelay $0x4  }
0x3db: {  	v12 =	vadd.f32 v13, v12;
	_ =	sdelay $0x1  }
0x3dc: {  	v13 =	vld [tilespmem:$0x6810];
	[tilespmem:$0x6800] =	vst v12  }
0x3dd: {  	v14 =	vld [tilespmem:s13+$0x5910];
	_ =	sdelay $0x4  }
0x3de: {  	v13 =	vadd.f32 v14, v13;
	_ =	sdelay $0x1  }
0x3df: {  	v14 =	vld [tilespmem:$0x6820];
	[tilespmem:$0x6810] =	vst v13  }
0x3e0: {  	v15 =	vld [tilespmem:s13+$0x5920];
	_ =	sdelay $0x4  }
0x3e1: {  	v14 =	vadd.f32 v15, v14;
	_ =	sdelay $0x1  }
0x3e2: {  	v15 =	vld [tilespmem:$0x6830];
	[tilespmem:$0x6820] =	vst v14  }
0x3e3: {  	v16 =	vld [tilespmem:s13+$0x5930];
	_ =	sdelay $0x4  }
0x3e4: {  	v15 =	vadd.f32 v16, v15;
	_ =	sdelay $0x1  }
0x3e5: {  	v16 =	vld [tilespmem:$0x6840];
	[tilespmem:$0x6830] =	vst v15  }
0x3e6: {  	v17 =	vld [tilespmem:s13+$0x5940];
	_ =	sdelay $0x4  }
0x3e7: {  	v16 =	vadd.f32 v17, v16;
	_ =	sdelay $0x1  }
0x3e8: {  	v17 =	vld [tilespmem:$0x6850];
	[tilespmem:$0x6840] =	vst v16  }
0x3e9: {  	v18 =	vld [tilespmem:s13+$0x5950];
	_ =	sdelay $0x4  }
0x3ea: {  	v17 =	vadd.f32 v18, v17;
	_ =	sdelay $0x1  }
0x3eb: {  	v18 =	vld [tilespmem:$0x6860];
	[tilespmem:$0x6850] =	vst v17  }
0x3ec: {  	v19 =	vld [tilespmem:s13+$0x5960];
	_ =	sdelay $0x4  }
0x3ed: {  	p0 =	sgt.s32 s9, $0x1;
	s14 =	smov.u32 s9;
	v18 =	vadd.f32 v19, v18  }
0x3ee: {  	s14 =	simm.s32 @!p0 $0x1  }
0x3ef: {  	s31 =	smin.u32 s14, $0x10;
	v19 =	vld [tilespmem:$0x6870];
	[tilespmem:$0x6860] =	vst v18  }
0x3f0: {  	v20 =	vld [tilespmem:s13+$0x5970];
	s13 =	sshll.u32 s31, $0x8  }
0x3f1: {  	p0 =	sne.s32 s13, $0x100  }
.Ltmp19:
0x3f2: {  	_ = 	snop;
	(pc) =	sbr.rel @!p0 .LBB2_20-.Ltmp19, $3  }
0x3f3: {  	_ =	sdelay $0x1  }
0x3f4: {  	v19 =	vadd.f32 v20, v19  }
0x3f5: {  	s15 =	simm.s32 $0x80;
	s14 =	simm.s32 $0x100  }
.LBB2_19:
0x3f6: {  	s16 =	sand.u32 $0xFFFFF800, s14;
	s17 =	sand.u32 $0x380, s15;
	s14 =	sadd.s32 $0x100, s14  }
0x3f7: {  	s16 =	sor.u32 s17, s16;
	p0 =	sne.s32 s13, s14;
	[tilespmem:$0x6870] =	vst v19  }
0x3f8: {  	v20 =	vld [tilespmem:s16+$0x5500];
	_ =	sdelay $0x4  }
0x3f9: {  	v4 =	vadd.f32 v20, v4;
	_ =	sdelay $0x1  }
0x3fa: {  	[tilespmem:$0x6700] =	vst v4  }
0x3fb: {  	v20 =	vld [tilespmem:s16+$0x5510];
	_ =	sdelay $0x4  }
0x3fc: {  	v5 =	vadd.f32 v20, v5;
	_ =	sdelay $0x1  }
0x3fd: {  	[tilespmem:$0x6710] =	vst v5  }
0x3fe: {  	v20 =	vld [tilespmem:s16+$0x5520];
	_ =	sdelay $0x4  }
0x3ff: {  	v6 =	vadd.f32 v20, v6;
	_ =	sdelay $0x1  }
0x400: {  	[tilespmem:$0x6720] =	vst v6  }
0x401: {  	v20 =	vld [tilespmem:s16+$0x5530];
	_ =	sdelay $0x4  }
0x402: {  	v7 =	vadd.f32 v20, v7;
	_ =	sdelay $0x1  }
0x403: {  	[tilespmem:$0x6730] =	vst v7  }
0x404: {  	v20 =	vld [tilespmem:s16+$0x5540];
	_ =	sdelay $0x4  }
0x405: {  	v8 =	vadd.f32 v20, v8;
	_ =	sdelay $0x1  }
0x406: {  	[tilespmem:$0x6740] =	vst v8  }
0x407: {  	v20 =	vld [tilespmem:s16+$0x5550];
	_ =	sdelay $0x4  }
0x408: {  	v9 =	vadd.f32 v20, v9;
	_ =	sdelay $0x1  }
0x409: {  	[tilespmem:$0x6750] =	vst v9  }
0x40a: {  	v20 =	vld [tilespmem:s16+$0x5560];
	_ =	sdelay $0x4  }
0x40b: {  	v10 =	vadd.f32 v20, v10;
	_ =	sdelay $0x1  }
0x40c: {  	[tilespmem:$0x6760] =	vst v10  }
0x40d: {  	v20 =	vld [tilespmem:s16+$0x5570];
	_ =	sdelay $0x4  }
0x40e: {  	v11 =	vadd.f32 v20, v11;
	_ =	sdelay $0x1  }
0x40f: {  	[tilespmem:$0x6770] =	vst v11  }
0x410: {  	v20 =	vld [tilespmem:s16+$0x5900];
	_ =	sdelay $0x4  }
0x411: {  	v12 =	vadd.f32 v20, v12;
	_ =	sdelay $0x1  }
0x412: {  	[tilespmem:$0x6800] =	vst v12  }
0x413: {  	v20 =	vld [tilespmem:s16+$0x5910];
	_ =	sdelay $0x4  }
0x414: {  	v13 =	vadd.f32 v20, v13;
	_ =	sdelay $0x1  }
0x415: {  	[tilespmem:$0x6810] =	vst v13  }
0x416: {  	v20 =	vld [tilespmem:s16+$0x5920];
	_ =	sdelay $0x4  }
0x417: {  	v14 =	vadd.f32 v20, v14;
	_ =	sdelay $0x1  }
0x418: {  	[tilespmem:$0x6820] =	vst v14  }
0x419: {  	v20 =	vld [tilespmem:s16+$0x5930];
	_ =	sdelay $0x4  }
0x41a: {  	v15 =	vadd.f32 v20, v15;
	_ =	sdelay $0x1  }
0x41b: {  	[tilespmem:$0x6830] =	vst v15  }
0x41c: {  	v20 =	vld [tilespmem:s16+$0x5940];
	_ =	sdelay $0x4  }
0x41d: {  	v16 =	vadd.f32 v20, v16;
	_ =	sdelay $0x1  }
0x41e: {  	[tilespmem:$0x6840] =	vst v16  }
0x41f: {  	v20 =	vld [tilespmem:s16+$0x5950];
	_ =	sdelay $0x4  }
0x420: {  	v17 =	vadd.f32 v20, v17;
	_ =	sdelay $0x1  }
0x421: {  	[tilespmem:$0x6850] =	vst v17  }
0x422: {  	v20 =	vld [tilespmem:s16+$0x5960];
	_ =	sdelay $0x4  }
0x423: {  	v18 =	vadd.f32 v20, v18;
	_ =	sdelay $0x1  }
0x424: {  	[tilespmem:$0x6860] =	vst v18  }
0x425: {  	v20 =	vld [tilespmem:s16+$0x5970]  }
.Ltmp20:
0x426: {  	(pc) =	sbr.rel @p0 .LBB2_19-.Ltmp20, $2  }
0x427: {  	_ =	sdelay $0x2  }
0x428: {  	s15 =	sadd.s32 $0x80, s15;
	v19 =	vadd.f32 v20, v19  }
.Ltmp21:
0x429: {  	_ = 	snop;
	(pc) =	sbr.rel .LBB2_20-.Ltmp21, $1  }
0x42a: {  	_ =	sdelay $0x3  }
.LBB2_22:
0x42b: {  	v0 =	vmov s12  }
0x42c: {  	v1 =	vmov s30;
	v0 =	vcvt.s32.f32 v0  }
0x42d: {  	v1 =	vcvt.s32.f32 v1  }
0x42e: {  	v0 =	vbroadcast v0, $0x0  }
0x42f: {  	v1 =	vbroadcast v1, $0x0  }
0x430: {  	[tilespmem:$0x6880] =	vst v0  }
0x431: {  	s0 =	simm.s32 $0x0;
	s2 =	simm.s32 $0x6680;
	s14 =	simm.s32 $0x2;
	[tilespmem:$0x6900] =	vst v1  }
0x432: {  	[hbm4b:s25+s0] =	stream.linear.scatter [tilespmem:s2], [sflag:$0x2], $0x200, $0x38;
	[tilespmem:$0x9B00] =	vst v63  }
0x433: {  	_ =	swait.ge [sflag:s14], $0x200  }
0x434: {  	[sflag:s14] =	ssyncset.done $0x0  }
0x435: {  	s4 =	simm.s32 $0x6880;
	[sflag:s14] =	ssyncadd.s32 $0xFFFFFE00  }
0x436: {  	[hbm4b:s24+s0] =	stream.linear.scatter [tilespmem:s4], [sflag:$0x2], $0x100, $0x38;
	[tilespmem:$0x9B00] =	vst v63  }
0x437: {  	_ =	swait.ge [sflag:s14], $0x100  }
0x438: {  	[sflag:s14] =	ssyncset.done $0x0  }
0x439: {  	[sflag:s14] =	ssyncadd.s32 $0xFFFFFF00  }
0x43a: {  	s15 =	simm.s32 $0x6A80;
	[bflag:$0x0] =	sbarrier.arrive $0xFFFF  }
0x43b: {  	[tilespmem:s15], [sflag:$0x2] =	stream.linear.gather [hbm4b:s21+s0], $0x2000, $0x38;
	[tilespmem:$0x9B00] =	vst v63  }
0x43c: {  	_ =	swait.ge [sflag:s14], $0x2000  }
0x43d: {  	[sflag:s14] =	ssyncset.done $0x0  }
0x43e: {  	s16 =	simm.s32 $0x8A80;
	[sflag:s14] =	ssyncadd.s32 $0xFFFFE000  }
0x43f: {  	[tilespmem:s16], [sflag:$0x2] =	stream.linear.gather [hbm4b:s18+s0], $0x1000, $0x38;
	[tilespmem:$0x9B00] =	vst v63  }
0x440: {  	_ =	swait.ge [sflag:s14], $0x1000  }
0x441: {  	[sflag:s14] =	ssyncset.done $0x0  }
0x442: {  	[sflag:s14] =	ssyncadd.s32 $0xFFFFF000  }
0x443: {  	v55 =	vld [tilespmem:$0x8A80]  }
0x444: {  	v56 =	vld [tilespmem:$0x8B00]  }
0x445: {  	v2 =	vld [tilespmem:s23+$0x0]  }
0x446: {  	v3 =	vld [tilespmem:s23+$0x80]  }
0x447: {  	v4 =	vld [tilespmem:$0x8B80]  }
0x448: {  	v5 =	vld [tilespmem:$0x8C00]  }
0x449: {  	v6 =	vld [tilespmem:s22+$0x0]  }
0x44a: {  	v7 =	vld [tilespmem:s3+$0x6D00]  }
0x44b: {  	v8 =	vld [tilespmem:$0x8C80]  }
0x44c: {  	v9 =	vld [tilespmem:$0x8D00]  }
0x44d: {  	v10 =	vld [tilespmem:s20+$0x0]  }
0x44e: {  	v11 =	vld [tilespmem:s3+$0x6F00]  }
0x44f: {  	v12 =	vld [tilespmem:$0x8D80]  }
0x450: {  	v13 =	vld [tilespmem:$0x8E00]  }
0x451: {  	v14 =	vld [tilespmem:s19+$0x0]  }
0x452: {  	v15 =	vld [tilespmem:s3+$0x7100]  }
0x453: {  	v16 =	vld [tilespmem:$0x8E80]  }
0x454: {  	s17 =	rddreg [dreg:$0x13];
	v17 =	vld [tilespmem:$0x8F00]  }
0x455: {  	v18 =	vld [tilespmem:s17+$0x0]  }
0x456: {  	v19 =	vld [tilespmem:s3+$0x7300]  }
0x457: {  	v20 =	vld [tilespmem:$0x8F80]  }
0x458: {  	s18 =	rddreg [dreg:$0x12];
	v21 =	vld [tilespmem:$0x9000]  }
0x459: {  	v22 =	vld [tilespmem:s18+$0x0]  }
0x45a: {  	v23 =	vld [tilespmem:s3+$0x7500]  }
0x45b: {  	v24 =	vld [tilespmem:$0x9080]  }
0x45c: {  	v25 =	vld [tilespmem:$0x9100];
	v0 =	vadd.f32 $0.0e+00, v55  }
0x45d: {  	v57 =	vld [tilespmem:s3+$0x7700];
	v1 =	vadd.f32 $0.0e+00, v56  }
0x45e: {  	v58 =	vld [tilespmem:$0x9180];
	v0 =	vadd.f32 v4, v0  }
0x45f: {  	v59 =	vld [tilespmem:$0x9200];
	v1 =	vadd.f32 v5, v1  }
0x460: {  	v61 =	vld [tilespmem:s3+$0x7900];
	v0 =	vadd.f32 v8, v0  }
0x461: {  	v62 =	vld [tilespmem:$0x9280];
	v1 =	vadd.f32 v9, v1  }
0x462: {  	s21 =	rddreg [dreg:$0xf];
	v63 =	vld [tilespmem:$0x9300];
	v0 =	vadd.f32 v12, v0  }
0x463: {  	v28 =	vld [tilespmem:s21+$0x0];
	v1 =	vadd.f32 v13, v1  }
0x464: {  	v29 =	vld [tilespmem:s3+$0x7B00];
	v0 =	vadd.f32 v16, v0  }
0x465: {  	v30 =	vld [tilespmem:$0x9380];
	v1 =	vadd.f32 v17, v1  }
0x466: {  	v31 =	vld [tilespmem:$0x9400];
	v0 =	vadd.f32 v20, v0  }
0x467: {  	v33 =	vld [tilespmem:s3+$0x7D00];
	v1 =	vadd.f32 v21, v1  }
0x468: {  	v34 =	vld [tilespmem:$0x9480];
	v0 =	vadd.f32 v24, v0  }
0x469: {  	v35 =	vld [tilespmem:$0x9500];
	v1 =	vadd.f32 v25, v1  }
0x46a: {  	v36 =	vld [tilespmem:$0x9580];
	v2 =	vadd.f32 $0.0e+00, v2;
	v0 =	vadd.f32 v58, v0  }
0x46b: {  	v37 =	vld [tilespmem:$0x9600];
	v3 =	vadd.f32 $0.0e+00, v3;
	v1 =	vadd.f32 v59, v1  }
0x46c: {  	v38 =	vld [tilespmem:$0x9680];
	v2 =	vadd.f32 v6, v2;
	v0 =	vadd.f32 v62, v0  }
0x46d: {  	v39 =	vld [tilespmem:$0x9700];
	v3 =	vadd.f32 v7, v3;
	v1 =	vadd.f32 v63, v1  }
0x46e: {  	v40 =	vld [tilespmem:$0x9780];
	v2 =	vadd.f32 v10, v2;
	v0 =	vadd.f32 v30, v0  }
0x46f: {  	v41 =	vld [tilespmem:$0x9800];
	v3 =	vadd.f32 v11, v3;
	v1 =	vadd.f32 v31, v1  }
0x470: {  	s19 =	rddreg [dreg:$0x11];
	v42 =	vld [tilespmem:$0x9880];
	v2 =	vadd.f32 v14, v2;
	v0 =	vadd.f32 v34, v0  }
0x471: {  	v26 =	vld [tilespmem:s19+$0x0];
	v3 =	vadd.f32 v15, v3;
	v1 =	vadd.f32 v35, v1  }
0x472: {  	s20 =	rddreg [dreg:$0x10];
	v43 =	vld [tilespmem:$0x9900];
	v2 =	vadd.f32 v18, v2;
	v0 =	vadd.f32 v36, v0  }
0x473: {  	v60 =	vld [tilespmem:s20+$0x0];
	v3 =	vadd.f32 v19, v3;
	v1 =	vadd.f32 v37, v1  }
0x474: {  	v44 =	vld [tilespmem:$0x9980];
	v2 =	vadd.f32 v22, v2;
	v0 =	vadd.f32 v38, v0  }
0x475: {  	v45 =	vld [tilespmem:$0x9A00];
	v3 =	vadd.f32 v23, v3;
	v1 =	vadd.f32 v39, v1  }
0x476: {  	s22 =	rddreg [dreg:$0xe];
	v47 =	vld [tilespmem:s3+$0x7F00];
	v2 =	vadd.f32 v26, v2;
	v0 =	vadd.f32 v40, v0  }
0x477: {  	s24 =	rddreg [dreg:$0xc];
	v32 =	vld [tilespmem:s22+$0x0];
	v3 =	vadd.f32 v57, v3;
	v1 =	vadd.f32 v41, v1  }
0x478: {  	s23 =	rddreg [dreg:$0xd];
	v48 =	vld [tilespmem:s24+$0x0];
	v2 =	vadd.f32 v60, v2;
	v0 =	vadd.f32 v42, v0  }
0x479: {  	v46 =	vld [tilespmem:s23+$0x0];
	v3 =	vadd.f32 v61, v3;
	v1 =	vadd.f32 v43, v1  }
0x47a: {  	s25 =	rddreg [dreg:$0xb];
	v49 =	vld [tilespmem:s3+$0x8100];
	v2 =	vadd.f32 v28, v2;
	v0 =	vadd.f32 v44, v0  }
0x47b: {  	v50 =	vld [tilespmem:s25+$0x0];
	v3 =	vadd.f32 v29, v3;
	v1 =	vadd.f32 v45, v1  }
0x47c: {  	s26 =	rddreg [dreg:$0xa];
	v51 =	vld [tilespmem:s3+$0x8300];
	v2 =	vadd.f32 v32, v2;
	v52 =	vmax.f32 v0, $1.000000000e+00  }
0x47d: {  	v53 =	vld [tilespmem:s26+$0x0];
	v3 =	vadd.f32 v33, v3;
	v54 =	vmax.f32 v1, $1.000000000e+00;
	(erf) = vrcp.f32 v52  }
0x47e: {  	s28 =	rddreg [dreg:$0x9];
	v55 =	vld [tilespmem:s3+$0x8500];
	v2 =	vadd.f32 v46, v2;
	(erf) = vrcp.f32 v54  }
0x47f: {  	v56 =	vld [tilespmem:s28+$0x0];
	v3 =	vadd.f32 v47, v3  }
0x480: {  	s29 =	rddreg [dreg:$0x8];
	v57 =	vld [tilespmem:s3+$0x8700];
	v2 =	vadd.f32 v48, v2  }
0x481: {  	v58 =	vld [tilespmem:s29+$0x0];
	v3 =	vadd.f32 v49, v3  }
0x482: {  	v59 =	vld [tilespmem:$0x6980];
	v2 =	vadd.f32 v50, v2  }
0x483: {  	v60 =	vld [tilespmem:$0x6A00];
	v3 =	vadd.f32 v51, v3  }
0x484: {  	v61 =	vld [tilespmem:s3+$0x8900];
	v2 =	vadd.f32 v53, v2  }
0x485: {  	v3 =	vadd.f32 v55, v3  }
0x486: {  	v2 =	vadd.f32 v56, v2;
	v62 =	vpop (erf)  }
0x487: {  	v3 =	vadd.f32 v57, v3;
	v63 =	vpop (erf)  }
0x488: {  	v2 =	vadd.f32 v58, v2;
	v4 =	vmul.f32 v59, v62;
	v6 =	vmul.f32 v60, v63  }
0x489: {  	v3 =	vadd.f32 v61, v3;
	vm0 =	vgt.f32 v0, $0.0e+00;
	vm1 =	vgt.f32 v1, $0.0e+00  }
0x48a: {  	v0 =	vnsel vm0, $0x0, v4;
	v1 =	vnsel vm1, $0x0, v6  }
0x48b: {  	v0 =	vmul.f32 v0, v2;
	v1 =	vmul.f32 v1, v3;
	_ =	sdelay $0x1  }
0x48c: {  	v0 =	vadd.f32 v1, v0;
	_ =	sdelay $0x1  }
0x48d: {  	s30 =	simm.s32 $0x9A80;
	s31 =	rddreg [dreg:$0x7];
	[tilespmem:$0x9A80] =	vst v0  }
0x48e: {  	[hbm4b:s31+s0] =	stream.linear.scatter [tilespmem:s30], [sflag:$0x2], $0x10, $0x38;
	[tilespmem:$0x9B00] =	vst v63  }
0x48f: {  	_ =	swait.ge [sflag:s14], $0x10  }
0x490: {  	[sflag:s14] =	ssyncset.done $0x0  }
0x491: {  	[sflag:s14] =	ssyncadd.s32 $0xFFFFFFF0  }
0x492: {  	_ =	sfence.sel $0x180000  }
0x493: {  	[bflag:$0x0] =	sbarrier.arrive $0xFFFF  }
0x494: {  	_ =	strace $0x90000047  }
0x495: {  	[bflag:$0x2] =	sbarrier.arrive $0xFFFF  }
0x496: {  	p0 =	sne.s32 s1, $0x0;
	s0 =	rddreg [dreg:$0x6]  }
0x497: {  	s0 =	sadd.s32 @!p0 $0x100000, s0  }
0x498: {  	[sflag:s0] =	ssyncadd.tile.s32 @!p0 $0x1;
	_ =	shalt  }
.Lfunc_end2:
_tile_overlayer_lowered:
.L_overlay_start_2:
0x499: {  	(tag) =	ssettag $0x2  }
0x49a: {  	s0 =	rddreg [dreg:$0x0];
	s2 =	stileid.u32  }
0x49b: {  	s1 =	rddreg [dreg:$0x1];
	p0 =	sne.s32 s2, $0x0  }
0x49c: {  	s3 =	rddreg [dreg:$0x2];
	[bflag:$0x3] =	sbarrier.arrive $0xFFFF;
	s2 =	simm.s32 @!p0 $0x1C02  }
0x49d: {  	[timem:s3], [sflag:s2] =	dma.local @!p0 [hbm:s0], s1  }
0x49e: {  	s0 =	simm.s32 @!p0 $0x2  }
0x49f: {  	_ =	swait.ge @!p0 [sflag:s0], s1  }
0x4a0: {  	s1 =	ssub.s32 @!p0 $0x0, s1;
	[sflag:s0] =	ssyncset.done @!p0 $0x0  }
0x4a1: {  	[sflag:s0] =	ssyncadd.s32 @!p0 s1  }
0x4a2: {  	[bflag:$0x3] =	sbarrier.arrive $0xFFFF  }
0x4a3: {  	_ =	shalt  }

</sc_bundles>
